<compile_context>
chip_gen: v7x
topology: tpu7x:2x2x1
jax: 0.10.2.dev20260603
libtpu: 0.0.44.dev20260713+nightly
codegen_flags: <defaults>
</compile_context>

<pallas_src>
import functools

import jax
import jax.numpy as jnp
from jax import lax
from jax.experimental import pallas as pl
from jax.experimental.pallas import tpu as pltpu
from jax.experimental.pallas import tpu_sc as plsc

_B = 32
_A = 3
_C5 = 85
_NCLS = 80
_HW = 4096
_IMGS = _B * _A
_NW = 32
_IPW = _IMGS // _NW
_BLK = 256
_NBLK = _HW // _BLK
_TBLK = _IPW * _NBLK

_LN2 = 0.6931471805599453
_SQRT2 = 1.4142135381698608


def _log_f32(x):
    bits = plsc.bitcast(x, jnp.int32)
    e = (bits >> 23) - 127
    mant = plsc.bitcast((bits & 0x007FFFFF) | 0x3F800000, jnp.float32)
    big = mant > _SQRT2
    mant = jnp.where(big, 0.5 * mant, mant)
    ef = (e + big.astype(jnp.int32)).astype(jnp.float32)
    u = mant - 1.0
    y = u / (u + 2.0)
    y2 = y * y
    poly = 1.0 + y2 * (1.0 / 3.0 + y2 * (0.2 + y2 * (1.0 / 7.0)))
    return ef * _LN2 + 2.0 * y * poly


def _prep_body(pred_ref, predl_ref, maxp_ref):
    p = pred_ref[0].reshape(_C5, _HW)
    predl_ref[0] = p
    maxp_ref[0, 0] = jnp.max(p[5:, :], axis=0)


def _prep_tc(pred):
    return pl.pallas_call(
        _prep_body,
        grid=(_IMGS,),
        in_specs=[
            pl.BlockSpec((1, _C5, 64, 64), lambda i: (i, 0, 0, 0)),
        ],
        out_specs=[
            pl.BlockSpec((1, _C5, _HW), lambda i: (i, 0, 0)),
            pl.BlockSpec((1, 1, _HW), lambda i: (i, 0, 0)),
        ],
        out_shape=[
            jax.ShapeDtypeStruct((_IMGS, _C5, _HW), jnp.float32),
            jax.ShapeDtypeStruct((_IMGS, 1, _HW), jnp.float32),
        ],
    )(pred)


def _yolo_body(pred_hbm, targ_hbm, maxp_hbm, out_hbm, p0, p1, t0, t1,
               m0, m1, obuf, sp0, sp1, st0, st1, sm0, sm1):
    cid = lax.axis_index("c")
    sid = lax.axis_index("s")
    wid = sid * 2 + cid
    iota16 = lax.iota(jnp.int32, 16)

    def dmas(t, pbuf, tbuf, mbuf, sp, st, sm):
        img = wid * _IPW + t // _NBLK
        n0 = (t % _NBLK) * _BLK
        cp = pltpu.make_async_copy(
            pred_hbm.at[img, :, pl.ds(n0, _BLK)], pbuf, sp)
        ct = pltpu.make_async_copy(
            targ_hbm.at[img, :, pl.ds(n0, _BLK)], tbuf, st)
        cm = pltpu.make_async_copy(
            maxp_hbm.at[img, 0, pl.ds(n0, _BLK)], mbuf, sm)
        return cp, ct, cm

    def issue(t, pbuf, tbuf, mbuf, sp, st, sm):
        for c in dmas(t, pbuf, tbuf, mbuf, sp, st, sm):
            c.start()

    def wait(t, pbuf, tbuf, mbuf, sp, st, sm):
        for c in dmas(t, pbuf, tbuf, mbuf, sp, st, sm):
            c.wait()

    def compute_block(pbuf, tbuf, mbuf, carry):
        def group(gi, carry):
            acc_loc, acc_conf, acc_cls = carry
            base = gi * 16
            rows = base + iota16
            sb = [pbuf[k, pl.ds(base, 16)] for k in range(5)]
            tb = [tbuf[k, pl.ds(base, 16)] for k in range(5)]
            obj = tb[4]
            sig0 = 1.0 / (1.0 + jnp.exp(-sb[0]))
            sig1 = 1.0 / (1.0 + jnp.exp(-sb[1]))
            d0 = sig0 - tb[0]
            d1 = sig1 - tb[1]
            d2 = sb[2] - tb[2]
            d3 = sb[3] - tb[3]
            acc_loc = acc_loc + obj * (d0 * d0 + d1 * d1 + d2 * d2 + d3 * d3)
            z = sb[4]
            az = jnp.abs(z)
            la = 0.5 * (z + az) + _log_f32(1.0 + jnp.exp(-az))
            acc_conf = acc_conf + (0.5 + 0.5 * obj) * la - obj * z
            m = mbuf[pl.ds(base, 16)]
            ss = [jnp.zeros((16,), jnp.float32) for _ in range(4)]
            km = [jnp.full((16,), 1000.0, jnp.float32) for _ in range(4)]
            for k in range(_NCLS):
                j = k & 3
                s = pbuf[5 + k, pl.ds(base, 16)]
                tt = tbuf[5 + k, pl.ds(base, 16)]
                ss[j] = ss[j] + jnp.exp(s - m)
                key = (1.0 - tt) * 1000.0 + k
                km[j] = jnp.minimum(km[j], key)
            ssum = (ss[0] + ss[1]) + (ss[2] + ss[3])
            kmin = jnp.minimum(jnp.minimum(km[0], km[1]),
                               jnp.minimum(km[2], km[3]))
            kidx = kmin.astype(jnp.int32)
            kidx = jnp.where(kidx > _NCLS - 1, 0, kidx)
            pick = plsc.load_gather(pbuf, [5 + kidx, rows])
            lse = m + _log_f32(ssum)
            acc_cls = acc_cls + obj * (lse - pick)
            return acc_loc, acc_conf, acc_cls

        return lax.fori_loop(0, _BLK // 16, group, carry)

    issue(0, p0, t0, m0, sp0, st0, sm0)

    def pair(tp, carry):
        e = 2 * tp
        wait(e, p0, t0, m0, sp0, st0, sm0)
        issue(e + 1, p1, t1, m1, sp1, st1, sm1)
        carry = compute_block(p0, t0, m0, carry)
        o = e + 1
        wait(o, p1, t1, m1, sp1, st1, sm1)

        @pl.when(o + 1 < _TBLK)
        def _():
            issue(o + 1, p0, t0, m0, sp0, st0, sm0)

        carry = compute_block(p1, t1, m1, carry)
        return carry

    zero = jnp.zeros((16,), jnp.float32)
    acc_loc, acc_conf, acc_cls = lax.fori_loop(
        0, _TBLK // 2, pair, (zero, zero, zero))
    obuf[...] = 5.0 * acc_loc + acc_conf + acc_cls
    pltpu.sync_copy(obuf, out_hbm.at[wid])


@functools.cache
def _yolo_sc():
    return pl.kernel(
        _yolo_body,
        out_type=jax.ShapeDtypeStruct((_NW, 16), jnp.float32),
        mesh=plsc.VectorSubcoreMesh(core_axis_name="c", subcore_axis_name="s"),
        compiler_params=pltpu.CompilerParams(needs_layout_passes=False),
        scratch_types=[
            pltpu.VMEM((_C5, _BLK), jnp.float32),
            pltpu.VMEM((_C5, _BLK), jnp.float32),
            pltpu.VMEM((_C5, _BLK), jnp.float32),
            pltpu.VMEM((_C5, _BLK), jnp.float32),
            pltpu.VMEM((_BLK,), jnp.float32),
            pltpu.VMEM((_BLK,), jnp.float32),
            pltpu.VMEM((16,), jnp.float32),
            pltpu.SemaphoreType.DMA,
            pltpu.SemaphoreType.DMA,
            pltpu.SemaphoreType.DMA,
            pltpu.SemaphoreType.DMA,
            pltpu.SemaphoreType.DMA,
            pltpu.SemaphoreType.DMA,
        ],
    )


@jax.jit
def kernel(predictions, targets):
    pred4 = predictions.reshape(_IMGS, _C5, 64, 64)
    targt = jnp.transpose(targets.reshape(_IMGS, _HW, _C5), (0, 2, 1))
    predl, maxp = _prep_tc(pred4)
    partials = _yolo_sc()(predl, targt, maxp)
    return jnp.sum(partials) / _B

# --- scband reference (transcript-rebuilt; emitter-appended) ---
"""Pipeline reference for scband-yololoss-16183436772138 (READ-ONLY COPY).

The authoritative reference and input builder live on the scoring server;
editing this copy changes nothing except your own understanding.
"""

import jax, jax.numpy as jnp
import numpy as np

NUM_CLASSES = 80
ANCHORS = [[10, 13], [16, 30], [33, 23]]
LAMBDA_COORD = 5.0
LAMBDA_NOOBJ = 0.5


def setup_inputs(seed: int = 0) -> dict:
    key = jax.random.key(seed)
    k1, k2 = jax.random.split(key)
    predictions = jax.random.normal(k1, (32, 255, 64, 64), dtype=jnp.float32)
    # targets carry {0,1} entries: tx,ty,tw,th in [0,1], obj flag in {0,1}, one-hot-ish class slots
    targets = jax.random.randint(k2, (32, 3, 64, 64, 85), 0, 2).astype(jnp.float32)
    return {"predictions": predictions, "targets": targets}


def reference(predictions, targets):
    B, _, H, W = predictions.shape
    A = len(ANCHORS)
    C = NUM_CLASSES
    p = predictions.reshape(B, A, 5 + C, H, W)
    p = jnp.transpose(p, (0, 1, 3, 4, 2))  # [B, A, H, W, 5+C]
    tx_pred = jax.nn.sigmoid(p[..., 0])
    ty_pred = jax.nn.sigmoid(p[..., 1])
    tw_pred = p[..., 2]
    th_pred = p[..., 3]
    obj_score = p[..., 4]
    class_scores = p[..., 5:]

    target_tx = targets[..., 0]
    target_ty = targets[..., 1]
    target_tw = targets[..., 2]
    target_th = targets[..., 3]
    target_obj = targets[..., 4]
    target_class = targets[..., 5:]

    obj_m = (target_obj == 1.0).astype(jnp.float32)
    noobj_m = (target_obj == 0.0).astype(jnp.float32)

    # masked sum-MSE (equivalent to torch boolean-index + MSELoss(reduction='sum'))
    loss_x = jnp.sum(obj_m * (tx_pred - target_tx) ** 2)
    loss_y = jnp.sum(obj_m * (ty_pred - target_ty) ** 2)
    loss_w = jnp.sum(obj_m * (tw_pred - target_tw) ** 2)
    loss_h = jnp.sum(obj_m * (th_pred - target_th) ** 2)
    loc_loss = (loss_x + loss_y + loss_w + loss_h) * LAMBDA_COORD

    # BCEWithLogits, stable form: logaddexp(0, z) - z*y
    bce = jnp.logaddexp(0.0, obj_score) - obj_score * target_obj
    conf_loss_obj = jnp.sum(obj_m * bce)
    conf_loss_noobj = jnp.sum(noobj_m * bce) * LAMBDA_NOOBJ
    conf_loss = conf_loss_obj + conf_loss_noobj

    # CrossEntropy with argmax(target one-hot) as label, sum over obj cells
    target_idx = jnp.argmax(target_class, axis=-1)
    lse = jax.nn.logsumexp(class_scores, axis=-1)
    picked = jnp.take_along_axis(class_scores, target_idx[..., None], axis=-1)[..., 0]
    class_loss = jnp.sum(obj_m * (lse - picked))

    total_loss = (loc_loss + conf_loss + class_loss) / B
    return total_loss

if __name__ == "__main__":
    import jax
    _d = setup_inputs()
    print(jax.jit(kernel)(*tuple(_d.values())))

</pallas_src>

<mosaic_0001>
#map = affine_map<(d0, d1) -> (0, 0, 0)>
#map1 = affine_map<(d0, d1) -> (0, 0)>
module attributes {stable_mosaic.version = 14 : i64} {
  func.func @_yolo_body(%arg0: i32, %arg1: i32, %arg2: memref<96x85x4096xf32, #tpu.memory_space<hbm>>, %arg3: memref<96x85x4096xf32, #tpu.memory_space<hbm>>, %arg4: memref<96x1x4096xf32, #tpu.memory_space<hbm>>, %arg5: memref<32x16xf32, #tpu.memory_space<hbm>>, %arg6: memref<85x256xf32, #tpu.memory_space<vmem>>, %arg7: memref<85x256xf32, #tpu.memory_space<vmem>>, %arg8: memref<85x256xf32, #tpu.memory_space<vmem>>, %arg9: memref<85x256xf32, #tpu.memory_space<vmem>>, %arg10: memref<256xf32, #tpu.memory_space<vmem>>, %arg11: memref<256xf32, #tpu.memory_space<vmem>>, %arg12: memref<16xf32, #tpu.memory_space<vmem>>, %arg13: memref<!tpu.dma_semaphore, #tpu.memory_space<semaphore_mem>>, %arg14: memref<!tpu.dma_semaphore, #tpu.memory_space<semaphore_mem>>, %arg15: memref<!tpu.dma_semaphore, #tpu.memory_space<semaphore_mem>>, %arg16: memref<!tpu.dma_semaphore, #tpu.memory_space<semaphore_mem>>, %arg17: memref<!tpu.dma_semaphore, #tpu.memory_space<semaphore_mem>>, %arg18: memref<!tpu.dma_semaphore, #tpu.memory_space<semaphore_mem>>) attributes {dimension_semantics = [#tpu.dimension_semantics<core_parallel>, #tpu.dimension_semantics<subcore_parallel>], iteration_bounds = array<i64: 2, 16>, scalar_prefetch = 0 : i64, scratch_operands = 13 : i64, tpu.core_type = #tpu.core_type<sc_vector_subcore>, window_params = [{transform_indices = #map}, {transform_indices = #map}, {transform_indices = #map}, {transform_indices = #map1}]} {
    %mul3A = arith.constant 2 : i32
    %mul3A_0 = arith.muli %arg1, %mul3A : i32
    %add3A = arith.addi %mul3A_0, %arg0 : i32
    %iota3A = tpu.iota {dimensions = array<i32: 0>} : vector<16xi32>
    %mul3A_1 = arith.constant 3 : i32
    %mul3A_2 = arith.muli %add3A, %mul3A_1 : i32
    %add3A_3 = arith.constant 0 : i32
    %add3A_4 = arith.addi %mul3A_2, %add3A_3 : i32
    %dma_start3A = arith.constant 0 : i32
    %dma_start3A_5 = arith.constant 0 : i32
    %dma_start3A_6 = tpu.memref_slice %arg2[%add3A_4, %dma_start3A, %dma_start3A_5] : memref<96x85x4096xf32, #tpu.memory_space<hbm>> -> memref<1x85x256xf32, #tpu.memory_space<hbm>>
    %dma_start3A_7 = tpu.memref_squeeze %dma_start3A_6 : memref<1x85x256xf32, #tpu.memory_space<hbm>> -> memref<85x256xf32, #tpu.memory_space<hbm>>
    %dma_start3A_8 = arith.constant 0 : i32
    %dma_start3A_9 = arith.constant 0 : i32
    %dma_start3A_10 = tpu.memref_slice %arg2[%add3A_4, %dma_start3A_8, %dma_start3A_9] : memref<96x85x4096xf32, #tpu.memory_space<hbm>> -> memref<1x85x256xf32, #tpu.memory_space<hbm>>
    %dma_start3A_11 = tpu.memref_squeeze %dma_start3A_10 : memref<1x85x256xf32, #tpu.memory_space<hbm>> -> memref<85x256xf32, #tpu.memory_space<hbm>>
    tpu.enqueue_dma source(%dma_start3A_11 : memref<85x256xf32, #tpu.memory_space<hbm>>) target(%arg6 : memref<85x256xf32, #tpu.memory_space<vmem>>) target_semaphore(%arg13 : memref<!tpu.dma_semaphore, #tpu.memory_space<semaphore_mem>>)
    %dma_start3A_12 = arith.constant 0 : i32
    %dma_start3A_13 = arith.constant 0 : i32
    %dma_start3A_14 = tpu.memref_slice %arg3[%add3A_4, %dma_start3A_12, %dma_start3A_13] : memref<96x85x4096xf32, #tpu.memory_space<hbm>> -> memref<1x85x256xf32, #tpu.memory_space<hbm>>
    %dma_start3A_15 = tpu.memref_squeeze %dma_start3A_14 : memref<1x85x256xf32, #tpu.memory_space<hbm>> -> memref<85x256xf32, #tpu.memory_space<hbm>>
    %dma_start3A_16 = arith.constant 0 : i32
    %dma_start3A_17 = arith.constant 0 : i32
    %dma_start3A_18 = tpu.memref_slice %arg3[%add3A_4, %dma_start3A_16, %dma_start3A_17] : memref<96x85x4096xf32, #tpu.memory_space<hbm>> -> memref<1x85x256xf32, #tpu.memory_space<hbm>>
    %dma_start3A_19 = tpu.memref_squeeze %dma_start3A_18 : memref<1x85x256xf32, #tpu.memory_space<hbm>> -> memref<85x256xf32, #tpu.memory_space<hbm>>
    tpu.enqueue_dma source(%dma_start3A_19 : memref<85x256xf32, #tpu.memory_space<hbm>>) target(%arg8 : memref<85x256xf32, #tpu.memory_space<vmem>>) target_semaphore(%arg15 : memref<!tpu.dma_semaphore, #tpu.memory_space<semaphore_mem>>)
    %dma_start3A_20 = arith.constant 0 : i32
    %dma_start3A_21 = arith.constant 0 : i32
    %dma_start3A_22 = tpu.memref_slice %arg4[%add3A_4, %dma_start3A_20, %dma_start3A_21] : memref<96x1x4096xf32, #tpu.memory_space<hbm>> -> memref<1x1x256xf32, #tpu.memory_space<hbm>>
    %dma_start3A_23 = tpu.memref_squeeze %dma_start3A_22 : memref<1x1x256xf32, #tpu.memory_space<hbm>> -> memref<256xf32, #tpu.memory_space<hbm>>
    %dma_start3A_24 = arith.constant 0 : i32
    %dma_start3A_25 = tpu.memref_slice %arg4[%add3A_4, %dma_start3A_20, %dma_start3A_24] : memref<96x1x4096xf32, #tpu.memory_space<hbm>> -> memref<1x1x256xf32, #tpu.memory_space<hbm>>
    %dma_start3A_26 = tpu.memref_squeeze %dma_start3A_25 : memref<1x1x256xf32, #tpu.memory_space<hbm>> -> memref<256xf32, #tpu.memory_space<hbm>>
    tpu.enqueue_dma source(%dma_start3A_26 : memref<256xf32, #tpu.memory_space<hbm>>) target(%arg10 : memref<256xf32, #tpu.memory_space<vmem>>) target_semaphore(%arg17 : memref<!tpu.dma_semaphore, #tpu.memory_space<semaphore_mem>>)
    %broadcast_in_dim3A = arith.constant 0.000000e+00 : f32
    %broadcast_in_dim3A_27 = vector.broadcast %broadcast_in_dim3A : f32 to vector<16xf32>
    %scan3A = arith.constant 0 : i32
    %scan3A_28 = arith.constant 24 : i32
    %scan3A_29 = arith.addi %scan3A, %scan3A_28 : i32
    %scan3A_30 = arith.constant 1 : i32
    %scan3A_31:3 = scf.for %scan3A_39 = %scan3A to %scan3A_29 step %scan3A_30 iter_args(%scan3A_40 = %broadcast_in_dim3A_27, %scan3A_41 = %broadcast_in_dim3A_27, %scan3A_42 = %broadcast_in_dim3A_27) -> (vector<16xf32>, vector<16xf32>, vector<16xf32>)  : i32 {
      %mul3A_43 = arith.constant 2 : i32
      %mul3A_44 = arith.muli %mul3A_43, %scan3A_39 : i32
      %mul3A_45 = arith.constant 3 : i32
      %mul3A_46 = arith.muli %add3A, %mul3A_45 : i32
      %jit3A = arith.constant 16 : i32
      %div3A = arith.divsi %mul3A_44, %jit3A : i32
      %sign3A = arith.constant 0 : i32
      %sign3A_47 = arith.cmpi sgt, %mul3A_44, %sign3A : i32
      %sign3A_48 = arith.extui %sign3A_47 : i1 to i32
      %sign3A_49 = arith.constant 0 : i32
      %sign3A_50 = arith.cmpi slt, %mul3A_44, %sign3A_49 : i32
      %sign3A_51 = arith.extui %sign3A_50 : i1 to i32
      %sign3A_52 = arith.subi %sign3A_48, %sign3A_51 : i32
      %sign3A_53 = arith.constant 0 : i32
      %sign3A_54 = arith.cmpi sgt, %jit3A, %sign3A_53 : i32
      %sign3A_55 = arith.extui %sign3A_54 : i1 to i32
      %sign3A_56 = arith.constant 0 : i32
      %sign3A_57 = arith.cmpi slt, %jit3A, %sign3A_56 : i32
      %sign3A_58 = arith.extui %sign3A_57 : i1 to i32
      %sign3A_59 = arith.subi %sign3A_55, %sign3A_58 : i32
      %ne3A = arith.cmpi ne, %sign3A_52, %sign3A_59 : i32
      %rem3A = arith.remsi %mul3A_44, %jit3A : i32
      %ne3A_60 = arith.constant 0 : i32
      %ne3A_61 = arith.cmpi ne, %rem3A, %ne3A_60 : i32
      %and3A = arith.andi %ne3A, %ne3A_61 : i1
      %sub3A = arith.constant 1 : i32
      %sub3A_62 = arith.subi %div3A, %sub3A : i32
      %select_n3A = arith.select %and3A, %sub3A_62, %div3A : i32
      %add3A_63 = arith.addi %mul3A_46, %select_n3A : i32
      %jit3A_64 = arith.constant 16 : i32
      %eq3A = arith.constant 0 : i32
      %eq3A_65 = arith.cmpi eq, %jit3A_64, %eq3A : i32
      %jit3A_66 = arith.constant 1 : i32
      %select_n3A_67 = arith.select %eq3A_65, %jit3A_66, %jit3A_64 : i32
      %rem3A_68 = arith.remsi %mul3A_44, %select_n3A_67 : i32
      %ne3A_69 = arith.constant 0 : i32
      %ne3A_70 = arith.cmpi ne, %rem3A_68, %ne3A_69 : i32
      %lt3A = arith.constant 0 : i32
      %lt3A_71 = arith.cmpi slt, %rem3A_68, %lt3A : i32
      %lt3A_72 = arith.constant 0 : i32
      %lt3A_73 = arith.cmpi slt, %select_n3A_67, %lt3A_72 : i32
      %ne3A_74 = arith.xori %lt3A_71, %lt3A_73 : i1
      %and3A_75 = arith.andi %ne3A_74, %ne3A_70 : i1
      %add3A_76 = arith.addi %rem3A_68, %select_n3A_67 : i32
      %select_n3A_77 = arith.select %and3A_75, %add3A_76, %rem3A_68 : i32
      %mul3A_78 = arith.constant 256 : i32
      %mul3A_79 = arith.muli %select_n3A_77, %mul3A_78 : i32
      %dma_wait3A = arith.constant 0 : i32
      %dma_wait3A_80 = tpu.memref_slice %arg2[%add3A_63, %dma_wait3A, %mul3A_79] : memref<96x85x4096xf32, #tpu.memory_space<hbm>> -> memref<1x85x256xf32, #tpu.memory_space<hbm>>
      %dma_wait3A_81 = tpu.memref_squeeze %dma_wait3A_80 : memref<1x85x256xf32, #tpu.memory_space<hbm>> -> memref<85x256xf32, #tpu.memory_space<hbm>>
      %dma_wait3A_82 = arith.constant 0 : i32
      %dma_wait3A_83 = tpu.memref_slice %arg2[%add3A_63, %dma_wait3A_82, %mul3A_79] : memref<96x85x4096xf32, #tpu.memory_space<hbm>> -> memref<1x85x256xf32, #tpu.memory_space<hbm>>
      %dma_wait3A_84 = tpu.memref_squeeze %dma_wait3A_83 : memref<1x85x256xf32, #tpu.memory_space<hbm>> -> memref<85x256xf32, #tpu.memory_space<hbm>>
      tpu.wait_dma2 semaphore(%arg13 : memref<!tpu.dma_semaphore, #tpu.memory_space<semaphore_mem>>) src(%dma_wait3A_84 : memref<85x256xf32, #tpu.memory_space<hbm>>) dst(%arg6 : memref<85x256xf32, #tpu.memory_space<vmem>>)
      %dma_wait3A_85 = arith.constant 0 : i32
      %dma_wait3A_86 = tpu.memref_slice %arg3[%add3A_63, %dma_wait3A_85, %mul3A_79] : memref<96x85x4096xf32, #tpu.memory_space<hbm>> -> memref<1x85x256xf32, #tpu.memory_space<hbm>>
      %dma_wait3A_87 = tpu.memref_squeeze %dma_wait3A_86 : memref<1x85x256xf32, #tpu.memory_space<hbm>> -> memref<85x256xf32, #tpu.memory_space<hbm>>
      %dma_wait3A_88 = arith.constant 0 : i32
      %dma_wait3A_89 = tpu.memref_slice %arg3[%add3A_63, %dma_wait3A_88, %mul3A_79] : memref<96x85x4096xf32, #tpu.memory_space<hbm>> -> memref<1x85x256xf32, #tpu.memory_space<hbm>>
      %dma_wait3A_90 = tpu.memref_squeeze %dma_wait3A_89 : memref<1x85x256xf32, #tpu.memory_space<hbm>> -> memref<85x256xf32, #tpu.memory_space<hbm>>
      tpu.wait_dma2 semaphore(%arg15 : memref<!tpu.dma_semaphore, #tpu.memory_space<semaphore_mem>>) src(%dma_wait3A_90 : memref<85x256xf32, #tpu.memory_space<hbm>>) dst(%arg8 : memref<85x256xf32, #tpu.memory_space<vmem>>)
      %dma_wait3A_91 = arith.constant 0 : i32
      %dma_wait3A_92 = tpu.memref_slice %arg4[%add3A_63, %dma_wait3A_91, %mul3A_79] : memref<96x1x4096xf32, #tpu.memory_space<hbm>> -> memref<1x1x256xf32, #tpu.memory_space<hbm>>
      %dma_wait3A_93 = tpu.memref_squeeze %dma_wait3A_92 : memref<1x1x256xf32, #tpu.memory_space<hbm>> -> memref<256xf32, #tpu.memory_space<hbm>>
      %dma_wait3A_94 = tpu.memref_slice %arg4[%add3A_63, %dma_wait3A_91, %mul3A_79] : memref<96x1x4096xf32, #tpu.memory_space<hbm>> -> memref<1x1x256xf32, #tpu.memory_space<hbm>>
      %dma_wait3A_95 = tpu.memref_squeeze %dma_wait3A_94 : memref<1x1x256xf32, #tpu.memory_space<hbm>> -> memref<256xf32, #tpu.memory_space<hbm>>
      tpu.wait_dma2 semaphore(%arg17 : memref<!tpu.dma_semaphore, #tpu.memory_space<semaphore_mem>>) src(%dma_wait3A_95 : memref<256xf32, #tpu.memory_space<hbm>>) dst(%arg10 : memref<256xf32, #tpu.memory_space<vmem>>)
      %add3A_96 = arith.constant 1 : i32
      %add3A_97 = arith.addi %mul3A_44, %add3A_96 : i32
      %mul3A_98 = arith.constant 3 : i32
      %mul3A_99 = arith.muli %add3A, %mul3A_98 : i32
      %jit3A_100 = arith.constant 16 : i32
      %div3A_101 = arith.divsi %add3A_97, %jit3A_100 : i32
      %sign3A_102 = arith.constant 0 : i32
      %sign3A_103 = arith.cmpi sgt, %add3A_97, %sign3A_102 : i32
      %sign3A_104 = arith.extui %sign3A_103 : i1 to i32
      %sign3A_105 = arith.constant 0 : i32
      %sign3A_106 = arith.cmpi slt, %add3A_97, %sign3A_105 : i32
      %sign3A_107 = arith.extui %sign3A_106 : i1 to i32
      %sign3A_108 = arith.subi %sign3A_104, %sign3A_107 : i32
      %sign3A_109 = arith.constant 0 : i32
      %sign3A_110 = arith.cmpi sgt, %jit3A_100, %sign3A_109 : i32
      %sign3A_111 = arith.extui %sign3A_110 : i1 to i32
      %sign3A_112 = arith.constant 0 : i32
      %sign3A_113 = arith.cmpi slt, %jit3A_100, %sign3A_112 : i32
      %sign3A_114 = arith.extui %sign3A_113 : i1 to i32
      %sign3A_115 = arith.subi %sign3A_111, %sign3A_114 : i32
      %ne3A_116 = arith.cmpi ne, %sign3A_108, %sign3A_115 : i32
      %rem3A_117 = arith.remsi %add3A_97, %jit3A_100 : i32
      %ne3A_118 = arith.constant 0 : i32
      %ne3A_119 = arith.cmpi ne, %rem3A_117, %ne3A_118 : i32
      %and3A_120 = arith.andi %ne3A_116, %ne3A_119 : i1
      %sub3A_121 = arith.constant 1 : i32
      %sub3A_122 = arith.subi %div3A_101, %sub3A_121 : i32
      %select_n3A_123 = arith.select %and3A_120, %sub3A_122, %div3A_101 : i32
      %add3A_124 = arith.addi %mul3A_99, %select_n3A_123 : i32
      %jit3A_125 = arith.constant 16 : i32
      %eq3A_126 = arith.constant 0 : i32
      %eq3A_127 = arith.cmpi eq, %jit3A_125, %eq3A_126 : i32
      %jit3A_128 = arith.constant 1 : i32
      %select_n3A_129 = arith.select %eq3A_127, %jit3A_128, %jit3A_125 : i32
      %rem3A_130 = arith.remsi %add3A_97, %select_n3A_129 : i32
      %ne3A_131 = arith.constant 0 : i32
      %ne3A_132 = arith.cmpi ne, %rem3A_130, %ne3A_131 : i32
      %lt3A_133 = arith.constant 0 : i32
      %lt3A_134 = arith.cmpi slt, %rem3A_130, %lt3A_133 : i32
      %lt3A_135 = arith.constant 0 : i32
      %lt3A_136 = arith.cmpi slt, %select_n3A_129, %lt3A_135 : i32
      %ne3A_137 = arith.xori %lt3A_134, %lt3A_136 : i1
      %and3A_138 = arith.andi %ne3A_137, %ne3A_132 : i1
      %add3A_139 = arith.addi %rem3A_130, %select_n3A_129 : i32
      %select_n3A_140 = arith.select %and3A_138, %add3A_139, %rem3A_130 : i32
      %mul3A_141 = arith.constant 256 : i32
      %mul3A_142 = arith.muli %select_n3A_140, %mul3A_141 : i32
      %dma_start3A_143 = arith.constant 0 : i32
      %dma_start3A_144 = tpu.memref_slice %arg2[%add3A_124, %dma_start3A_143, %mul3A_142] : memref<96x85x4096xf32, #tpu.memory_space<hbm>> -> memref<1x85x256xf32, #tpu.memory_space<hbm>>
      %dma_start3A_145 = tpu.memref_squeeze %dma_start3A_144 : memref<1x85x256xf32, #tpu.memory_space<hbm>> -> memref<85x256xf32, #tpu.memory_space<hbm>>
      %dma_start3A_146 = arith.constant 0 : i32
      %dma_start3A_147 = tpu.memref_slice %arg2[%add3A_124, %dma_start3A_146, %mul3A_142] : memref<96x85x4096xf32, #tpu.memory_space<hbm>> -> memref<1x85x256xf32, #tpu.memory_space<hbm>>
      %dma_start3A_148 = tpu.memref_squeeze %dma_start3A_147 : memref<1x85x256xf32, #tpu.memory_space<hbm>> -> memref<85x256xf32, #tpu.memory_space<hbm>>
      tpu.enqueue_dma source(%dma_start3A_148 : memref<85x256xf32, #tpu.memory_space<hbm>>) target(%arg7 : memref<85x256xf32, #tpu.memory_space<vmem>>) target_semaphore(%arg14 : memref<!tpu.dma_semaphore, #tpu.memory_space<semaphore_mem>>)
      %dma_start3A_149 = arith.constant 0 : i32
      %dma_start3A_150 = tpu.memref_slice %arg3[%add3A_124, %dma_start3A_149, %mul3A_142] : memref<96x85x4096xf32, #tpu.memory_space<hbm>> -> memref<1x85x256xf32, #tpu.memory_space<hbm>>
      %dma_start3A_151 = tpu.memref_squeeze %dma_start3A_150 : memref<1x85x256xf32, #tpu.memory_space<hbm>> -> memref<85x256xf32, #tpu.memory_space<hbm>>
      %dma_start3A_152 = arith.constant 0 : i32
      %dma_start3A_153 = tpu.memref_slice %arg3[%add3A_124, %dma_start3A_152, %mul3A_142] : memref<96x85x4096xf32, #tpu.memory_space<hbm>> -> memref<1x85x256xf32, #tpu.memory_space<hbm>>
      %dma_start3A_154 = tpu.memref_squeeze %dma_start3A_153 : memref<1x85x256xf32, #tpu.memory_space<hbm>> -> memref<85x256xf32, #tpu.memory_space<hbm>>
      tpu.enqueue_dma source(%dma_start3A_154 : memref<85x256xf32, #tpu.memory_space<hbm>>) target(%arg9 : memref<85x256xf32, #tpu.memory_space<vmem>>) target_semaphore(%arg16 : memref<!tpu.dma_semaphore, #tpu.memory_space<semaphore_mem>>)
      %dma_start3A_155 = arith.constant 0 : i32
      %dma_start3A_156 = tpu.memref_slice %arg4[%add3A_124, %dma_start3A_155, %mul3A_142] : memref<96x1x4096xf32, #tpu.memory_space<hbm>> -> memref<1x1x256xf32, #tpu.memory_space<hbm>>
      %dma_start3A_157 = tpu.memref_squeeze %dma_start3A_156 : memref<1x1x256xf32, #tpu.memory_space<hbm>> -> memref<256xf32, #tpu.memory_space<hbm>>
      %dma_start3A_158 = tpu.memref_slice %arg4[%add3A_124, %dma_start3A_155, %mul3A_142] : memref<96x1x4096xf32, #tpu.memory_space<hbm>> -> memref<1x1x256xf32, #tpu.memory_space<hbm>>
      %dma_start3A_159 = tpu.memref_squeeze %dma_start3A_158 : memref<1x1x256xf32, #tpu.memory_space<hbm>> -> memref<256xf32, #tpu.memory_space<hbm>>
      tpu.enqueue_dma source(%dma_start3A_159 : memref<256xf32, #tpu.memory_space<hbm>>) target(%arg11 : memref<256xf32, #tpu.memory_space<vmem>>) target_semaphore(%arg18 : memref<!tpu.dma_semaphore, #tpu.memory_space<semaphore_mem>>)
      %scan3A_160 = arith.constant 0 : i32
      %scan3A_161 = arith.constant 16 : i32
      %scan3A_162 = arith.addi %scan3A_160, %scan3A_161 : i32
      %scan3A_163 = arith.constant 1 : i32
      %scan3A_164:3 = scf.for %scan3A_241 = %scan3A_160 to %scan3A_162 step %scan3A_163 iter_args(%scan3A_242 = %scan3A_40, %scan3A_243 = %scan3A_41, %scan3A_244 = %scan3A_42) -> (vector<16xf32>, vector<16xf32>, vector<16xf32>)  : i32 {
        %mul3A_245 = arith.constant 16 : i32
        %mul3A_246 = arith.muli %scan3A_241, %mul3A_245 : i32
        %add3A_247 = vector.broadcast %mul3A_246 : i32 to vector<16xi32>
        %add3A_248 = arith.addi %add3A_247, %iota3A : vector<16xi32>
        %get3A = arith.constant 0 : i32
        %get3A_249 = arith.index_cast %get3A : i32 to index
        %get3A_250 = arith.index_cast %mul3A_246 : i32 to index
        %get3A_251 = tpu.vector_load %arg6[%get3A_249, %get3A_250] {strides = array<i32>} : memref<85x256xf32, #tpu.memory_space<vmem>>, vector<16xf32>,
        %get3A_252 = arith.constant 1 : i32
        %get3A_253 = arith.index_cast %get3A_252 : i32 to index
        %get3A_254 = arith.index_cast %mul3A_246 : i32 to index
        %get3A_255 = tpu.vector_load %arg6[%get3A_253, %get3A_254] {strides = array<i32>} : memref<85x256xf32, #tpu.memory_space<vmem>>, vector<16xf32>,
        %get3A_256 = arith.constant 2 : i32
        %get3A_257 = arith.index_cast %get3A_256 : i32 to index
        %get3A_258 = arith.index_cast %mul3A_246 : i32 to index
        %get3A_259 = tpu.vector_load %arg6[%get3A_257, %get3A_258] {strides = array<i32>} : memref<85x256xf32, #tpu.memory_space<vmem>>, vector<16xf32>,
        %get3A_260 = arith.constant 3 : i32
        %get3A_261 = arith.index_cast %get3A_260 : i32 to index
        %get3A_262 = arith.index_cast %mul3A_246 : i32 to index
        %get3A_263 = tpu.vector_load %arg6[%get3A_261, %get3A_262] {strides = array<i32>} : memref<85x256xf32, #tpu.memory_space<vmem>>, vector<16xf32>,
        %get3A_264 = arith.constant 4 : i32
        %get3A_265 = arith.index_cast %get3A_264 : i32 to index
        %get3A_266 = arith.index_cast %mul3A_246 : i32 to index
        %get3A_267 = tpu.vector_load %arg6[%get3A_265, %get3A_266] {strides = array<i32>} : memref<85x256xf32, #tpu.memory_space<vmem>>, vector<16xf32>,
        %get3A_268 = arith.constant 0 : i32
        %get3A_269 = arith.index_cast %get3A_268 : i32 to index
        %get3A_270 = arith.index_cast %mul3A_246 : i32 to index
        %get3A_271 = tpu.vector_load %arg8[%get3A_269, %get3A_270] {strides = array<i32>} : memref<85x256xf32, #tpu.memory_space<vmem>>, vector<16xf32>,
        %get3A_272 = arith.constant 1 : i32
        %get3A_273 = arith.index_cast %get3A_272 : i32 to index
        %get3A_274 = arith.index_cast %mul3A_246 : i32 to index
        %get3A_275 = tpu.vector_load %arg8[%get3A_273, %get3A_274] {strides = array<i32>} : memref<85x256xf32, #tpu.memory_space<vmem>>, vector<16xf32>,
        %get3A_276 = arith.constant 2 : i32
        %get3A_277 = arith.index_cast %get3A_276 : i32 to index
        %get3A_278 = arith.index_cast %mul3A_246 : i32 to index
        %get3A_279 = tpu.vector_load %arg8[%get3A_277, %get3A_278] {strides = array<i32>} : memref<85x256xf32, #tpu.memory_space<vmem>>, vector<16xf32>,
        %get3A_280 = arith.constant 3 : i32
        %get3A_281 = arith.index_cast %get3A_280 : i32 to index
        %get3A_282 = arith.index_cast %mul3A_246 : i32 to index
        %get3A_283 = tpu.vector_load %arg8[%get3A_281, %get3A_282] {strides = array<i32>} : memref<85x256xf32, #tpu.memory_space<vmem>>, vector<16xf32>,
        %get3A_284 = arith.constant 4 : i32
        %get3A_285 = arith.index_cast %get3A_284 : i32 to index
        %get3A_286 = arith.index_cast %mul3A_246 : i32 to index
        %get3A_287 = tpu.vector_load %arg8[%get3A_285, %get3A_286] {strides = array<i32>} : memref<85x256xf32, #tpu.memory_space<vmem>>, vector<16xf32>,
        %neg3A = arith.constant 0.000000e+00 : f32
        %neg3A_288 = vector.broadcast %neg3A : f32 to vector<16xf32>
        %neg3A_289 = arith.subf %neg3A_288, %get3A_251 : vector<16xf32>
        %exp3A = math.exp %neg3A_289 : vector<16xf32>
        %add3A_290 = arith.constant 1.000000e+00 : f32
        %add3A_291 = vector.broadcast %add3A_290 : f32 to vector<16xf32>
        %add3A_292 = arith.addf %add3A_291, %exp3A : vector<16xf32>
        %div3A_293 = arith.constant 1.000000e+00 : f32
        %div3A_294 = vector.broadcast %div3A_293 : f32 to vector<16xf32>
        %div3A_295 = arith.divf %div3A_294, %add3A_292 : vector<16xf32>
        %neg3A_296 = arith.constant 0.000000e+00 : f32
        %neg3A_297 = vector.broadcast %neg3A_296 : f32 to vector<16xf32>
        %neg3A_298 = arith.subf %neg3A_297, %get3A_255 : vector<16xf32>
        %exp3A_299 = math.exp %neg3A_298 : vector<16xf32>
        %add3A_300 = arith.constant 1.000000e+00 : f32
        %add3A_301 = vector.broadcast %add3A_300 : f32 to vector<16xf32>
        %add3A_302 = arith.addf %add3A_301, %exp3A_299 : vector<16xf32>
        %div3A_303 = arith.constant 1.000000e+00 : f32
        %div3A_304 = vector.broadcast %div3A_303 : f32 to vector<16xf32>
        %div3A_305 = arith.divf %div3A_304, %add3A_302 : vector<16xf32>
        %sub3A_306 = arith.subf %div3A_295, %get3A_271 : vector<16xf32>
        %sub3A_307 = arith.subf %div3A_305, %get3A_275 : vector<16xf32>
        %sub3A_308 = arith.subf %get3A_259, %get3A_279 : vector<16xf32>
        %sub3A_309 = arith.subf %get3A_263, %get3A_283 : vector<16xf32>
        %mul3A_310 = arith.mulf %sub3A_306, %sub3A_306 : vector<16xf32>
        %mul3A_311 = arith.mulf %sub3A_307, %sub3A_307 : vector<16xf32>
        %add3A_312 = arith.addf %mul3A_310, %mul3A_311 : vector<16xf32>
        %mul3A_313 = arith.mulf %sub3A_308, %sub3A_308 : vector<16xf32>
        %add3A_314 = arith.addf %add3A_312, %mul3A_313 : vector<16xf32>
        %mul3A_315 = arith.mulf %sub3A_309, %sub3A_309 : vector<16xf32>
        %add3A_316 = arith.addf %add3A_314, %mul3A_315 : vector<16xf32>
        %mul3A_317 = arith.mulf %get3A_287, %add3A_316 : vector<16xf32>
        %add3A_318 = arith.addf %scan3A_242, %mul3A_317 : vector<16xf32>
        %abs3A = math.absf %get3A_267 : vector<16xf32>
        %add3A_319 = arith.addf %get3A_267, %abs3A : vector<16xf32>
        %mul3A_320 = arith.constant 5.000000e-01 : f32
        %mul3A_321 = vector.broadcast %mul3A_320 : f32 to vector<16xf32>
        %mul3A_322 = arith.mulf %mul3A_321, %add3A_319 : vector<16xf32>
        %neg3A_323 = arith.constant 0.000000e+00 : f32
        %neg3A_324 = vector.broadcast %neg3A_323 : f32 to vector<16xf32>
        %neg3A_325 = arith.subf %neg3A_324, %abs3A : vector<16xf32>
        %exp3A_326 = math.exp %neg3A_325 : vector<16xf32>
        %add3A_327 = arith.constant 1.000000e+00 : f32
        %add3A_328 = vector.broadcast %add3A_327 : f32 to vector<16xf32>
        %add3A_329 = arith.addf %add3A_328, %exp3A_326 : vector<16xf32>
        %bitcast3A = vector.bitcast %add3A_329 : vector<16xf32> to vector<16xi32>
        %shift_right_arithmetic3A = arith.constant 23 : i32
        %shift_right_arithmetic3A_330 = vector.broadcast %shift_right_arithmetic3A : i32 to vector<16xi32>
        %shift_right_arithmetic3A_331 = arith.shrsi %bitcast3A, %shift_right_arithmetic3A_330 : vector<16xi32>
        %sub3A_332 = arith.constant 127 : i32
        %sub3A_333 = vector.broadcast %sub3A_332 : i32 to vector<16xi32>
        %sub3A_334 = arith.subi %shift_right_arithmetic3A_331, %sub3A_333 : vector<16xi32>
        %and3A_335 = arith.constant 8388607 : i32
        %and3A_336 = vector.broadcast %and3A_335 : i32 to vector<16xi32>
        %and3A_337 = arith.andi %bitcast3A, %and3A_336 : vector<16xi32>
        %or3A = arith.constant 1065353216 : i32
        %or3A_338 = vector.broadcast %or3A : i32 to vector<16xi32>
        %or3A_339 = arith.ori %and3A_337, %or3A_338 : vector<16xi32>
        %bitcast3A_340 = vector.bitcast %or3A_339 : vector<16xi32> to vector<16xf32>
        %gt3A = arith.constant 1.41421354 : f32
        %gt3A_341 = vector.broadcast %gt3A : f32 to vector<16xf32>
        %gt3A_342 = arith.cmpf ogt, %bitcast3A_340, %gt3A_341 : vector<16xf32>
        %mul3A_343 = arith.constant 5.000000e-01 : f32
        %mul3A_344 = vector.broadcast %mul3A_343 : f32 to vector<16xf32>
        %mul3A_345 = arith.mulf %mul3A_344, %bitcast3A_340 : vector<16xf32>
        %select_n3A_346 = arith.select %gt3A_342, %mul3A_345, %bitcast3A_340 : vector<16xi1>, vector<16xf32>
        %convert_element_type3A_347 = arith.extui %gt3A_342 : vector<16xi1> to vector<16xi32>
        %add3A_348 = arith.addi %sub3A_334, %convert_element_type3A_347 : vector<16xi32>
        %convert_element_type3A_349 = arith.sitofp %add3A_348 : vector<16xi32> to vector<16xf32>
        %sub3A_350 = arith.constant 1.000000e+00 : f32
        %sub3A_351 = vector.broadcast %sub3A_350 : f32 to vector<16xf32>
        %sub3A_352 = arith.subf %select_n3A_346, %sub3A_351 : vector<16xf32>
        %add3A_353 = arith.constant 2.000000e+00 : f32
        %add3A_354 = vector.broadcast %add3A_353 : f32 to vector<16xf32>
        %add3A_355 = arith.addf %sub3A_352, %add3A_354 : vector<16xf32>
        %div3A_356 = arith.divf %sub3A_352, %add3A_355 : vector<16xf32>
        %mul3A_357 = arith.mulf %div3A_356, %div3A_356 : vector<16xf32>
        %mul3A_358 = arith.constant 0.142857149 : f32
        %mul3A_359 = vector.broadcast %mul3A_358 : f32 to vector<16xf32>
        %mul3A_360 = arith.mulf %mul3A_357, %mul3A_359 : vector<16xf32>
        %add3A_361 = arith.constant 2.000000e-01 : f32
        %add3A_362 = vector.broadcast %add3A_361 : f32 to vector<16xf32>
        %add3A_363 = arith.addf %add3A_362, %mul3A_360 : vector<16xf32>
        %mul3A_364 = arith.mulf %mul3A_357, %add3A_363 : vector<16xf32>
        %add3A_365 = arith.constant 0.333333343 : f32
        %add3A_366 = vector.broadcast %add3A_365 : f32 to vector<16xf32>
        %add3A_367 = arith.addf %add3A_366, %mul3A_364 : vector<16xf32>
        %mul3A_368 = arith.mulf %mul3A_357, %add3A_367 : vector<16xf32>
        %add3A_369 = arith.constant 1.000000e+00 : f32
        %add3A_370 = vector.broadcast %add3A_369 : f32 to vector<16xf32>
        %add3A_371 = arith.addf %add3A_370, %mul3A_368 : vector<16xf32>
        %mul3A_372 = arith.constant 0.693147182 : f32
        %mul3A_373 = vector.broadcast %mul3A_372 : f32 to vector<16xf32>
        %mul3A_374 = arith.mulf %convert_element_type3A_349, %mul3A_373 : vector<16xf32>
        %mul3A_375 = arith.constant 2.000000e+00 : f32
        %mul3A_376 = vector.broadcast %mul3A_375 : f32 to vector<16xf32>
        %mul3A_377 = arith.mulf %mul3A_376, %div3A_356 : vector<16xf32>
        %mul3A_378 = arith.mulf %mul3A_377, %add3A_371 : vector<16xf32>
        %add3A_379 = arith.addf %mul3A_374, %mul3A_378 : vector<16xf32>
        %add3A_380 = arith.addf %mul3A_322, %add3A_379 : vector<16xf32>
        %mul3A_381 = arith.constant 5.000000e-01 : f32
        %mul3A_382 = vector.broadcast %mul3A_381 : f32 to vector<16xf32>
        %mul3A_383 = arith.mulf %mul3A_382, %get3A_287 : vector<16xf32>
        %add3A_384 = arith.constant 5.000000e-01 : f32
        %add3A_385 = vector.broadcast %add3A_384 : f32 to vector<16xf32>
        %add3A_386 = arith.addf %add3A_385, %mul3A_383 : vector<16xf32>
        %mul3A_387 = arith.mulf %add3A_386, %add3A_380 : vector<16xf32>
        %add3A_388 = arith.addf %scan3A_243, %mul3A_387 : vector<16xf32>
        %mul3A_389 = arith.mulf %get3A_287, %get3A_267 : vector<16xf32>
        %sub3A_390 = arith.subf %add3A_388, %mul3A_389 : vector<16xf32>
        %get3A_391 = arith.index_cast %mul3A_246 : i32 to index
        %get3A_392 = tpu.vector_load %arg10[%get3A_391] {strides = array<i32>} : memref<256xf32, #tpu.memory_space<vmem>>, vector<16xf32>,
        %broadcast_in_dim3A_393 = arith.constant 0.000000e+00 : f32
        %broadcast_in_dim3A_394 = vector.broadcast %broadcast_in_dim3A_393 : f32 to vector<16xf32>
        %broadcast_in_dim3A_395 = arith.constant 0.000000e+00 : f32
        %broadcast_in_dim3A_396 = vector.broadcast %broadcast_in_dim3A_395 : f32 to vector<16xf32>
        %broadcast_in_dim3A_397 = arith.constant 0.000000e+00 : f32
        %broadcast_in_dim3A_398 = vector.broadcast %broadcast_in_dim3A_397 : f32 to vector<16xf32>
        %broadcast_in_dim3A_399 = arith.constant 0.000000e+00 : f32
        %broadcast_in_dim3A_400 = vector.broadcast %broadcast_in_dim3A_399 : f32 to vector<16xf32>
        %broadcast_in_dim3A_401 = arith.constant 1.000000e+03 : f32
        %broadcast_in_dim3A_402 = vector.broadcast %broadcast_in_dim3A_401 : f32 to vector<16xf32>
        %broadcast_in_dim3A_403 = arith.constant 1.000000e+03 : f32
        %broadcast_in_dim3A_404 = vector.broadcast %broadcast_in_dim3A_403 : f32 to vector<16xf32>
        %broadcast_in_dim3A_405 = arith.constant 1.000000e+03 : f32
        %broadcast_in_dim3A_406 = vector.broadcast %broadcast_in_dim3A_405 : f32 to vector<16xf32>
        %broadcast_in_dim3A_407 = arith.constant 1.000000e+03 : f32
        %broadcast_in_dim3A_408 = vector.broadcast %broadcast_in_dim3A_407 : f32 to vector<16xf32>
        %get3A_409 = arith.constant 5 : i32
        %get3A_410 = arith.index_cast %get3A_409 : i32 to index
        %get3A_411 = arith.index_cast %mul3A_246 : i32 to index
        %get3A_412 = tpu.vector_load %arg6[%get3A_410, %get3A_411] {strides = array<i32>} : memref<85x256xf32, #tpu.memory_space<vmem>>, vector<16xf32>,
        %get3A_413 = arith.constant 5 : i32
        %get3A_414 = arith.index_cast %get3A_413 : i32 to index
        %get3A_415 = arith.index_cast %mul3A_246 : i32 to index
        %get3A_416 = tpu.vector_load %arg8[%get3A_414, %get3A_415] {strides = array<i32>} : memref<85x256xf32, #tpu.memory_space<vmem>>, vector<16xf32>,
        %sub3A_417 = arith.subf %get3A_412, %get3A_392 : vector<16xf32>
        %exp3A_418 = math.exp %sub3A_417 : vector<16xf32>
        %add3A_419 = arith.addf %broadcast_in_dim3A_394, %exp3A_418 : vector<16xf32>
        %sub3A_420 = arith.constant 1.000000e+00 : f32
        %sub3A_421 = vector.broadcast %sub3A_420 : f32 to vector<16xf32>
        %sub3A_422 = arith.subf %sub3A_421, %get3A_416 : vector<16xf32>
        %mul3A_423 = arith.constant 1.000000e+03 : f32
        %mul3A_424 = vector.broadcast %mul3A_423 : f32 to vector<16xf32>
        %mul3A_425 = arith.mulf %sub3A_422, %mul3A_424 : vector<16xf32>
        %add3A_426 = arith.constant 0.000000e+00 : f32
        %add3A_427 = vector.broadcast %add3A_426 : f32 to vector<16xf32>
        %add3A_428 = arith.addf %mul3A_425, %add3A_427 : vector<16xf32>
        %min3A = arith.minimumf %broadcast_in_dim3A_402, %add3A_428 : vector<16xf32>
        %get3A_429 = arith.constant 6 : i32
        %get3A_430 = arith.index_cast %get3A_429 : i32 to index
        %get3A_431 = arith.index_cast %mul3A_246 : i32 to index
        %get3A_432 = tpu.vector_load %arg6[%get3A_430, %get3A_431] {strides = array<i32>} : memref<85x256xf32, #tpu.memory_space<vmem>>, vector<16xf32>,
        %get3A_433 = arith.constant 6 : i32
        %get3A_434 = arith.index_cast %get3A_433 : i32 to index
        %get3A_435 = arith.index_cast %mul3A_246 : i32 to index
        %get3A_436 = tpu.vector_load %arg8[%get3A_434, %get3A_435] {strides = array<i32>} : memref<85x256xf32, #tpu.memory_space<vmem>>, vector<16xf32>,
        %sub3A_437 = arith.subf %get3A_432, %get3A_392 : vector<16xf32>
        %exp3A_438 = math.exp %sub3A_437 : vector<16xf32>
        %add3A_439 = arith.addf %broadcast_in_dim3A_396, %exp3A_438 : vector<16xf32>
        %sub3A_440 = arith.constant 1.000000e+00 : f32
        %sub3A_441 = vector.broadcast %sub3A_440 : f32 to vector<16xf32>
        %sub3A_442 = arith.subf %sub3A_441, %get3A_436 : vector<16xf32>
        %mul3A_443 = arith.constant 1.000000e+03 : f32
        %mul3A_444 = vector.broadcast %mul3A_443 : f32 to vector<16xf32>
        %mul3A_445 = arith.mulf %sub3A_442, %mul3A_444 : vector<16xf32>
        %add3A_446 = arith.constant 1.000000e+00 : f32
        %add3A_447 = vector.broadcast %add3A_446 : f32 to vector<16xf32>
        %add3A_448 = arith.addf %mul3A_445, %add3A_447 : vector<16xf32>
        %min3A_449 = arith.minimumf %broadcast_in_dim3A_404, %add3A_448 : vector<16xf32>
        %get3A_450 = arith.constant 7 : i32
        %get3A_451 = arith.index_cast %get3A_450 : i32 to index
        %get3A_452 = arith.index_cast %mul3A_246 : i32 to index
        %get3A_453 = tpu.vector_load %arg6[%get3A_451, %get3A_452] {strides = array<i32>} : memref<85x256xf32, #tpu.memory_space<vmem>>, vector<16xf32>,
        %get3A_454 = arith.constant 7 : i32
        %get3A_455 = arith.index_cast %get3A_454 : i32 to index
        %get3A_456 = arith.index_cast %mul3A_246 : i32 to index
        %get3A_457 = tpu.vector_load %arg8[%get3A_455, %get3A_456] {strides = array<i32>} : memref<85x256xf32, #tpu.memory_space<vmem>>, vector<16xf32>,
        %sub3A_458 = arith.subf %get3A_453, %get3A_392 : vector<16xf32>
        %exp3A_459 = math.exp %sub3A_458 : vector<16xf32>
        %add3A_460 = arith.addf %broadcast_in_dim3A_398, %exp3A_459 : vector<16xf32>
        %sub3A_461 = arith.constant 1.000000e+00 : f32
        %sub3A_462 = vector.broadcast %sub3A_461 : f32 to vector<16xf32>
        %sub3A_463 = arith.subf %sub3A_462, %get3A_457 : vector<16xf32>
        %mul3A_464 = arith.constant 1.000000e+03 : f32
        %mul3A_465 = vector.broadcast %mul3A_464 : f32 to vector<16xf32>
        %mul3A_466 = arith.mulf %sub3A_463, %mul3A_465 : vector<16xf32>
        %add3A_467 = arith.constant 2.000000e+00 : f32
        %add3A_468 = vector.broadcast %add3A_467 : f32 to vector<16xf32>
        %add3A_469 = arith.addf %mul3A_466, %add3A_468 : vector<16xf32>
        %min3A_470 = arith.minimumf %broadcast_in_dim3A_406, %add3A_469 : vector<16xf32>
        %get3A_471 = arith.constant 8 : i32
        %get3A_472 = arith.index_cast %get3A_471 : i32 to index
        %get3A_473 = arith.index_cast %mul3A_246 : i32 to index
        %get3A_474 = tpu.vector_load %arg6[%get3A_472, %get3A_473] {strides = array<i32>} : memref<85x256xf32, #tpu.memory_space<vmem>>, vector<16xf32>,
        %get3A_475 = arith.constant 8 : i32
        %get3A_476 = arith.index_cast %get3A_475 : i32 to index
        %get3A_477 = arith.index_cast %mul3A_246 : i32 to index
        %get3A_478 = tpu.vector_load %arg8[%get3A_476, %get3A_477] {strides = array<i32>} : memref<85x256xf32, #tpu.memory_space<vmem>>, vector<16xf32>,
        %sub3A_479 = arith.subf %get3A_474, %get3A_392 : vector<16xf32>
        %exp3A_480 = math.exp %sub3A_479 : vector<16xf32>
        %add3A_481 = arith.addf %broadcast_in_dim3A_400, %exp3A_480 : vector<16xf32>
        %sub3A_482 = arith.constant 1.000000e+00 : f32
        %sub3A_483 = vector.broadcast %sub3A_482 : f32 to vector<16xf32>
        %sub3A_484 = arith.subf %sub3A_483, %get3A_478 : vector<16xf32>
        %mul3A_485 = arith.constant 1.000000e+03 : f32
        %mul3A_486 = vector.broadcast %mul3A_485 : f32 to vector<16xf32>
        %mul3A_487 = arith.mulf %sub3A_484, %mul3A_486 : vector<16xf32>
        %add3A_488 = arith.constant 3.000000e+00 : f32
        %add3A_489 = vector.broadcast %add3A_488 : f32 to vector<16xf32>
        %add3A_490 = arith.addf %mul3A_487, %add3A_489 : vector<16xf32>
        %min3A_491 = arith.minimumf %broadcast_in_dim3A_408, %add3A_490 : vector<16xf32>
        %get3A_492 = arith.constant 9 : i32
        %get3A_493 = arith.index_cast %get3A_492 : i32 to index
        %get3A_494 = arith.index_cast %mul3A_246 : i32 to index
        %get3A_495 = tpu.vector_load %arg6[%get3A_493, %get3A_494] {strides = array<i32>} : memref<85x256xf32, #tpu.memory_space<vmem>>, vector<16xf32>,
        %get3A_496 = arith.constant 9 : i32
        %get3A_497 = arith.index_cast %get3A_496 : i32 to index
        %get3A_498 = arith.index_cast %mul3A_246 : i32 to index
        %get3A_499 = tpu.vector_load %arg8[%get3A_497, %get3A_498] {strides = array<i32>} : memref<85x256xf32, #tpu.memory_space<vmem>>, vector<16xf32>,
        %sub3A_500 = arith.subf %get3A_495, %get3A_392 : vector<16xf32>
        %exp3A_501 = math.exp %sub3A_500 : vector<16xf32>
        %add3A_502 = arith.addf %add3A_419, %exp3A_501 : vector<16xf32>
        %sub3A_503 = arith.constant 1.000000e+00 : f32
        %sub3A_504 = vector.broadcast %sub3A_503 : f32 to vector<16xf32>
        %sub3A_505 = arith.subf %sub3A_504, %get3A_499 : vector<16xf32>
        %mul3A_506 = arith.constant 1.000000e+03 : f32
        %mul3A_507 = vector.broadcast %mul3A_506 : f32 to vector<16xf32>
        %mul3A_508 = arith.mulf %sub3A_505, %mul3A_507 : vector<16xf32>
        %add3A_509 = arith.constant 4.000000e+00 : f32
        %add3A_510 = vector.broadcast %add3A_509 : f32 to vector<16xf32>
        %add3A_511 = arith.addf %mul3A_508, %add3A_510 : vector<16xf32>
        %min3A_512 = arith.minimumf %min3A, %add3A_511 : vector<16xf32>
        %get3A_513 = arith.constant 10 : i32
        %get3A_514 = arith.index_cast %get3A_513 : i32 to index
        %get3A_515 = arith.index_cast %mul3A_246 : i32 to index
        %get3A_516 = tpu.vector_load %arg6[%get3A_514, %get3A_515] {strides = array<i32>} : memref<85x256xf32, #tpu.memory_space<vmem>>, vector<16xf32>,
        %get3A_517 = arith.constant 10 : i32
        %get3A_518 = arith.index_cast %get3A_517 : i32 to index
        %get3A_519 = arith.index_cast %mul3A_246 : i32 to index
        %get3A_520 = tpu.vector_load %arg8[%get3A_518, %get3A_519] {strides = array<i32>} : memref<85x256xf32, #tpu.memory_space<vmem>>, vector<16xf32>,
        %sub3A_521 = arith.subf %get3A_516, %get3A_392 : vector<16xf32>
        %exp3A_522 = math.exp %sub3A_521 : vector<16xf32>
        %add3A_523 = arith.addf %add3A_439, %exp3A_522 : vector<16xf32>
        %sub3A_524 = arith.constant 1.000000e+00 : f32
        %sub3A_525 = vector.broadcast %sub3A_524 : f32 to vector<16xf32>
        %sub3A_526 = arith.subf %sub3A_525, %get3A_520 : vector<16xf32>
        %mul3A_527 = arith.constant 1.000000e+03 : f32
        %mul3A_528 = vector.broadcast %mul3A_527 : f32 to vector<16xf32>
        %mul3A_529 = arith.mulf %sub3A_526, %mul3A_528 : vector<16xf32>
        %add3A_530 = arith.constant 5.000000e+00 : f32
        %add3A_531 = vector.broadcast %add3A_530 : f32 to vector<16xf32>
        %add3A_532 = arith.addf %mul3A_529, %add3A_531 : vector<16xf32>
        %min3A_533 = arith.minimumf %min3A_449, %add3A_532 : vector<16xf32>
        %get3A_534 = arith.constant 11 : i32
        %get3A_535 = arith.index_cast %get3A_534 : i32 to index
        %get3A_536 = arith.index_cast %mul3A_246 : i32 to index
        %get3A_537 = tpu.vector_load %arg6[%get3A_535, %get3A_536] {strides = array<i32>} : memref<85x256xf32, #tpu.memory_space<vmem>>, vector<16xf32>,
        %get3A_538 = arith.constant 11 : i32
        %get3A_539 = arith.index_cast %get3A_538 : i32 to index
        %get3A_540 = arith.index_cast %mul3A_246 : i32 to index
        %get3A_541 = tpu.vector_load %arg8[%get3A_539, %get3A_540] {strides = array<i32>} : memref<85x256xf32, #tpu.memory_space<vmem>>, vector<16xf32>,
        %sub3A_542 = arith.subf %get3A_537, %get3A_392 : vector<16xf32>
        %exp3A_543 = math.exp %sub3A_542 : vector<16xf32>
        %add3A_544 = arith.addf %add3A_460, %exp3A_543 : vector<16xf32>
        %sub3A_545 = arith.constant 1.000000e+00 : f32
        %sub3A_546 = vector.broadcast %sub3A_545 : f32 to vector<16xf32>
        %sub3A_547 = arith.subf %sub3A_546, %get3A_541 : vector<16xf32>
        %mul3A_548 = arith.constant 1.000000e+03 : f32
        %mul3A_549 = vector.broadcast %mul3A_548 : f32 to vector<16xf32>
        %mul3A_550 = arith.mulf %sub3A_547, %mul3A_549 : vector<16xf32>
        %add3A_551 = arith.constant 6.000000e+00 : f32
        %add3A_552 = vector.broadcast %add3A_551 : f32 to vector<16xf32>
        %add3A_553 = arith.addf %mul3A_550, %add3A_552 : vector<16xf32>
        %min3A_554 = arith.minimumf %min3A_470, %add3A_553 : vector<16xf32>
        %get3A_555 = arith.constant 12 : i32
        %get3A_556 = arith.index_cast %get3A_555 : i32 to index
        %get3A_557 = arith.index_cast %mul3A_246 : i32 to index
        %get3A_558 = tpu.vector_load %arg6[%get3A_556, %get3A_557] {strides = array<i32>} : memref<85x256xf32, #tpu.memory_space<vmem>>, vector<16xf32>,
        %get3A_559 = arith.constant 12 : i32
        %get3A_560 = arith.index_cast %get3A_559 : i32 to index
        %get3A_561 = arith.index_cast %mul3A_246 : i32 to index
        %get3A_562 = tpu.vector_load %arg8[%get3A_560, %get3A_561] {strides = array<i32>} : memref<85x256xf32, #tpu.memory_space<vmem>>, vector<16xf32>,
        %sub3A_563 = arith.subf %get3A_558, %get3A_392 : vector<16xf32>
        %exp3A_564 = math.exp %sub3A_563 : vector<16xf32>
        %add3A_565 = arith.addf %add3A_481, %exp3A_564 : vector<16xf32>
        %sub3A_566 = arith.constant 1.000000e+00 : f32
        %sub3A_567 = vector.broadcast %sub3A_566 : f32 to vector<16xf32>
        %sub3A_568 = arith.subf %sub3A_567, %get3A_562 : vector<16xf32>
        %mul3A_569 = arith.constant 1.000000e+03 : f32
        %mul3A_570 = vector.broadcast %mul3A_569 : f32 to vector<16xf32>
        %mul3A_571 = arith.mulf %sub3A_568, %mul3A_570 : vector<16xf32>
        %add3A_572 = arith.constant 7.000000e+00 : f32
        %add3A_573 = vector.broadcast %add3A_572 : f32 to vector<16xf32>
        %add3A_574 = arith.addf %mul3A_571, %add3A_573 : vector<16xf32>
        %min3A_575 = arith.minimumf %min3A_491, %add3A_574 : vector<16xf32>
        %get3A_576 = arith.constant 13 : i32
        %get3A_577 = arith.index_cast %get3A_576 : i32 to index
        %get3A_578 = arith.index_cast %mul3A_246 : i32 to index
        %get3A_579 = tpu.vector_load %arg6[%get3A_577, %get3A_578] {strides = array<i32>} : memref<85x256xf32, #tpu.memory_space<vmem>>, vector<16xf32>,
        %get3A_580 = arith.constant 13 : i32
        %get3A_581 = arith.index_cast %get3A_580 : i32 to index
        %get3A_582 = arith.index_cast %mul3A_246 : i32 to index
        %get3A_583 = tpu.vector_load %arg8[%get3A_581, %get3A_582] {strides = array<i32>} : memref<85x256xf32, #tpu.memory_space<vmem>>, vector<16xf32>,
        %sub3A_584 = arith.subf %get3A_579, %get3A_392 : vector<16xf32>
        %exp3A_585 = math.exp %sub3A_584 : vector<16xf32>
        %add3A_586 = arith.addf %add3A_502, %exp3A_585 : vector<16xf32>
        %sub3A_587 = arith.constant 1.000000e+00 : f32
        %sub3A_588 = vector.broadcast %sub3A_587 : f32 to vector<16xf32>
        %sub3A_589 = arith.subf %sub3A_588, %get3A_583 : vector<16xf32>
        %mul3A_590 = arith.constant 1.000000e+03 : f32
        %mul3A_591 = vector.broadcast %mul3A_590 : f32 to vector<16xf32>
        %mul3A_592 = arith.mulf %sub3A_589, %mul3A_591 : vector<16xf32>
        %add3A_593 = arith.constant 8.000000e+00 : f32
        %add3A_594 = vector.broadcast %add3A_593 : f32 to vector<16xf32>
        %add3A_595 = arith.addf %mul3A_592, %add3A_594 : vector<16xf32>
        %min3A_596 = arith.minimumf %min3A_512, %add3A_595 : vector<16xf32>
        %get3A_597 = arith.constant 14 : i32
        %get3A_598 = arith.index_cast %get3A_597 : i32 to index
        %get3A_599 = arith.index_cast %mul3A_246 : i32 to index
        %get3A_600 = tpu.vector_load %arg6[%get3A_598, %get3A_599] {strides = array<i32>} : memref<85x256xf32, #tpu.memory_space<vmem>>, vector<16xf32>,
        %get3A_601 = arith.constant 14 : i32
        %get3A_602 = arith.index_cast %get3A_601 : i32 to index
        %get3A_603 = arith.index_cast %mul3A_246 : i32 to index
        %get3A_604 = tpu.vector_load %arg8[%get3A_602, %get3A_603] {strides = array<i32>} : memref<85x256xf32, #tpu.memory_space<vmem>>, vector<16xf32>,
        %sub3A_605 = arith.subf %get3A_600, %get3A_392 : vector<16xf32>
        %exp3A_606 = math.exp %sub3A_605 : vector<16xf32>
        %add3A_607 = arith.addf %add3A_523, %exp3A_606 : vector<16xf32>
        %sub3A_608 = arith.constant 1.000000e+00 : f32
        %sub3A_609 = vector.broadcast %sub3A_608 : f32 to vector<16xf32>
        %sub3A_610 = arith.subf %sub3A_609, %get3A_604 : vector<16xf32>
        %mul3A_611 = arith.constant 1.000000e+03 : f32
        %mul3A_612 = vector.broadcast %mul3A_611 : f32 to vector<16xf32>
        %mul3A_613 = arith.mulf %sub3A_610, %mul3A_612 : vector<16xf32>
        %add3A_614 = arith.constant 9.000000e+00 : f32
        %add3A_615 = vector.broadcast %add3A_614 : f32 to vector<16xf32>
        %add3A_616 = arith.addf %mul3A_613, %add3A_615 : vector<16xf32>
        %min3A_617 = arith.minimumf %min3A_533, %add3A_616 : vector<16xf32>
        %get3A_618 = arith.constant 15 : i32
        %get3A_619 = arith.index_cast %get3A_618 : i32 to index
        %get3A_620 = arith.index_cast %mul3A_246 : i32 to index
        %get3A_621 = tpu.vector_load %arg6[%get3A_619, %get3A_620] {strides = array<i32>} : memref<85x256xf32, #tpu.memory_space<vmem>>, vector<16xf32>,
        %get3A_622 = arith.constant 15 : i32
        %get3A_623 = arith.index_cast %get3A_622 : i32 to index
        %get3A_624 = arith.index_cast %mul3A_246 : i32 to index
        %get3A_625 = tpu.vector_load %arg8[%get3A_623, %get3A_624] {strides = array<i32>} : memref<85x256xf32, #tpu.memory_space<vmem>>, vector<16xf32>,
        %sub3A_626 = arith.subf %get3A_621, %get3A_392 : vector<16xf32>
        %exp3A_627 = math.exp %sub3A_626 : vector<16xf32>
        %add3A_628 = arith.addf %add3A_544, %exp3A_627 : vector<16xf32>
        %sub3A_629 = arith.constant 1.000000e+00 : f32
        %sub3A_630 = vector.broadcast %sub3A_629 : f32 to vector<16xf32>
        %sub3A_631 = arith.subf %sub3A_630, %get3A_625 : vector<16xf32>
        %mul3A_632 = arith.constant 1.000000e+03 : f32
        %mul3A_633 = vector.broadcast %mul3A_632 : f32 to vector<16xf32>
        %mul3A_634 = arith.mulf %sub3A_631, %mul3A_633 : vector<16xf32>
        %add3A_635 = arith.constant 1.000000e+01 : f32
        %add3A_636 = vector.broadcast %add3A_635 : f32 to vector<16xf32>
        %add3A_637 = arith.addf %mul3A_634, %add3A_636 : vector<16xf32>
        %min3A_638 = arith.minimumf %min3A_554, %add3A_637 : vector<16xf32>
        %get3A_639 = arith.constant 16 : i32
        %get3A_640 = arith.index_cast %get3A_639 : i32 to index
        %get3A_641 = arith.index_cast %mul3A_246 : i32 to index
        %get3A_642 = tpu.vector_load %arg6[%get3A_640, %get3A_641] {strides = array<i32>} : memref<85x256xf32, #tpu.memory_space<vmem>>, vector<16xf32>,
        %get3A_643 = arith.constant 16 : i32
        %get3A_644 = arith.index_cast %get3A_643 : i32 to index
        %get3A_645 = arith.index_cast %mul3A_246 : i32 to index
        %get3A_646 = tpu.vector_load %arg8[%get3A_644, %get3A_645] {strides = array<i32>} : memref<85x256xf32, #tpu.memory_space<vmem>>, vector<16xf32>,
        %sub3A_647 = arith.subf %get3A_642, %get3A_392 : vector<16xf32>
        %exp3A_648 = math.exp %sub3A_647 : vector<16xf32>
        %add3A_649 = arith.addf %add3A_565, %exp3A_648 : vector<16xf32>
        %sub3A_650 = arith.constant 1.000000e+00 : f32
        %sub3A_651 = vector.broadcast %sub3A_650 : f32 to vector<16xf32>
        %sub3A_652 = arith.subf %sub3A_651, %get3A_646 : vector<16xf32>
        %mul3A_653 = arith.constant 1.000000e+03 : f32
        %mul3A_654 = vector.broadcast %mul3A_653 : f32 to vector<16xf32>
        %mul3A_655 = arith.mulf %sub3A_652, %mul3A_654 : vector<16xf32>
        %add3A_656 = arith.constant 1.100000e+01 : f32
        %add3A_657 = vector.broadcast %add3A_656 : f32 to vector<16xf32>
        %add3A_658 = arith.addf %mul3A_655, %add3A_657 : vector<16xf32>
        %min3A_659 = arith.minimumf %min3A_575, %add3A_658 : vector<16xf32>
        %get3A_660 = arith.constant 17 : i32
        %get3A_661 = arith.index_cast %get3A_660 : i32 to index
        %get3A_662 = arith.index_cast %mul3A_246 : i32 to index
        %get3A_663 = tpu.vector_load %arg6[%get3A_661, %get3A_662] {strides = array<i32>} : memref<85x256xf32, #tpu.memory_space<vmem>>, vector<16xf32>,
        %get3A_664 = arith.constant 17 : i32
        %get3A_665 = arith.index_cast %get3A_664 : i32 to index
        %get3A_666 = arith.index_cast %mul3A_246 : i32 to index
        %get3A_667 = tpu.vector_load %arg8[%get3A_665, %get3A_666] {strides = array<i32>} : memref<85x256xf32, #tpu.memory_space<vmem>>, vector<16xf32>,
        %sub3A_668 = arith.subf %get3A_663, %get3A_392 : vector<16xf32>
        %exp3A_669 = math.exp %sub3A_668 : vector<16xf32>
        %add3A_670 = arith.addf %add3A_586, %exp3A_669 : vector<16xf32>
        %sub3A_671 = arith.constant 1.000000e+00 : f32
        %sub3A_672 = vector.broadcast %sub3A_671 : f32 to vector<16xf32>
        %sub3A_673 = arith.subf %sub3A_672, %get3A_667 : vector<16xf32>
        %mul3A_674 = arith.constant 1.000000e+03 : f32
        %mul3A_675 = vector.broadcast %mul3A_674 : f32 to vector<16xf32>
        %mul3A_676 = arith.mulf %sub3A_673, %mul3A_675 : vector<16xf32>
        %add3A_677 = arith.constant 1.200000e+01 : f32
        %add3A_678 = vector.broadcast %add3A_677 : f32 to vector<16xf32>
        %add3A_679 = arith.addf %mul3A_676, %add3A_678 : vector<16xf32>
        %min3A_680 = arith.minimumf %min3A_596, %add3A_679 : vector<16xf32>
        %get3A_681 = arith.constant 18 : i32
        %get3A_682 = arith.index_cast %get3A_681 : i32 to index
        %get3A_683 = arith.index_cast %mul3A_246 : i32 to index
        %get3A_684 = tpu.vector_load %arg6[%get3A_682, %get3A_683] {strides = array<i32>} : memref<85x256xf32, #tpu.memory_space<vmem>>, vector<16xf32>,
        %get3A_685 = arith.constant 18 : i32
        %get3A_686 = arith.index_cast %get3A_685 : i32 to index
        %get3A_687 = arith.index_cast %mul3A_246 : i32 to index
        %get3A_688 = tpu.vector_load %arg8[%get3A_686, %get3A_687] {strides = array<i32>} : memref<85x256xf32, #tpu.memory_space<vmem>>, vector<16xf32>,
        %sub3A_689 = arith.subf %get3A_684, %get3A_392 : vector<16xf32>
        %exp3A_690 = math.exp %sub3A_689 : vector<16xf32>
        %add3A_691 = arith.addf %add3A_607, %exp3A_690 : vector<16xf32>
        %sub3A_692 = arith.constant 1.000000e+00 : f32
        %sub3A_693 = vector.broadcast %sub3A_692 : f32 to vector<16xf32>
        %sub3A_694 = arith.subf %sub3A_693, %get3A_688 : vector<16xf32>
        %mul3A_695 = arith.constant 1.000000e+03 : f32
        %mul3A_696 = vector.broadcast %mul3A_695 : f32 to vector<16xf32>
        %mul3A_697 = arith.mulf %sub3A_694, %mul3A_696 : vector<16xf32>
        %add3A_698 = arith.constant 1.300000e+01 : f32
        %add3A_699 = vector.broadcast %add3A_698 : f32 to vector<16xf32>
        %add3A_700 = arith.addf %mul3A_697, %add3A_699 : vector<16xf32>
        %min3A_701 = arith.minimumf %min3A_617, %add3A_700 : vector<16xf32>
        %get3A_702 = arith.constant 19 : i32
        %get3A_703 = arith.index_cast %get3A_702 : i32 to index
        %get3A_704 = arith.index_cast %mul3A_246 : i32 to index
        %get3A_705 = tpu.vector_load %arg6[%get3A_703, %get3A_704] {strides = array<i32>} : memref<85x256xf32, #tpu.memory_space<vmem>>, vector<16xf32>,
        %get3A_706 = arith.constant 19 : i32
        %get3A_707 = arith.index_cast %get3A_706 : i32 to index
        %get3A_708 = arith.index_cast %mul3A_246 : i32 to index
        %get3A_709 = tpu.vector_load %arg8[%get3A_707, %get3A_708] {strides = array<i32>} : memref<85x256xf32, #tpu.memory_space<vmem>>, vector<16xf32>,
        %sub3A_710 = arith.subf %get3A_705, %get3A_392 : vector<16xf32>
        %exp3A_711 = math.exp %sub3A_710 : vector<16xf32>
        %add3A_712 = arith.addf %add3A_628, %exp3A_711 : vector<16xf32>
        %sub3A_713 = arith.constant 1.000000e+00 : f32
        %sub3A_714 = vector.broadcast %sub3A_713 : f32 to vector<16xf32>
        %sub3A_715 = arith.subf %sub3A_714, %get3A_709 : vector<16xf32>
        %mul3A_716 = arith.constant 1.000000e+03 : f32
        %mul3A_717 = vector.broadcast %mul3A_716 : f32 to vector<16xf32>
        %mul3A_718 = arith.mulf %sub3A_715, %mul3A_717 : vector<16xf32>
        %add3A_719 = arith.constant 1.400000e+01 : f32
        %add3A_720 = vector.broadcast %add3A_719 : f32 to vector<16xf32>
        %add3A_721 = arith.addf %mul3A_718, %add3A_720 : vector<16xf32>
        %min3A_722 = arith.minimumf %min3A_638, %add3A_721 : vector<16xf32>
        %get3A_723 = arith.constant 20 : i32
        %get3A_724 = arith.index_cast %get3A_723 : i32 to index
        %get3A_725 = arith.index_cast %mul3A_246 : i32 to index
        %get3A_726 = tpu.vector_load %arg6[%get3A_724, %get3A_725] {strides = array<i32>} : memref<85x256xf32, #tpu.memory_space<vmem>>, vector<16xf32>,
        %get3A_727 = arith.constant 20 : i32
        %get3A_728 = arith.index_cast %get3A_727 : i32 to index
        %get3A_729 = arith.index_cast %mul3A_246 : i32 to index
        %get3A_730 = tpu.vector_load %arg8[%get3A_728, %get3A_729] {strides = array<i32>} : memref<85x256xf32, #tpu.memory_space<vmem>>, vector<16xf32>,
        %sub3A_731 = arith.subf %get3A_726, %get3A_392 : vector<16xf32>
        %exp3A_732 = math.exp %sub3A_731 : vector<16xf32>
        %add3A_733 = arith.addf %add3A_649, %exp3A_732 : vector<16xf32>
        %sub3A_734 = arith.constant 1.000000e+00 : f32
        %sub3A_735 = vector.broadcast %sub3A_734 : f32 to vector<16xf32>
        %sub3A_736 = arith.subf %sub3A_735, %get3A_730 : vector<16xf32>
        %mul3A_737 = arith.constant 1.000000e+03 : f32
        %mul3A_738 = vector.broadcast %mul3A_737 : f32 to vector<16xf32>
        %mul3A_739 = arith.mulf %sub3A_736, %mul3A_738 : vector<16xf32>
        %add3A_740 = arith.constant 1.500000e+01 : f32
        %add3A_741 = vector.broadcast %add3A_740 : f32 to vector<16xf32>
        %add3A_742 = arith.addf %mul3A_739, %add3A_741 : vector<16xf32>
        %min3A_743 = arith.minimumf %min3A_659, %add3A_742 : vector<16xf32>
        %get3A_744 = arith.constant 21 : i32
        %get3A_745 = arith.index_cast %get3A_744 : i32 to index
        %get3A_746 = arith.index_cast %mul3A_246 : i32 to index
        %get3A_747 = tpu.vector_load %arg6[%get3A_745, %get3A_746] {strides = array<i32>} : memref<85x256xf32, #tpu.memory_space<vmem>>, vector<16xf32>,
        %get3A_748 = arith.constant 21 : i32
        %get3A_749 = arith.index_cast %get3A_748 : i32 to index
        %get3A_750 = arith.index_cast %mul3A_246 : i32 to index
        %get3A_751 = tpu.vector_load %arg8[%get3A_749, %get3A_750] {strides = array<i32>} : memref<85x256xf32, #tpu.memory_space<vmem>>, vector<16xf32>,
        %sub3A_752 = arith.subf %get3A_747, %get3A_392 : vector<16xf32>
        %exp3A_753 = math.exp %sub3A_752 : vector<16xf32>
        %add3A_754 = arith.addf %add3A_670, %exp3A_753 : vector<16xf32>
        %sub3A_755 = arith.constant 1.000000e+00 : f32
        %sub3A_756 = vector.broadcast %sub3A_755 : f32 to vector<16xf32>
        %sub3A_757 = arith.subf %sub3A_756, %get3A_751 : vector<16xf32>
        %mul3A_758 = arith.constant 1.000000e+03 : f32
        %mul3A_759 = vector.broadcast %mul3A_758 : f32 to vector<16xf32>
        %mul3A_760 = arith.mulf %sub3A_757, %mul3A_759 : vector<16xf32>
        %add3A_761 = arith.constant 1.600000e+01 : f32
        %add3A_762 = vector.broadcast %add3A_761 : f32 to vector<16xf32>
        %add3A_763 = arith.addf %mul3A_760, %add3A_762 : vector<16xf32>
        %min3A_764 = arith.minimumf %min3A_680, %add3A_763 : vector<16xf32>
        %get3A_765 = arith.constant 22 : i32
        %get3A_766 = arith.index_cast %get3A_765 : i32 to index
        %get3A_767 = arith.index_cast %mul3A_246 : i32 to index
        %get3A_768 = tpu.vector_load %arg6[%get3A_766, %get3A_767] {strides = array<i32>} : memref<85x256xf32, #tpu.memory_space<vmem>>, vector<16xf32>,
        %get3A_769 = arith.constant 22 : i32
        %get3A_770 = arith.index_cast %get3A_769 : i32 to index
        %get3A_771 = arith.index_cast %mul3A_246 : i32 to index
        %get3A_772 = tpu.vector_load %arg8[%get3A_770, %get3A_771] {strides = array<i32>} : memref<85x256xf32, #tpu.memory_space<vmem>>, vector<16xf32>,
        %sub3A_773 = arith.subf %get3A_768, %get3A_392 : vector<16xf32>
        %exp3A_774 = math.exp %sub3A_773 : vector<16xf32>
        %add3A_775 = arith.addf %add3A_691, %exp3A_774 : vector<16xf32>
        %sub3A_776 = arith.constant 1.000000e+00 : f32
        %sub3A_777 = vector.broadcast %sub3A_776 : f32 to vector<16xf32>
        %sub3A_778 = arith.subf %sub3A_777, %get3A_772 : vector<16xf32>
        %mul3A_779 = arith.constant 1.000000e+03 : f32
        %mul3A_780 = vector.broadcast %mul3A_779 : f32 to vector<16xf32>
        %mul3A_781 = arith.mulf %sub3A_778, %mul3A_780 : vector<16xf32>
        %add3A_782 = arith.constant 1.700000e+01 : f32
        %add3A_783 = vector.broadcast %add3A_782 : f32 to vector<16xf32>
        %add3A_784 = arith.addf %mul3A_781, %add3A_783 : vector<16xf32>
        %min3A_785 = arith.minimumf %min3A_701, %add3A_784 : vector<16xf32>
        %get3A_786 = arith.constant 23 : i32
        %get3A_787 = arith.index_cast %get3A_786 : i32 to index
        %get3A_788 = arith.index_cast %mul3A_246 : i32 to index
        %get3A_789 = tpu.vector_load %arg6[%get3A_787, %get3A_788] {strides = array<i32>} : memref<85x256xf32, #tpu.memory_space<vmem>>, vector<16xf32>,
        %get3A_790 = arith.constant 23 : i32
        %get3A_791 = arith.index_cast %get3A_790 : i32 to index
        %get3A_792 = arith.index_cast %mul3A_246 : i32 to index
        %get3A_793 = tpu.vector_load %arg8[%get3A_791, %get3A_792] {strides = array<i32>} : memref<85x256xf32, #tpu.memory_space<vmem>>, vector<16xf32>,
        %sub3A_794 = arith.subf %get3A_789, %get3A_392 : vector<16xf32>
        %exp3A_795 = math.exp %sub3A_794 : vector<16xf32>
        %add3A_796 = arith.addf %add3A_712, %exp3A_795 : vector<16xf32>
        %sub3A_797 = arith.constant 1.000000e+00 : f32
        %sub3A_798 = vector.broadcast %sub3A_797 : f32 to vector<16xf32>
        %sub3A_799 = arith.subf %sub3A_798, %get3A_793 : vector<16xf32>
        %mul3A_800 = arith.constant 1.000000e+03 : f32
        %mul3A_801 = vector.broadcast %mul3A_800 : f32 to vector<16xf32>
        %mul3A_802 = arith.mulf %sub3A_799, %mul3A_801 : vector<16xf32>
        %add3A_803 = arith.constant 1.800000e+01 : f32
        %add3A_804 = vector.broadcast %add3A_803 : f32 to vector<16xf32>
        %add3A_805 = arith.addf %mul3A_802, %add3A_804 : vector<16xf32>
        %min3A_806 = arith.minimumf %min3A_722, %add3A_805 : vector<16xf32>
        %get3A_807 = arith.constant 24 : i32
        %get3A_808 = arith.index_cast %get3A_807 : i32 to index
        %get3A_809 = arith.index_cast %mul3A_246 : i32 to index
        %get3A_810 = tpu.vector_load %arg6[%get3A_808, %get3A_809] {strides = array<i32>} : memref<85x256xf32, #tpu.memory_space<vmem>>, vector<16xf32>,
        %get3A_811 = arith.constant 24 : i32
        %get3A_812 = arith.index_cast %get3A_811 : i32 to index
        %get3A_813 = arith.index_cast %mul3A_246 : i32 to index
        %get3A_814 = tpu.vector_load %arg8[%get3A_812, %get3A_813] {strides = array<i32>} : memref<85x256xf32, #tpu.memory_space<vmem>>, vector<16xf32>,
        %sub3A_815 = arith.subf %get3A_810, %get3A_392 : vector<16xf32>
        %exp3A_816 = math.exp %sub3A_815 : vector<16xf32>
        %add3A_817 = arith.addf %add3A_733, %exp3A_816 : vector<16xf32>
        %sub3A_818 = arith.constant 1.000000e+00 : f32
        %sub3A_819 = vector.broadcast %sub3A_818 : f32 to vector<16xf32>
        %sub3A_820 = arith.subf %sub3A_819, %get3A_814 : vector<16xf32>
        %mul3A_821 = arith.constant 1.000000e+03 : f32
        %mul3A_822 = vector.broadcast %mul3A_821 : f32 to vector<16xf32>
        %mul3A_823 = arith.mulf %sub3A_820, %mul3A_822 : vector<16xf32>
        %add3A_824 = arith.constant 1.900000e+01 : f32
        %add3A_825 = vector.broadcast %add3A_824 : f32 to vector<16xf32>
        %add3A_826 = arith.addf %mul3A_823, %add3A_825 : vector<16xf32>
        %min3A_827 = arith.minimumf %min3A_743, %add3A_826 : vector<16xf32>
        %get3A_828 = arith.constant 25 : i32
        %get3A_829 = arith.index_cast %get3A_828 : i32 to index
        %get3A_830 = arith.index_cast %mul3A_246 : i32 to index
        %get3A_831 = tpu.vector_load %arg6[%get3A_829, %get3A_830] {strides = array<i32>} : memref<85x256xf32, #tpu.memory_space<vmem>>, vector<16xf32>,
        %get3A_832 = arith.constant 25 : i32
        %get3A_833 = arith.index_cast %get3A_832 : i32 to index
        %get3A_834 = arith.index_cast %mul3A_246 : i32 to index
        %get3A_835 = tpu.vector_load %arg8[%get3A_833, %get3A_834] {strides = array<i32>} : memref<85x256xf32, #tpu.memory_space<vmem>>, vector<16xf32>,
        %sub3A_836 = arith.subf %get3A_831, %get3A_392 : vector<16xf32>
        %exp3A_837 = math.exp %sub3A_836 : vector<16xf32>
        %add3A_838 = arith.addf %add3A_754, %exp3A_837 : vector<16xf32>
        %sub3A_839 = arith.constant 1.000000e+00 : f32
        %sub3A_840 = vector.broadcast %sub3A_839 : f32 to vector<16xf32>
        %sub3A_841 = arith.subf %sub3A_840, %get3A_835 : vector<16xf32>
        %mul3A_842 = arith.constant 1.000000e+03 : f32
        %mul3A_843 = vector.broadcast %mul3A_842 : f32 to vector<16xf32>
        %mul3A_844 = arith.mulf %sub3A_841, %mul3A_843 : vector<16xf32>
        %add3A_845 = arith.constant 2.000000e+01 : f32
        %add3A_846 = vector.broadcast %add3A_845 : f32 to vector<16xf32>
        %add3A_847 = arith.addf %mul3A_844, %add3A_846 : vector<16xf32>
        %min3A_848 = arith.minimumf %min3A_764, %add3A_847 : vector<16xf32>
        %get3A_849 = arith.constant 26 : i32
        %get3A_850 = arith.index_cast %get3A_849 : i32 to index
        %get3A_851 = arith.index_cast %mul3A_246 : i32 to index
        %get3A_852 = tpu.vector_load %arg6[%get3A_850, %get3A_851] {strides = array<i32>} : memref<85x256xf32, #tpu.memory_space<vmem>>, vector<16xf32>,
        %get3A_853 = arith.constant 26 : i32
        %get3A_854 = arith.index_cast %get3A_853 : i32 to index
        %get3A_855 = arith.index_cast %mul3A_246 : i32 to index
        %get3A_856 = tpu.vector_load %arg8[%get3A_854, %get3A_855] {strides = array<i32>} : memref<85x256xf32, #tpu.memory_space<vmem>>, vector<16xf32>,
        %sub3A_857 = arith.subf %get3A_852, %get3A_392 : vector<16xf32>
        %exp3A_858 = math.exp %sub3A_857 : vector<16xf32>
        %add3A_859 = arith.addf %add3A_775, %exp3A_858 : vector<16xf32>
        %sub3A_860 = arith.constant 1.000000e+00 : f32
        %sub3A_861 = vector.broadcast %sub3A_860 : f32 to vector<16xf32>
        %sub3A_862 = arith.subf %sub3A_861, %get3A_856 : vector<16xf32>
        %mul3A_863 = arith.constant 1.000000e+03 : f32
        %mul3A_864 = vector.broadcast %mul3A_863 : f32 to vector<16xf32>
        %mul3A_865 = arith.mulf %sub3A_862, %mul3A_864 : vector<16xf32>
        %add3A_866 = arith.constant 2.100000e+01 : f32
        %add3A_867 = vector.broadcast %add3A_866 : f32 to vector<16xf32>
        %add3A_868 = arith.addf %mul3A_865, %add3A_867 : vector<16xf32>
        %min3A_869 = arith.minimumf %min3A_785, %add3A_868 : vector<16xf32>
        %get3A_870 = arith.constant 27 : i32
        %get3A_871 = arith.index_cast %get3A_870 : i32 to index
        %get3A_872 = arith.index_cast %mul3A_246 : i32 to index
        %get3A_873 = tpu.vector_load %arg6[%get3A_871, %get3A_872] {strides = array<i32>} : memref<85x256xf32, #tpu.memory_space<vmem>>, vector<16xf32>,
        %get3A_874 = arith.constant 27 : i32
        %get3A_875 = arith.index_cast %get3A_874 : i32 to index
        %get3A_876 = arith.index_cast %mul3A_246 : i32 to index
        %get3A_877 = tpu.vector_load %arg8[%get3A_875, %get3A_876] {strides = array<i32>} : memref<85x256xf32, #tpu.memory_space<vmem>>, vector<16xf32>,
        %sub3A_878 = arith.subf %get3A_873, %get3A_392 : vector<16xf32>
        %exp3A_879 = math.exp %sub3A_878 : vector<16xf32>
        %add3A_880 = arith.addf %add3A_796, %exp3A_879 : vector<16xf32>
        %sub3A_881 = arith.constant 1.000000e+00 : f32
        %sub3A_882 = vector.broadcast %sub3A_881 : f32 to vector<16xf32>
        %sub3A_883 = arith.subf %sub3A_882, %get3A_877 : vector<16xf32>
        %mul3A_884 = arith.constant 1.000000e+03 : f32
        %mul3A_885 = vector.broadcast %mul3A_884 : f32 to vector<16xf32>
        %mul3A_886 = arith.mulf %sub3A_883, %mul3A_885 : vector<16xf32>
        %add3A_887 = arith.constant 2.200000e+01 : f32
        %add3A_888 = vector.broadcast %add3A_887 : f32 to vector<16xf32>
        %add3A_889 = arith.addf %mul3A_886, %add3A_888 : vector<16xf32>
        %min3A_890 = arith.minimumf %min3A_806, %add3A_889 : vector<16xf32>
        %get3A_891 = arith.constant 28 : i32
        %get3A_892 = arith.index_cast %get3A_891 : i32 to index
        %get3A_893 = arith.index_cast %mul3A_246 : i32 to index
        %get3A_894 = tpu.vector_load %arg6[%get3A_892, %get3A_893] {strides = array<i32>} : memref<85x256xf32, #tpu.memory_space<vmem>>, vector<16xf32>,
        %get3A_895 = arith.constant 28 : i32
        %get3A_896 = arith.index_cast %get3A_895 : i32 to index
        %get3A_897 = arith.index_cast %mul3A_246 : i32 to index
        %get3A_898 = tpu.vector_load %arg8[%get3A_896, %get3A_897] {strides = array<i32>} : memref<85x256xf32, #tpu.memory_space<vmem>>, vector<16xf32>,
        %sub3A_899 = arith.subf %get3A_894, %get3A_392 : vector<16xf32>
        %exp3A_900 = math.exp %sub3A_899 : vector<16xf32>
        %add3A_901 = arith.addf %add3A_817, %exp3A_900 : vector<16xf32>
        %sub3A_902 = arith.constant 1.000000e+00 : f32
        %sub3A_903 = vector.broadcast %sub3A_902 : f32 to vector<16xf32>
        %sub3A_904 = arith.subf %sub3A_903, %get3A_898 : vector<16xf32>
        %mul3A_905 = arith.constant 1.000000e+03 : f32
        %mul3A_906 = vector.broadcast %mul3A_905 : f32 to vector<16xf32>
        %mul3A_907 = arith.mulf %sub3A_904, %mul3A_906 : vector<16xf32>
        %add3A_908 = arith.constant 2.300000e+01 : f32
        %add3A_909 = vector.broadcast %add3A_908 : f32 to vector<16xf32>
        %add3A_910 = arith.addf %mul3A_907, %add3A_909 : vector<16xf32>
        %min3A_911 = arith.minimumf %min3A_827, %add3A_910 : vector<16xf32>
        %get3A_912 = arith.constant 29 : i32
        %get3A_913 = arith.index_cast %get3A_912 : i32 to index
        %get3A_914 = arith.index_cast %mul3A_246 : i32 to index
        %get3A_915 = tpu.vector_load %arg6[%get3A_913, %get3A_914] {strides = array<i32>} : memref<85x256xf32, #tpu.memory_space<vmem>>, vector<16xf32>,
        %get3A_916 = arith.constant 29 : i32
        %get3A_917 = arith.index_cast %get3A_916 : i32 to index
        %get3A_918 = arith.index_cast %mul3A_246 : i32 to index
        %get3A_919 = tpu.vector_load %arg8[%get3A_917, %get3A_918] {strides = array<i32>} : memref<85x256xf32, #tpu.memory_space<vmem>>, vector<16xf32>,
        %sub3A_920 = arith.subf %get3A_915, %get3A_392 : vector<16xf32>
        %exp3A_921 = math.exp %sub3A_920 : vector<16xf32>
        %add3A_922 = arith.addf %add3A_838, %exp3A_921 : vector<16xf32>
        %sub3A_923 = arith.constant 1.000000e+00 : f32
        %sub3A_924 = vector.broadcast %sub3A_923 : f32 to vector<16xf32>
        %sub3A_925 = arith.subf %sub3A_924, %get3A_919 : vector<16xf32>
        %mul3A_926 = arith.constant 1.000000e+03 : f32
        %mul3A_927 = vector.broadcast %mul3A_926 : f32 to vector<16xf32>
        %mul3A_928 = arith.mulf %sub3A_925, %mul3A_927 : vector<16xf32>
        %add3A_929 = arith.constant 2.400000e+01 : f32
        %add3A_930 = vector.broadcast %add3A_929 : f32 to vector<16xf32>
        %add3A_931 = arith.addf %mul3A_928, %add3A_930 : vector<16xf32>
        %min3A_932 = arith.minimumf %min3A_848, %add3A_931 : vector<16xf32>
        %get3A_933 = arith.constant 30 : i32
        %get3A_934 = arith.index_cast %get3A_933 : i32 to index
        %get3A_935 = arith.index_cast %mul3A_246 : i32 to index
        %get3A_936 = tpu.vector_load %arg6[%get3A_934, %get3A_935] {strides = array<i32>} : memref<85x256xf32, #tpu.memory_space<vmem>>, vector<16xf32>,
        %get3A_937 = arith.constant 30 : i32
        %get3A_938 = arith.index_cast %get3A_937 : i32 to index
        %get3A_939 = arith.index_cast %mul3A_246 : i32 to index
        %get3A_940 = tpu.vector_load %arg8[%get3A_938, %get3A_939] {strides = array<i32>} : memref<85x256xf32, #tpu.memory_space<vmem>>, vector<16xf32>,
        %sub3A_941 = arith.subf %get3A_936, %get3A_392 : vector<16xf32>
        %exp3A_942 = math.exp %sub3A_941 : vector<16xf32>
        %add3A_943 = arith.addf %add3A_859, %exp3A_942 : vector<16xf32>
        %sub3A_944 = arith.constant 1.000000e+00 : f32
        %sub3A_945 = vector.broadcast %sub3A_944 : f32 to vector<16xf32>
        %sub3A_946 = arith.subf %sub3A_945, %get3A_940 : vector<16xf32>
        %mul3A_947 = arith.constant 1.000000e+03 : f32
        %mul3A_948 = vector.broadcast %mul3A_947 : f32 to vector<16xf32>
        %mul3A_949 = arith.mulf %sub3A_946, %mul3A_948 : vector<16xf32>
        %add3A_950 = arith.constant 2.500000e+01 : f32
        %add3A_951 = vector.broadcast %add3A_950 : f32 to vector<16xf32>
        %add3A_952 = arith.addf %mul3A_949, %add3A_951 : vector<16xf32>
        %min3A_953 = arith.minimumf %min3A_869, %add3A_952 : vector<16xf32>
        %get3A_954 = arith.constant 31 : i32
        %get3A_955 = arith.index_cast %get3A_954 : i32 to index
        %get3A_956 = arith.index_cast %mul3A_246 : i32 to index
        %get3A_957 = tpu.vector_load %arg6[%get3A_955, %get3A_956] {strides = array<i32>} : memref<85x256xf32, #tpu.memory_space<vmem>>, vector<16xf32>,
        %get3A_958 = arith.constant 31 : i32
        %get3A_959 = arith.index_cast %get3A_958 : i32 to index
        %get3A_960 = arith.index_cast %mul3A_246 : i32 to index
        %get3A_961 = tpu.vector_load %arg8[%get3A_959, %get3A_960] {strides = array<i32>} : memref<85x256xf32, #tpu.memory_space<vmem>>, vector<16xf32>,
        %sub3A_962 = arith.subf %get3A_957, %get3A_392 : vector<16xf32>
        %exp3A_963 = math.exp %sub3A_962 : vector<16xf32>
        %add3A_964 = arith.addf %add3A_880, %exp3A_963 : vector<16xf32>
        %sub3A_965 = arith.constant 1.000000e+00 : f32
        %sub3A_966 = vector.broadcast %sub3A_965 : f32 to vector<16xf32>
        %sub3A_967 = arith.subf %sub3A_966, %get3A_961 : vector<16xf32>
        %mul3A_968 = arith.constant 1.000000e+03 : f32
        %mul3A_969 = vector.broadcast %mul3A_968 : f32 to vector<16xf32>
        %mul3A_970 = arith.mulf %sub3A_967, %mul3A_969 : vector<16xf32>
        %add3A_971 = arith.constant 2.600000e+01 : f32
        %add3A_972 = vector.broadcast %add3A_971 : f32 to vector<16xf32>
        %add3A_973 = arith.addf %mul3A_970, %add3A_972 : vector<16xf32>
        %min3A_974 = arith.minimumf %min3A_890, %add3A_973 : vector<16xf32>
        %get3A_975 = arith.constant 32 : i32
        %get3A_976 = arith.index_cast %get3A_975 : i32 to index
        %get3A_977 = arith.index_cast %mul3A_246 : i32 to index
        %get3A_978 = tpu.vector_load %arg6[%get3A_976, %get3A_977] {strides = array<i32>} : memref<85x256xf32, #tpu.memory_space<vmem>>, vector<16xf32>,
        %get3A_979 = arith.constant 32 : i32
        %get3A_980 = arith.index_cast %get3A_979 : i32 to index
        %get3A_981 = arith.index_cast %mul3A_246 : i32 to index
        %get3A_982 = tpu.vector_load %arg8[%get3A_980, %get3A_981] {strides = array<i32>} : memref<85x256xf32, #tpu.memory_space<vmem>>, vector<16xf32>,
        %sub3A_983 = arith.subf %get3A_978, %get3A_392 : vector<16xf32>
        %exp3A_984 = math.exp %sub3A_983 : vector<16xf32>
        %add3A_985 = arith.addf %add3A_901, %exp3A_984 : vector<16xf32>
        %sub3A_986 = arith.constant 1.000000e+00 : f32
        %sub3A_987 = vector.broadcast %sub3A_986 : f32 to vector<16xf32>
        %sub3A_988 = arith.subf %sub3A_987, %get3A_982 : vector<16xf32>
        %mul3A_989 = arith.constant 1.000000e+03 : f32
        %mul3A_990 = vector.broadcast %mul3A_989 : f32 to vector<16xf32>
        %mul3A_991 = arith.mulf %sub3A_988, %mul3A_990 : vector<16xf32>
        %add3A_992 = arith.constant 2.700000e+01 : f32
        %add3A_993 = vector.broadcast %add3A_992 : f32 to vector<16xf32>
        %add3A_994 = arith.addf %mul3A_991, %add3A_993 : vector<16xf32>
        %min3A_995 = arith.minimumf %min3A_911, %add3A_994 : vector<16xf32>
        %get3A_996 = arith.constant 33 : i32
        %get3A_997 = arith.index_cast %get3A_996 : i32 to index
        %get3A_998 = arith.index_cast %mul3A_246 : i32 to index
        %get3A_999 = tpu.vector_load %arg6[%get3A_997, %get3A_998] {strides = array<i32>} : memref<85x256xf32, #tpu.memory_space<vmem>>, vector<16xf32>,
        %get3A_1000 = arith.constant 33 : i32
        %get3A_1001 = arith.index_cast %get3A_1000 : i32 to index
        %get3A_1002 = arith.index_cast %mul3A_246 : i32 to index
        %get3A_1003 = tpu.vector_load %arg8[%get3A_1001, %get3A_1002] {strides = array<i32>} : memref<85x256xf32, #tpu.memory_space<vmem>>, vector<16xf32>,
        %sub3A_1004 = arith.subf %get3A_999, %get3A_392 : vector<16xf32>
        %exp3A_1005 = math.exp %sub3A_1004 : vector<16xf32>
        %add3A_1006 = arith.addf %add3A_922, %exp3A_1005 : vector<16xf32>
        %sub3A_1007 = arith.constant 1.000000e+00 : f32
        %sub3A_1008 = vector.broadcast %sub3A_1007 : f32 to vector<16xf32>
        %sub3A_1009 = arith.subf %sub3A_1008, %get3A_1003 : vector<16xf32>
        %mul3A_1010 = arith.constant 1.000000e+03 : f32
        %mul3A_1011 = vector.broadcast %mul3A_1010 : f32 to vector<16xf32>
        %mul3A_1012 = arith.mulf %sub3A_1009, %mul3A_1011 : vector<16xf32>
        %add3A_1013 = arith.constant 2.800000e+01 : f32
        %add3A_1014 = vector.broadcast %add3A_1013 : f32 to vector<16xf32>
        %add3A_1015 = arith.addf %mul3A_1012, %add3A_1014 : vector<16xf32>
        %min3A_1016 = arith.minimumf %min3A_932, %add3A_1015 : vector<16xf32>
        %get3A_1017 = arith.constant 34 : i32
        %get3A_1018 = arith.index_cast %get3A_1017 : i32 to index
        %get3A_1019 = arith.index_cast %mul3A_246 : i32 to index
        %get3A_1020 = tpu.vector_load %arg6[%get3A_1018, %get3A_1019] {strides = array<i32>} : memref<85x256xf32, #tpu.memory_space<vmem>>, vector<16xf32>,
        %get3A_1021 = arith.constant 34 : i32
        %get3A_1022 = arith.index_cast %get3A_1021 : i32 to index
        %get3A_1023 = arith.index_cast %mul3A_246 : i32 to index
        %get3A_1024 = tpu.vector_load %arg8[%get3A_1022, %get3A_1023] {strides = array<i32>} : memref<85x256xf32, #tpu.memory_space<vmem>>, vector<16xf32>,
        %sub3A_1025 = arith.subf %get3A_1020, %get3A_392 : vector<16xf32>
        %exp3A_1026 = math.exp %sub3A_1025 : vector<16xf32>
        %add3A_1027 = arith.addf %add3A_943, %exp3A_1026 : vector<16xf32>
        %sub3A_1028 = arith.constant 1.000000e+00 : f32
        %sub3A_1029 = vector.broadcast %sub3A_1028 : f32 to vector<16xf32>
        %sub3A_1030 = arith.subf %sub3A_1029, %get3A_1024 : vector<16xf32>
        %mul3A_1031 = arith.constant 1.000000e+03 : f32
        %mul3A_1032 = vector.broadcast %mul3A_1031 : f32 to vector<16xf32>
        %mul3A_1033 = arith.mulf %sub3A_1030, %mul3A_1032 : vector<16xf32>
        %add3A_1034 = arith.constant 2.900000e+01 : f32
        %add3A_1035 = vector.broadcast %add3A_1034 : f32 to vector<16xf32>
        %add3A_1036 = arith.addf %mul3A_1033, %add3A_1035 : vector<16xf32>
        %min3A_1037 = arith.minimumf %min3A_953, %add3A_1036 : vector<16xf32>
        %get3A_1038 = arith.constant 35 : i32
        %get3A_1039 = arith.index_cast %get3A_1038 : i32 to index
        %get3A_1040 = arith.index_cast %mul3A_246 : i32 to index
        %get3A_1041 = tpu.vector_load %arg6[%get3A_1039, %get3A_1040] {strides = array<i32>} : memref<85x256xf32, #tpu.memory_space<vmem>>, vector<16xf32>,
        %get3A_1042 = arith.constant 35 : i32
        %get3A_1043 = arith.index_cast %get3A_1042 : i32 to index
        %get3A_1044 = arith.index_cast %mul3A_246 : i32 to index
        %get3A_1045 = tpu.vector_load %arg8[%get3A_1043, %get3A_1044] {strides = array<i32>} : memref<85x256xf32, #tpu.memory_space<vmem>>, vector<16xf32>,
        %sub3A_1046 = arith.subf %get3A_1041, %get3A_392 : vector<16xf32>
        %exp3A_1047 = math.exp %sub3A_1046 : vector<16xf32>
        %add3A_1048 = arith.addf %add3A_964, %exp3A_1047 : vector<16xf32>
        %sub3A_1049 = arith.constant 1.000000e+00 : f32
        %sub3A_1050 = vector.broadcast %sub3A_1049 : f32 to vector<16xf32>
        %sub3A_1051 = arith.subf %sub3A_1050, %get3A_1045 : vector<16xf32>
        %mul3A_1052 = arith.constant 1.000000e+03 : f32
        %mul3A_1053 = vector.broadcast %mul3A_1052 : f32 to vector<16xf32>
        %mul3A_1054 = arith.mulf %sub3A_1051, %mul3A_1053 : vector<16xf32>
        %add3A_1055 = arith.constant 3.000000e+01 : f32
        %add3A_1056 = vector.broadcast %add3A_1055 : f32 to vector<16xf32>
        %add3A_1057 = arith.addf %mul3A_1054, %add3A_1056 : vector<16xf32>
        %min3A_1058 = arith.minimumf %min3A_974, %add3A_1057 : vector<16xf32>
        %get3A_1059 = arith.constant 36 : i32
        %get3A_1060 = arith.index_cast %get3A_1059 : i32 to index
        %get3A_1061 = arith.index_cast %mul3A_246 : i32 to index
        %get3A_1062 = tpu.vector_load %arg6[%get3A_1060, %get3A_1061] {strides = array<i32>} : memref<85x256xf32, #tpu.memory_space<vmem>>, vector<16xf32>,
        %get3A_1063 = arith.constant 36 : i32
        %get3A_1064 = arith.index_cast %get3A_1063 : i32 to index
        %get3A_1065 = arith.index_cast %mul3A_246 : i32 to index
        %get3A_1066 = tpu.vector_load %arg8[%get3A_1064, %get3A_1065] {strides = array<i32>} : memref<85x256xf32, #tpu.memory_space<vmem>>, vector<16xf32>,
        %sub3A_1067 = arith.subf %get3A_1062, %get3A_392 : vector<16xf32>
        %exp3A_1068 = math.exp %sub3A_1067 : vector<16xf32>
        %add3A_1069 = arith.addf %add3A_985, %exp3A_1068 : vector<16xf32>
        %sub3A_1070 = arith.constant 1.000000e+00 : f32
        %sub3A_1071 = vector.broadcast %sub3A_1070 : f32 to vector<16xf32>
        %sub3A_1072 = arith.subf %sub3A_1071, %get3A_1066 : vector<16xf32>
        %mul3A_1073 = arith.constant 1.000000e+03 : f32
        %mul3A_1074 = vector.broadcast %mul3A_1073 : f32 to vector<16xf32>
        %mul3A_1075 = arith.mulf %sub3A_1072, %mul3A_1074 : vector<16xf32>
        %add3A_1076 = arith.constant 3.100000e+01 : f32
        %add3A_1077 = vector.broadcast %add3A_1076 : f32 to vector<16xf32>
        %add3A_1078 = arith.addf %mul3A_1075, %add3A_1077 : vector<16xf32>
        %min3A_1079 = arith.minimumf %min3A_995, %add3A_1078 : vector<16xf32>
        %get3A_1080 = arith.constant 37 : i32
        %get3A_1081 = arith.index_cast %get3A_1080 : i32 to index
        %get3A_1082 = arith.index_cast %mul3A_246 : i32 to index
        %get3A_1083 = tpu.vector_load %arg6[%get3A_1081, %get3A_1082] {strides = array<i32>} : memref<85x256xf32, #tpu.memory_space<vmem>>, vector<16xf32>,
        %get3A_1084 = arith.constant 37 : i32
        %get3A_1085 = arith.index_cast %get3A_1084 : i32 to index
        %get3A_1086 = arith.index_cast %mul3A_246 : i32 to index
        %get3A_1087 = tpu.vector_load %arg8[%get3A_1085, %get3A_1086] {strides = array<i32>} : memref<85x256xf32, #tpu.memory_space<vmem>>, vector<16xf32>,
        %sub3A_1088 = arith.subf %get3A_1083, %get3A_392 : vector<16xf32>
        %exp3A_1089 = math.exp %sub3A_1088 : vector<16xf32>
        %add3A_1090 = arith.addf %add3A_1006, %exp3A_1089 : vector<16xf32>
        %sub3A_1091 = arith.constant 1.000000e+00 : f32
        %sub3A_1092 = vector.broadcast %sub3A_1091 : f32 to vector<16xf32>
        %sub3A_1093 = arith.subf %sub3A_1092, %get3A_1087 : vector<16xf32>
        %mul3A_1094 = arith.constant 1.000000e+03 : f32
        %mul3A_1095 = vector.broadcast %mul3A_1094 : f32 to vector<16xf32>
        %mul3A_1096 = arith.mulf %sub3A_1093, %mul3A_1095 : vector<16xf32>
        %add3A_1097 = arith.constant 3.200000e+01 : f32
        %add3A_1098 = vector.broadcast %add3A_1097 : f32 to vector<16xf32>
        %add3A_1099 = arith.addf %mul3A_1096, %add3A_1098 : vector<16xf32>
        %min3A_1100 = arith.minimumf %min3A_1016, %add3A_1099 : vector<16xf32>
        %get3A_1101 = arith.constant 38 : i32
        %get3A_1102 = arith.index_cast %get3A_1101 : i32 to index
        %get3A_1103 = arith.index_cast %mul3A_246 : i32 to index
        %get3A_1104 = tpu.vector_load %arg6[%get3A_1102, %get3A_1103] {strides = array<i32>} : memref<85x256xf32, #tpu.memory_space<vmem>>, vector<16xf32>,
        %get3A_1105 = arith.constant 38 : i32
        %get3A_1106 = arith.index_cast %get3A_1105 : i32 to index
        %get3A_1107 = arith.index_cast %mul3A_246 : i32 to index
        %get3A_1108 = tpu.vector_load %arg8[%get3A_1106, %get3A_1107] {strides = array<i32>} : memref<85x256xf32, #tpu.memory_space<vmem>>, vector<16xf32>,
        %sub3A_1109 = arith.subf %get3A_1104, %get3A_392 : vector<16xf32>
        %exp3A_1110 = math.exp %sub3A_1109 : vector<16xf32>
        %add3A_1111 = arith.addf %add3A_1027, %exp3A_1110 : vector<16xf32>
        %sub3A_1112 = arith.constant 1.000000e+00 : f32
        %sub3A_1113 = vector.broadcast %sub3A_1112 : f32 to vector<16xf32>
        %sub3A_1114 = arith.subf %sub3A_1113, %get3A_1108 : vector<16xf32>
        %mul3A_1115 = arith.constant 1.000000e+03 : f32
        %mul3A_1116 = vector.broadcast %mul3A_1115 : f32 to vector<16xf32>
        %mul3A_1117 = arith.mulf %sub3A_1114, %mul3A_1116 : vector<16xf32>
        %add3A_1118 = arith.constant 3.300000e+01 : f32
        %add3A_1119 = vector.broadcast %add3A_1118 : f32 to vector<16xf32>
        %add3A_1120 = arith.addf %mul3A_1117, %add3A_1119 : vector<16xf32>
        %min3A_1121 = arith.minimumf %min3A_1037, %add3A_1120 : vector<16xf32>
        %get3A_1122 = arith.constant 39 : i32
        %get3A_1123 = arith.index_cast %get3A_1122 : i32 to index
        %get3A_1124 = arith.index_cast %mul3A_246 : i32 to index
        %get3A_1125 = tpu.vector_load %arg6[%get3A_1123, %get3A_1124] {strides = array<i32>} : memref<85x256xf32, #tpu.memory_space<vmem>>, vector<16xf32>,
        %get3A_1126 = arith.constant 39 : i32
        %get3A_1127 = arith.index_cast %get3A_1126 : i32 to index
        %get3A_1128 = arith.index_cast %mul3A_246 : i32 to index
        %get3A_1129 = tpu.vector_load %arg8[%get3A_1127, %get3A_1128] {strides = array<i32>} : memref<85x256xf32, #tpu.memory_space<vmem>>, vector<16xf32>,
        %sub3A_1130 = arith.subf %get3A_1125, %get3A_392 : vector<16xf32>
        %exp3A_1131 = math.exp %sub3A_1130 : vector<16xf32>
        %add3A_1132 = arith.addf %add3A_1048, %exp3A_1131 : vector<16xf32>
        %sub3A_1133 = arith.constant 1.000000e+00 : f32
        %sub3A_1134 = vector.broadcast %sub3A_1133 : f32 to vector<16xf32>
        %sub3A_1135 = arith.subf %sub3A_1134, %get3A_1129 : vector<16xf32>
        %mul3A_1136 = arith.constant 1.000000e+03 : f32
        %mul3A_1137 = vector.broadcast %mul3A_1136 : f32 to vector<16xf32>
        %mul3A_1138 = arith.mulf %sub3A_1135, %mul3A_1137 : vector<16xf32>
        %add3A_1139 = arith.constant 3.400000e+01 : f32
        %add3A_1140 = vector.broadcast %add3A_1139 : f32 to vector<16xf32>
        %add3A_1141 = arith.addf %mul3A_1138, %add3A_1140 : vector<16xf32>
        %min3A_1142 = arith.minimumf %min3A_1058, %add3A_1141 : vector<16xf32>
        %get3A_1143 = arith.constant 40 : i32
        %get3A_1144 = arith.index_cast %get3A_1143 : i32 to index
        %get3A_1145 = arith.index_cast %mul3A_246 : i32 to index
        %get3A_1146 = tpu.vector_load %arg6[%get3A_1144, %get3A_1145] {strides = array<i32>} : memref<85x256xf32, #tpu.memory_space<vmem>>, vector<16xf32>,
        %get3A_1147 = arith.constant 40 : i32
        %get3A_1148 = arith.index_cast %get3A_1147 : i32 to index
        %get3A_1149 = arith.index_cast %mul3A_246 : i32 to index
        %get3A_1150 = tpu.vector_load %arg8[%get3A_1148, %get3A_1149] {strides = array<i32>} : memref<85x256xf32, #tpu.memory_space<vmem>>, vector<16xf32>,
        %sub3A_1151 = arith.subf %get3A_1146, %get3A_392 : vector<16xf32>
        %exp3A_1152 = math.exp %sub3A_1151 : vector<16xf32>
        %add3A_1153 = arith.addf %add3A_1069, %exp3A_1152 : vector<16xf32>
        %sub3A_1154 = arith.constant 1.000000e+00 : f32
        %sub3A_1155 = vector.broadcast %sub3A_1154 : f32 to vector<16xf32>
        %sub3A_1156 = arith.subf %sub3A_1155, %get3A_1150 : vector<16xf32>
        %mul3A_1157 = arith.constant 1.000000e+03 : f32
        %mul3A_1158 = vector.broadcast %mul3A_1157 : f32 to vector<16xf32>
        %mul3A_1159 = arith.mulf %sub3A_1156, %mul3A_1158 : vector<16xf32>
        %add3A_1160 = arith.constant 3.500000e+01 : f32
        %add3A_1161 = vector.broadcast %add3A_1160 : f32 to vector<16xf32>
        %add3A_1162 = arith.addf %mul3A_1159, %add3A_1161 : vector<16xf32>
        %min3A_1163 = arith.minimumf %min3A_1079, %add3A_1162 : vector<16xf32>
        %get3A_1164 = arith.constant 41 : i32
        %get3A_1165 = arith.index_cast %get3A_1164 : i32 to index
        %get3A_1166 = arith.index_cast %mul3A_246 : i32 to index
        %get3A_1167 = tpu.vector_load %arg6[%get3A_1165, %get3A_1166] {strides = array<i32>} : memref<85x256xf32, #tpu.memory_space<vmem>>, vector<16xf32>,
        %get3A_1168 = arith.constant 41 : i32
        %get3A_1169 = arith.index_cast %get3A_1168 : i32 to index
        %get3A_1170 = arith.index_cast %mul3A_246 : i32 to index
        %get3A_1171 = tpu.vector_load %arg8[%get3A_1169, %get3A_1170] {strides = array<i32>} : memref<85x256xf32, #tpu.memory_space<vmem>>, vector<16xf32>,
        %sub3A_1172 = arith.subf %get3A_1167, %get3A_392 : vector<16xf32>
        %exp3A_1173 = math.exp %sub3A_1172 : vector<16xf32>
        %add3A_1174 = arith.addf %add3A_1090, %exp3A_1173 : vector<16xf32>
        %sub3A_1175 = arith.constant 1.000000e+00 : f32
        %sub3A_1176 = vector.broadcast %sub3A_1175 : f32 to vector<16xf32>
        %sub3A_1177 = arith.subf %sub3A_1176, %get3A_1171 : vector<16xf32>
        %mul3A_1178 = arith.constant 1.000000e+03 : f32
        %mul3A_1179 = vector.broadcast %mul3A_1178 : f32 to vector<16xf32>
        %mul3A_1180 = arith.mulf %sub3A_1177, %mul3A_1179 : vector<16xf32>
        %add3A_1181 = arith.constant 3.600000e+01 : f32
        %add3A_1182 = vector.broadcast %add3A_1181 : f32 to vector<16xf32>
        %add3A_1183 = arith.addf %mul3A_1180, %add3A_1182 : vector<16xf32>
        %min3A_1184 = arith.minimumf %min3A_1100, %add3A_1183 : vector<16xf32>
        %get3A_1185 = arith.constant 42 : i32
        %get3A_1186 = arith.index_cast %get3A_1185 : i32 to index
        %get3A_1187 = arith.index_cast %mul3A_246 : i32 to index
        %get3A_1188 = tpu.vector_load %arg6[%get3A_1186, %get3A_1187] {strides = array<i32>} : memref<85x256xf32, #tpu.memory_space<vmem>>, vector<16xf32>,
        %get3A_1189 = arith.constant 42 : i32
        %get3A_1190 = arith.index_cast %get3A_1189 : i32 to index
        %get3A_1191 = arith.index_cast %mul3A_246 : i32 to index
        %get3A_1192 = tpu.vector_load %arg8[%get3A_1190, %get3A_1191] {strides = array<i32>} : memref<85x256xf32, #tpu.memory_space<vmem>>, vector<16xf32>,
        %sub3A_1193 = arith.subf %get3A_1188, %get3A_392 : vector<16xf32>
        %exp3A_1194 = math.exp %sub3A_1193 : vector<16xf32>
        %add3A_1195 = arith.addf %add3A_1111, %exp3A_1194 : vector<16xf32>
        %sub3A_1196 = arith.constant 1.000000e+00 : f32
        %sub3A_1197 = vector.broadcast %sub3A_1196 : f32 to vector<16xf32>
        %sub3A_1198 = arith.subf %sub3A_1197, %get3A_1192 : vector<16xf32>
        %mul3A_1199 = arith.constant 1.000000e+03 : f32
        %mul3A_1200 = vector.broadcast %mul3A_1199 : f32 to vector<16xf32>
        %mul3A_1201 = arith.mulf %sub3A_1198, %mul3A_1200 : vector<16xf32>
        %add3A_1202 = arith.constant 3.700000e+01 : f32
        %add3A_1203 = vector.broadcast %add3A_1202 : f32 to vector<16xf32>
        %add3A_1204 = arith.addf %mul3A_1201, %add3A_1203 : vector<16xf32>
        %min3A_1205 = arith.minimumf %min3A_1121, %add3A_1204 : vector<16xf32>
        %get3A_1206 = arith.constant 43 : i32
        %get3A_1207 = arith.index_cast %get3A_1206 : i32 to index
        %get3A_1208 = arith.index_cast %mul3A_246 : i32 to index
        %get3A_1209 = tpu.vector_load %arg6[%get3A_1207, %get3A_1208] {strides = array<i32>} : memref<85x256xf32, #tpu.memory_space<vmem>>, vector<16xf32>,
        %get3A_1210 = arith.constant 43 : i32
        %get3A_1211 = arith.index_cast %get3A_1210 : i32 to index
        %get3A_1212 = arith.index_cast %mul3A_246 : i32 to index
        %get3A_1213 = tpu.vector_load %arg8[%get3A_1211, %get3A_1212] {strides = array<i32>} : memref<85x256xf32, #tpu.memory_space<vmem>>, vector<16xf32>,
        %sub3A_1214 = arith.subf %get3A_1209, %get3A_392 : vector<16xf32>
        %exp3A_1215 = math.exp %sub3A_1214 : vector<16xf32>
        %add3A_1216 = arith.addf %add3A_1132, %exp3A_1215 : vector<16xf32>
        %sub3A_1217 = arith.constant 1.000000e+00 : f32
        %sub3A_1218 = vector.broadcast %sub3A_1217 : f32 to vector<16xf32>
        %sub3A_1219 = arith.subf %sub3A_1218, %get3A_1213 : vector<16xf32>
        %mul3A_1220 = arith.constant 1.000000e+03 : f32
        %mul3A_1221 = vector.broadcast %mul3A_1220 : f32 to vector<16xf32>
        %mul3A_1222 = arith.mulf %sub3A_1219, %mul3A_1221 : vector<16xf32>
        %add3A_1223 = arith.constant 3.800000e+01 : f32
        %add3A_1224 = vector.broadcast %add3A_1223 : f32 to vector<16xf32>
        %add3A_1225 = arith.addf %mul3A_1222, %add3A_1224 : vector<16xf32>
        %min3A_1226 = arith.minimumf %min3A_1142, %add3A_1225 : vector<16xf32>
        %get3A_1227 = arith.constant 44 : i32
        %get3A_1228 = arith.index_cast %get3A_1227 : i32 to index
        %get3A_1229 = arith.index_cast %mul3A_246 : i32 to index
        %get3A_1230 = tpu.vector_load %arg6[%get3A_1228, %get3A_1229] {strides = array<i32>} : memref<85x256xf32, #tpu.memory_space<vmem>>, vector<16xf32>,
        %get3A_1231 = arith.constant 44 : i32
        %get3A_1232 = arith.index_cast %get3A_1231 : i32 to index
        %get3A_1233 = arith.index_cast %mul3A_246 : i32 to index
        %get3A_1234 = tpu.vector_load %arg8[%get3A_1232, %get3A_1233] {strides = array<i32>} : memref<85x256xf32, #tpu.memory_space<vmem>>, vector<16xf32>,
        %sub3A_1235 = arith.subf %get3A_1230, %get3A_392 : vector<16xf32>
        %exp3A_1236 = math.exp %sub3A_1235 : vector<16xf32>
        %add3A_1237 = arith.addf %add3A_1153, %exp3A_1236 : vector<16xf32>
        %sub3A_1238 = arith.constant 1.000000e+00 : f32
        %sub3A_1239 = vector.broadcast %sub3A_1238 : f32 to vector<16xf32>
        %sub3A_1240 = arith.subf %sub3A_1239, %get3A_1234 : vector<16xf32>
        %mul3A_1241 = arith.constant 1.000000e+03 : f32
        %mul3A_1242 = vector.broadcast %mul3A_1241 : f32 to vector<16xf32>
        %mul3A_1243 = arith.mulf %sub3A_1240, %mul3A_1242 : vector<16xf32>
        %add3A_1244 = arith.constant 3.900000e+01 : f32
        %add3A_1245 = vector.broadcast %add3A_1244 : f32 to vector<16xf32>
        %add3A_1246 = arith.addf %mul3A_1243, %add3A_1245 : vector<16xf32>
        %min3A_1247 = arith.minimumf %min3A_1163, %add3A_1246 : vector<16xf32>
        %get3A_1248 = arith.constant 45 : i32
        %get3A_1249 = arith.index_cast %get3A_1248 : i32 to index
        %get3A_1250 = arith.index_cast %mul3A_246 : i32 to index
        %get3A_1251 = tpu.vector_load %arg6[%get3A_1249, %get3A_1250] {strides = array<i32>} : memref<85x256xf32, #tpu.memory_space<vmem>>, vector<16xf32>,
        %get3A_1252 = arith.constant 45 : i32
        %get3A_1253 = arith.index_cast %get3A_1252 : i32 to index
        %get3A_1254 = arith.index_cast %mul3A_246 : i32 to index
        %get3A_1255 = tpu.vector_load %arg8[%get3A_1253, %get3A_1254] {strides = array<i32>} : memref<85x256xf32, #tpu.memory_space<vmem>>, vector<16xf32>,
        %sub3A_1256 = arith.subf %get3A_1251, %get3A_392 : vector<16xf32>
        %exp3A_1257 = math.exp %sub3A_1256 : vector<16xf32>
        %add3A_1258 = arith.addf %add3A_1174, %exp3A_1257 : vector<16xf32>
        %sub3A_1259 = arith.constant 1.000000e+00 : f32
        %sub3A_1260 = vector.broadcast %sub3A_1259 : f32 to vector<16xf32>
        %sub3A_1261 = arith.subf %sub3A_1260, %get3A_1255 : vector<16xf32>
        %mul3A_1262 = arith.constant 1.000000e+03 : f32
        %mul3A_1263 = vector.broadcast %mul3A_1262 : f32 to vector<16xf32>
        %mul3A_1264 = arith.mulf %sub3A_1261, %mul3A_1263 : vector<16xf32>
        %add3A_1265 = arith.constant 4.000000e+01 : f32
        %add3A_1266 = vector.broadcast %add3A_1265 : f32 to vector<16xf32>
        %add3A_1267 = arith.addf %mul3A_1264, %add3A_1266 : vector<16xf32>
        %min3A_1268 = arith.minimumf %min3A_1184, %add3A_1267 : vector<16xf32>
        %get3A_1269 = arith.constant 46 : i32
        %get3A_1270 = arith.index_cast %get3A_1269 : i32 to index
        %get3A_1271 = arith.index_cast %mul3A_246 : i32 to index
        %get3A_1272 = tpu.vector_load %arg6[%get3A_1270, %get3A_1271] {strides = array<i32>} : memref<85x256xf32, #tpu.memory_space<vmem>>, vector<16xf32>,
        %get3A_1273 = arith.constant 46 : i32
        %get3A_1274 = arith.index_cast %get3A_1273 : i32 to index
        %get3A_1275 = arith.index_cast %mul3A_246 : i32 to index
        %get3A_1276 = tpu.vector_load %arg8[%get3A_1274, %get3A_1275] {strides = array<i32>} : memref<85x256xf32, #tpu.memory_space<vmem>>, vector<16xf32>,
        %sub3A_1277 = arith.subf %get3A_1272, %get3A_392 : vector<16xf32>
        %exp3A_1278 = math.exp %sub3A_1277 : vector<16xf32>
        %add3A_1279 = arith.addf %add3A_1195, %exp3A_1278 : vector<16xf32>
        %sub3A_1280 = arith.constant 1.000000e+00 : f32
        %sub3A_1281 = vector.broadcast %sub3A_1280 : f32 to vector<16xf32>
        %sub3A_1282 = arith.subf %sub3A_1281, %get3A_1276 : vector<16xf32>
        %mul3A_1283 = arith.constant 1.000000e+03 : f32
        %mul3A_1284 = vector.broadcast %mul3A_1283 : f32 to vector<16xf32>
        %mul3A_1285 = arith.mulf %sub3A_1282, %mul3A_1284 : vector<16xf32>
        %add3A_1286 = arith.constant 4.100000e+01 : f32
        %add3A_1287 = vector.broadcast %add3A_1286 : f32 to vector<16xf32>
        %add3A_1288 = arith.addf %mul3A_1285, %add3A_1287 : vector<16xf32>
        %min3A_1289 = arith.minimumf %min3A_1205, %add3A_1288 : vector<16xf32>
        %get3A_1290 = arith.constant 47 : i32
        %get3A_1291 = arith.index_cast %get3A_1290 : i32 to index
        %get3A_1292 = arith.index_cast %mul3A_246 : i32 to index
        %get3A_1293 = tpu.vector_load %arg6[%get3A_1291, %get3A_1292] {strides = array<i32>} : memref<85x256xf32, #tpu.memory_space<vmem>>, vector<16xf32>,
        %get3A_1294 = arith.constant 47 : i32
        %get3A_1295 = arith.index_cast %get3A_1294 : i32 to index
        %get3A_1296 = arith.index_cast %mul3A_246 : i32 to index
        %get3A_1297 = tpu.vector_load %arg8[%get3A_1295, %get3A_1296] {strides = array<i32>} : memref<85x256xf32, #tpu.memory_space<vmem>>, vector<16xf32>,
        %sub3A_1298 = arith.subf %get3A_1293, %get3A_392 : vector<16xf32>
        %exp3A_1299 = math.exp %sub3A_1298 : vector<16xf32>
        %add3A_1300 = arith.addf %add3A_1216, %exp3A_1299 : vector<16xf32>
        %sub3A_1301 = arith.constant 1.000000e+00 : f32
        %sub3A_1302 = vector.broadcast %sub3A_1301 : f32 to vector<16xf32>
        %sub3A_1303 = arith.subf %sub3A_1302, %get3A_1297 : vector<16xf32>
        %mul3A_1304 = arith.constant 1.000000e+03 : f32
        %mul3A_1305 = vector.broadcast %mul3A_1304 : f32 to vector<16xf32>
        %mul3A_1306 = arith.mulf %sub3A_1303, %mul3A_1305 : vector<16xf32>
        %add3A_1307 = arith.constant 4.200000e+01 : f32
        %add3A_1308 = vector.broadcast %add3A_1307 : f32 to vector<16xf32>
        %add3A_1309 = arith.addf %mul3A_1306, %add3A_1308 : vector<16xf32>
        %min3A_1310 = arith.minimumf %min3A_1226, %add3A_1309 : vector<16xf32>
        %get3A_1311 = arith.constant 48 : i32
        %get3A_1312 = arith.index_cast %get3A_1311 : i32 to index
        %get3A_1313 = arith.index_cast %mul3A_246 : i32 to index
        %get3A_1314 = tpu.vector_load %arg6[%get3A_1312, %get3A_1313] {strides = array<i32>} : memref<85x256xf32, #tpu.memory_space<vmem>>, vector<16xf32>,
        %get3A_1315 = arith.constant 48 : i32
        %get3A_1316 = arith.index_cast %get3A_1315 : i32 to index
        %get3A_1317 = arith.index_cast %mul3A_246 : i32 to index
        %get3A_1318 = tpu.vector_load %arg8[%get3A_1316, %get3A_1317] {strides = array<i32>} : memref<85x256xf32, #tpu.memory_space<vmem>>, vector<16xf32>,
        %sub3A_1319 = arith.subf %get3A_1314, %get3A_392 : vector<16xf32>
        %exp3A_1320 = math.exp %sub3A_1319 : vector<16xf32>
        %add3A_1321 = arith.addf %add3A_1237, %exp3A_1320 : vector<16xf32>
        %sub3A_1322 = arith.constant 1.000000e+00 : f32
        %sub3A_1323 = vector.broadcast %sub3A_1322 : f32 to vector<16xf32>
        %sub3A_1324 = arith.subf %sub3A_1323, %get3A_1318 : vector<16xf32>
        %mul3A_1325 = arith.constant 1.000000e+03 : f32
        %mul3A_1326 = vector.broadcast %mul3A_1325 : f32 to vector<16xf32>
        %mul3A_1327 = arith.mulf %sub3A_1324, %mul3A_1326 : vector<16xf32>
        %add3A_1328 = arith.constant 4.300000e+01 : f32
        %add3A_1329 = vector.broadcast %add3A_1328 : f32 to vector<16xf32>
        %add3A_1330 = arith.addf %mul3A_1327, %add3A_1329 : vector<16xf32>
        %min3A_1331 = arith.minimumf %min3A_1247, %add3A_1330 : vector<16xf32>
        %get3A_1332 = arith.constant 49 : i32
        %get3A_1333 = arith.index_cast %get3A_1332 : i32 to index
        %get3A_1334 = arith.index_cast %mul3A_246 : i32 to index
        %get3A_1335 = tpu.vector_load %arg6[%get3A_1333, %get3A_1334] {strides = array<i32>} : memref<85x256xf32, #tpu.memory_space<vmem>>, vector<16xf32>,
        %get3A_1336 = arith.constant 49 : i32
        %get3A_1337 = arith.index_cast %get3A_1336 : i32 to index
        %get3A_1338 = arith.index_cast %mul3A_246 : i32 to index
        %get3A_1339 = tpu.vector_load %arg8[%get3A_1337, %get3A_1338] {strides = array<i32>} : memref<85x256xf32, #tpu.memory_space<vmem>>, vector<16xf32>,
        %sub3A_1340 = arith.subf %get3A_1335, %get3A_392 : vector<16xf32>
        %exp3A_1341 = math.exp %sub3A_1340 : vector<16xf32>
        %add3A_1342 = arith.addf %add3A_1258, %exp3A_1341 : vector<16xf32>
        %sub3A_1343 = arith.constant 1.000000e+00 : f32
        %sub3A_1344 = vector.broadcast %sub3A_1343 : f32 to vector<16xf32>
        %sub3A_1345 = arith.subf %sub3A_1344, %get3A_1339 : vector<16xf32>
        %mul3A_1346 = arith.constant 1.000000e+03 : f32
        %mul3A_1347 = vector.broadcast %mul3A_1346 : f32 to vector<16xf32>
        %mul3A_1348 = arith.mulf %sub3A_1345, %mul3A_1347 : vector<16xf32>
        %add3A_1349 = arith.constant 4.400000e+01 : f32
        %add3A_1350 = vector.broadcast %add3A_1349 : f32 to vector<16xf32>
        %add3A_1351 = arith.addf %mul3A_1348, %add3A_1350 : vector<16xf32>
        %min3A_1352 = arith.minimumf %min3A_1268, %add3A_1351 : vector<16xf32>
        %get3A_1353 = arith.constant 50 : i32
        %get3A_1354 = arith.index_cast %get3A_1353 : i32 to index
        %get3A_1355 = arith.index_cast %mul3A_246 : i32 to index
        %get3A_1356 = tpu.vector_load %arg6[%get3A_1354, %get3A_1355] {strides = array<i32>} : memref<85x256xf32, #tpu.memory_space<vmem>>, vector<16xf32>,
        %get3A_1357 = arith.constant 50 : i32
        %get3A_1358 = arith.index_cast %get3A_1357 : i32 to index
        %get3A_1359 = arith.index_cast %mul3A_246 : i32 to index
        %get3A_1360 = tpu.vector_load %arg8[%get3A_1358, %get3A_1359] {strides = array<i32>} : memref<85x256xf32, #tpu.memory_space<vmem>>, vector<16xf32>,
        %sub3A_1361 = arith.subf %get3A_1356, %get3A_392 : vector<16xf32>
        %exp3A_1362 = math.exp %sub3A_1361 : vector<16xf32>
        %add3A_1363 = arith.addf %add3A_1279, %exp3A_1362 : vector<16xf32>
        %sub3A_1364 = arith.constant 1.000000e+00 : f32
        %sub3A_1365 = vector.broadcast %sub3A_1364 : f32 to vector<16xf32>
        %sub3A_1366 = arith.subf %sub3A_1365, %get3A_1360 : vector<16xf32>
        %mul3A_1367 = arith.constant 1.000000e+03 : f32
        %mul3A_1368 = vector.broadcast %mul3A_1367 : f32 to vector<16xf32>
        %mul3A_1369 = arith.mulf %sub3A_1366, %mul3A_1368 : vector<16xf32>
        %add3A_1370 = arith.constant 4.500000e+01 : f32
        %add3A_1371 = vector.broadcast %add3A_1370 : f32 to vector<16xf32>
        %add3A_1372 = arith.addf %mul3A_1369, %add3A_1371 : vector<16xf32>
        %min3A_1373 = arith.minimumf %min3A_1289, %add3A_1372 : vector<16xf32>
        %get3A_1374 = arith.constant 51 : i32
        %get3A_1375 = arith.index_cast %get3A_1374 : i32 to index
        %get3A_1376 = arith.index_cast %mul3A_246 : i32 to index
        %get3A_1377 = tpu.vector_load %arg6[%get3A_1375, %get3A_1376] {strides = array<i32>} : memref<85x256xf32, #tpu.memory_space<vmem>>, vector<16xf32>,
        %get3A_1378 = arith.constant 51 : i32
        %get3A_1379 = arith.index_cast %get3A_1378 : i32 to index
        %get3A_1380 = arith.index_cast %mul3A_246 : i32 to index
        %get3A_1381 = tpu.vector_load %arg8[%get3A_1379, %get3A_1380] {strides = array<i32>} : memref<85x256xf32, #tpu.memory_space<vmem>>, vector<16xf32>,
        %sub3A_1382 = arith.subf %get3A_1377, %get3A_392 : vector<16xf32>
        %exp3A_1383 = math.exp %sub3A_1382 : vector<16xf32>
        %add3A_1384 = arith.addf %add3A_1300, %exp3A_1383 : vector<16xf32>
        %sub3A_1385 = arith.constant 1.000000e+00 : f32
        %sub3A_1386 = vector.broadcast %sub3A_1385 : f32 to vector<16xf32>
        %sub3A_1387 = arith.subf %sub3A_1386, %get3A_1381 : vector<16xf32>
        %mul3A_1388 = arith.constant 1.000000e+03 : f32
        %mul3A_1389 = vector.broadcast %mul3A_1388 : f32 to vector<16xf32>
        %mul3A_1390 = arith.mulf %sub3A_1387, %mul3A_1389 : vector<16xf32>
        %add3A_1391 = arith.constant 4.600000e+01 : f32
        %add3A_1392 = vector.broadcast %add3A_1391 : f32 to vector<16xf32>
        %add3A_1393 = arith.addf %mul3A_1390, %add3A_1392 : vector<16xf32>
        %min3A_1394 = arith.minimumf %min3A_1310, %add3A_1393 : vector<16xf32>
        %get3A_1395 = arith.constant 52 : i32
        %get3A_1396 = arith.index_cast %get3A_1395 : i32 to index
        %get3A_1397 = arith.index_cast %mul3A_246 : i32 to index
        %get3A_1398 = tpu.vector_load %arg6[%get3A_1396, %get3A_1397] {strides = array<i32>} : memref<85x256xf32, #tpu.memory_space<vmem>>, vector<16xf32>,
        %get3A_1399 = arith.constant 52 : i32
        %get3A_1400 = arith.index_cast %get3A_1399 : i32 to index
        %get3A_1401 = arith.index_cast %mul3A_246 : i32 to index
        %get3A_1402 = tpu.vector_load %arg8[%get3A_1400, %get3A_1401] {strides = array<i32>} : memref<85x256xf32, #tpu.memory_space<vmem>>, vector<16xf32>,
        %sub3A_1403 = arith.subf %get3A_1398, %get3A_392 : vector<16xf32>
        %exp3A_1404 = math.exp %sub3A_1403 : vector<16xf32>
        %add3A_1405 = arith.addf %add3A_1321, %exp3A_1404 : vector<16xf32>
        %sub3A_1406 = arith.constant 1.000000e+00 : f32
        %sub3A_1407 = vector.broadcast %sub3A_1406 : f32 to vector<16xf32>
        %sub3A_1408 = arith.subf %sub3A_1407, %get3A_1402 : vector<16xf32>
        %mul3A_1409 = arith.constant 1.000000e+03 : f32
        %mul3A_1410 = vector.broadcast %mul3A_1409 : f32 to vector<16xf32>
        %mul3A_1411 = arith.mulf %sub3A_1408, %mul3A_1410 : vector<16xf32>
        %add3A_1412 = arith.constant 4.700000e+01 : f32
        %add3A_1413 = vector.broadcast %add3A_1412 : f32 to vector<16xf32>
        %add3A_1414 = arith.addf %mul3A_1411, %add3A_1413 : vector<16xf32>
        %min3A_1415 = arith.minimumf %min3A_1331, %add3A_1414 : vector<16xf32>
        %get3A_1416 = arith.constant 53 : i32
        %get3A_1417 = arith.index_cast %get3A_1416 : i32 to index
        %get3A_1418 = arith.index_cast %mul3A_246 : i32 to index
        %get3A_1419 = tpu.vector_load %arg6[%get3A_1417, %get3A_1418] {strides = array<i32>} : memref<85x256xf32, #tpu.memory_space<vmem>>, vector<16xf32>,
        %get3A_1420 = arith.constant 53 : i32
        %get3A_1421 = arith.index_cast %get3A_1420 : i32 to index
        %get3A_1422 = arith.index_cast %mul3A_246 : i32 to index
        %get3A_1423 = tpu.vector_load %arg8[%get3A_1421, %get3A_1422] {strides = array<i32>} : memref<85x256xf32, #tpu.memory_space<vmem>>, vector<16xf32>,
        %sub3A_1424 = arith.subf %get3A_1419, %get3A_392 : vector<16xf32>
        %exp3A_1425 = math.exp %sub3A_1424 : vector<16xf32>
        %add3A_1426 = arith.addf %add3A_1342, %exp3A_1425 : vector<16xf32>
        %sub3A_1427 = arith.constant 1.000000e+00 : f32
        %sub3A_1428 = vector.broadcast %sub3A_1427 : f32 to vector<16xf32>
        %sub3A_1429 = arith.subf %sub3A_1428, %get3A_1423 : vector<16xf32>
        %mul3A_1430 = arith.constant 1.000000e+03 : f32
        %mul3A_1431 = vector.broadcast %mul3A_1430 : f32 to vector<16xf32>
        %mul3A_1432 = arith.mulf %sub3A_1429, %mul3A_1431 : vector<16xf32>
        %add3A_1433 = arith.constant 4.800000e+01 : f32
        %add3A_1434 = vector.broadcast %add3A_1433 : f32 to vector<16xf32>
        %add3A_1435 = arith.addf %mul3A_1432, %add3A_1434 : vector<16xf32>
        %min3A_1436 = arith.minimumf %min3A_1352, %add3A_1435 : vector<16xf32>
        %get3A_1437 = arith.constant 54 : i32
        %get3A_1438 = arith.index_cast %get3A_1437 : i32 to index
        %get3A_1439 = arith.index_cast %mul3A_246 : i32 to index
        %get3A_1440 = tpu.vector_load %arg6[%get3A_1438, %get3A_1439] {strides = array<i32>} : memref<85x256xf32, #tpu.memory_space<vmem>>, vector<16xf32>,
        %get3A_1441 = arith.constant 54 : i32
        %get3A_1442 = arith.index_cast %get3A_1441 : i32 to index
        %get3A_1443 = arith.index_cast %mul3A_246 : i32 to index
        %get3A_1444 = tpu.vector_load %arg8[%get3A_1442, %get3A_1443] {strides = array<i32>} : memref<85x256xf32, #tpu.memory_space<vmem>>, vector<16xf32>,
        %sub3A_1445 = arith.subf %get3A_1440, %get3A_392 : vector<16xf32>
        %exp3A_1446 = math.exp %sub3A_1445 : vector<16xf32>
        %add3A_1447 = arith.addf %add3A_1363, %exp3A_1446 : vector<16xf32>
        %sub3A_1448 = arith.constant 1.000000e+00 : f32
        %sub3A_1449 = vector.broadcast %sub3A_1448 : f32 to vector<16xf32>
        %sub3A_1450 = arith.subf %sub3A_1449, %get3A_1444 : vector<16xf32>
        %mul3A_1451 = arith.constant 1.000000e+03 : f32
        %mul3A_1452 = vector.broadcast %mul3A_1451 : f32 to vector<16xf32>
        %mul3A_1453 = arith.mulf %sub3A_1450, %mul3A_1452 : vector<16xf32>
        %add3A_1454 = arith.constant 4.900000e+01 : f32
        %add3A_1455 = vector.broadcast %add3A_1454 : f32 to vector<16xf32>
        %add3A_1456 = arith.addf %mul3A_1453, %add3A_1455 : vector<16xf32>
        %min3A_1457 = arith.minimumf %min3A_1373, %add3A_1456 : vector<16xf32>
        %get3A_1458 = arith.constant 55 : i32
        %get3A_1459 = arith.index_cast %get3A_1458 : i32 to index
        %get3A_1460 = arith.index_cast %mul3A_246 : i32 to index
        %get3A_1461 = tpu.vector_load %arg6[%get3A_1459, %get3A_1460] {strides = array<i32>} : memref<85x256xf32, #tpu.memory_space<vmem>>, vector<16xf32>,
        %get3A_1462 = arith.constant 55 : i32
        %get3A_1463 = arith.index_cast %get3A_1462 : i32 to index
        %get3A_1464 = arith.index_cast %mul3A_246 : i32 to index
        %get3A_1465 = tpu.vector_load %arg8[%get3A_1463, %get3A_1464] {strides = array<i32>} : memref<85x256xf32, #tpu.memory_space<vmem>>, vector<16xf32>,
        %sub3A_1466 = arith.subf %get3A_1461, %get3A_392 : vector<16xf32>
        %exp3A_1467 = math.exp %sub3A_1466 : vector<16xf32>
        %add3A_1468 = arith.addf %add3A_1384, %exp3A_1467 : vector<16xf32>
        %sub3A_1469 = arith.constant 1.000000e+00 : f32
        %sub3A_1470 = vector.broadcast %sub3A_1469 : f32 to vector<16xf32>
        %sub3A_1471 = arith.subf %sub3A_1470, %get3A_1465 : vector<16xf32>
        %mul3A_1472 = arith.constant 1.000000e+03 : f32
        %mul3A_1473 = vector.broadcast %mul3A_1472 : f32 to vector<16xf32>
        %mul3A_1474 = arith.mulf %sub3A_1471, %mul3A_1473 : vector<16xf32>
        %add3A_1475 = arith.constant 5.000000e+01 : f32
        %add3A_1476 = vector.broadcast %add3A_1475 : f32 to vector<16xf32>
        %add3A_1477 = arith.addf %mul3A_1474, %add3A_1476 : vector<16xf32>
        %min3A_1478 = arith.minimumf %min3A_1394, %add3A_1477 : vector<16xf32>
        %get3A_1479 = arith.constant 56 : i32
        %get3A_1480 = arith.index_cast %get3A_1479 : i32 to index
        %get3A_1481 = arith.index_cast %mul3A_246 : i32 to index
        %get3A_1482 = tpu.vector_load %arg6[%get3A_1480, %get3A_1481] {strides = array<i32>} : memref<85x256xf32, #tpu.memory_space<vmem>>, vector<16xf32>,
        %get3A_1483 = arith.constant 56 : i32
        %get3A_1484 = arith.index_cast %get3A_1483 : i32 to index
        %get3A_1485 = arith.index_cast %mul3A_246 : i32 to index
        %get3A_1486 = tpu.vector_load %arg8[%get3A_1484, %get3A_1485] {strides = array<i32>} : memref<85x256xf32, #tpu.memory_space<vmem>>, vector<16xf32>,
        %sub3A_1487 = arith.subf %get3A_1482, %get3A_392 : vector<16xf32>
        %exp3A_1488 = math.exp %sub3A_1487 : vector<16xf32>
        %add3A_1489 = arith.addf %add3A_1405, %exp3A_1488 : vector<16xf32>
        %sub3A_1490 = arith.constant 1.000000e+00 : f32
        %sub3A_1491 = vector.broadcast %sub3A_1490 : f32 to vector<16xf32>
        %sub3A_1492 = arith.subf %sub3A_1491, %get3A_1486 : vector<16xf32>
        %mul3A_1493 = arith.constant 1.000000e+03 : f32
        %mul3A_1494 = vector.broadcast %mul3A_1493 : f32 to vector<16xf32>
        %mul3A_1495 = arith.mulf %sub3A_1492, %mul3A_1494 : vector<16xf32>
        %add3A_1496 = arith.constant 5.100000e+01 : f32
        %add3A_1497 = vector.broadcast %add3A_1496 : f32 to vector<16xf32>
        %add3A_1498 = arith.addf %mul3A_1495, %add3A_1497 : vector<16xf32>
        %min3A_1499 = arith.minimumf %min3A_1415, %add3A_1498 : vector<16xf32>
        %get3A_1500 = arith.constant 57 : i32
        %get3A_1501 = arith.index_cast %get3A_1500 : i32 to index
        %get3A_1502 = arith.index_cast %mul3A_246 : i32 to index
        %get3A_1503 = tpu.vector_load %arg6[%get3A_1501, %get3A_1502] {strides = array<i32>} : memref<85x256xf32, #tpu.memory_space<vmem>>, vector<16xf32>,
        %get3A_1504 = arith.constant 57 : i32
        %get3A_1505 = arith.index_cast %get3A_1504 : i32 to index
        %get3A_1506 = arith.index_cast %mul3A_246 : i32 to index
        %get3A_1507 = tpu.vector_load %arg8[%get3A_1505, %get3A_1506] {strides = array<i32>} : memref<85x256xf32, #tpu.memory_space<vmem>>, vector<16xf32>,
        %sub3A_1508 = arith.subf %get3A_1503, %get3A_392 : vector<16xf32>
        %exp3A_1509 = math.exp %sub3A_1508 : vector<16xf32>
        %add3A_1510 = arith.addf %add3A_1426, %exp3A_1509 : vector<16xf32>
        %sub3A_1511 = arith.constant 1.000000e+00 : f32
        %sub3A_1512 = vector.broadcast %sub3A_1511 : f32 to vector<16xf32>
        %sub3A_1513 = arith.subf %sub3A_1512, %get3A_1507 : vector<16xf32>
        %mul3A_1514 = arith.constant 1.000000e+03 : f32
        %mul3A_1515 = vector.broadcast %mul3A_1514 : f32 to vector<16xf32>
        %mul3A_1516 = arith.mulf %sub3A_1513, %mul3A_1515 : vector<16xf32>
        %add3A_1517 = arith.constant 5.200000e+01 : f32
        %add3A_1518 = vector.broadcast %add3A_1517 : f32 to vector<16xf32>
        %add3A_1519 = arith.addf %mul3A_1516, %add3A_1518 : vector<16xf32>
        %min3A_1520 = arith.minimumf %min3A_1436, %add3A_1519 : vector<16xf32>
        %get3A_1521 = arith.constant 58 : i32
        %get3A_1522 = arith.index_cast %get3A_1521 : i32 to index
        %get3A_1523 = arith.index_cast %mul3A_246 : i32 to index
        %get3A_1524 = tpu.vector_load %arg6[%get3A_1522, %get3A_1523] {strides = array<i32>} : memref<85x256xf32, #tpu.memory_space<vmem>>, vector<16xf32>,
        %get3A_1525 = arith.constant 58 : i32
        %get3A_1526 = arith.index_cast %get3A_1525 : i32 to index
        %get3A_1527 = arith.index_cast %mul3A_246 : i32 to index
        %get3A_1528 = tpu.vector_load %arg8[%get3A_1526, %get3A_1527] {strides = array<i32>} : memref<85x256xf32, #tpu.memory_space<vmem>>, vector<16xf32>,
        %sub3A_1529 = arith.subf %get3A_1524, %get3A_392 : vector<16xf32>
        %exp3A_1530 = math.exp %sub3A_1529 : vector<16xf32>
        %add3A_1531 = arith.addf %add3A_1447, %exp3A_1530 : vector<16xf32>
        %sub3A_1532 = arith.constant 1.000000e+00 : f32
        %sub3A_1533 = vector.broadcast %sub3A_1532 : f32 to vector<16xf32>
        %sub3A_1534 = arith.subf %sub3A_1533, %get3A_1528 : vector<16xf32>
        %mul3A_1535 = arith.constant 1.000000e+03 : f32
        %mul3A_1536 = vector.broadcast %mul3A_1535 : f32 to vector<16xf32>
        %mul3A_1537 = arith.mulf %sub3A_1534, %mul3A_1536 : vector<16xf32>
        %add3A_1538 = arith.constant 5.300000e+01 : f32
        %add3A_1539 = vector.broadcast %add3A_1538 : f32 to vector<16xf32>
        %add3A_1540 = arith.addf %mul3A_1537, %add3A_1539 : vector<16xf32>
        %min3A_1541 = arith.minimumf %min3A_1457, %add3A_1540 : vector<16xf32>
        %get3A_1542 = arith.constant 59 : i32
        %get3A_1543 = arith.index_cast %get3A_1542 : i32 to index
        %get3A_1544 = arith.index_cast %mul3A_246 : i32 to index
        %get3A_1545 = tpu.vector_load %arg6[%get3A_1543, %get3A_1544] {strides = array<i32>} : memref<85x256xf32, #tpu.memory_space<vmem>>, vector<16xf32>,
        %get3A_1546 = arith.constant 59 : i32
        %get3A_1547 = arith.index_cast %get3A_1546 : i32 to index
        %get3A_1548 = arith.index_cast %mul3A_246 : i32 to index
        %get3A_1549 = tpu.vector_load %arg8[%get3A_1547, %get3A_1548] {strides = array<i32>} : memref<85x256xf32, #tpu.memory_space<vmem>>, vector<16xf32>,
        %sub3A_1550 = arith.subf %get3A_1545, %get3A_392 : vector<16xf32>
        %exp3A_1551 = math.exp %sub3A_1550 : vector<16xf32>
        %add3A_1552 = arith.addf %add3A_1468, %exp3A_1551 : vector<16xf32>
        %sub3A_1553 = arith.constant 1.000000e+00 : f32
        %sub3A_1554 = vector.broadcast %sub3A_1553 : f32 to vector<16xf32>
        %sub3A_1555 = arith.subf %sub3A_1554, %get3A_1549 : vector<16xf32>
        %mul3A_1556 = arith.constant 1.000000e+03 : f32
        %mul3A_1557 = vector.broadcast %mul3A_1556 : f32 to vector<16xf32>
        %mul3A_1558 = arith.mulf %sub3A_1555, %mul3A_1557 : vector<16xf32>
        %add3A_1559 = arith.constant 5.400000e+01 : f32
        %add3A_1560 = vector.broadcast %add3A_1559 : f32 to vector<16xf32>
        %add3A_1561 = arith.addf %mul3A_1558, %add3A_1560 : vector<16xf32>
        %min3A_1562 = arith.minimumf %min3A_1478, %add3A_1561 : vector<16xf32>
        %get3A_1563 = arith.constant 60 : i32
        %get3A_1564 = arith.index_cast %get3A_1563 : i32 to index
        %get3A_1565 = arith.index_cast %mul3A_246 : i32 to index
        %get3A_1566 = tpu.vector_load %arg6[%get3A_1564, %get3A_1565] {strides = array<i32>} : memref<85x256xf32, #tpu.memory_space<vmem>>, vector<16xf32>,
        %get3A_1567 = arith.constant 60 : i32
        %get3A_1568 = arith.index_cast %get3A_1567 : i32 to index
        %get3A_1569 = arith.index_cast %mul3A_246 : i32 to index
        %get3A_1570 = tpu.vector_load %arg8[%get3A_1568, %get3A_1569] {strides = array<i32>} : memref<85x256xf32, #tpu.memory_space<vmem>>, vector<16xf32>,
        %sub3A_1571 = arith.subf %get3A_1566, %get3A_392 : vector<16xf32>
        %exp3A_1572 = math.exp %sub3A_1571 : vector<16xf32>
        %add3A_1573 = arith.addf %add3A_1489, %exp3A_1572 : vector<16xf32>
        %sub3A_1574 = arith.constant 1.000000e+00 : f32
        %sub3A_1575 = vector.broadcast %sub3A_1574 : f32 to vector<16xf32>
        %sub3A_1576 = arith.subf %sub3A_1575, %get3A_1570 : vector<16xf32>
        %mul3A_1577 = arith.constant 1.000000e+03 : f32
        %mul3A_1578 = vector.broadcast %mul3A_1577 : f32 to vector<16xf32>
        %mul3A_1579 = arith.mulf %sub3A_1576, %mul3A_1578 : vector<16xf32>
        %add3A_1580 = arith.constant 5.500000e+01 : f32
        %add3A_1581 = vector.broadcast %add3A_1580 : f32 to vector<16xf32>
        %add3A_1582 = arith.addf %mul3A_1579, %add3A_1581 : vector<16xf32>
        %min3A_1583 = arith.minimumf %min3A_1499, %add3A_1582 : vector<16xf32>
        %get3A_1584 = arith.constant 61 : i32
        %get3A_1585 = arith.index_cast %get3A_1584 : i32 to index
        %get3A_1586 = arith.index_cast %mul3A_246 : i32 to index
        %get3A_1587 = tpu.vector_load %arg6[%get3A_1585, %get3A_1586] {strides = array<i32>} : memref<85x256xf32, #tpu.memory_space<vmem>>, vector<16xf32>,
        %get3A_1588 = arith.constant 61 : i32
        %get3A_1589 = arith.index_cast %get3A_1588 : i32 to index
        %get3A_1590 = arith.index_cast %mul3A_246 : i32 to index
        %get3A_1591 = tpu.vector_load %arg8[%get3A_1589, %get3A_1590] {strides = array<i32>} : memref<85x256xf32, #tpu.memory_space<vmem>>, vector<16xf32>,
        %sub3A_1592 = arith.subf %get3A_1587, %get3A_392 : vector<16xf32>
        %exp3A_1593 = math.exp %sub3A_1592 : vector<16xf32>
        %add3A_1594 = arith.addf %add3A_1510, %exp3A_1593 : vector<16xf32>
        %sub3A_1595 = arith.constant 1.000000e+00 : f32
        %sub3A_1596 = vector.broadcast %sub3A_1595 : f32 to vector<16xf32>
        %sub3A_1597 = arith.subf %sub3A_1596, %get3A_1591 : vector<16xf32>
        %mul3A_1598 = arith.constant 1.000000e+03 : f32
        %mul3A_1599 = vector.broadcast %mul3A_1598 : f32 to vector<16xf32>
        %mul3A_1600 = arith.mulf %sub3A_1597, %mul3A_1599 : vector<16xf32>
        %add3A_1601 = arith.constant 5.600000e+01 : f32
        %add3A_1602 = vector.broadcast %add3A_1601 : f32 to vector<16xf32>
        %add3A_1603 = arith.addf %mul3A_1600, %add3A_1602 : vector<16xf32>
        %min3A_1604 = arith.minimumf %min3A_1520, %add3A_1603 : vector<16xf32>
        %get3A_1605 = arith.constant 62 : i32
        %get3A_1606 = arith.index_cast %get3A_1605 : i32 to index
        %get3A_1607 = arith.index_cast %mul3A_246 : i32 to index
        %get3A_1608 = tpu.vector_load %arg6[%get3A_1606, %get3A_1607] {strides = array<i32>} : memref<85x256xf32, #tpu.memory_space<vmem>>, vector<16xf32>,
        %get3A_1609 = arith.constant 62 : i32
        %get3A_1610 = arith.index_cast %get3A_1609 : i32 to index
        %get3A_1611 = arith.index_cast %mul3A_246 : i32 to index
        %get3A_1612 = tpu.vector_load %arg8[%get3A_1610, %get3A_1611] {strides = array<i32>} : memref<85x256xf32, #tpu.memory_space<vmem>>, vector<16xf32>,
        %sub3A_1613 = arith.subf %get3A_1608, %get3A_392 : vector<16xf32>
        %exp3A_1614 = math.exp %sub3A_1613 : vector<16xf32>
        %add3A_1615 = arith.addf %add3A_1531, %exp3A_1614 : vector<16xf32>
        %sub3A_1616 = arith.constant 1.000000e+00 : f32
        %sub3A_1617 = vector.broadcast %sub3A_1616 : f32 to vector<16xf32>
        %sub3A_1618 = arith.subf %sub3A_1617, %get3A_1612 : vector<16xf32>
        %mul3A_1619 = arith.constant 1.000000e+03 : f32
        %mul3A_1620 = vector.broadcast %mul3A_1619 : f32 to vector<16xf32>
        %mul3A_1621 = arith.mulf %sub3A_1618, %mul3A_1620 : vector<16xf32>
        %add3A_1622 = arith.constant 5.700000e+01 : f32
        %add3A_1623 = vector.broadcast %add3A_1622 : f32 to vector<16xf32>
        %add3A_1624 = arith.addf %mul3A_1621, %add3A_1623 : vector<16xf32>
        %min3A_1625 = arith.minimumf %min3A_1541, %add3A_1624 : vector<16xf32>
        %get3A_1626 = arith.constant 63 : i32
        %get3A_1627 = arith.index_cast %get3A_1626 : i32 to index
        %get3A_1628 = arith.index_cast %mul3A_246 : i32 to index
        %get3A_1629 = tpu.vector_load %arg6[%get3A_1627, %get3A_1628] {strides = array<i32>} : memref<85x256xf32, #tpu.memory_space<vmem>>, vector<16xf32>,
        %get3A_1630 = arith.constant 63 : i32
        %get3A_1631 = arith.index_cast %get3A_1630 : i32 to index
        %get3A_1632 = arith.index_cast %mul3A_246 : i32 to index
        %get3A_1633 = tpu.vector_load %arg8[%get3A_1631, %get3A_1632] {strides = array<i32>} : memref<85x256xf32, #tpu.memory_space<vmem>>, vector<16xf32>,
        %sub3A_1634 = arith.subf %get3A_1629, %get3A_392 : vector<16xf32>
        %exp3A_1635 = math.exp %sub3A_1634 : vector<16xf32>
        %add3A_1636 = arith.addf %add3A_1552, %exp3A_1635 : vector<16xf32>
        %sub3A_1637 = arith.constant 1.000000e+00 : f32
        %sub3A_1638 = vector.broadcast %sub3A_1637 : f32 to vector<16xf32>
        %sub3A_1639 = arith.subf %sub3A_1638, %get3A_1633 : vector<16xf32>
        %mul3A_1640 = arith.constant 1.000000e+03 : f32
        %mul3A_1641 = vector.broadcast %mul3A_1640 : f32 to vector<16xf32>
        %mul3A_1642 = arith.mulf %sub3A_1639, %mul3A_1641 : vector<16xf32>
        %add3A_1643 = arith.constant 5.800000e+01 : f32
        %add3A_1644 = vector.broadcast %add3A_1643 : f32 to vector<16xf32>
        %add3A_1645 = arith.addf %mul3A_1642, %add3A_1644 : vector<16xf32>
        %min3A_1646 = arith.minimumf %min3A_1562, %add3A_1645 : vector<16xf32>
        %get3A_1647 = arith.constant 64 : i32
        %get3A_1648 = arith.index_cast %get3A_1647 : i32 to index
        %get3A_1649 = arith.index_cast %mul3A_246 : i32 to index
        %get3A_1650 = tpu.vector_load %arg6[%get3A_1648, %get3A_1649] {strides = array<i32>} : memref<85x256xf32, #tpu.memory_space<vmem>>, vector<16xf32>,
        %get3A_1651 = arith.constant 64 : i32
        %get3A_1652 = arith.index_cast %get3A_1651 : i32 to index
        %get3A_1653 = arith.index_cast %mul3A_246 : i32 to index
        %get3A_1654 = tpu.vector_load %arg8[%get3A_1652, %get3A_1653] {strides = array<i32>} : memref<85x256xf32, #tpu.memory_space<vmem>>, vector<16xf32>,
        %sub3A_1655 = arith.subf %get3A_1650, %get3A_392 : vector<16xf32>
        %exp3A_1656 = math.exp %sub3A_1655 : vector<16xf32>
        %add3A_1657 = arith.addf %add3A_1573, %exp3A_1656 : vector<16xf32>
        %sub3A_1658 = arith.constant 1.000000e+00 : f32
        %sub3A_1659 = vector.broadcast %sub3A_1658 : f32 to vector<16xf32>
        %sub3A_1660 = arith.subf %sub3A_1659, %get3A_1654 : vector<16xf32>
        %mul3A_1661 = arith.constant 1.000000e+03 : f32
        %mul3A_1662 = vector.broadcast %mul3A_1661 : f32 to vector<16xf32>
        %mul3A_1663 = arith.mulf %sub3A_1660, %mul3A_1662 : vector<16xf32>
        %add3A_1664 = arith.constant 5.900000e+01 : f32
        %add3A_1665 = vector.broadcast %add3A_1664 : f32 to vector<16xf32>
        %add3A_1666 = arith.addf %mul3A_1663, %add3A_1665 : vector<16xf32>
        %min3A_1667 = arith.minimumf %min3A_1583, %add3A_1666 : vector<16xf32>
        %get3A_1668 = arith.constant 65 : i32
        %get3A_1669 = arith.index_cast %get3A_1668 : i32 to index
        %get3A_1670 = arith.index_cast %mul3A_246 : i32 to index
        %get3A_1671 = tpu.vector_load %arg6[%get3A_1669, %get3A_1670] {strides = array<i32>} : memref<85x256xf32, #tpu.memory_space<vmem>>, vector<16xf32>,
        %get3A_1672 = arith.constant 65 : i32
        %get3A_1673 = arith.index_cast %get3A_1672 : i32 to index
        %get3A_1674 = arith.index_cast %mul3A_246 : i32 to index
        %get3A_1675 = tpu.vector_load %arg8[%get3A_1673, %get3A_1674] {strides = array<i32>} : memref<85x256xf32, #tpu.memory_space<vmem>>, vector<16xf32>,
        %sub3A_1676 = arith.subf %get3A_1671, %get3A_392 : vector<16xf32>
        %exp3A_1677 = math.exp %sub3A_1676 : vector<16xf32>
        %add3A_1678 = arith.addf %add3A_1594, %exp3A_1677 : vector<16xf32>
        %sub3A_1679 = arith.constant 1.000000e+00 : f32
        %sub3A_1680 = vector.broadcast %sub3A_1679 : f32 to vector<16xf32>
        %sub3A_1681 = arith.subf %sub3A_1680, %get3A_1675 : vector<16xf32>
        %mul3A_1682 = arith.constant 1.000000e+03 : f32
        %mul3A_1683 = vector.broadcast %mul3A_1682 : f32 to vector<16xf32>
        %mul3A_1684 = arith.mulf %sub3A_1681, %mul3A_1683 : vector<16xf32>
        %add3A_1685 = arith.constant 6.000000e+01 : f32
        %add3A_1686 = vector.broadcast %add3A_1685 : f32 to vector<16xf32>
        %add3A_1687 = arith.addf %mul3A_1684, %add3A_1686 : vector<16xf32>
        %min3A_1688 = arith.minimumf %min3A_1604, %add3A_1687 : vector<16xf32>
        %get3A_1689 = arith.constant 66 : i32
        %get3A_1690 = arith.index_cast %get3A_1689 : i32 to index
        %get3A_1691 = arith.index_cast %mul3A_246 : i32 to index
        %get3A_1692 = tpu.vector_load %arg6[%get3A_1690, %get3A_1691] {strides = array<i32>} : memref<85x256xf32, #tpu.memory_space<vmem>>, vector<16xf32>,
        %get3A_1693 = arith.constant 66 : i32
        %get3A_1694 = arith.index_cast %get3A_1693 : i32 to index
        %get3A_1695 = arith.index_cast %mul3A_246 : i32 to index
        %get3A_1696 = tpu.vector_load %arg8[%get3A_1694, %get3A_1695] {strides = array<i32>} : memref<85x256xf32, #tpu.memory_space<vmem>>, vector<16xf32>,
        %sub3A_1697 = arith.subf %get3A_1692, %get3A_392 : vector<16xf32>
        %exp3A_1698 = math.exp %sub3A_1697 : vector<16xf32>
        %add3A_1699 = arith.addf %add3A_1615, %exp3A_1698 : vector<16xf32>
        %sub3A_1700 = arith.constant 1.000000e+00 : f32
        %sub3A_1701 = vector.broadcast %sub3A_1700 : f32 to vector<16xf32>
        %sub3A_1702 = arith.subf %sub3A_1701, %get3A_1696 : vector<16xf32>
        %mul3A_1703 = arith.constant 1.000000e+03 : f32
        %mul3A_1704 = vector.broadcast %mul3A_1703 : f32 to vector<16xf32>
        %mul3A_1705 = arith.mulf %sub3A_1702, %mul3A_1704 : vector<16xf32>
        %add3A_1706 = arith.constant 6.100000e+01 : f32
        %add3A_1707 = vector.broadcast %add3A_1706 : f32 to vector<16xf32>
        %add3A_1708 = arith.addf %mul3A_1705, %add3A_1707 : vector<16xf32>
        %min3A_1709 = arith.minimumf %min3A_1625, %add3A_1708 : vector<16xf32>
        %get3A_1710 = arith.constant 67 : i32
        %get3A_1711 = arith.index_cast %get3A_1710 : i32 to index
        %get3A_1712 = arith.index_cast %mul3A_246 : i32 to index
        %get3A_1713 = tpu.vector_load %arg6[%get3A_1711, %get3A_1712] {strides = array<i32>} : memref<85x256xf32, #tpu.memory_space<vmem>>, vector<16xf32>,
        %get3A_1714 = arith.constant 67 : i32
        %get3A_1715 = arith.index_cast %get3A_1714 : i32 to index
        %get3A_1716 = arith.index_cast %mul3A_246 : i32 to index
        %get3A_1717 = tpu.vector_load %arg8[%get3A_1715, %get3A_1716] {strides = array<i32>} : memref<85x256xf32, #tpu.memory_space<vmem>>, vector<16xf32>,
        %sub3A_1718 = arith.subf %get3A_1713, %get3A_392 : vector<16xf32>
        %exp3A_1719 = math.exp %sub3A_1718 : vector<16xf32>
        %add3A_1720 = arith.addf %add3A_1636, %exp3A_1719 : vector<16xf32>
        %sub3A_1721 = arith.constant 1.000000e+00 : f32
        %sub3A_1722 = vector.broadcast %sub3A_1721 : f32 to vector<16xf32>
        %sub3A_1723 = arith.subf %sub3A_1722, %get3A_1717 : vector<16xf32>
        %mul3A_1724 = arith.constant 1.000000e+03 : f32
        %mul3A_1725 = vector.broadcast %mul3A_1724 : f32 to vector<16xf32>
        %mul3A_1726 = arith.mulf %sub3A_1723, %mul3A_1725 : vector<16xf32>
        %add3A_1727 = arith.constant 6.200000e+01 : f32
        %add3A_1728 = vector.broadcast %add3A_1727 : f32 to vector<16xf32>
        %add3A_1729 = arith.addf %mul3A_1726, %add3A_1728 : vector<16xf32>
        %min3A_1730 = arith.minimumf %min3A_1646, %add3A_1729 : vector<16xf32>
        %get3A_1731 = arith.constant 68 : i32
        %get3A_1732 = arith.index_cast %get3A_1731 : i32 to index
        %get3A_1733 = arith.index_cast %mul3A_246 : i32 to index
        %get3A_1734 = tpu.vector_load %arg6[%get3A_1732, %get3A_1733] {strides = array<i32>} : memref<85x256xf32, #tpu.memory_space<vmem>>, vector<16xf32>,
        %get3A_1735 = arith.constant 68 : i32
        %get3A_1736 = arith.index_cast %get3A_1735 : i32 to index
        %get3A_1737 = arith.index_cast %mul3A_246 : i32 to index
        %get3A_1738 = tpu.vector_load %arg8[%get3A_1736, %get3A_1737] {strides = array<i32>} : memref<85x256xf32, #tpu.memory_space<vmem>>, vector<16xf32>,
        %sub3A_1739 = arith.subf %get3A_1734, %get3A_392 : vector<16xf32>
        %exp3A_1740 = math.exp %sub3A_1739 : vector<16xf32>
        %add3A_1741 = arith.addf %add3A_1657, %exp3A_1740 : vector<16xf32>
        %sub3A_1742 = arith.constant 1.000000e+00 : f32
        %sub3A_1743 = vector.broadcast %sub3A_1742 : f32 to vector<16xf32>
        %sub3A_1744 = arith.subf %sub3A_1743, %get3A_1738 : vector<16xf32>
        %mul3A_1745 = arith.constant 1.000000e+03 : f32
        %mul3A_1746 = vector.broadcast %mul3A_1745 : f32 to vector<16xf32>
        %mul3A_1747 = arith.mulf %sub3A_1744, %mul3A_1746 : vector<16xf32>
        %add3A_1748 = arith.constant 6.300000e+01 : f32
        %add3A_1749 = vector.broadcast %add3A_1748 : f32 to vector<16xf32>
        %add3A_1750 = arith.addf %mul3A_1747, %add3A_1749 : vector<16xf32>
        %min3A_1751 = arith.minimumf %min3A_1667, %add3A_1750 : vector<16xf32>
        %get3A_1752 = arith.constant 69 : i32
        %get3A_1753 = arith.index_cast %get3A_1752 : i32 to index
        %get3A_1754 = arith.index_cast %mul3A_246 : i32 to index
        %get3A_1755 = tpu.vector_load %arg6[%get3A_1753, %get3A_1754] {strides = array<i32>} : memref<85x256xf32, #tpu.memory_space<vmem>>, vector<16xf32>,
        %get3A_1756 = arith.constant 69 : i32
        %get3A_1757 = arith.index_cast %get3A_1756 : i32 to index
        %get3A_1758 = arith.index_cast %mul3A_246 : i32 to index
        %get3A_1759 = tpu.vector_load %arg8[%get3A_1757, %get3A_1758] {strides = array<i32>} : memref<85x256xf32, #tpu.memory_space<vmem>>, vector<16xf32>,
        %sub3A_1760 = arith.subf %get3A_1755, %get3A_392 : vector<16xf32>
        %exp3A_1761 = math.exp %sub3A_1760 : vector<16xf32>
        %add3A_1762 = arith.addf %add3A_1678, %exp3A_1761 : vector<16xf32>
        %sub3A_1763 = arith.constant 1.000000e+00 : f32
        %sub3A_1764 = vector.broadcast %sub3A_1763 : f32 to vector<16xf32>
        %sub3A_1765 = arith.subf %sub3A_1764, %get3A_1759 : vector<16xf32>
        %mul3A_1766 = arith.constant 1.000000e+03 : f32
        %mul3A_1767 = vector.broadcast %mul3A_1766 : f32 to vector<16xf32>
        %mul3A_1768 = arith.mulf %sub3A_1765, %mul3A_1767 : vector<16xf32>
        %add3A_1769 = arith.constant 6.400000e+01 : f32
        %add3A_1770 = vector.broadcast %add3A_1769 : f32 to vector<16xf32>
        %add3A_1771 = arith.addf %mul3A_1768, %add3A_1770 : vector<16xf32>
        %min3A_1772 = arith.minimumf %min3A_1688, %add3A_1771 : vector<16xf32>
        %get3A_1773 = arith.constant 70 : i32
        %get3A_1774 = arith.index_cast %get3A_1773 : i32 to index
        %get3A_1775 = arith.index_cast %mul3A_246 : i32 to index
        %get3A_1776 = tpu.vector_load %arg6[%get3A_1774, %get3A_1775] {strides = array<i32>} : memref<85x256xf32, #tpu.memory_space<vmem>>, vector<16xf32>,
        %get3A_1777 = arith.constant 70 : i32
        %get3A_1778 = arith.index_cast %get3A_1777 : i32 to index
        %get3A_1779 = arith.index_cast %mul3A_246 : i32 to index
        %get3A_1780 = tpu.vector_load %arg8[%get3A_1778, %get3A_1779] {strides = array<i32>} : memref<85x256xf32, #tpu.memory_space<vmem>>, vector<16xf32>,
        %sub3A_1781 = arith.subf %get3A_1776, %get3A_392 : vector<16xf32>
        %exp3A_1782 = math.exp %sub3A_1781 : vector<16xf32>
        %add3A_1783 = arith.addf %add3A_1699, %exp3A_1782 : vector<16xf32>
        %sub3A_1784 = arith.constant 1.000000e+00 : f32
        %sub3A_1785 = vector.broadcast %sub3A_1784 : f32 to vector<16xf32>
        %sub3A_1786 = arith.subf %sub3A_1785, %get3A_1780 : vector<16xf32>
        %mul3A_1787 = arith.constant 1.000000e+03 : f32
        %mul3A_1788 = vector.broadcast %mul3A_1787 : f32 to vector<16xf32>
        %mul3A_1789 = arith.mulf %sub3A_1786, %mul3A_1788 : vector<16xf32>
        %add3A_1790 = arith.constant 6.500000e+01 : f32
        %add3A_1791 = vector.broadcast %add3A_1790 : f32 to vector<16xf32>
        %add3A_1792 = arith.addf %mul3A_1789, %add3A_1791 : vector<16xf32>
        %min3A_1793 = arith.minimumf %min3A_1709, %add3A_1792 : vector<16xf32>
        %get3A_1794 = arith.constant 71 : i32
        %get3A_1795 = arith.index_cast %get3A_1794 : i32 to index
        %get3A_1796 = arith.index_cast %mul3A_246 : i32 to index
        %get3A_1797 = tpu.vector_load %arg6[%get3A_1795, %get3A_1796] {strides = array<i32>} : memref<85x256xf32, #tpu.memory_space<vmem>>, vector<16xf32>,
        %get3A_1798 = arith.constant 71 : i32
        %get3A_1799 = arith.index_cast %get3A_1798 : i32 to index
        %get3A_1800 = arith.index_cast %mul3A_246 : i32 to index
        %get3A_1801 = tpu.vector_load %arg8[%get3A_1799, %get3A_1800] {strides = array<i32>} : memref<85x256xf32, #tpu.memory_space<vmem>>, vector<16xf32>,
        %sub3A_1802 = arith.subf %get3A_1797, %get3A_392 : vector<16xf32>
        %exp3A_1803 = math.exp %sub3A_1802 : vector<16xf32>
        %add3A_1804 = arith.addf %add3A_1720, %exp3A_1803 : vector<16xf32>
        %sub3A_1805 = arith.constant 1.000000e+00 : f32
        %sub3A_1806 = vector.broadcast %sub3A_1805 : f32 to vector<16xf32>
        %sub3A_1807 = arith.subf %sub3A_1806, %get3A_1801 : vector<16xf32>
        %mul3A_1808 = arith.constant 1.000000e+03 : f32
        %mul3A_1809 = vector.broadcast %mul3A_1808 : f32 to vector<16xf32>
        %mul3A_1810 = arith.mulf %sub3A_1807, %mul3A_1809 : vector<16xf32>
        %add3A_1811 = arith.constant 6.600000e+01 : f32
        %add3A_1812 = vector.broadcast %add3A_1811 : f32 to vector<16xf32>
        %add3A_1813 = arith.addf %mul3A_1810, %add3A_1812 : vector<16xf32>
        %min3A_1814 = arith.minimumf %min3A_1730, %add3A_1813 : vector<16xf32>
        %get3A_1815 = arith.constant 72 : i32
        %get3A_1816 = arith.index_cast %get3A_1815 : i32 to index
        %get3A_1817 = arith.index_cast %mul3A_246 : i32 to index
        %get3A_1818 = tpu.vector_load %arg6[%get3A_1816, %get3A_1817] {strides = array<i32>} : memref<85x256xf32, #tpu.memory_space<vmem>>, vector<16xf32>,
        %get3A_1819 = arith.constant 72 : i32
        %get3A_1820 = arith.index_cast %get3A_1819 : i32 to index
        %get3A_1821 = arith.index_cast %mul3A_246 : i32 to index
        %get3A_1822 = tpu.vector_load %arg8[%get3A_1820, %get3A_1821] {strides = array<i32>} : memref<85x256xf32, #tpu.memory_space<vmem>>, vector<16xf32>,
        %sub3A_1823 = arith.subf %get3A_1818, %get3A_392 : vector<16xf32>
        %exp3A_1824 = math.exp %sub3A_1823 : vector<16xf32>
        %add3A_1825 = arith.addf %add3A_1741, %exp3A_1824 : vector<16xf32>
        %sub3A_1826 = arith.constant 1.000000e+00 : f32
        %sub3A_1827 = vector.broadcast %sub3A_1826 : f32 to vector<16xf32>
        %sub3A_1828 = arith.subf %sub3A_1827, %get3A_1822 : vector<16xf32>
        %mul3A_1829 = arith.constant 1.000000e+03 : f32
        %mul3A_1830 = vector.broadcast %mul3A_1829 : f32 to vector<16xf32>
        %mul3A_1831 = arith.mulf %sub3A_1828, %mul3A_1830 : vector<16xf32>
        %add3A_1832 = arith.constant 6.700000e+01 : f32
        %add3A_1833 = vector.broadcast %add3A_1832 : f32 to vector<16xf32>
        %add3A_1834 = arith.addf %mul3A_1831, %add3A_1833 : vector<16xf32>
        %min3A_1835 = arith.minimumf %min3A_1751, %add3A_1834 : vector<16xf32>
        %get3A_1836 = arith.constant 73 : i32
        %get3A_1837 = arith.index_cast %get3A_1836 : i32 to index
        %get3A_1838 = arith.index_cast %mul3A_246 : i32 to index
        %get3A_1839 = tpu.vector_load %arg6[%get3A_1837, %get3A_1838] {strides = array<i32>} : memref<85x256xf32, #tpu.memory_space<vmem>>, vector<16xf32>,
        %get3A_1840 = arith.constant 73 : i32
        %get3A_1841 = arith.index_cast %get3A_1840 : i32 to index
        %get3A_1842 = arith.index_cast %mul3A_246 : i32 to index
        %get3A_1843 = tpu.vector_load %arg8[%get3A_1841, %get3A_1842] {strides = array<i32>} : memref<85x256xf32, #tpu.memory_space<vmem>>, vector<16xf32>,
        %sub3A_1844 = arith.subf %get3A_1839, %get3A_392 : vector<16xf32>
        %exp3A_1845 = math.exp %sub3A_1844 : vector<16xf32>
        %add3A_1846 = arith.addf %add3A_1762, %exp3A_1845 : vector<16xf32>
        %sub3A_1847 = arith.constant 1.000000e+00 : f32
        %sub3A_1848 = vector.broadcast %sub3A_1847 : f32 to vector<16xf32>
        %sub3A_1849 = arith.subf %sub3A_1848, %get3A_1843 : vector<16xf32>
        %mul3A_1850 = arith.constant 1.000000e+03 : f32
        %mul3A_1851 = vector.broadcast %mul3A_1850 : f32 to vector<16xf32>
        %mul3A_1852 = arith.mulf %sub3A_1849, %mul3A_1851 : vector<16xf32>
        %add3A_1853 = arith.constant 6.800000e+01 : f32
        %add3A_1854 = vector.broadcast %add3A_1853 : f32 to vector<16xf32>
        %add3A_1855 = arith.addf %mul3A_1852, %add3A_1854 : vector<16xf32>
        %min3A_1856 = arith.minimumf %min3A_1772, %add3A_1855 : vector<16xf32>
        %get3A_1857 = arith.constant 74 : i32
        %get3A_1858 = arith.index_cast %get3A_1857 : i32 to index
        %get3A_1859 = arith.index_cast %mul3A_246 : i32 to index
        %get3A_1860 = tpu.vector_load %arg6[%get3A_1858, %get3A_1859] {strides = array<i32>} : memref<85x256xf32, #tpu.memory_space<vmem>>, vector<16xf32>,
        %get3A_1861 = arith.constant 74 : i32
        %get3A_1862 = arith.index_cast %get3A_1861 : i32 to index
        %get3A_1863 = arith.index_cast %mul3A_246 : i32 to index
        %get3A_1864 = tpu.vector_load %arg8[%get3A_1862, %get3A_1863] {strides = array<i32>} : memref<85x256xf32, #tpu.memory_space<vmem>>, vector<16xf32>,
        %sub3A_1865 = arith.subf %get3A_1860, %get3A_392 : vector<16xf32>
        %exp3A_1866 = math.exp %sub3A_1865 : vector<16xf32>
        %add3A_1867 = arith.addf %add3A_1783, %exp3A_1866 : vector<16xf32>
        %sub3A_1868 = arith.constant 1.000000e+00 : f32
        %sub3A_1869 = vector.broadcast %sub3A_1868 : f32 to vector<16xf32>
        %sub3A_1870 = arith.subf %sub3A_1869, %get3A_1864 : vector<16xf32>
        %mul3A_1871 = arith.constant 1.000000e+03 : f32
        %mul3A_1872 = vector.broadcast %mul3A_1871 : f32 to vector<16xf32>
        %mul3A_1873 = arith.mulf %sub3A_1870, %mul3A_1872 : vector<16xf32>
        %add3A_1874 = arith.constant 6.900000e+01 : f32
        %add3A_1875 = vector.broadcast %add3A_1874 : f32 to vector<16xf32>
        %add3A_1876 = arith.addf %mul3A_1873, %add3A_1875 : vector<16xf32>
        %min3A_1877 = arith.minimumf %min3A_1793, %add3A_1876 : vector<16xf32>
        %get3A_1878 = arith.constant 75 : i32
        %get3A_1879 = arith.index_cast %get3A_1878 : i32 to index
        %get3A_1880 = arith.index_cast %mul3A_246 : i32 to index
        %get3A_1881 = tpu.vector_load %arg6[%get3A_1879, %get3A_1880] {strides = array<i32>} : memref<85x256xf32, #tpu.memory_space<vmem>>, vector<16xf32>,
        %get3A_1882 = arith.constant 75 : i32
        %get3A_1883 = arith.index_cast %get3A_1882 : i32 to index
        %get3A_1884 = arith.index_cast %mul3A_246 : i32 to index
        %get3A_1885 = tpu.vector_load %arg8[%get3A_1883, %get3A_1884] {strides = array<i32>} : memref<85x256xf32, #tpu.memory_space<vmem>>, vector<16xf32>,
        %sub3A_1886 = arith.subf %get3A_1881, %get3A_392 : vector<16xf32>
        %exp3A_1887 = math.exp %sub3A_1886 : vector<16xf32>
        %add3A_1888 = arith.addf %add3A_1804, %exp3A_1887 : vector<16xf32>
        %sub3A_1889 = arith.constant 1.000000e+00 : f32
        %sub3A_1890 = vector.broadcast %sub3A_1889 : f32 to vector<16xf32>
        %sub3A_1891 = arith.subf %sub3A_1890, %get3A_1885 : vector<16xf32>
        %mul3A_1892 = arith.constant 1.000000e+03 : f32
        %mul3A_1893 = vector.broadcast %mul3A_1892 : f32 to vector<16xf32>
        %mul3A_1894 = arith.mulf %sub3A_1891, %mul3A_1893 : vector<16xf32>
        %add3A_1895 = arith.constant 7.000000e+01 : f32
        %add3A_1896 = vector.broadcast %add3A_1895 : f32 to vector<16xf32>
        %add3A_1897 = arith.addf %mul3A_1894, %add3A_1896 : vector<16xf32>
        %min3A_1898 = arith.minimumf %min3A_1814, %add3A_1897 : vector<16xf32>
        %get3A_1899 = arith.constant 76 : i32
        %get3A_1900 = arith.index_cast %get3A_1899 : i32 to index
        %get3A_1901 = arith.index_cast %mul3A_246 : i32 to index
        %get3A_1902 = tpu.vector_load %arg6[%get3A_1900, %get3A_1901] {strides = array<i32>} : memref<85x256xf32, #tpu.memory_space<vmem>>, vector<16xf32>,
        %get3A_1903 = arith.constant 76 : i32
        %get3A_1904 = arith.index_cast %get3A_1903 : i32 to index
        %get3A_1905 = arith.index_cast %mul3A_246 : i32 to index
        %get3A_1906 = tpu.vector_load %arg8[%get3A_1904, %get3A_1905] {strides = array<i32>} : memref<85x256xf32, #tpu.memory_space<vmem>>, vector<16xf32>,
        %sub3A_1907 = arith.subf %get3A_1902, %get3A_392 : vector<16xf32>
        %exp3A_1908 = math.exp %sub3A_1907 : vector<16xf32>
        %add3A_1909 = arith.addf %add3A_1825, %exp3A_1908 : vector<16xf32>
        %sub3A_1910 = arith.constant 1.000000e+00 : f32
        %sub3A_1911 = vector.broadcast %sub3A_1910 : f32 to vector<16xf32>
        %sub3A_1912 = arith.subf %sub3A_1911, %get3A_1906 : vector<16xf32>
        %mul3A_1913 = arith.constant 1.000000e+03 : f32
        %mul3A_1914 = vector.broadcast %mul3A_1913 : f32 to vector<16xf32>
        %mul3A_1915 = arith.mulf %sub3A_1912, %mul3A_1914 : vector<16xf32>
        %add3A_1916 = arith.constant 7.100000e+01 : f32
        %add3A_1917 = vector.broadcast %add3A_1916 : f32 to vector<16xf32>
        %add3A_1918 = arith.addf %mul3A_1915, %add3A_1917 : vector<16xf32>
        %min3A_1919 = arith.minimumf %min3A_1835, %add3A_1918 : vector<16xf32>
        %get3A_1920 = arith.constant 77 : i32
        %get3A_1921 = arith.index_cast %get3A_1920 : i32 to index
        %get3A_1922 = arith.index_cast %mul3A_246 : i32 to index
        %get3A_1923 = tpu.vector_load %arg6[%get3A_1921, %get3A_1922] {strides = array<i32>} : memref<85x256xf32, #tpu.memory_space<vmem>>, vector<16xf32>,
        %get3A_1924 = arith.constant 77 : i32
        %get3A_1925 = arith.index_cast %get3A_1924 : i32 to index
        %get3A_1926 = arith.index_cast %mul3A_246 : i32 to index
        %get3A_1927 = tpu.vector_load %arg8[%get3A_1925, %get3A_1926] {strides = array<i32>} : memref<85x256xf32, #tpu.memory_space<vmem>>, vector<16xf32>,
        %sub3A_1928 = arith.subf %get3A_1923, %get3A_392 : vector<16xf32>
        %exp3A_1929 = math.exp %sub3A_1928 : vector<16xf32>
        %add3A_1930 = arith.addf %add3A_1846, %exp3A_1929 : vector<16xf32>
        %sub3A_1931 = arith.constant 1.000000e+00 : f32
        %sub3A_1932 = vector.broadcast %sub3A_1931 : f32 to vector<16xf32>
        %sub3A_1933 = arith.subf %sub3A_1932, %get3A_1927 : vector<16xf32>
        %mul3A_1934 = arith.constant 1.000000e+03 : f32
        %mul3A_1935 = vector.broadcast %mul3A_1934 : f32 to vector<16xf32>
        %mul3A_1936 = arith.mulf %sub3A_1933, %mul3A_1935 : vector<16xf32>
        %add3A_1937 = arith.constant 7.200000e+01 : f32
        %add3A_1938 = vector.broadcast %add3A_1937 : f32 to vector<16xf32>
        %add3A_1939 = arith.addf %mul3A_1936, %add3A_1938 : vector<16xf32>
        %min3A_1940 = arith.minimumf %min3A_1856, %add3A_1939 : vector<16xf32>
        %get3A_1941 = arith.constant 78 : i32
        %get3A_1942 = arith.index_cast %get3A_1941 : i32 to index
        %get3A_1943 = arith.index_cast %mul3A_246 : i32 to index
        %get3A_1944 = tpu.vector_load %arg6[%get3A_1942, %get3A_1943] {strides = array<i32>} : memref<85x256xf32, #tpu.memory_space<vmem>>, vector<16xf32>,
        %get3A_1945 = arith.constant 78 : i32
        %get3A_1946 = arith.index_cast %get3A_1945 : i32 to index
        %get3A_1947 = arith.index_cast %mul3A_246 : i32 to index
        %get3A_1948 = tpu.vector_load %arg8[%get3A_1946, %get3A_1947] {strides = array<i32>} : memref<85x256xf32, #tpu.memory_space<vmem>>, vector<16xf32>,
        %sub3A_1949 = arith.subf %get3A_1944, %get3A_392 : vector<16xf32>
        %exp3A_1950 = math.exp %sub3A_1949 : vector<16xf32>
        %add3A_1951 = arith.addf %add3A_1867, %exp3A_1950 : vector<16xf32>
        %sub3A_1952 = arith.constant 1.000000e+00 : f32
        %sub3A_1953 = vector.broadcast %sub3A_1952 : f32 to vector<16xf32>
        %sub3A_1954 = arith.subf %sub3A_1953, %get3A_1948 : vector<16xf32>
        %mul3A_1955 = arith.constant 1.000000e+03 : f32
        %mul3A_1956 = vector.broadcast %mul3A_1955 : f32 to vector<16xf32>
        %mul3A_1957 = arith.mulf %sub3A_1954, %mul3A_1956 : vector<16xf32>
        %add3A_1958 = arith.constant 7.300000e+01 : f32
        %add3A_1959 = vector.broadcast %add3A_1958 : f32 to vector<16xf32>
        %add3A_1960 = arith.addf %mul3A_1957, %add3A_1959 : vector<16xf32>
        %min3A_1961 = arith.minimumf %min3A_1877, %add3A_1960 : vector<16xf32>
        %get3A_1962 = arith.constant 79 : i32
        %get3A_1963 = arith.index_cast %get3A_1962 : i32 to index
        %get3A_1964 = arith.index_cast %mul3A_246 : i32 to index
        %get3A_1965 = tpu.vector_load %arg6[%get3A_1963, %get3A_1964] {strides = array<i32>} : memref<85x256xf32, #tpu.memory_space<vmem>>, vector<16xf32>,
        %get3A_1966 = arith.constant 79 : i32
        %get3A_1967 = arith.index_cast %get3A_1966 : i32 to index
        %get3A_1968 = arith.index_cast %mul3A_246 : i32 to index
        %get3A_1969 = tpu.vector_load %arg8[%get3A_1967, %get3A_1968] {strides = array<i32>} : memref<85x256xf32, #tpu.memory_space<vmem>>, vector<16xf32>,
        %sub3A_1970 = arith.subf %get3A_1965, %get3A_392 : vector<16xf32>
        %exp3A_1971 = math.exp %sub3A_1970 : vector<16xf32>
        %add3A_1972 = arith.addf %add3A_1888, %exp3A_1971 : vector<16xf32>
        %sub3A_1973 = arith.constant 1.000000e+00 : f32
        %sub3A_1974 = vector.broadcast %sub3A_1973 : f32 to vector<16xf32>
        %sub3A_1975 = arith.subf %sub3A_1974, %get3A_1969 : vector<16xf32>
        %mul3A_1976 = arith.constant 1.000000e+03 : f32
        %mul3A_1977 = vector.broadcast %mul3A_1976 : f32 to vector<16xf32>
        %mul3A_1978 = arith.mulf %sub3A_1975, %mul3A_1977 : vector<16xf32>
        %add3A_1979 = arith.constant 7.400000e+01 : f32
        %add3A_1980 = vector.broadcast %add3A_1979 : f32 to vector<16xf32>
        %add3A_1981 = arith.addf %mul3A_1978, %add3A_1980 : vector<16xf32>
        %min3A_1982 = arith.minimumf %min3A_1898, %add3A_1981 : vector<16xf32>
        %get3A_1983 = arith.constant 80 : i32
        %get3A_1984 = arith.index_cast %get3A_1983 : i32 to index
        %get3A_1985 = arith.index_cast %mul3A_246 : i32 to index
        %get3A_1986 = tpu.vector_load %arg6[%get3A_1984, %get3A_1985] {strides = array<i32>} : memref<85x256xf32, #tpu.memory_space<vmem>>, vector<16xf32>,
        %get3A_1987 = arith.constant 80 : i32
        %get3A_1988 = arith.index_cast %get3A_1987 : i32 to index
        %get3A_1989 = arith.index_cast %mul3A_246 : i32 to index
        %get3A_1990 = tpu.vector_load %arg8[%get3A_1988, %get3A_1989] {strides = array<i32>} : memref<85x256xf32, #tpu.memory_space<vmem>>, vector<16xf32>,
        %sub3A_1991 = arith.subf %get3A_1986, %get3A_392 : vector<16xf32>
        %exp3A_1992 = math.exp %sub3A_1991 : vector<16xf32>
        %add3A_1993 = arith.addf %add3A_1909, %exp3A_1992 : vector<16xf32>
        %sub3A_1994 = arith.constant 1.000000e+00 : f32
        %sub3A_1995 = vector.broadcast %sub3A_1994 : f32 to vector<16xf32>
        %sub3A_1996 = arith.subf %sub3A_1995, %get3A_1990 : vector<16xf32>
        %mul3A_1997 = arith.constant 1.000000e+03 : f32
        %mul3A_1998 = vector.broadcast %mul3A_1997 : f32 to vector<16xf32>
        %mul3A_1999 = arith.mulf %sub3A_1996, %mul3A_1998 : vector<16xf32>
        %add3A_2000 = arith.constant 7.500000e+01 : f32
        %add3A_2001 = vector.broadcast %add3A_2000 : f32 to vector<16xf32>
        %add3A_2002 = arith.addf %mul3A_1999, %add3A_2001 : vector<16xf32>
        %min3A_2003 = arith.minimumf %min3A_1919, %add3A_2002 : vector<16xf32>
        %get3A_2004 = arith.constant 81 : i32
        %get3A_2005 = arith.index_cast %get3A_2004 : i32 to index
        %get3A_2006 = arith.index_cast %mul3A_246 : i32 to index
        %get3A_2007 = tpu.vector_load %arg6[%get3A_2005, %get3A_2006] {strides = array<i32>} : memref<85x256xf32, #tpu.memory_space<vmem>>, vector<16xf32>,
        %get3A_2008 = arith.constant 81 : i32
        %get3A_2009 = arith.index_cast %get3A_2008 : i32 to index
        %get3A_2010 = arith.index_cast %mul3A_246 : i32 to index
        %get3A_2011 = tpu.vector_load %arg8[%get3A_2009, %get3A_2010] {strides = array<i32>} : memref<85x256xf32, #tpu.memory_space<vmem>>, vector<16xf32>,
        %sub3A_2012 = arith.subf %get3A_2007, %get3A_392 : vector<16xf32>
        %exp3A_2013 = math.exp %sub3A_2012 : vector<16xf32>
        %add3A_2014 = arith.addf %add3A_1930, %exp3A_2013 : vector<16xf32>
        %sub3A_2015 = arith.constant 1.000000e+00 : f32
        %sub3A_2016 = vector.broadcast %sub3A_2015 : f32 to vector<16xf32>
        %sub3A_2017 = arith.subf %sub3A_2016, %get3A_2011 : vector<16xf32>
        %mul3A_2018 = arith.constant 1.000000e+03 : f32
        %mul3A_2019 = vector.broadcast %mul3A_2018 : f32 to vector<16xf32>
        %mul3A_2020 = arith.mulf %sub3A_2017, %mul3A_2019 : vector<16xf32>
        %add3A_2021 = arith.constant 7.600000e+01 : f32
        %add3A_2022 = vector.broadcast %add3A_2021 : f32 to vector<16xf32>
        %add3A_2023 = arith.addf %mul3A_2020, %add3A_2022 : vector<16xf32>
        %min3A_2024 = arith.minimumf %min3A_1940, %add3A_2023 : vector<16xf32>
        %get3A_2025 = arith.constant 82 : i32
        %get3A_2026 = arith.index_cast %get3A_2025 : i32 to index
        %get3A_2027 = arith.index_cast %mul3A_246 : i32 to index
        %get3A_2028 = tpu.vector_load %arg6[%get3A_2026, %get3A_2027] {strides = array<i32>} : memref<85x256xf32, #tpu.memory_space<vmem>>, vector<16xf32>,
        %get3A_2029 = arith.constant 82 : i32
        %get3A_2030 = arith.index_cast %get3A_2029 : i32 to index
        %get3A_2031 = arith.index_cast %mul3A_246 : i32 to index
        %get3A_2032 = tpu.vector_load %arg8[%get3A_2030, %get3A_2031] {strides = array<i32>} : memref<85x256xf32, #tpu.memory_space<vmem>>, vector<16xf32>,
        %sub3A_2033 = arith.subf %get3A_2028, %get3A_392 : vector<16xf32>
        %exp3A_2034 = math.exp %sub3A_2033 : vector<16xf32>
        %add3A_2035 = arith.addf %add3A_1951, %exp3A_2034 : vector<16xf32>
        %sub3A_2036 = arith.constant 1.000000e+00 : f32
        %sub3A_2037 = vector.broadcast %sub3A_2036 : f32 to vector<16xf32>
        %sub3A_2038 = arith.subf %sub3A_2037, %get3A_2032 : vector<16xf32>
        %mul3A_2039 = arith.constant 1.000000e+03 : f32
        %mul3A_2040 = vector.broadcast %mul3A_2039 : f32 to vector<16xf32>
        %mul3A_2041 = arith.mulf %sub3A_2038, %mul3A_2040 : vector<16xf32>
        %add3A_2042 = arith.constant 7.700000e+01 : f32
        %add3A_2043 = vector.broadcast %add3A_2042 : f32 to vector<16xf32>
        %add3A_2044 = arith.addf %mul3A_2041, %add3A_2043 : vector<16xf32>
        %min3A_2045 = arith.minimumf %min3A_1961, %add3A_2044 : vector<16xf32>
        %get3A_2046 = arith.constant 83 : i32
        %get3A_2047 = arith.index_cast %get3A_2046 : i32 to index
        %get3A_2048 = arith.index_cast %mul3A_246 : i32 to index
        %get3A_2049 = tpu.vector_load %arg6[%get3A_2047, %get3A_2048] {strides = array<i32>} : memref<85x256xf32, #tpu.memory_space<vmem>>, vector<16xf32>,
        %get3A_2050 = arith.constant 83 : i32
        %get3A_2051 = arith.index_cast %get3A_2050 : i32 to index
        %get3A_2052 = arith.index_cast %mul3A_246 : i32 to index
        %get3A_2053 = tpu.vector_load %arg8[%get3A_2051, %get3A_2052] {strides = array<i32>} : memref<85x256xf32, #tpu.memory_space<vmem>>, vector<16xf32>,
        %sub3A_2054 = arith.subf %get3A_2049, %get3A_392 : vector<16xf32>
        %exp3A_2055 = math.exp %sub3A_2054 : vector<16xf32>
        %add3A_2056 = arith.addf %add3A_1972, %exp3A_2055 : vector<16xf32>
        %sub3A_2057 = arith.constant 1.000000e+00 : f32
        %sub3A_2058 = vector.broadcast %sub3A_2057 : f32 to vector<16xf32>
        %sub3A_2059 = arith.subf %sub3A_2058, %get3A_2053 : vector<16xf32>
        %mul3A_2060 = arith.constant 1.000000e+03 : f32
        %mul3A_2061 = vector.broadcast %mul3A_2060 : f32 to vector<16xf32>
        %mul3A_2062 = arith.mulf %sub3A_2059, %mul3A_2061 : vector<16xf32>
        %add3A_2063 = arith.constant 7.800000e+01 : f32
        %add3A_2064 = vector.broadcast %add3A_2063 : f32 to vector<16xf32>
        %add3A_2065 = arith.addf %mul3A_2062, %add3A_2064 : vector<16xf32>
        %min3A_2066 = arith.minimumf %min3A_1982, %add3A_2065 : vector<16xf32>
        %get3A_2067 = arith.constant 84 : i32
        %get3A_2068 = arith.index_cast %get3A_2067 : i32 to index
        %get3A_2069 = arith.index_cast %mul3A_246 : i32 to index
        %get3A_2070 = tpu.vector_load %arg6[%get3A_2068, %get3A_2069] {strides = array<i32>} : memref<85x256xf32, #tpu.memory_space<vmem>>, vector<16xf32>,
        %get3A_2071 = arith.constant 84 : i32
        %get3A_2072 = arith.index_cast %get3A_2071 : i32 to index
        %get3A_2073 = arith.index_cast %mul3A_246 : i32 to index
        %get3A_2074 = tpu.vector_load %arg8[%get3A_2072, %get3A_2073] {strides = array<i32>} : memref<85x256xf32, #tpu.memory_space<vmem>>, vector<16xf32>,
        %sub3A_2075 = arith.subf %get3A_2070, %get3A_392 : vector<16xf32>
        %exp3A_2076 = math.exp %sub3A_2075 : vector<16xf32>
        %add3A_2077 = arith.addf %add3A_1993, %exp3A_2076 : vector<16xf32>
        %sub3A_2078 = arith.constant 1.000000e+00 : f32
        %sub3A_2079 = vector.broadcast %sub3A_2078 : f32 to vector<16xf32>
        %sub3A_2080 = arith.subf %sub3A_2079, %get3A_2074 : vector<16xf32>
        %mul3A_2081 = arith.constant 1.000000e+03 : f32
        %mul3A_2082 = vector.broadcast %mul3A_2081 : f32 to vector<16xf32>
        %mul3A_2083 = arith.mulf %sub3A_2080, %mul3A_2082 : vector<16xf32>
        %add3A_2084 = arith.constant 7.900000e+01 : f32
        %add3A_2085 = vector.broadcast %add3A_2084 : f32 to vector<16xf32>
        %add3A_2086 = arith.addf %mul3A_2083, %add3A_2085 : vector<16xf32>
        %min3A_2087 = arith.minimumf %min3A_2003, %add3A_2086 : vector<16xf32>
        %add3A_2088 = arith.addf %add3A_2014, %add3A_2035 : vector<16xf32>
        %add3A_2089 = arith.addf %add3A_2056, %add3A_2077 : vector<16xf32>
        %add3A_2090 = arith.addf %add3A_2088, %add3A_2089 : vector<16xf32>
        %min3A_2091 = arith.minimumf %min3A_2024, %min3A_2045 : vector<16xf32>
        %min3A_2092 = arith.minimumf %min3A_2066, %min3A_2087 : vector<16xf32>
        %min3A_2093 = arith.minimumf %min3A_2091, %min3A_2092 : vector<16xf32>
        %convert_element_type3A_2094 = arith.fptosi %min3A_2093 : vector<16xf32> to vector<16xi32>
        %gt3A_2095 = arith.constant 79 : i32
        %gt3A_2096 = vector.broadcast %gt3A_2095 : i32 to vector<16xi32>
        %gt3A_2097 = arith.cmpi sgt, %convert_element_type3A_2094, %gt3A_2096 : vector<16xi32>
        %jit3A_2098 = arith.constant 0 : i32
        %broadcast_in_dim3A_2099 = vector.broadcast %jit3A_2098 : i32 to vector<16xi32>
        %select_n3A_2100 = arith.select %gt3A_2097, %broadcast_in_dim3A_2099, %convert_element_type3A_2094 : vector<16xi1>, vector<16xi32>
        %add3A_2101 = arith.constant 5 : i32
        %add3A_2102 = vector.broadcast %add3A_2101 : i32 to vector<16xi32>
        %add3A_2103 = arith.addi %add3A_2102, %select_n3A_2100 : vector<16xi32>
        %gather3A = tpu.vector_load_idx %arg6[%add3A_2103, %add3A_248] : memref<85x256xf32, #tpu.memory_space<vmem>>[vector<16xi32>, vector<16xi32>], vector<16xf32>,
        %bitcast3A_2104 = vector.bitcast %add3A_2090 : vector<16xf32> to vector<16xi32>
        %shift_right_arithmetic3A_2105 = arith.constant 23 : i32
        %shift_right_arithmetic3A_2106 = vector.broadcast %shift_right_arithmetic3A_2105 : i32 to vector<16xi32>
        %shift_right_arithmetic3A_2107 = arith.shrsi %bitcast3A_2104, %shift_right_arithmetic3A_2106 : vector<16xi32>
        %sub3A_2108 = arith.constant 127 : i32
        %sub3A_2109 = vector.broadcast %sub3A_2108 : i32 to vector<16xi32>
        %sub3A_2110 = arith.subi %shift_right_arithmetic3A_2107, %sub3A_2109 : vector<16xi32>
        %and3A_2111 = arith.constant 8388607 : i32
        %and3A_2112 = vector.broadcast %and3A_2111 : i32 to vector<16xi32>
        %and3A_2113 = arith.andi %bitcast3A_2104, %and3A_2112 : vector<16xi32>
        %or3A_2114 = arith.constant 1065353216 : i32
        %or3A_2115 = vector.broadcast %or3A_2114 : i32 to vector<16xi32>
        %or3A_2116 = arith.ori %and3A_2113, %or3A_2115 : vector<16xi32>
        %bitcast3A_2117 = vector.bitcast %or3A_2116 : vector<16xi32> to vector<16xf32>
        %gt3A_2118 = arith.constant 1.41421354 : f32
        %gt3A_2119 = vector.broadcast %gt3A_2118 : f32 to vector<16xf32>
        %gt3A_2120 = arith.cmpf ogt, %bitcast3A_2117, %gt3A_2119 : vector<16xf32>
        %mul3A_2121 = arith.constant 5.000000e-01 : f32
        %mul3A_2122 = vector.broadcast %mul3A_2121 : f32 to vector<16xf32>
        %mul3A_2123 = arith.mulf %mul3A_2122, %bitcast3A_2117 : vector<16xf32>
        %select_n3A_2124 = arith.select %gt3A_2120, %mul3A_2123, %bitcast3A_2117 : vector<16xi1>, vector<16xf32>
        %convert_element_type3A_2125 = arith.extui %gt3A_2120 : vector<16xi1> to vector<16xi32>
        %add3A_2126 = arith.addi %sub3A_2110, %convert_element_type3A_2125 : vector<16xi32>
        %convert_element_type3A_2127 = arith.sitofp %add3A_2126 : vector<16xi32> to vector<16xf32>
        %sub3A_2128 = arith.constant 1.000000e+00 : f32
        %sub3A_2129 = vector.broadcast %sub3A_2128 : f32 to vector<16xf32>
        %sub3A_2130 = arith.subf %select_n3A_2124, %sub3A_2129 : vector<16xf32>
        %add3A_2131 = arith.constant 2.000000e+00 : f32
        %add3A_2132 = vector.broadcast %add3A_2131 : f32 to vector<16xf32>
        %add3A_2133 = arith.addf %sub3A_2130, %add3A_2132 : vector<16xf32>
        %div3A_2134 = arith.divf %sub3A_2130, %add3A_2133 : vector<16xf32>
        %mul3A_2135 = arith.mulf %div3A_2134, %div3A_2134 : vector<16xf32>
        %mul3A_2136 = arith.constant 0.142857149 : f32
        %mul3A_2137 = vector.broadcast %mul3A_2136 : f32 to vector<16xf32>
        %mul3A_2138 = arith.mulf %mul3A_2135, %mul3A_2137 : vector<16xf32>
        %add3A_2139 = arith.constant 2.000000e-01 : f32
        %add3A_2140 = vector.broadcast %add3A_2139 : f32 to vector<16xf32>
        %add3A_2141 = arith.addf %add3A_2140, %mul3A_2138 : vector<16xf32>
        %mul3A_2142 = arith.mulf %mul3A_2135, %add3A_2141 : vector<16xf32>
        %add3A_2143 = arith.constant 0.333333343 : f32
        %add3A_2144 = vector.broadcast %add3A_2143 : f32 to vector<16xf32>
        %add3A_2145 = arith.addf %add3A_2144, %mul3A_2142 : vector<16xf32>
        %mul3A_2146 = arith.mulf %mul3A_2135, %add3A_2145 : vector<16xf32>
        %add3A_2147 = arith.constant 1.000000e+00 : f32
        %add3A_2148 = vector.broadcast %add3A_2147 : f32 to vector<16xf32>
        %add3A_2149 = arith.addf %add3A_2148, %mul3A_2146 : vector<16xf32>
        %mul3A_2150 = arith.constant 0.693147182 : f32
        %mul3A_2151 = vector.broadcast %mul3A_2150 : f32 to vector<16xf32>
        %mul3A_2152 = arith.mulf %convert_element_type3A_2127, %mul3A_2151 : vector<16xf32>
        %mul3A_2153 = arith.constant 2.000000e+00 : f32
        %mul3A_2154 = vector.broadcast %mul3A_2153 : f32 to vector<16xf32>
        %mul3A_2155 = arith.mulf %mul3A_2154, %div3A_2134 : vector<16xf32>
        %mul3A_2156 = arith.mulf %mul3A_2155, %add3A_2149 : vector<16xf32>
        %add3A_2157 = arith.addf %mul3A_2152, %mul3A_2156 : vector<16xf32>
        %add3A_2158 = arith.addf %get3A_392, %add3A_2157 : vector<16xf32>
        %sub3A_2159 = arith.subf %add3A_2158, %gather3A : vector<16xf32>
        %mul3A_2160 = arith.mulf %get3A_287, %sub3A_2159 : vector<16xf32>
        %add3A_2161 = arith.addf %scan3A_244, %mul3A_2160 : vector<16xf32>
        scf.yield %add3A_318, %sub3A_390, %add3A_2161 : vector<16xf32>, vector<16xf32>, vector<16xf32>
      }
      %scan3A_165 = arith.constant 16 : i32
      %add3A_166 = arith.constant 1 : i32
      %add3A_167 = arith.addi %mul3A_44, %add3A_166 : i32
      %mul3A_168 = arith.constant 3 : i32
      %mul3A_169 = arith.muli %add3A, %mul3A_168 : i32
      %jit3A_170 = arith.constant 16 : i32
      %div3A_171 = arith.divsi %add3A_167, %jit3A_170 : i32
      %sign3A_172 = arith.constant 0 : i32
      %sign3A_173 = arith.cmpi sgt, %add3A_167, %sign3A_172 : i32
      %sign3A_174 = arith.extui %sign3A_173 : i1 to i32
      %sign3A_175 = arith.constant 0 : i32
      %sign3A_176 = arith.cmpi slt, %add3A_167, %sign3A_175 : i32
      %sign3A_177 = arith.extui %sign3A_176 : i1 to i32
      %sign3A_178 = arith.subi %sign3A_174, %sign3A_177 : i32
      %sign3A_179 = arith.constant 0 : i32
      %sign3A_180 = arith.cmpi sgt, %jit3A_170, %sign3A_179 : i32
      %sign3A_181 = arith.extui %sign3A_180 : i1 to i32
      %sign3A_182 = arith.constant 0 : i32
      %sign3A_183 = arith.cmpi slt, %jit3A_170, %sign3A_182 : i32
      %sign3A_184 = arith.extui %sign3A_183 : i1 to i32
      %sign3A_185 = arith.subi %sign3A_181, %sign3A_184 : i32
      %ne3A_186 = arith.cmpi ne, %sign3A_178, %sign3A_185 : i32
      %rem3A_187 = arith.remsi %add3A_167, %jit3A_170 : i32
      %ne3A_188 = arith.constant 0 : i32
      %ne3A_189 = arith.cmpi ne, %rem3A_187, %ne3A_188 : i32
      %and3A_190 = arith.andi %ne3A_186, %ne3A_189 : i1
      %sub3A_191 = arith.constant 1 : i32
      %sub3A_192 = arith.subi %div3A_171, %sub3A_191 : i32
      %select_n3A_193 = arith.select %and3A_190, %sub3A_192, %div3A_171 : i32
      %add3A_194 = arith.addi %mul3A_169, %select_n3A_193 : i32
      %jit3A_195 = arith.constant 16 : i32
      %eq3A_196 = arith.constant 0 : i32
      %eq3A_197 = arith.cmpi eq, %jit3A_195, %eq3A_196 : i32
      %jit3A_198 = arith.constant 1 : i32
      %select_n3A_199 = arith.select %eq3A_197, %jit3A_198, %jit3A_195 : i32
      %rem3A_200 = arith.remsi %add3A_167, %select_n3A_199 : i32
      %ne3A_201 = arith.constant 0 : i32
      %ne3A_202 = arith.cmpi ne, %rem3A_200, %ne3A_201 : i32
      %lt3A_203 = arith.constant 0 : i32
      %lt3A_204 = arith.cmpi slt, %rem3A_200, %lt3A_203 : i32
      %lt3A_205 = arith.constant 0 : i32
      %lt3A_206 = arith.cmpi slt, %select_n3A_199, %lt3A_205 : i32
      %ne3A_207 = arith.xori %lt3A_204, %lt3A_206 : i1
      %and3A_208 = arith.andi %ne3A_207, %ne3A_202 : i1
      %add3A_209 = arith.addi %rem3A_200, %select_n3A_199 : i32
      %select_n3A_210 = arith.select %and3A_208, %add3A_209, %rem3A_200 : i32
      %mul3A_211 = arith.constant 256 : i32
      %mul3A_212 = arith.muli %select_n3A_210, %mul3A_211 : i32
      %dma_wait3A_213 = arith.constant 0 : i32
      %dma_wait3A_214 = tpu.memref_slice %arg2[%add3A_194, %dma_wait3A_213, %mul3A_212] : memref<96x85x4096xf32, #tpu.memory_space<hbm>> -> memref<1x85x256xf32, #tpu.memory_space<hbm>>
      %dma_wait3A_215 = tpu.memref_squeeze %dma_wait3A_214 : memref<1x85x256xf32, #tpu.memory_space<hbm>> -> memref<85x256xf32, #tpu.memory_space<hbm>>
      %dma_wait3A_216 = arith.constant 0 : i32
      %dma_wait3A_217 = tpu.memref_slice %arg2[%add3A_194, %dma_wait3A_216, %mul3A_212] : memref<96x85x4096xf32, #tpu.memory_space<hbm>> -> memref<1x85x256xf32, #tpu.memory_space<hbm>>
      %dma_wait3A_218 = tpu.memref_squeeze %dma_wait3A_217 : memref<1x85x256xf32, #tpu.memory_space<hbm>> -> memref<85x256xf32, #tpu.memory_space<hbm>>
      tpu.wait_dma2 semaphore(%arg14 : memref<!tpu.dma_semaphore, #tpu.memory_space<semaphore_mem>>) src(%dma_wait3A_218 : memref<85x256xf32, #tpu.memory_space<hbm>>) dst(%arg7 : memref<85x256xf32, #tpu.memory_space<vmem>>)
      %dma_wait3A_219 = arith.constant 0 : i32
      %dma_wait3A_220 = tpu.memref_slice %arg3[%add3A_194, %dma_wait3A_219, %mul3A_212] : memref<96x85x4096xf32, #tpu.memory_space<hbm>> -> memref<1x85x256xf32, #tpu.memory_space<hbm>>
      %dma_wait3A_221 = tpu.memref_squeeze %dma_wait3A_220 : memref<1x85x256xf32, #tpu.memory_space<hbm>> -> memref<85x256xf32, #tpu.memory_space<hbm>>
      %dma_wait3A_222 = arith.constant 0 : i32
      %dma_wait3A_223 = tpu.memref_slice %arg3[%add3A_194, %dma_wait3A_222, %mul3A_212] : memref<96x85x4096xf32, #tpu.memory_space<hbm>> -> memref<1x85x256xf32, #tpu.memory_space<hbm>>
      %dma_wait3A_224 = tpu.memref_squeeze %dma_wait3A_223 : memref<1x85x256xf32, #tpu.memory_space<hbm>> -> memref<85x256xf32, #tpu.memory_space<hbm>>
      tpu.wait_dma2 semaphore(%arg16 : memref<!tpu.dma_semaphore, #tpu.memory_space<semaphore_mem>>) src(%dma_wait3A_224 : memref<85x256xf32, #tpu.memory_space<hbm>>) dst(%arg9 : memref<85x256xf32, #tpu.memory_space<vmem>>)
      %dma_wait3A_225 = arith.constant 0 : i32
      %dma_wait3A_226 = tpu.memref_slice %arg4[%add3A_194, %dma_wait3A_225, %mul3A_212] : memref<96x1x4096xf32, #tpu.memory_space<hbm>> -> memref<1x1x256xf32, #tpu.memory_space<hbm>>
      %dma_wait3A_227 = tpu.memref_squeeze %dma_wait3A_226 : memref<1x1x256xf32, #tpu.memory_space<hbm>> -> memref<256xf32, #tpu.memory_space<hbm>>
      %dma_wait3A_228 = tpu.memref_slice %arg4[%add3A_194, %dma_wait3A_225, %mul3A_212] : memref<96x1x4096xf32, #tpu.memory_space<hbm>> -> memref<1x1x256xf32, #tpu.memory_space<hbm>>
      %dma_wait3A_229 = tpu.memref_squeeze %dma_wait3A_228 : memref<1x1x256xf32, #tpu.memory_space<hbm>> -> memref<256xf32, #tpu.memory_space<hbm>>
      tpu.wait_dma2 semaphore(%arg18 : memref<!tpu.dma_semaphore, #tpu.memory_space<semaphore_mem>>) src(%dma_wait3A_229 : memref<256xf32, #tpu.memory_space<hbm>>) dst(%arg11 : memref<256xf32, #tpu.memory_space<vmem>>)
      %add3A_230 = arith.constant 1 : i32
      %add3A_231 = arith.addi %add3A_167, %add3A_230 : i32
      %lt3A_232 = arith.constant 48 : i32
      %lt3A_233 = arith.cmpi slt, %add3A_231, %lt3A_232 : i32
      %convert_element_type3A = arith.extui %lt3A_233 : i1 to i32
      %cond3A = arith.constant 0 : i32
      %cond3A_234 = arith.cmpi ne, %convert_element_type3A, %cond3A : i32
      scf.if %cond3A_234 {
        %add3A_241 = arith.constant 1 : i32
        %add3A_242 = arith.addi %add3A_167, %add3A_241 : i32
        %mul3A_243 = arith.constant 3 : i32
        %mul3A_244 = arith.muli %add3A, %mul3A_243 : i32
        %jit3A_245 = arith.constant 16 : i32
        %div3A_246 = arith.divsi %add3A_242, %jit3A_245 : i32
        %sign3A_247 = arith.constant 0 : i32
        %sign3A_248 = arith.cmpi sgt, %add3A_242, %sign3A_247 : i32
        %sign3A_249 = arith.extui %sign3A_248 : i1 to i32
        %sign3A_250 = arith.constant 0 : i32
        %sign3A_251 = arith.cmpi slt, %add3A_242, %sign3A_250 : i32
        %sign3A_252 = arith.extui %sign3A_251 : i1 to i32
        %sign3A_253 = arith.subi %sign3A_249, %sign3A_252 : i32
        %sign3A_254 = arith.constant 0 : i32
        %sign3A_255 = arith.cmpi sgt, %jit3A_245, %sign3A_254 : i32
        %sign3A_256 = arith.extui %sign3A_255 : i1 to i32
        %sign3A_257 = arith.constant 0 : i32
        %sign3A_258 = arith.cmpi slt, %jit3A_245, %sign3A_257 : i32
        %sign3A_259 = arith.extui %sign3A_258 : i1 to i32
        %sign3A_260 = arith.subi %sign3A_256, %sign3A_259 : i32
        %ne3A_261 = arith.cmpi ne, %sign3A_253, %sign3A_260 : i32
        %rem3A_262 = arith.remsi %add3A_242, %jit3A_245 : i32
        %ne3A_263 = arith.constant 0 : i32
        %ne3A_264 = arith.cmpi ne, %rem3A_262, %ne3A_263 : i32
        %and3A_265 = arith.andi %ne3A_261, %ne3A_264 : i1
        %sub3A_266 = arith.constant 1 : i32
        %sub3A_267 = arith.subi %div3A_246, %sub3A_266 : i32
        %select_n3A_268 = arith.select %and3A_265, %sub3A_267, %div3A_246 : i32
        %add3A_269 = arith.addi %mul3A_244, %select_n3A_268 : i32
        %jit3A_270 = arith.constant 16 : i32
        %eq3A_271 = arith.constant 0 : i32
        %eq3A_272 = arith.cmpi eq, %jit3A_270, %eq3A_271 : i32
        %jit3A_273 = arith.constant 1 : i32
        %select_n3A_274 = arith.select %eq3A_272, %jit3A_273, %jit3A_270 : i32
        %rem3A_275 = arith.remsi %add3A_242, %select_n3A_274 : i32
        %ne3A_276 = arith.constant 0 : i32
        %ne3A_277 = arith.cmpi ne, %rem3A_275, %ne3A_276 : i32
        %lt3A_278 = arith.constant 0 : i32
        %lt3A_279 = arith.cmpi slt, %rem3A_275, %lt3A_278 : i32
        %lt3A_280 = arith.constant 0 : i32
        %lt3A_281 = arith.cmpi slt, %select_n3A_274, %lt3A_280 : i32
        %ne3A_282 = arith.xori %lt3A_279, %lt3A_281 : i1
        %and3A_283 = arith.andi %ne3A_282, %ne3A_277 : i1
        %add3A_284 = arith.addi %rem3A_275, %select_n3A_274 : i32
        %select_n3A_285 = arith.select %and3A_283, %add3A_284, %rem3A_275 : i32
        %mul3A_286 = arith.constant 256 : i32
        %mul3A_287 = arith.muli %select_n3A_285, %mul3A_286 : i32
        %dma_start3A_288 = arith.constant 0 : i32
        %dma_start3A_289 = tpu.memref_slice %arg2[%add3A_269, %dma_start3A_288, %mul3A_287] : memref<96x85x4096xf32, #tpu.memory_space<hbm>> -> memref<1x85x256xf32, #tpu.memory_space<hbm>>
        %dma_start3A_290 = tpu.memref_squeeze %dma_start3A_289 : memref<1x85x256xf32, #tpu.memory_space<hbm>> -> memref<85x256xf32, #tpu.memory_space<hbm>>
        %dma_start3A_291 = arith.constant 0 : i32
        %dma_start3A_292 = tpu.memref_slice %arg2[%add3A_269, %dma_start3A_291, %mul3A_287] : memref<96x85x4096xf32, #tpu.memory_space<hbm>> -> memref<1x85x256xf32, #tpu.memory_space<hbm>>
        %dma_start3A_293 = tpu.memref_squeeze %dma_start3A_292 : memref<1x85x256xf32, #tpu.memory_space<hbm>> -> memref<85x256xf32, #tpu.memory_space<hbm>>
        tpu.enqueue_dma source(%dma_start3A_293 : memref<85x256xf32, #tpu.memory_space<hbm>>) target(%arg6 : memref<85x256xf32, #tpu.memory_space<vmem>>) target_semaphore(%arg13 : memref<!tpu.dma_semaphore, #tpu.memory_space<semaphore_mem>>)
        %dma_start3A_294 = arith.constant 0 : i32
        %dma_start3A_295 = tpu.memref_slice %arg3[%add3A_269, %dma_start3A_294, %mul3A_287] : memref<96x85x4096xf32, #tpu.memory_space<hbm>> -> memref<1x85x256xf32, #tpu.memory_space<hbm>>
        %dma_start3A_296 = tpu.memref_squeeze %dma_start3A_295 : memref<1x85x256xf32, #tpu.memory_space<hbm>> -> memref<85x256xf32, #tpu.memory_space<hbm>>
        %dma_start3A_297 = arith.constant 0 : i32
        %dma_start3A_298 = tpu.memref_slice %arg3[%add3A_269, %dma_start3A_297, %mul3A_287] : memref<96x85x4096xf32, #tpu.memory_space<hbm>> -> memref<1x85x256xf32, #tpu.memory_space<hbm>>
        %dma_start3A_299 = tpu.memref_squeeze %dma_start3A_298 : memref<1x85x256xf32, #tpu.memory_space<hbm>> -> memref<85x256xf32, #tpu.memory_space<hbm>>
        tpu.enqueue_dma source(%dma_start3A_299 : memref<85x256xf32, #tpu.memory_space<hbm>>) target(%arg8 : memref<85x256xf32, #tpu.memory_space<vmem>>) target_semaphore(%arg15 : memref<!tpu.dma_semaphore, #tpu.memory_space<semaphore_mem>>)
        %dma_start3A_300 = arith.constant 0 : i32
        %dma_start3A_301 = tpu.memref_slice %arg4[%add3A_269, %dma_start3A_300, %mul3A_287] : memref<96x1x4096xf32, #tpu.memory_space<hbm>> -> memref<1x1x256xf32, #tpu.memory_space<hbm>>
        %dma_start3A_302 = tpu.memref_squeeze %dma_start3A_301 : memref<1x1x256xf32, #tpu.memory_space<hbm>> -> memref<256xf32, #tpu.memory_space<hbm>>
        %dma_start3A_303 = tpu.memref_slice %arg4[%add3A_269, %dma_start3A_300, %mul3A_287] : memref<96x1x4096xf32, #tpu.memory_space<hbm>> -> memref<1x1x256xf32, #tpu.memory_space<hbm>>
        %dma_start3A_304 = tpu.memref_squeeze %dma_start3A_303 : memref<1x1x256xf32, #tpu.memory_space<hbm>> -> memref<256xf32, #tpu.memory_space<hbm>>
        tpu.enqueue_dma source(%dma_start3A_304 : memref<256xf32, #tpu.memory_space<hbm>>) target(%arg10 : memref<256xf32, #tpu.memory_space<vmem>>) target_semaphore(%arg17 : memref<!tpu.dma_semaphore, #tpu.memory_space<semaphore_mem>>)
      } else {
      }
      %scan3A_235 = arith.constant 0 : i32
      %scan3A_236 = arith.constant 16 : i32
      %scan3A_237 = arith.addi %scan3A_235, %scan3A_236 : i32
      %scan3A_238 = arith.constant 1 : i32
      %scan3A_239:3 = scf.for %scan3A_241 = %scan3A_235 to %scan3A_237 step %scan3A_238 iter_args(%scan3A_242 = %scan3A_164#0, %scan3A_243 = %scan3A_164#1, %scan3A_244 = %scan3A_164#2) -> (vector<16xf32>, vector<16xf32>, vector<16xf32>)  : i32 {
        %mul3A_245 = arith.constant 16 : i32
        %mul3A_246 = arith.muli %scan3A_241, %mul3A_245 : i32
        %add3A_247 = vector.broadcast %mul3A_246 : i32 to vector<16xi32>
        %add3A_248 = arith.addi %add3A_247, %iota3A : vector<16xi32>
        %get3A = arith.constant 0 : i32
        %get3A_249 = arith.index_cast %get3A : i32 to index
        %get3A_250 = arith.index_cast %mul3A_246 : i32 to index
        %get3A_251 = tpu.vector_load %arg7[%get3A_249, %get3A_250] {strides = array<i32>} : memref<85x256xf32, #tpu.memory_space<vmem>>, vector<16xf32>,
        %get3A_252 = arith.constant 1 : i32
        %get3A_253 = arith.index_cast %get3A_252 : i32 to index
        %get3A_254 = arith.index_cast %mul3A_246 : i32 to index
        %get3A_255 = tpu.vector_load %arg7[%get3A_253, %get3A_254] {strides = array<i32>} : memref<85x256xf32, #tpu.memory_space<vmem>>, vector<16xf32>,
        %get3A_256 = arith.constant 2 : i32
        %get3A_257 = arith.index_cast %get3A_256 : i32 to index
        %get3A_258 = arith.index_cast %mul3A_246 : i32 to index
        %get3A_259 = tpu.vector_load %arg7[%get3A_257, %get3A_258] {strides = array<i32>} : memref<85x256xf32, #tpu.memory_space<vmem>>, vector<16xf32>,
        %get3A_260 = arith.constant 3 : i32
        %get3A_261 = arith.index_cast %get3A_260 : i32 to index
        %get3A_262 = arith.index_cast %mul3A_246 : i32 to index
        %get3A_263 = tpu.vector_load %arg7[%get3A_261, %get3A_262] {strides = array<i32>} : memref<85x256xf32, #tpu.memory_space<vmem>>, vector<16xf32>,
        %get3A_264 = arith.constant 4 : i32
        %get3A_265 = arith.index_cast %get3A_264 : i32 to index
        %get3A_266 = arith.index_cast %mul3A_246 : i32 to index
        %get3A_267 = tpu.vector_load %arg7[%get3A_265, %get3A_266] {strides = array<i32>} : memref<85x256xf32, #tpu.memory_space<vmem>>, vector<16xf32>,
        %get3A_268 = arith.constant 0 : i32
        %get3A_269 = arith.index_cast %get3A_268 : i32 to index
        %get3A_270 = arith.index_cast %mul3A_246 : i32 to index
        %get3A_271 = tpu.vector_load %arg9[%get3A_269, %get3A_270] {strides = array<i32>} : memref<85x256xf32, #tpu.memory_space<vmem>>, vector<16xf32>,
        %get3A_272 = arith.constant 1 : i32
        %get3A_273 = arith.index_cast %get3A_272 : i32 to index
        %get3A_274 = arith.index_cast %mul3A_246 : i32 to index
        %get3A_275 = tpu.vector_load %arg9[%get3A_273, %get3A_274] {strides = array<i32>} : memref<85x256xf32, #tpu.memory_space<vmem>>, vector<16xf32>,
        %get3A_276 = arith.constant 2 : i32
        %get3A_277 = arith.index_cast %get3A_276 : i32 to index
        %get3A_278 = arith.index_cast %mul3A_246 : i32 to index
        %get3A_279 = tpu.vector_load %arg9[%get3A_277, %get3A_278] {strides = array<i32>} : memref<85x256xf32, #tpu.memory_space<vmem>>, vector<16xf32>,
        %get3A_280 = arith.constant 3 : i32
        %get3A_281 = arith.index_cast %get3A_280 : i32 to index
        %get3A_282 = arith.index_cast %mul3A_246 : i32 to index
        %get3A_283 = tpu.vector_load %arg9[%get3A_281, %get3A_282] {strides = array<i32>} : memref<85x256xf32, #tpu.memory_space<vmem>>, vector<16xf32>,
        %get3A_284 = arith.constant 4 : i32
        %get3A_285 = arith.index_cast %get3A_284 : i32 to index
        %get3A_286 = arith.index_cast %mul3A_246 : i32 to index
        %get3A_287 = tpu.vector_load %arg9[%get3A_285, %get3A_286] {strides = array<i32>} : memref<85x256xf32, #tpu.memory_space<vmem>>, vector<16xf32>,
        %neg3A = arith.constant 0.000000e+00 : f32
        %neg3A_288 = vector.broadcast %neg3A : f32 to vector<16xf32>
        %neg3A_289 = arith.subf %neg3A_288, %get3A_251 : vector<16xf32>
        %exp3A = math.exp %neg3A_289 : vector<16xf32>
        %add3A_290 = arith.constant 1.000000e+00 : f32
        %add3A_291 = vector.broadcast %add3A_290 : f32 to vector<16xf32>
        %add3A_292 = arith.addf %add3A_291, %exp3A : vector<16xf32>
        %div3A_293 = arith.constant 1.000000e+00 : f32
        %div3A_294 = vector.broadcast %div3A_293 : f32 to vector<16xf32>
        %div3A_295 = arith.divf %div3A_294, %add3A_292 : vector<16xf32>
        %neg3A_296 = arith.constant 0.000000e+00 : f32
        %neg3A_297 = vector.broadcast %neg3A_296 : f32 to vector<16xf32>
        %neg3A_298 = arith.subf %neg3A_297, %get3A_255 : vector<16xf32>
        %exp3A_299 = math.exp %neg3A_298 : vector<16xf32>
        %add3A_300 = arith.constant 1.000000e+00 : f32
        %add3A_301 = vector.broadcast %add3A_300 : f32 to vector<16xf32>
        %add3A_302 = arith.addf %add3A_301, %exp3A_299 : vector<16xf32>
        %div3A_303 = arith.constant 1.000000e+00 : f32
        %div3A_304 = vector.broadcast %div3A_303 : f32 to vector<16xf32>
        %div3A_305 = arith.divf %div3A_304, %add3A_302 : vector<16xf32>
        %sub3A_306 = arith.subf %div3A_295, %get3A_271 : vector<16xf32>
        %sub3A_307 = arith.subf %div3A_305, %get3A_275 : vector<16xf32>
        %sub3A_308 = arith.subf %get3A_259, %get3A_279 : vector<16xf32>
        %sub3A_309 = arith.subf %get3A_263, %get3A_283 : vector<16xf32>
        %mul3A_310 = arith.mulf %sub3A_306, %sub3A_306 : vector<16xf32>
        %mul3A_311 = arith.mulf %sub3A_307, %sub3A_307 : vector<16xf32>
        %add3A_312 = arith.addf %mul3A_310, %mul3A_311 : vector<16xf32>
        %mul3A_313 = arith.mulf %sub3A_308, %sub3A_308 : vector<16xf32>
        %add3A_314 = arith.addf %add3A_312, %mul3A_313 : vector<16xf32>
        %mul3A_315 = arith.mulf %sub3A_309, %sub3A_309 : vector<16xf32>
        %add3A_316 = arith.addf %add3A_314, %mul3A_315 : vector<16xf32>
        %mul3A_317 = arith.mulf %get3A_287, %add3A_316 : vector<16xf32>
        %add3A_318 = arith.addf %scan3A_242, %mul3A_317 : vector<16xf32>
        %abs3A = math.absf %get3A_267 : vector<16xf32>
        %add3A_319 = arith.addf %get3A_267, %abs3A : vector<16xf32>
        %mul3A_320 = arith.constant 5.000000e-01 : f32
        %mul3A_321 = vector.broadcast %mul3A_320 : f32 to vector<16xf32>
        %mul3A_322 = arith.mulf %mul3A_321, %add3A_319 : vector<16xf32>
        %neg3A_323 = arith.constant 0.000000e+00 : f32
        %neg3A_324 = vector.broadcast %neg3A_323 : f32 to vector<16xf32>
        %neg3A_325 = arith.subf %neg3A_324, %abs3A : vector<16xf32>
        %exp3A_326 = math.exp %neg3A_325 : vector<16xf32>
        %add3A_327 = arith.constant 1.000000e+00 : f32
        %add3A_328 = vector.broadcast %add3A_327 : f32 to vector<16xf32>
        %add3A_329 = arith.addf %add3A_328, %exp3A_326 : vector<16xf32>
        %bitcast3A = vector.bitcast %add3A_329 : vector<16xf32> to vector<16xi32>
        %shift_right_arithmetic3A = arith.constant 23 : i32
        %shift_right_arithmetic3A_330 = vector.broadcast %shift_right_arithmetic3A : i32 to vector<16xi32>
        %shift_right_arithmetic3A_331 = arith.shrsi %bitcast3A, %shift_right_arithmetic3A_330 : vector<16xi32>
        %sub3A_332 = arith.constant 127 : i32
        %sub3A_333 = vector.broadcast %sub3A_332 : i32 to vector<16xi32>
        %sub3A_334 = arith.subi %shift_right_arithmetic3A_331, %sub3A_333 : vector<16xi32>
        %and3A_335 = arith.constant 8388607 : i32
        %and3A_336 = vector.broadcast %and3A_335 : i32 to vector<16xi32>
        %and3A_337 = arith.andi %bitcast3A, %and3A_336 : vector<16xi32>
        %or3A = arith.constant 1065353216 : i32
        %or3A_338 = vector.broadcast %or3A : i32 to vector<16xi32>
        %or3A_339 = arith.ori %and3A_337, %or3A_338 : vector<16xi32>
        %bitcast3A_340 = vector.bitcast %or3A_339 : vector<16xi32> to vector<16xf32>
        %gt3A = arith.constant 1.41421354 : f32
        %gt3A_341 = vector.broadcast %gt3A : f32 to vector<16xf32>
        %gt3A_342 = arith.cmpf ogt, %bitcast3A_340, %gt3A_341 : vector<16xf32>
        %mul3A_343 = arith.constant 5.000000e-01 : f32
        %mul3A_344 = vector.broadcast %mul3A_343 : f32 to vector<16xf32>
        %mul3A_345 = arith.mulf %mul3A_344, %bitcast3A_340 : vector<16xf32>
        %select_n3A_346 = arith.select %gt3A_342, %mul3A_345, %bitcast3A_340 : vector<16xi1>, vector<16xf32>
        %convert_element_type3A_347 = arith.extui %gt3A_342 : vector<16xi1> to vector<16xi32>
        %add3A_348 = arith.addi %sub3A_334, %convert_element_type3A_347 : vector<16xi32>
        %convert_element_type3A_349 = arith.sitofp %add3A_348 : vector<16xi32> to vector<16xf32>
        %sub3A_350 = arith.constant 1.000000e+00 : f32
        %sub3A_351 = vector.broadcast %sub3A_350 : f32 to vector<16xf32>
        %sub3A_352 = arith.subf %select_n3A_346, %sub3A_351 : vector<16xf32>
        %add3A_353 = arith.constant 2.000000e+00 : f32
        %add3A_354 = vector.broadcast %add3A_353 : f32 to vector<16xf32>
        %add3A_355 = arith.addf %sub3A_352, %add3A_354 : vector<16xf32>
        %div3A_356 = arith.divf %sub3A_352, %add3A_355 : vector<16xf32>
        %mul3A_357 = arith.mulf %div3A_356, %div3A_356 : vector<16xf32>
        %mul3A_358 = arith.constant 0.142857149 : f32
        %mul3A_359 = vector.broadcast %mul3A_358 : f32 to vector<16xf32>
        %mul3A_360 = arith.mulf %mul3A_357, %mul3A_359 : vector<16xf32>
        %add3A_361 = arith.constant 2.000000e-01 : f32
        %add3A_362 = vector.broadcast %add3A_361 : f32 to vector<16xf32>
        %add3A_363 = arith.addf %add3A_362, %mul3A_360 : vector<16xf32>
        %mul3A_364 = arith.mulf %mul3A_357, %add3A_363 : vector<16xf32>
        %add3A_365 = arith.constant 0.333333343 : f32
        %add3A_366 = vector.broadcast %add3A_365 : f32 to vector<16xf32>
        %add3A_367 = arith.addf %add3A_366, %mul3A_364 : vector<16xf32>
        %mul3A_368 = arith.mulf %mul3A_357, %add3A_367 : vector<16xf32>
        %add3A_369 = arith.constant 1.000000e+00 : f32
        %add3A_370 = vector.broadcast %add3A_369 : f32 to vector<16xf32>
        %add3A_371 = arith.addf %add3A_370, %mul3A_368 : vector<16xf32>
        %mul3A_372 = arith.constant 0.693147182 : f32
        %mul3A_373 = vector.broadcast %mul3A_372 : f32 to vector<16xf32>
        %mul3A_374 = arith.mulf %convert_element_type3A_349, %mul3A_373 : vector<16xf32>
        %mul3A_375 = arith.constant 2.000000e+00 : f32
        %mul3A_376 = vector.broadcast %mul3A_375 : f32 to vector<16xf32>
        %mul3A_377 = arith.mulf %mul3A_376, %div3A_356 : vector<16xf32>
        %mul3A_378 = arith.mulf %mul3A_377, %add3A_371 : vector<16xf32>
        %add3A_379 = arith.addf %mul3A_374, %mul3A_378 : vector<16xf32>
        %add3A_380 = arith.addf %mul3A_322, %add3A_379 : vector<16xf32>
        %mul3A_381 = arith.constant 5.000000e-01 : f32
        %mul3A_382 = vector.broadcast %mul3A_381 : f32 to vector<16xf32>
        %mul3A_383 = arith.mulf %mul3A_382, %get3A_287 : vector<16xf32>
        %add3A_384 = arith.constant 5.000000e-01 : f32
        %add3A_385 = vector.broadcast %add3A_384 : f32 to vector<16xf32>
        %add3A_386 = arith.addf %add3A_385, %mul3A_383 : vector<16xf32>
        %mul3A_387 = arith.mulf %add3A_386, %add3A_380 : vector<16xf32>
        %add3A_388 = arith.addf %scan3A_243, %mul3A_387 : vector<16xf32>
        %mul3A_389 = arith.mulf %get3A_287, %get3A_267 : vector<16xf32>
        %sub3A_390 = arith.subf %add3A_388, %mul3A_389 : vector<16xf32>
        %get3A_391 = arith.index_cast %mul3A_246 : i32 to index
        %get3A_392 = tpu.vector_load %arg11[%get3A_391] {strides = array<i32>} : memref<256xf32, #tpu.memory_space<vmem>>, vector<16xf32>,
        %broadcast_in_dim3A_393 = arith.constant 0.000000e+00 : f32
        %broadcast_in_dim3A_394 = vector.broadcast %broadcast_in_dim3A_393 : f32 to vector<16xf32>
        %broadcast_in_dim3A_395 = arith.constant 0.000000e+00 : f32
        %broadcast_in_dim3A_396 = vector.broadcast %broadcast_in_dim3A_395 : f32 to vector<16xf32>
        %broadcast_in_dim3A_397 = arith.constant 0.000000e+00 : f32
        %broadcast_in_dim3A_398 = vector.broadcast %broadcast_in_dim3A_397 : f32 to vector<16xf32>
        %broadcast_in_dim3A_399 = arith.constant 0.000000e+00 : f32
        %broadcast_in_dim3A_400 = vector.broadcast %broadcast_in_dim3A_399 : f32 to vector<16xf32>
        %broadcast_in_dim3A_401 = arith.constant 1.000000e+03 : f32
        %broadcast_in_dim3A_402 = vector.broadcast %broadcast_in_dim3A_401 : f32 to vector<16xf32>
        %broadcast_in_dim3A_403 = arith.constant 1.000000e+03 : f32
        %broadcast_in_dim3A_404 = vector.broadcast %broadcast_in_dim3A_403 : f32 to vector<16xf32>
        %broadcast_in_dim3A_405 = arith.constant 1.000000e+03 : f32
        %broadcast_in_dim3A_406 = vector.broadcast %broadcast_in_dim3A_405 : f32 to vector<16xf32>
        %broadcast_in_dim3A_407 = arith.constant 1.000000e+03 : f32
        %broadcast_in_dim3A_408 = vector.broadcast %broadcast_in_dim3A_407 : f32 to vector<16xf32>
        %get3A_409 = arith.constant 5 : i32
        %get3A_410 = arith.index_cast %get3A_409 : i32 to index
        %get3A_411 = arith.index_cast %mul3A_246 : i32 to index
        %get3A_412 = tpu.vector_load %arg7[%get3A_410, %get3A_411] {strides = array<i32>} : memref<85x256xf32, #tpu.memory_space<vmem>>, vector<16xf32>,
        %get3A_413 = arith.constant 5 : i32
        %get3A_414 = arith.index_cast %get3A_413 : i32 to index
        %get3A_415 = arith.index_cast %mul3A_246 : i32 to index
        %get3A_416 = tpu.vector_load %arg9[%get3A_414, %get3A_415] {strides = array<i32>} : memref<85x256xf32, #tpu.memory_space<vmem>>, vector<16xf32>,
        %sub3A_417 = arith.subf %get3A_412, %get3A_392 : vector<16xf32>
        %exp3A_418 = math.exp %sub3A_417 : vector<16xf32>
        %add3A_419 = arith.addf %broadcast_in_dim3A_394, %exp3A_418 : vector<16xf32>
        %sub3A_420 = arith.constant 1.000000e+00 : f32
        %sub3A_421 = vector.broadcast %sub3A_420 : f32 to vector<16xf32>
        %sub3A_422 = arith.subf %sub3A_421, %get3A_416 : vector<16xf32>
        %mul3A_423 = arith.constant 1.000000e+03 : f32
        %mul3A_424 = vector.broadcast %mul3A_423 : f32 to vector<16xf32>
        %mul3A_425 = arith.mulf %sub3A_422, %mul3A_424 : vector<16xf32>
        %add3A_426 = arith.constant 0.000000e+00 : f32
        %add3A_427 = vector.broadcast %add3A_426 : f32 to vector<16xf32>
        %add3A_428 = arith.addf %mul3A_425, %add3A_427 : vector<16xf32>
        %min3A = arith.minimumf %broadcast_in_dim3A_402, %add3A_428 : vector<16xf32>
        %get3A_429 = arith.constant 6 : i32
        %get3A_430 = arith.index_cast %get3A_429 : i32 to index
        %get3A_431 = arith.index_cast %mul3A_246 : i32 to index
        %get3A_432 = tpu.vector_load %arg7[%get3A_430, %get3A_431] {strides = array<i32>} : memref<85x256xf32, #tpu.memory_space<vmem>>, vector<16xf32>,
        %get3A_433 = arith.constant 6 : i32
        %get3A_434 = arith.index_cast %get3A_433 : i32 to index
        %get3A_435 = arith.index_cast %mul3A_246 : i32 to index
        %get3A_436 = tpu.vector_load %arg9[%get3A_434, %get3A_435] {strides = array<i32>} : memref<85x256xf32, #tpu.memory_space<vmem>>, vector<16xf32>,
        %sub3A_437 = arith.subf %get3A_432, %get3A_392 : vector<16xf32>
        %exp3A_438 = math.exp %sub3A_437 : vector<16xf32>
        %add3A_439 = arith.addf %broadcast_in_dim3A_396, %exp3A_438 : vector<16xf32>
        %sub3A_440 = arith.constant 1.000000e+00 : f32
        %sub3A_441 = vector.broadcast %sub3A_440 : f32 to vector<16xf32>
        %sub3A_442 = arith.subf %sub3A_441, %get3A_436 : vector<16xf32>
        %mul3A_443 = arith.constant 1.000000e+03 : f32
        %mul3A_444 = vector.broadcast %mul3A_443 : f32 to vector<16xf32>
        %mul3A_445 = arith.mulf %sub3A_442, %mul3A_444 : vector<16xf32>
        %add3A_446 = arith.constant 1.000000e+00 : f32
        %add3A_447 = vector.broadcast %add3A_446 : f32 to vector<16xf32>
        %add3A_448 = arith.addf %mul3A_445, %add3A_447 : vector<16xf32>
        %min3A_449 = arith.minimumf %broadcast_in_dim3A_404, %add3A_448 : vector<16xf32>
        %get3A_450 = arith.constant 7 : i32
        %get3A_451 = arith.index_cast %get3A_450 : i32 to index
        %get3A_452 = arith.index_cast %mul3A_246 : i32 to index
        %get3A_453 = tpu.vector_load %arg7[%get3A_451, %get3A_452] {strides = array<i32>} : memref<85x256xf32, #tpu.memory_space<vmem>>, vector<16xf32>,
        %get3A_454 = arith.constant 7 : i32
        %get3A_455 = arith.index_cast %get3A_454 : i32 to index
        %get3A_456 = arith.index_cast %mul3A_246 : i32 to index
        %get3A_457 = tpu.vector_load %arg9[%get3A_455, %get3A_456] {strides = array<i32>} : memref<85x256xf32, #tpu.memory_space<vmem>>, vector<16xf32>,
        %sub3A_458 = arith.subf %get3A_453, %get3A_392 : vector<16xf32>
        %exp3A_459 = math.exp %sub3A_458 : vector<16xf32>
        %add3A_460 = arith.addf %broadcast_in_dim3A_398, %exp3A_459 : vector<16xf32>
        %sub3A_461 = arith.constant 1.000000e+00 : f32
        %sub3A_462 = vector.broadcast %sub3A_461 : f32 to vector<16xf32>
        %sub3A_463 = arith.subf %sub3A_462, %get3A_457 : vector<16xf32>
        %mul3A_464 = arith.constant 1.000000e+03 : f32
        %mul3A_465 = vector.broadcast %mul3A_464 : f32 to vector<16xf32>
        %mul3A_466 = arith.mulf %sub3A_463, %mul3A_465 : vector<16xf32>
        %add3A_467 = arith.constant 2.000000e+00 : f32
        %add3A_468 = vector.broadcast %add3A_467 : f32 to vector<16xf32>
        %add3A_469 = arith.addf %mul3A_466, %add3A_468 : vector<16xf32>
        %min3A_470 = arith.minimumf %broadcast_in_dim3A_406, %add3A_469 : vector<16xf32>
        %get3A_471 = arith.constant 8 : i32
        %get3A_472 = arith.index_cast %get3A_471 : i32 to index
        %get3A_473 = arith.index_cast %mul3A_246 : i32 to index
        %get3A_474 = tpu.vector_load %arg7[%get3A_472, %get3A_473] {strides = array<i32>} : memref<85x256xf32, #tpu.memory_space<vmem>>, vector<16xf32>,
        %get3A_475 = arith.constant 8 : i32
        %get3A_476 = arith.index_cast %get3A_475 : i32 to index
        %get3A_477 = arith.index_cast %mul3A_246 : i32 to index
        %get3A_478 = tpu.vector_load %arg9[%get3A_476, %get3A_477] {strides = array<i32>} : memref<85x256xf32, #tpu.memory_space<vmem>>, vector<16xf32>,
        %sub3A_479 = arith.subf %get3A_474, %get3A_392 : vector<16xf32>
        %exp3A_480 = math.exp %sub3A_479 : vector<16xf32>
        %add3A_481 = arith.addf %broadcast_in_dim3A_400, %exp3A_480 : vector<16xf32>
        %sub3A_482 = arith.constant 1.000000e+00 : f32
        %sub3A_483 = vector.broadcast %sub3A_482 : f32 to vector<16xf32>
        %sub3A_484 = arith.subf %sub3A_483, %get3A_478 : vector<16xf32>
        %mul3A_485 = arith.constant 1.000000e+03 : f32
        %mul3A_486 = vector.broadcast %mul3A_485 : f32 to vector<16xf32>
        %mul3A_487 = arith.mulf %sub3A_484, %mul3A_486 : vector<16xf32>
        %add3A_488 = arith.constant 3.000000e+00 : f32
        %add3A_489 = vector.broadcast %add3A_488 : f32 to vector<16xf32>
        %add3A_490 = arith.addf %mul3A_487, %add3A_489 : vector<16xf32>
        %min3A_491 = arith.minimumf %broadcast_in_dim3A_408, %add3A_490 : vector<16xf32>
        %get3A_492 = arith.constant 9 : i32
        %get3A_493 = arith.index_cast %get3A_492 : i32 to index
        %get3A_494 = arith.index_cast %mul3A_246 : i32 to index
        %get3A_495 = tpu.vector_load %arg7[%get3A_493, %get3A_494] {strides = array<i32>} : memref<85x256xf32, #tpu.memory_space<vmem>>, vector<16xf32>,
        %get3A_496 = arith.constant 9 : i32
        %get3A_497 = arith.index_cast %get3A_496 : i32 to index
        %get3A_498 = arith.index_cast %mul3A_246 : i32 to index
        %get3A_499 = tpu.vector_load %arg9[%get3A_497, %get3A_498] {strides = array<i32>} : memref<85x256xf32, #tpu.memory_space<vmem>>, vector<16xf32>,
        %sub3A_500 = arith.subf %get3A_495, %get3A_392 : vector<16xf32>
        %exp3A_501 = math.exp %sub3A_500 : vector<16xf32>
        %add3A_502 = arith.addf %add3A_419, %exp3A_501 : vector<16xf32>
        %sub3A_503 = arith.constant 1.000000e+00 : f32
        %sub3A_504 = vector.broadcast %sub3A_503 : f32 to vector<16xf32>
        %sub3A_505 = arith.subf %sub3A_504, %get3A_499 : vector<16xf32>
        %mul3A_506 = arith.constant 1.000000e+03 : f32
        %mul3A_507 = vector.broadcast %mul3A_506 : f32 to vector<16xf32>
        %mul3A_508 = arith.mulf %sub3A_505, %mul3A_507 : vector<16xf32>
        %add3A_509 = arith.constant 4.000000e+00 : f32
        %add3A_510 = vector.broadcast %add3A_509 : f32 to vector<16xf32>
        %add3A_511 = arith.addf %mul3A_508, %add3A_510 : vector<16xf32>
        %min3A_512 = arith.minimumf %min3A, %add3A_511 : vector<16xf32>
        %get3A_513 = arith.constant 10 : i32
        %get3A_514 = arith.index_cast %get3A_513 : i32 to index
        %get3A_515 = arith.index_cast %mul3A_246 : i32 to index
        %get3A_516 = tpu.vector_load %arg7[%get3A_514, %get3A_515] {strides = array<i32>} : memref<85x256xf32, #tpu.memory_space<vmem>>, vector<16xf32>,
        %get3A_517 = arith.constant 10 : i32
        %get3A_518 = arith.index_cast %get3A_517 : i32 to index
        %get3A_519 = arith.index_cast %mul3A_246 : i32 to index
        %get3A_520 = tpu.vector_load %arg9[%get3A_518, %get3A_519] {strides = array<i32>} : memref<85x256xf32, #tpu.memory_space<vmem>>, vector<16xf32>,
        %sub3A_521 = arith.subf %get3A_516, %get3A_392 : vector<16xf32>
        %exp3A_522 = math.exp %sub3A_521 : vector<16xf32>
        %add3A_523 = arith.addf %add3A_439, %exp3A_522 : vector<16xf32>
        %sub3A_524 = arith.constant 1.000000e+00 : f32
        %sub3A_525 = vector.broadcast %sub3A_524 : f32 to vector<16xf32>
        %sub3A_526 = arith.subf %sub3A_525, %get3A_520 : vector<16xf32>
        %mul3A_527 = arith.constant 1.000000e+03 : f32
        %mul3A_528 = vector.broadcast %mul3A_527 : f32 to vector<16xf32>
        %mul3A_529 = arith.mulf %sub3A_526, %mul3A_528 : vector<16xf32>
        %add3A_530 = arith.constant 5.000000e+00 : f32
        %add3A_531 = vector.broadcast %add3A_530 : f32 to vector<16xf32>
        %add3A_532 = arith.addf %mul3A_529, %add3A_531 : vector<16xf32>
        %min3A_533 = arith.minimumf %min3A_449, %add3A_532 : vector<16xf32>
        %get3A_534 = arith.constant 11 : i32
        %get3A_535 = arith.index_cast %get3A_534 : i32 to index
        %get3A_536 = arith.index_cast %mul3A_246 : i32 to index
        %get3A_537 = tpu.vector_load %arg7[%get3A_535, %get3A_536] {strides = array<i32>} : memref<85x256xf32, #tpu.memory_space<vmem>>, vector<16xf32>,
        %get3A_538 = arith.constant 11 : i32
        %get3A_539 = arith.index_cast %get3A_538 : i32 to index
        %get3A_540 = arith.index_cast %mul3A_246 : i32 to index
        %get3A_541 = tpu.vector_load %arg9[%get3A_539, %get3A_540] {strides = array<i32>} : memref<85x256xf32, #tpu.memory_space<vmem>>, vector<16xf32>,
        %sub3A_542 = arith.subf %get3A_537, %get3A_392 : vector<16xf32>
        %exp3A_543 = math.exp %sub3A_542 : vector<16xf32>
        %add3A_544 = arith.addf %add3A_460, %exp3A_543 : vector<16xf32>
        %sub3A_545 = arith.constant 1.000000e+00 : f32
        %sub3A_546 = vector.broadcast %sub3A_545 : f32 to vector<16xf32>
        %sub3A_547 = arith.subf %sub3A_546, %get3A_541 : vector<16xf32>
        %mul3A_548 = arith.constant 1.000000e+03 : f32
        %mul3A_549 = vector.broadcast %mul3A_548 : f32 to vector<16xf32>
        %mul3A_550 = arith.mulf %sub3A_547, %mul3A_549 : vector<16xf32>
        %add3A_551 = arith.constant 6.000000e+00 : f32
        %add3A_552 = vector.broadcast %add3A_551 : f32 to vector<16xf32>
        %add3A_553 = arith.addf %mul3A_550, %add3A_552 : vector<16xf32>
        %min3A_554 = arith.minimumf %min3A_470, %add3A_553 : vector<16xf32>
        %get3A_555 = arith.constant 12 : i32
        %get3A_556 = arith.index_cast %get3A_555 : i32 to index
        %get3A_557 = arith.index_cast %mul3A_246 : i32 to index
        %get3A_558 = tpu.vector_load %arg7[%get3A_556, %get3A_557] {strides = array<i32>} : memref<85x256xf32, #tpu.memory_space<vmem>>, vector<16xf32>,
        %get3A_559 = arith.constant 12 : i32
        %get3A_560 = arith.index_cast %get3A_559 : i32 to index
        %get3A_561 = arith.index_cast %mul3A_246 : i32 to index
        %get3A_562 = tpu.vector_load %arg9[%get3A_560, %get3A_561] {strides = array<i32>} : memref<85x256xf32, #tpu.memory_space<vmem>>, vector<16xf32>,
        %sub3A_563 = arith.subf %get3A_558, %get3A_392 : vector<16xf32>
        %exp3A_564 = math.exp %sub3A_563 : vector<16xf32>
        %add3A_565 = arith.addf %add3A_481, %exp3A_564 : vector<16xf32>
        %sub3A_566 = arith.constant 1.000000e+00 : f32
        %sub3A_567 = vector.broadcast %sub3A_566 : f32 to vector<16xf32>
        %sub3A_568 = arith.subf %sub3A_567, %get3A_562 : vector<16xf32>
        %mul3A_569 = arith.constant 1.000000e+03 : f32
        %mul3A_570 = vector.broadcast %mul3A_569 : f32 to vector<16xf32>
        %mul3A_571 = arith.mulf %sub3A_568, %mul3A_570 : vector<16xf32>
        %add3A_572 = arith.constant 7.000000e+00 : f32
        %add3A_573 = vector.broadcast %add3A_572 : f32 to vector<16xf32>
        %add3A_574 = arith.addf %mul3A_571, %add3A_573 : vector<16xf32>
        %min3A_575 = arith.minimumf %min3A_491, %add3A_574 : vector<16xf32>
        %get3A_576 = arith.constant 13 : i32
        %get3A_577 = arith.index_cast %get3A_576 : i32 to index
        %get3A_578 = arith.index_cast %mul3A_246 : i32 to index
        %get3A_579 = tpu.vector_load %arg7[%get3A_577, %get3A_578] {strides = array<i32>} : memref<85x256xf32, #tpu.memory_space<vmem>>, vector<16xf32>,
        %get3A_580 = arith.constant 13 : i32
        %get3A_581 = arith.index_cast %get3A_580 : i32 to index
        %get3A_582 = arith.index_cast %mul3A_246 : i32 to index
        %get3A_583 = tpu.vector_load %arg9[%get3A_581, %get3A_582] {strides = array<i32>} : memref<85x256xf32, #tpu.memory_space<vmem>>, vector<16xf32>,
        %sub3A_584 = arith.subf %get3A_579, %get3A_392 : vector<16xf32>
        %exp3A_585 = math.exp %sub3A_584 : vector<16xf32>
        %add3A_586 = arith.addf %add3A_502, %exp3A_585 : vector<16xf32>
        %sub3A_587 = arith.constant 1.000000e+00 : f32
        %sub3A_588 = vector.broadcast %sub3A_587 : f32 to vector<16xf32>
        %sub3A_589 = arith.subf %sub3A_588, %get3A_583 : vector<16xf32>
        %mul3A_590 = arith.constant 1.000000e+03 : f32
        %mul3A_591 = vector.broadcast %mul3A_590 : f32 to vector<16xf32>
        %mul3A_592 = arith.mulf %sub3A_589, %mul3A_591 : vector<16xf32>
        %add3A_593 = arith.constant 8.000000e+00 : f32
        %add3A_594 = vector.broadcast %add3A_593 : f32 to vector<16xf32>
        %add3A_595 = arith.addf %mul3A_592, %add3A_594 : vector<16xf32>
        %min3A_596 = arith.minimumf %min3A_512, %add3A_595 : vector<16xf32>
        %get3A_597 = arith.constant 14 : i32
        %get3A_598 = arith.index_cast %get3A_597 : i32 to index
        %get3A_599 = arith.index_cast %mul3A_246 : i32 to index
        %get3A_600 = tpu.vector_load %arg7[%get3A_598, %get3A_599] {strides = array<i32>} : memref<85x256xf32, #tpu.memory_space<vmem>>, vector<16xf32>,
        %get3A_601 = arith.constant 14 : i32
        %get3A_602 = arith.index_cast %get3A_601 : i32 to index
        %get3A_603 = arith.index_cast %mul3A_246 : i32 to index
        %get3A_604 = tpu.vector_load %arg9[%get3A_602, %get3A_603] {strides = array<i32>} : memref<85x256xf32, #tpu.memory_space<vmem>>, vector<16xf32>,
        %sub3A_605 = arith.subf %get3A_600, %get3A_392 : vector<16xf32>
        %exp3A_606 = math.exp %sub3A_605 : vector<16xf32>
        %add3A_607 = arith.addf %add3A_523, %exp3A_606 : vector<16xf32>
        %sub3A_608 = arith.constant 1.000000e+00 : f32
        %sub3A_609 = vector.broadcast %sub3A_608 : f32 to vector<16xf32>
        %sub3A_610 = arith.subf %sub3A_609, %get3A_604 : vector<16xf32>
        %mul3A_611 = arith.constant 1.000000e+03 : f32
        %mul3A_612 = vector.broadcast %mul3A_611 : f32 to vector<16xf32>
        %mul3A_613 = arith.mulf %sub3A_610, %mul3A_612 : vector<16xf32>
        %add3A_614 = arith.constant 9.000000e+00 : f32
        %add3A_615 = vector.broadcast %add3A_614 : f32 to vector<16xf32>
        %add3A_616 = arith.addf %mul3A_613, %add3A_615 : vector<16xf32>
        %min3A_617 = arith.minimumf %min3A_533, %add3A_616 : vector<16xf32>
        %get3A_618 = arith.constant 15 : i32
        %get3A_619 = arith.index_cast %get3A_618 : i32 to index
        %get3A_620 = arith.index_cast %mul3A_246 : i32 to index
        %get3A_621 = tpu.vector_load %arg7[%get3A_619, %get3A_620] {strides = array<i32>} : memref<85x256xf32, #tpu.memory_space<vmem>>, vector<16xf32>,
        %get3A_622 = arith.constant 15 : i32
        %get3A_623 = arith.index_cast %get3A_622 : i32 to index
        %get3A_624 = arith.index_cast %mul3A_246 : i32 to index
        %get3A_625 = tpu.vector_load %arg9[%get3A_623, %get3A_624] {strides = array<i32>} : memref<85x256xf32, #tpu.memory_space<vmem>>, vector<16xf32>,
        %sub3A_626 = arith.subf %get3A_621, %get3A_392 : vector<16xf32>
        %exp3A_627 = math.exp %sub3A_626 : vector<16xf32>
        %add3A_628 = arith.addf %add3A_544, %exp3A_627 : vector<16xf32>
        %sub3A_629 = arith.constant 1.000000e+00 : f32
        %sub3A_630 = vector.broadcast %sub3A_629 : f32 to vector<16xf32>
        %sub3A_631 = arith.subf %sub3A_630, %get3A_625 : vector<16xf32>
        %mul3A_632 = arith.constant 1.000000e+03 : f32
        %mul3A_633 = vector.broadcast %mul3A_632 : f32 to vector<16xf32>
        %mul3A_634 = arith.mulf %sub3A_631, %mul3A_633 : vector<16xf32>
        %add3A_635 = arith.constant 1.000000e+01 : f32
        %add3A_636 = vector.broadcast %add3A_635 : f32 to vector<16xf32>
        %add3A_637 = arith.addf %mul3A_634, %add3A_636 : vector<16xf32>
        %min3A_638 = arith.minimumf %min3A_554, %add3A_637 : vector<16xf32>
        %get3A_639 = arith.constant 16 : i32
        %get3A_640 = arith.index_cast %get3A_639 : i32 to index
        %get3A_641 = arith.index_cast %mul3A_246 : i32 to index
        %get3A_642 = tpu.vector_load %arg7[%get3A_640, %get3A_641] {strides = array<i32>} : memref<85x256xf32, #tpu.memory_space<vmem>>, vector<16xf32>,
        %get3A_643 = arith.constant 16 : i32
        %get3A_644 = arith.index_cast %get3A_643 : i32 to index
        %get3A_645 = arith.index_cast %mul3A_246 : i32 to index
        %get3A_646 = tpu.vector_load %arg9[%get3A_644, %get3A_645] {strides = array<i32>} : memref<85x256xf32, #tpu.memory_space<vmem>>, vector<16xf32>,
        %sub3A_647 = arith.subf %get3A_642, %get3A_392 : vector<16xf32>
        %exp3A_648 = math.exp %sub3A_647 : vector<16xf32>
        %add3A_649 = arith.addf %add3A_565, %exp3A_648 : vector<16xf32>
        %sub3A_650 = arith.constant 1.000000e+00 : f32
        %sub3A_651 = vector.broadcast %sub3A_650 : f32 to vector<16xf32>
        %sub3A_652 = arith.subf %sub3A_651, %get3A_646 : vector<16xf32>
        %mul3A_653 = arith.constant 1.000000e+03 : f32
        %mul3A_654 = vector.broadcast %mul3A_653 : f32 to vector<16xf32>
        %mul3A_655 = arith.mulf %sub3A_652, %mul3A_654 : vector<16xf32>
        %add3A_656 = arith.constant 1.100000e+01 : f32
        %add3A_657 = vector.broadcast %add3A_656 : f32 to vector<16xf32>
        %add3A_658 = arith.addf %mul3A_655, %add3A_657 : vector<16xf32>
        %min3A_659 = arith.minimumf %min3A_575, %add3A_658 : vector<16xf32>
        %get3A_660 = arith.constant 17 : i32
        %get3A_661 = arith.index_cast %get3A_660 : i32 to index
        %get3A_662 = arith.index_cast %mul3A_246 : i32 to index
        %get3A_663 = tpu.vector_load %arg7[%get3A_661, %get3A_662] {strides = array<i32>} : memref<85x256xf32, #tpu.memory_space<vmem>>, vector<16xf32>,
        %get3A_664 = arith.constant 17 : i32
        %get3A_665 = arith.index_cast %get3A_664 : i32 to index
        %get3A_666 = arith.index_cast %mul3A_246 : i32 to index
        %get3A_667 = tpu.vector_load %arg9[%get3A_665, %get3A_666] {strides = array<i32>} : memref<85x256xf32, #tpu.memory_space<vmem>>, vector<16xf32>,
        %sub3A_668 = arith.subf %get3A_663, %get3A_392 : vector<16xf32>
        %exp3A_669 = math.exp %sub3A_668 : vector<16xf32>
        %add3A_670 = arith.addf %add3A_586, %exp3A_669 : vector<16xf32>
        %sub3A_671 = arith.constant 1.000000e+00 : f32
        %sub3A_672 = vector.broadcast %sub3A_671 : f32 to vector<16xf32>
        %sub3A_673 = arith.subf %sub3A_672, %get3A_667 : vector<16xf32>
        %mul3A_674 = arith.constant 1.000000e+03 : f32
        %mul3A_675 = vector.broadcast %mul3A_674 : f32 to vector<16xf32>
        %mul3A_676 = arith.mulf %sub3A_673, %mul3A_675 : vector<16xf32>
        %add3A_677 = arith.constant 1.200000e+01 : f32
        %add3A_678 = vector.broadcast %add3A_677 : f32 to vector<16xf32>
        %add3A_679 = arith.addf %mul3A_676, %add3A_678 : vector<16xf32>
        %min3A_680 = arith.minimumf %min3A_596, %add3A_679 : vector<16xf32>
        %get3A_681 = arith.constant 18 : i32
        %get3A_682 = arith.index_cast %get3A_681 : i32 to index
        %get3A_683 = arith.index_cast %mul3A_246 : i32 to index
        %get3A_684 = tpu.vector_load %arg7[%get3A_682, %get3A_683] {strides = array<i32>} : memref<85x256xf32, #tpu.memory_space<vmem>>, vector<16xf32>,
        %get3A_685 = arith.constant 18 : i32
        %get3A_686 = arith.index_cast %get3A_685 : i32 to index
        %get3A_687 = arith.index_cast %mul3A_246 : i32 to index
        %get3A_688 = tpu.vector_load %arg9[%get3A_686, %get3A_687] {strides = array<i32>} : memref<85x256xf32, #tpu.memory_space<vmem>>, vector<16xf32>,
        %sub3A_689 = arith.subf %get3A_684, %get3A_392 : vector<16xf32>
        %exp3A_690 = math.exp %sub3A_689 : vector<16xf32>
        %add3A_691 = arith.addf %add3A_607, %exp3A_690 : vector<16xf32>
        %sub3A_692 = arith.constant 1.000000e+00 : f32
        %sub3A_693 = vector.broadcast %sub3A_692 : f32 to vector<16xf32>
        %sub3A_694 = arith.subf %sub3A_693, %get3A_688 : vector<16xf32>
        %mul3A_695 = arith.constant 1.000000e+03 : f32
        %mul3A_696 = vector.broadcast %mul3A_695 : f32 to vector<16xf32>
        %mul3A_697 = arith.mulf %sub3A_694, %mul3A_696 : vector<16xf32>
        %add3A_698 = arith.constant 1.300000e+01 : f32
        %add3A_699 = vector.broadcast %add3A_698 : f32 to vector<16xf32>
        %add3A_700 = arith.addf %mul3A_697, %add3A_699 : vector<16xf32>
        %min3A_701 = arith.minimumf %min3A_617, %add3A_700 : vector<16xf32>
        %get3A_702 = arith.constant 19 : i32
        %get3A_703 = arith.index_cast %get3A_702 : i32 to index
        %get3A_704 = arith.index_cast %mul3A_246 : i32 to index
        %get3A_705 = tpu.vector_load %arg7[%get3A_703, %get3A_704] {strides = array<i32>} : memref<85x256xf32, #tpu.memory_space<vmem>>, vector<16xf32>,
        %get3A_706 = arith.constant 19 : i32
        %get3A_707 = arith.index_cast %get3A_706 : i32 to index
        %get3A_708 = arith.index_cast %mul3A_246 : i32 to index
        %get3A_709 = tpu.vector_load %arg9[%get3A_707, %get3A_708] {strides = array<i32>} : memref<85x256xf32, #tpu.memory_space<vmem>>, vector<16xf32>,
        %sub3A_710 = arith.subf %get3A_705, %get3A_392 : vector<16xf32>
        %exp3A_711 = math.exp %sub3A_710 : vector<16xf32>
        %add3A_712 = arith.addf %add3A_628, %exp3A_711 : vector<16xf32>
        %sub3A_713 = arith.constant 1.000000e+00 : f32
        %sub3A_714 = vector.broadcast %sub3A_713 : f32 to vector<16xf32>
        %sub3A_715 = arith.subf %sub3A_714, %get3A_709 : vector<16xf32>
        %mul3A_716 = arith.constant 1.000000e+03 : f32
        %mul3A_717 = vector.broadcast %mul3A_716 : f32 to vector<16xf32>
        %mul3A_718 = arith.mulf %sub3A_715, %mul3A_717 : vector<16xf32>
        %add3A_719 = arith.constant 1.400000e+01 : f32
        %add3A_720 = vector.broadcast %add3A_719 : f32 to vector<16xf32>
        %add3A_721 = arith.addf %mul3A_718, %add3A_720 : vector<16xf32>
        %min3A_722 = arith.minimumf %min3A_638, %add3A_721 : vector<16xf32>
        %get3A_723 = arith.constant 20 : i32
        %get3A_724 = arith.index_cast %get3A_723 : i32 to index
        %get3A_725 = arith.index_cast %mul3A_246 : i32 to index
        %get3A_726 = tpu.vector_load %arg7[%get3A_724, %get3A_725] {strides = array<i32>} : memref<85x256xf32, #tpu.memory_space<vmem>>, vector<16xf32>,
        %get3A_727 = arith.constant 20 : i32
        %get3A_728 = arith.index_cast %get3A_727 : i32 to index
        %get3A_729 = arith.index_cast %mul3A_246 : i32 to index
        %get3A_730 = tpu.vector_load %arg9[%get3A_728, %get3A_729] {strides = array<i32>} : memref<85x256xf32, #tpu.memory_space<vmem>>, vector<16xf32>,
        %sub3A_731 = arith.subf %get3A_726, %get3A_392 : vector<16xf32>
        %exp3A_732 = math.exp %sub3A_731 : vector<16xf32>
        %add3A_733 = arith.addf %add3A_649, %exp3A_732 : vector<16xf32>
        %sub3A_734 = arith.constant 1.000000e+00 : f32
        %sub3A_735 = vector.broadcast %sub3A_734 : f32 to vector<16xf32>
        %sub3A_736 = arith.subf %sub3A_735, %get3A_730 : vector<16xf32>
        %mul3A_737 = arith.constant 1.000000e+03 : f32
        %mul3A_738 = vector.broadcast %mul3A_737 : f32 to vector<16xf32>
        %mul3A_739 = arith.mulf %sub3A_736, %mul3A_738 : vector<16xf32>
        %add3A_740 = arith.constant 1.500000e+01 : f32
        %add3A_741 = vector.broadcast %add3A_740 : f32 to vector<16xf32>
        %add3A_742 = arith.addf %mul3A_739, %add3A_741 : vector<16xf32>
        %min3A_743 = arith.minimumf %min3A_659, %add3A_742 : vector<16xf32>
        %get3A_744 = arith.constant 21 : i32
        %get3A_745 = arith.index_cast %get3A_744 : i32 to index
        %get3A_746 = arith.index_cast %mul3A_246 : i32 to index
        %get3A_747 = tpu.vector_load %arg7[%get3A_745, %get3A_746] {strides = array<i32>} : memref<85x256xf32, #tpu.memory_space<vmem>>, vector<16xf32>,
        %get3A_748 = arith.constant 21 : i32
        %get3A_749 = arith.index_cast %get3A_748 : i32 to index
        %get3A_750 = arith.index_cast %mul3A_246 : i32 to index
        %get3A_751 = tpu.vector_load %arg9[%get3A_749, %get3A_750] {strides = array<i32>} : memref<85x256xf32, #tpu.memory_space<vmem>>, vector<16xf32>,
        %sub3A_752 = arith.subf %get3A_747, %get3A_392 : vector<16xf32>
        %exp3A_753 = math.exp %sub3A_752 : vector<16xf32>
        %add3A_754 = arith.addf %add3A_670, %exp3A_753 : vector<16xf32>
        %sub3A_755 = arith.constant 1.000000e+00 : f32
        %sub3A_756 = vector.broadcast %sub3A_755 : f32 to vector<16xf32>
        %sub3A_757 = arith.subf %sub3A_756, %get3A_751 : vector<16xf32>
        %mul3A_758 = arith.constant 1.000000e+03 : f32
        %mul3A_759 = vector.broadcast %mul3A_758 : f32 to vector<16xf32>
        %mul3A_760 = arith.mulf %sub3A_757, %mul3A_759 : vector<16xf32>
        %add3A_761 = arith.constant 1.600000e+01 : f32
        %add3A_762 = vector.broadcast %add3A_761 : f32 to vector<16xf32>
        %add3A_763 = arith.addf %mul3A_760, %add3A_762 : vector<16xf32>
        %min3A_764 = arith.minimumf %min3A_680, %add3A_763 : vector<16xf32>
        %get3A_765 = arith.constant 22 : i32
        %get3A_766 = arith.index_cast %get3A_765 : i32 to index
        %get3A_767 = arith.index_cast %mul3A_246 : i32 to index
        %get3A_768 = tpu.vector_load %arg7[%get3A_766, %get3A_767] {strides = array<i32>} : memref<85x256xf32, #tpu.memory_space<vmem>>, vector<16xf32>,
        %get3A_769 = arith.constant 22 : i32
        %get3A_770 = arith.index_cast %get3A_769 : i32 to index
        %get3A_771 = arith.index_cast %mul3A_246 : i32 to index
        %get3A_772 = tpu.vector_load %arg9[%get3A_770, %get3A_771] {strides = array<i32>} : memref<85x256xf32, #tpu.memory_space<vmem>>, vector<16xf32>,
        %sub3A_773 = arith.subf %get3A_768, %get3A_392 : vector<16xf32>
        %exp3A_774 = math.exp %sub3A_773 : vector<16xf32>
        %add3A_775 = arith.addf %add3A_691, %exp3A_774 : vector<16xf32>
        %sub3A_776 = arith.constant 1.000000e+00 : f32
        %sub3A_777 = vector.broadcast %sub3A_776 : f32 to vector<16xf32>
        %sub3A_778 = arith.subf %sub3A_777, %get3A_772 : vector<16xf32>
        %mul3A_779 = arith.constant 1.000000e+03 : f32
        %mul3A_780 = vector.broadcast %mul3A_779 : f32 to vector<16xf32>
        %mul3A_781 = arith.mulf %sub3A_778, %mul3A_780 : vector<16xf32>
        %add3A_782 = arith.constant 1.700000e+01 : f32
        %add3A_783 = vector.broadcast %add3A_782 : f32 to vector<16xf32>
        %add3A_784 = arith.addf %mul3A_781, %add3A_783 : vector<16xf32>
        %min3A_785 = arith.minimumf %min3A_701, %add3A_784 : vector<16xf32>
        %get3A_786 = arith.constant 23 : i32
        %get3A_787 = arith.index_cast %get3A_786 : i32 to index
        %get3A_788 = arith.index_cast %mul3A_246 : i32 to index
        %get3A_789 = tpu.vector_load %arg7[%get3A_787, %get3A_788] {strides = array<i32>} : memref<85x256xf32, #tpu.memory_space<vmem>>, vector<16xf32>,
        %get3A_790 = arith.constant 23 : i32
        %get3A_791 = arith.index_cast %get3A_790 : i32 to index
        %get3A_792 = arith.index_cast %mul3A_246 : i32 to index
        %get3A_793 = tpu.vector_load %arg9[%get3A_791, %get3A_792] {strides = array<i32>} : memref<85x256xf32, #tpu.memory_space<vmem>>, vector<16xf32>,
        %sub3A_794 = arith.subf %get3A_789, %get3A_392 : vector<16xf32>
        %exp3A_795 = math.exp %sub3A_794 : vector<16xf32>
        %add3A_796 = arith.addf %add3A_712, %exp3A_795 : vector<16xf32>
        %sub3A_797 = arith.constant 1.000000e+00 : f32
        %sub3A_798 = vector.broadcast %sub3A_797 : f32 to vector<16xf32>
        %sub3A_799 = arith.subf %sub3A_798, %get3A_793 : vector<16xf32>
        %mul3A_800 = arith.constant 1.000000e+03 : f32
        %mul3A_801 = vector.broadcast %mul3A_800 : f32 to vector<16xf32>
        %mul3A_802 = arith.mulf %sub3A_799, %mul3A_801 : vector<16xf32>
        %add3A_803 = arith.constant 1.800000e+01 : f32
        %add3A_804 = vector.broadcast %add3A_803 : f32 to vector<16xf32>
        %add3A_805 = arith.addf %mul3A_802, %add3A_804 : vector<16xf32>
        %min3A_806 = arith.minimumf %min3A_722, %add3A_805 : vector<16xf32>
        %get3A_807 = arith.constant 24 : i32
        %get3A_808 = arith.index_cast %get3A_807 : i32 to index
        %get3A_809 = arith.index_cast %mul3A_246 : i32 to index
        %get3A_810 = tpu.vector_load %arg7[%get3A_808, %get3A_809] {strides = array<i32>} : memref<85x256xf32, #tpu.memory_space<vmem>>, vector<16xf32>,
        %get3A_811 = arith.constant 24 : i32
        %get3A_812 = arith.index_cast %get3A_811 : i32 to index
        %get3A_813 = arith.index_cast %mul3A_246 : i32 to index
        %get3A_814 = tpu.vector_load %arg9[%get3A_812, %get3A_813] {strides = array<i32>} : memref<85x256xf32, #tpu.memory_space<vmem>>, vector<16xf32>,
        %sub3A_815 = arith.subf %get3A_810, %get3A_392 : vector<16xf32>
        %exp3A_816 = math.exp %sub3A_815 : vector<16xf32>
        %add3A_817 = arith.addf %add3A_733, %exp3A_816 : vector<16xf32>
        %sub3A_818 = arith.constant 1.000000e+00 : f32
        %sub3A_819 = vector.broadcast %sub3A_818 : f32 to vector<16xf32>
        %sub3A_820 = arith.subf %sub3A_819, %get3A_814 : vector<16xf32>
        %mul3A_821 = arith.constant 1.000000e+03 : f32
        %mul3A_822 = vector.broadcast %mul3A_821 : f32 to vector<16xf32>
        %mul3A_823 = arith.mulf %sub3A_820, %mul3A_822 : vector<16xf32>
        %add3A_824 = arith.constant 1.900000e+01 : f32
        %add3A_825 = vector.broadcast %add3A_824 : f32 to vector<16xf32>
        %add3A_826 = arith.addf %mul3A_823, %add3A_825 : vector<16xf32>
        %min3A_827 = arith.minimumf %min3A_743, %add3A_826 : vector<16xf32>
        %get3A_828 = arith.constant 25 : i32
        %get3A_829 = arith.index_cast %get3A_828 : i32 to index
        %get3A_830 = arith.index_cast %mul3A_246 : i32 to index
        %get3A_831 = tpu.vector_load %arg7[%get3A_829, %get3A_830] {strides = array<i32>} : memref<85x256xf32, #tpu.memory_space<vmem>>, vector<16xf32>,
        %get3A_832 = arith.constant 25 : i32
        %get3A_833 = arith.index_cast %get3A_832 : i32 to index
        %get3A_834 = arith.index_cast %mul3A_246 : i32 to index
        %get3A_835 = tpu.vector_load %arg9[%get3A_833, %get3A_834] {strides = array<i32>} : memref<85x256xf32, #tpu.memory_space<vmem>>, vector<16xf32>,
        %sub3A_836 = arith.subf %get3A_831, %get3A_392 : vector<16xf32>
        %exp3A_837 = math.exp %sub3A_836 : vector<16xf32>
        %add3A_838 = arith.addf %add3A_754, %exp3A_837 : vector<16xf32>
        %sub3A_839 = arith.constant 1.000000e+00 : f32
        %sub3A_840 = vector.broadcast %sub3A_839 : f32 to vector<16xf32>
        %sub3A_841 = arith.subf %sub3A_840, %get3A_835 : vector<16xf32>
        %mul3A_842 = arith.constant 1.000000e+03 : f32
        %mul3A_843 = vector.broadcast %mul3A_842 : f32 to vector<16xf32>
        %mul3A_844 = arith.mulf %sub3A_841, %mul3A_843 : vector<16xf32>
        %add3A_845 = arith.constant 2.000000e+01 : f32
        %add3A_846 = vector.broadcast %add3A_845 : f32 to vector<16xf32>
        %add3A_847 = arith.addf %mul3A_844, %add3A_846 : vector<16xf32>
        %min3A_848 = arith.minimumf %min3A_764, %add3A_847 : vector<16xf32>
        %get3A_849 = arith.constant 26 : i32
        %get3A_850 = arith.index_cast %get3A_849 : i32 to index
        %get3A_851 = arith.index_cast %mul3A_246 : i32 to index
        %get3A_852 = tpu.vector_load %arg7[%get3A_850, %get3A_851] {strides = array<i32>} : memref<85x256xf32, #tpu.memory_space<vmem>>, vector<16xf32>,
        %get3A_853 = arith.constant 26 : i32
        %get3A_854 = arith.index_cast %get3A_853 : i32 to index
        %get3A_855 = arith.index_cast %mul3A_246 : i32 to index
        %get3A_856 = tpu.vector_load %arg9[%get3A_854, %get3A_855] {strides = array<i32>} : memref<85x256xf32, #tpu.memory_space<vmem>>, vector<16xf32>,
        %sub3A_857 = arith.subf %get3A_852, %get3A_392 : vector<16xf32>
        %exp3A_858 = math.exp %sub3A_857 : vector<16xf32>
        %add3A_859 = arith.addf %add3A_775, %exp3A_858 : vector<16xf32>
        %sub3A_860 = arith.constant 1.000000e+00 : f32
        %sub3A_861 = vector.broadcast %sub3A_860 : f32 to vector<16xf32>
        %sub3A_862 = arith.subf %sub3A_861, %get3A_856 : vector<16xf32>
        %mul3A_863 = arith.constant 1.000000e+03 : f32
        %mul3A_864 = vector.broadcast %mul3A_863 : f32 to vector<16xf32>
        %mul3A_865 = arith.mulf %sub3A_862, %mul3A_864 : vector<16xf32>
        %add3A_866 = arith.constant 2.100000e+01 : f32
        %add3A_867 = vector.broadcast %add3A_866 : f32 to vector<16xf32>
        %add3A_868 = arith.addf %mul3A_865, %add3A_867 : vector<16xf32>
        %min3A_869 = arith.minimumf %min3A_785, %add3A_868 : vector<16xf32>
        %get3A_870 = arith.constant 27 : i32
        %get3A_871 = arith.index_cast %get3A_870 : i32 to index
        %get3A_872 = arith.index_cast %mul3A_246 : i32 to index
        %get3A_873 = tpu.vector_load %arg7[%get3A_871, %get3A_872] {strides = array<i32>} : memref<85x256xf32, #tpu.memory_space<vmem>>, vector<16xf32>,
        %get3A_874 = arith.constant 27 : i32
        %get3A_875 = arith.index_cast %get3A_874 : i32 to index
        %get3A_876 = arith.index_cast %mul3A_246 : i32 to index
        %get3A_877 = tpu.vector_load %arg9[%get3A_875, %get3A_876] {strides = array<i32>} : memref<85x256xf32, #tpu.memory_space<vmem>>, vector<16xf32>,
        %sub3A_878 = arith.subf %get3A_873, %get3A_392 : vector<16xf32>
        %exp3A_879 = math.exp %sub3A_878 : vector<16xf32>
        %add3A_880 = arith.addf %add3A_796, %exp3A_879 : vector<16xf32>
        %sub3A_881 = arith.constant 1.000000e+00 : f32
        %sub3A_882 = vector.broadcast %sub3A_881 : f32 to vector<16xf32>
        %sub3A_883 = arith.subf %sub3A_882, %get3A_877 : vector<16xf32>
        %mul3A_884 = arith.constant 1.000000e+03 : f32
        %mul3A_885 = vector.broadcast %mul3A_884 : f32 to vector<16xf32>
        %mul3A_886 = arith.mulf %sub3A_883, %mul3A_885 : vector<16xf32>
        %add3A_887 = arith.constant 2.200000e+01 : f32
        %add3A_888 = vector.broadcast %add3A_887 : f32 to vector<16xf32>
        %add3A_889 = arith.addf %mul3A_886, %add3A_888 : vector<16xf32>
        %min3A_890 = arith.minimumf %min3A_806, %add3A_889 : vector<16xf32>
        %get3A_891 = arith.constant 28 : i32
        %get3A_892 = arith.index_cast %get3A_891 : i32 to index
        %get3A_893 = arith.index_cast %mul3A_246 : i32 to index
        %get3A_894 = tpu.vector_load %arg7[%get3A_892, %get3A_893] {strides = array<i32>} : memref<85x256xf32, #tpu.memory_space<vmem>>, vector<16xf32>,
        %get3A_895 = arith.constant 28 : i32
        %get3A_896 = arith.index_cast %get3A_895 : i32 to index
        %get3A_897 = arith.index_cast %mul3A_246 : i32 to index
        %get3A_898 = tpu.vector_load %arg9[%get3A_896, %get3A_897] {strides = array<i32>} : memref<85x256xf32, #tpu.memory_space<vmem>>, vector<16xf32>,
        %sub3A_899 = arith.subf %get3A_894, %get3A_392 : vector<16xf32>
        %exp3A_900 = math.exp %sub3A_899 : vector<16xf32>
        %add3A_901 = arith.addf %add3A_817, %exp3A_900 : vector<16xf32>
        %sub3A_902 = arith.constant 1.000000e+00 : f32
        %sub3A_903 = vector.broadcast %sub3A_902 : f32 to vector<16xf32>
        %sub3A_904 = arith.subf %sub3A_903, %get3A_898 : vector<16xf32>
        %mul3A_905 = arith.constant 1.000000e+03 : f32
        %mul3A_906 = vector.broadcast %mul3A_905 : f32 to vector<16xf32>
        %mul3A_907 = arith.mulf %sub3A_904, %mul3A_906 : vector<16xf32>
        %add3A_908 = arith.constant 2.300000e+01 : f32
        %add3A_909 = vector.broadcast %add3A_908 : f32 to vector<16xf32>
        %add3A_910 = arith.addf %mul3A_907, %add3A_909 : vector<16xf32>
        %min3A_911 = arith.minimumf %min3A_827, %add3A_910 : vector<16xf32>
        %get3A_912 = arith.constant 29 : i32
        %get3A_913 = arith.index_cast %get3A_912 : i32 to index
        %get3A_914 = arith.index_cast %mul3A_246 : i32 to index
        %get3A_915 = tpu.vector_load %arg7[%get3A_913, %get3A_914] {strides = array<i32>} : memref<85x256xf32, #tpu.memory_space<vmem>>, vector<16xf32>,
        %get3A_916 = arith.constant 29 : i32
        %get3A_917 = arith.index_cast %get3A_916 : i32 to index
        %get3A_918 = arith.index_cast %mul3A_246 : i32 to index
        %get3A_919 = tpu.vector_load %arg9[%get3A_917, %get3A_918] {strides = array<i32>} : memref<85x256xf32, #tpu.memory_space<vmem>>, vector<16xf32>,
        %sub3A_920 = arith.subf %get3A_915, %get3A_392 : vector<16xf32>
        %exp3A_921 = math.exp %sub3A_920 : vector<16xf32>
        %add3A_922 = arith.addf %add3A_838, %exp3A_921 : vector<16xf32>
        %sub3A_923 = arith.constant 1.000000e+00 : f32
        %sub3A_924 = vector.broadcast %sub3A_923 : f32 to vector<16xf32>
        %sub3A_925 = arith.subf %sub3A_924, %get3A_919 : vector<16xf32>
        %mul3A_926 = arith.constant 1.000000e+03 : f32
        %mul3A_927 = vector.broadcast %mul3A_926 : f32 to vector<16xf32>
        %mul3A_928 = arith.mulf %sub3A_925, %mul3A_927 : vector<16xf32>
        %add3A_929 = arith.constant 2.400000e+01 : f32
        %add3A_930 = vector.broadcast %add3A_929 : f32 to vector<16xf32>
        %add3A_931 = arith.addf %mul3A_928, %add3A_930 : vector<16xf32>
        %min3A_932 = arith.minimumf %min3A_848, %add3A_931 : vector<16xf32>
        %get3A_933 = arith.constant 30 : i32
        %get3A_934 = arith.index_cast %get3A_933 : i32 to index
        %get3A_935 = arith.index_cast %mul3A_246 : i32 to index
        %get3A_936 = tpu.vector_load %arg7[%get3A_934, %get3A_935] {strides = array<i32>} : memref<85x256xf32, #tpu.memory_space<vmem>>, vector<16xf32>,
        %get3A_937 = arith.constant 30 : i32
        %get3A_938 = arith.index_cast %get3A_937 : i32 to index
        %get3A_939 = arith.index_cast %mul3A_246 : i32 to index
        %get3A_940 = tpu.vector_load %arg9[%get3A_938, %get3A_939] {strides = array<i32>} : memref<85x256xf32, #tpu.memory_space<vmem>>, vector<16xf32>,
        %sub3A_941 = arith.subf %get3A_936, %get3A_392 : vector<16xf32>
        %exp3A_942 = math.exp %sub3A_941 : vector<16xf32>
        %add3A_943 = arith.addf %add3A_859, %exp3A_942 : vector<16xf32>
        %sub3A_944 = arith.constant 1.000000e+00 : f32
        %sub3A_945 = vector.broadcast %sub3A_944 : f32 to vector<16xf32>
        %sub3A_946 = arith.subf %sub3A_945, %get3A_940 : vector<16xf32>
        %mul3A_947 = arith.constant 1.000000e+03 : f32
        %mul3A_948 = vector.broadcast %mul3A_947 : f32 to vector<16xf32>
        %mul3A_949 = arith.mulf %sub3A_946, %mul3A_948 : vector<16xf32>
        %add3A_950 = arith.constant 2.500000e+01 : f32
        %add3A_951 = vector.broadcast %add3A_950 : f32 to vector<16xf32>
        %add3A_952 = arith.addf %mul3A_949, %add3A_951 : vector<16xf32>
        %min3A_953 = arith.minimumf %min3A_869, %add3A_952 : vector<16xf32>
        %get3A_954 = arith.constant 31 : i32
        %get3A_955 = arith.index_cast %get3A_954 : i32 to index
        %get3A_956 = arith.index_cast %mul3A_246 : i32 to index
        %get3A_957 = tpu.vector_load %arg7[%get3A_955, %get3A_956] {strides = array<i32>} : memref<85x256xf32, #tpu.memory_space<vmem>>, vector<16xf32>,
        %get3A_958 = arith.constant 31 : i32
        %get3A_959 = arith.index_cast %get3A_958 : i32 to index
        %get3A_960 = arith.index_cast %mul3A_246 : i32 to index
        %get3A_961 = tpu.vector_load %arg9[%get3A_959, %get3A_960] {strides = array<i32>} : memref<85x256xf32, #tpu.memory_space<vmem>>, vector<16xf32>,
        %sub3A_962 = arith.subf %get3A_957, %get3A_392 : vector<16xf32>
        %exp3A_963 = math.exp %sub3A_962 : vector<16xf32>
        %add3A_964 = arith.addf %add3A_880, %exp3A_963 : vector<16xf32>
        %sub3A_965 = arith.constant 1.000000e+00 : f32
        %sub3A_966 = vector.broadcast %sub3A_965 : f32 to vector<16xf32>
        %sub3A_967 = arith.subf %sub3A_966, %get3A_961 : vector<16xf32>
        %mul3A_968 = arith.constant 1.000000e+03 : f32
        %mul3A_969 = vector.broadcast %mul3A_968 : f32 to vector<16xf32>
        %mul3A_970 = arith.mulf %sub3A_967, %mul3A_969 : vector<16xf32>
        %add3A_971 = arith.constant 2.600000e+01 : f32
        %add3A_972 = vector.broadcast %add3A_971 : f32 to vector<16xf32>
        %add3A_973 = arith.addf %mul3A_970, %add3A_972 : vector<16xf32>
        %min3A_974 = arith.minimumf %min3A_890, %add3A_973 : vector<16xf32>
        %get3A_975 = arith.constant 32 : i32
        %get3A_976 = arith.index_cast %get3A_975 : i32 to index
        %get3A_977 = arith.index_cast %mul3A_246 : i32 to index
        %get3A_978 = tpu.vector_load %arg7[%get3A_976, %get3A_977] {strides = array<i32>} : memref<85x256xf32, #tpu.memory_space<vmem>>, vector<16xf32>,
        %get3A_979 = arith.constant 32 : i32
        %get3A_980 = arith.index_cast %get3A_979 : i32 to index
        %get3A_981 = arith.index_cast %mul3A_246 : i32 to index
        %get3A_982 = tpu.vector_load %arg9[%get3A_980, %get3A_981] {strides = array<i32>} : memref<85x256xf32, #tpu.memory_space<vmem>>, vector<16xf32>,
        %sub3A_983 = arith.subf %get3A_978, %get3A_392 : vector<16xf32>
        %exp3A_984 = math.exp %sub3A_983 : vector<16xf32>
        %add3A_985 = arith.addf %add3A_901, %exp3A_984 : vector<16xf32>
        %sub3A_986 = arith.constant 1.000000e+00 : f32
        %sub3A_987 = vector.broadcast %sub3A_986 : f32 to vector<16xf32>
        %sub3A_988 = arith.subf %sub3A_987, %get3A_982 : vector<16xf32>
        %mul3A_989 = arith.constant 1.000000e+03 : f32
        %mul3A_990 = vector.broadcast %mul3A_989 : f32 to vector<16xf32>
        %mul3A_991 = arith.mulf %sub3A_988, %mul3A_990 : vector<16xf32>
        %add3A_992 = arith.constant 2.700000e+01 : f32
        %add3A_993 = vector.broadcast %add3A_992 : f32 to vector<16xf32>
        %add3A_994 = arith.addf %mul3A_991, %add3A_993 : vector<16xf32>
        %min3A_995 = arith.minimumf %min3A_911, %add3A_994 : vector<16xf32>
        %get3A_996 = arith.constant 33 : i32
        %get3A_997 = arith.index_cast %get3A_996 : i32 to index
        %get3A_998 = arith.index_cast %mul3A_246 : i32 to index
        %get3A_999 = tpu.vector_load %arg7[%get3A_997, %get3A_998] {strides = array<i32>} : memref<85x256xf32, #tpu.memory_space<vmem>>, vector<16xf32>,
        %get3A_1000 = arith.constant 33 : i32
        %get3A_1001 = arith.index_cast %get3A_1000 : i32 to index
        %get3A_1002 = arith.index_cast %mul3A_246 : i32 to index
        %get3A_1003 = tpu.vector_load %arg9[%get3A_1001, %get3A_1002] {strides = array<i32>} : memref<85x256xf32, #tpu.memory_space<vmem>>, vector<16xf32>,
        %sub3A_1004 = arith.subf %get3A_999, %get3A_392 : vector<16xf32>
        %exp3A_1005 = math.exp %sub3A_1004 : vector<16xf32>
        %add3A_1006 = arith.addf %add3A_922, %exp3A_1005 : vector<16xf32>
        %sub3A_1007 = arith.constant 1.000000e+00 : f32
        %sub3A_1008 = vector.broadcast %sub3A_1007 : f32 to vector<16xf32>
        %sub3A_1009 = arith.subf %sub3A_1008, %get3A_1003 : vector<16xf32>
        %mul3A_1010 = arith.constant 1.000000e+03 : f32
        %mul3A_1011 = vector.broadcast %mul3A_1010 : f32 to vector<16xf32>
        %mul3A_1012 = arith.mulf %sub3A_1009, %mul3A_1011 : vector<16xf32>
        %add3A_1013 = arith.constant 2.800000e+01 : f32
        %add3A_1014 = vector.broadcast %add3A_1013 : f32 to vector<16xf32>
        %add3A_1015 = arith.addf %mul3A_1012, %add3A_1014 : vector<16xf32>
        %min3A_1016 = arith.minimumf %min3A_932, %add3A_1015 : vector<16xf32>
        %get3A_1017 = arith.constant 34 : i32
        %get3A_1018 = arith.index_cast %get3A_1017 : i32 to index
        %get3A_1019 = arith.index_cast %mul3A_246 : i32 to index
        %get3A_1020 = tpu.vector_load %arg7[%get3A_1018, %get3A_1019] {strides = array<i32>} : memref<85x256xf32, #tpu.memory_space<vmem>>, vector<16xf32>,
        %get3A_1021 = arith.constant 34 : i32
        %get3A_1022 = arith.index_cast %get3A_1021 : i32 to index
        %get3A_1023 = arith.index_cast %mul3A_246 : i32 to index
        %get3A_1024 = tpu.vector_load %arg9[%get3A_1022, %get3A_1023] {strides = array<i32>} : memref<85x256xf32, #tpu.memory_space<vmem>>, vector<16xf32>,
        %sub3A_1025 = arith.subf %get3A_1020, %get3A_392 : vector<16xf32>
        %exp3A_1026 = math.exp %sub3A_1025 : vector<16xf32>
        %add3A_1027 = arith.addf %add3A_943, %exp3A_1026 : vector<16xf32>
        %sub3A_1028 = arith.constant 1.000000e+00 : f32
        %sub3A_1029 = vector.broadcast %sub3A_1028 : f32 to vector<16xf32>
        %sub3A_1030 = arith.subf %sub3A_1029, %get3A_1024 : vector<16xf32>
        %mul3A_1031 = arith.constant 1.000000e+03 : f32
        %mul3A_1032 = vector.broadcast %mul3A_1031 : f32 to vector<16xf32>
        %mul3A_1033 = arith.mulf %sub3A_1030, %mul3A_1032 : vector<16xf32>
        %add3A_1034 = arith.constant 2.900000e+01 : f32
        %add3A_1035 = vector.broadcast %add3A_1034 : f32 to vector<16xf32>
        %add3A_1036 = arith.addf %mul3A_1033, %add3A_1035 : vector<16xf32>
        %min3A_1037 = arith.minimumf %min3A_953, %add3A_1036 : vector<16xf32>
        %get3A_1038 = arith.constant 35 : i32
        %get3A_1039 = arith.index_cast %get3A_1038 : i32 to index
        %get3A_1040 = arith.index_cast %mul3A_246 : i32 to index
        %get3A_1041 = tpu.vector_load %arg7[%get3A_1039, %get3A_1040] {strides = array<i32>} : memref<85x256xf32, #tpu.memory_space<vmem>>, vector<16xf32>,
        %get3A_1042 = arith.constant 35 : i32
        %get3A_1043 = arith.index_cast %get3A_1042 : i32 to index
        %get3A_1044 = arith.index_cast %mul3A_246 : i32 to index
        %get3A_1045 = tpu.vector_load %arg9[%get3A_1043, %get3A_1044] {strides = array<i32>} : memref<85x256xf32, #tpu.memory_space<vmem>>, vector<16xf32>,
        %sub3A_1046 = arith.subf %get3A_1041, %get3A_392 : vector<16xf32>
        %exp3A_1047 = math.exp %sub3A_1046 : vector<16xf32>
        %add3A_1048 = arith.addf %add3A_964, %exp3A_1047 : vector<16xf32>
        %sub3A_1049 = arith.constant 1.000000e+00 : f32
        %sub3A_1050 = vector.broadcast %sub3A_1049 : f32 to vector<16xf32>
        %sub3A_1051 = arith.subf %sub3A_1050, %get3A_1045 : vector<16xf32>
        %mul3A_1052 = arith.constant 1.000000e+03 : f32
        %mul3A_1053 = vector.broadcast %mul3A_1052 : f32 to vector<16xf32>
        %mul3A_1054 = arith.mulf %sub3A_1051, %mul3A_1053 : vector<16xf32>
        %add3A_1055 = arith.constant 3.000000e+01 : f32
        %add3A_1056 = vector.broadcast %add3A_1055 : f32 to vector<16xf32>
        %add3A_1057 = arith.addf %mul3A_1054, %add3A_1056 : vector<16xf32>
        %min3A_1058 = arith.minimumf %min3A_974, %add3A_1057 : vector<16xf32>
        %get3A_1059 = arith.constant 36 : i32
        %get3A_1060 = arith.index_cast %get3A_1059 : i32 to index
        %get3A_1061 = arith.index_cast %mul3A_246 : i32 to index
        %get3A_1062 = tpu.vector_load %arg7[%get3A_1060, %get3A_1061] {strides = array<i32>} : memref<85x256xf32, #tpu.memory_space<vmem>>, vector<16xf32>,
        %get3A_1063 = arith.constant 36 : i32
        %get3A_1064 = arith.index_cast %get3A_1063 : i32 to index
        %get3A_1065 = arith.index_cast %mul3A_246 : i32 to index
        %get3A_1066 = tpu.vector_load %arg9[%get3A_1064, %get3A_1065] {strides = array<i32>} : memref<85x256xf32, #tpu.memory_space<vmem>>, vector<16xf32>,
        %sub3A_1067 = arith.subf %get3A_1062, %get3A_392 : vector<16xf32>
        %exp3A_1068 = math.exp %sub3A_1067 : vector<16xf32>
        %add3A_1069 = arith.addf %add3A_985, %exp3A_1068 : vector<16xf32>
        %sub3A_1070 = arith.constant 1.000000e+00 : f32
        %sub3A_1071 = vector.broadcast %sub3A_1070 : f32 to vector<16xf32>
        %sub3A_1072 = arith.subf %sub3A_1071, %get3A_1066 : vector<16xf32>
        %mul3A_1073 = arith.constant 1.000000e+03 : f32
        %mul3A_1074 = vector.broadcast %mul3A_1073 : f32 to vector<16xf32>
        %mul3A_1075 = arith.mulf %sub3A_1072, %mul3A_1074 : vector<16xf32>
        %add3A_1076 = arith.constant 3.100000e+01 : f32
        %add3A_1077 = vector.broadcast %add3A_1076 : f32 to vector<16xf32>
        %add3A_1078 = arith.addf %mul3A_1075, %add3A_1077 : vector<16xf32>
        %min3A_1079 = arith.minimumf %min3A_995, %add3A_1078 : vector<16xf32>
        %get3A_1080 = arith.constant 37 : i32
        %get3A_1081 = arith.index_cast %get3A_1080 : i32 to index
        %get3A_1082 = arith.index_cast %mul3A_246 : i32 to index
        %get3A_1083 = tpu.vector_load %arg7[%get3A_1081, %get3A_1082] {strides = array<i32>} : memref<85x256xf32, #tpu.memory_space<vmem>>, vector<16xf32>,
        %get3A_1084 = arith.constant 37 : i32
        %get3A_1085 = arith.index_cast %get3A_1084 : i32 to index
        %get3A_1086 = arith.index_cast %mul3A_246 : i32 to index
        %get3A_1087 = tpu.vector_load %arg9[%get3A_1085, %get3A_1086] {strides = array<i32>} : memref<85x256xf32, #tpu.memory_space<vmem>>, vector<16xf32>,
        %sub3A_1088 = arith.subf %get3A_1083, %get3A_392 : vector<16xf32>
        %exp3A_1089 = math.exp %sub3A_1088 : vector<16xf32>
        %add3A_1090 = arith.addf %add3A_1006, %exp3A_1089 : vector<16xf32>
        %sub3A_1091 = arith.constant 1.000000e+00 : f32
        %sub3A_1092 = vector.broadcast %sub3A_1091 : f32 to vector<16xf32>
        %sub3A_1093 = arith.subf %sub3A_1092, %get3A_1087 : vector<16xf32>
        %mul3A_1094 = arith.constant 1.000000e+03 : f32
        %mul3A_1095 = vector.broadcast %mul3A_1094 : f32 to vector<16xf32>
        %mul3A_1096 = arith.mulf %sub3A_1093, %mul3A_1095 : vector<16xf32>
        %add3A_1097 = arith.constant 3.200000e+01 : f32
        %add3A_1098 = vector.broadcast %add3A_1097 : f32 to vector<16xf32>
        %add3A_1099 = arith.addf %mul3A_1096, %add3A_1098 : vector<16xf32>
        %min3A_1100 = arith.minimumf %min3A_1016, %add3A_1099 : vector<16xf32>
        %get3A_1101 = arith.constant 38 : i32
        %get3A_1102 = arith.index_cast %get3A_1101 : i32 to index
        %get3A_1103 = arith.index_cast %mul3A_246 : i32 to index
        %get3A_1104 = tpu.vector_load %arg7[%get3A_1102, %get3A_1103] {strides = array<i32>} : memref<85x256xf32, #tpu.memory_space<vmem>>, vector<16xf32>,
        %get3A_1105 = arith.constant 38 : i32
        %get3A_1106 = arith.index_cast %get3A_1105 : i32 to index
        %get3A_1107 = arith.index_cast %mul3A_246 : i32 to index
        %get3A_1108 = tpu.vector_load %arg9[%get3A_1106, %get3A_1107] {strides = array<i32>} : memref<85x256xf32, #tpu.memory_space<vmem>>, vector<16xf32>,
        %sub3A_1109 = arith.subf %get3A_1104, %get3A_392 : vector<16xf32>
        %exp3A_1110 = math.exp %sub3A_1109 : vector<16xf32>
        %add3A_1111 = arith.addf %add3A_1027, %exp3A_1110 : vector<16xf32>
        %sub3A_1112 = arith.constant 1.000000e+00 : f32
        %sub3A_1113 = vector.broadcast %sub3A_1112 : f32 to vector<16xf32>
        %sub3A_1114 = arith.subf %sub3A_1113, %get3A_1108 : vector<16xf32>
        %mul3A_1115 = arith.constant 1.000000e+03 : f32
        %mul3A_1116 = vector.broadcast %mul3A_1115 : f32 to vector<16xf32>
        %mul3A_1117 = arith.mulf %sub3A_1114, %mul3A_1116 : vector<16xf32>
        %add3A_1118 = arith.constant 3.300000e+01 : f32
        %add3A_1119 = vector.broadcast %add3A_1118 : f32 to vector<16xf32>
        %add3A_1120 = arith.addf %mul3A_1117, %add3A_1119 : vector<16xf32>
        %min3A_1121 = arith.minimumf %min3A_1037, %add3A_1120 : vector<16xf32>
        %get3A_1122 = arith.constant 39 : i32
        %get3A_1123 = arith.index_cast %get3A_1122 : i32 to index
        %get3A_1124 = arith.index_cast %mul3A_246 : i32 to index
        %get3A_1125 = tpu.vector_load %arg7[%get3A_1123, %get3A_1124] {strides = array<i32>} : memref<85x256xf32, #tpu.memory_space<vmem>>, vector<16xf32>,
        %get3A_1126 = arith.constant 39 : i32
        %get3A_1127 = arith.index_cast %get3A_1126 : i32 to index
        %get3A_1128 = arith.index_cast %mul3A_246 : i32 to index
        %get3A_1129 = tpu.vector_load %arg9[%get3A_1127, %get3A_1128] {strides = array<i32>} : memref<85x256xf32, #tpu.memory_space<vmem>>, vector<16xf32>,
        %sub3A_1130 = arith.subf %get3A_1125, %get3A_392 : vector<16xf32>
        %exp3A_1131 = math.exp %sub3A_1130 : vector<16xf32>
        %add3A_1132 = arith.addf %add3A_1048, %exp3A_1131 : vector<16xf32>
        %sub3A_1133 = arith.constant 1.000000e+00 : f32
        %sub3A_1134 = vector.broadcast %sub3A_1133 : f32 to vector<16xf32>
        %sub3A_1135 = arith.subf %sub3A_1134, %get3A_1129 : vector<16xf32>
        %mul3A_1136 = arith.constant 1.000000e+03 : f32
        %mul3A_1137 = vector.broadcast %mul3A_1136 : f32 to vector<16xf32>
        %mul3A_1138 = arith.mulf %sub3A_1135, %mul3A_1137 : vector<16xf32>
        %add3A_1139 = arith.constant 3.400000e+01 : f32
        %add3A_1140 = vector.broadcast %add3A_1139 : f32 to vector<16xf32>
        %add3A_1141 = arith.addf %mul3A_1138, %add3A_1140 : vector<16xf32>
        %min3A_1142 = arith.minimumf %min3A_1058, %add3A_1141 : vector<16xf32>
        %get3A_1143 = arith.constant 40 : i32
        %get3A_1144 = arith.index_cast %get3A_1143 : i32 to index
        %get3A_1145 = arith.index_cast %mul3A_246 : i32 to index
        %get3A_1146 = tpu.vector_load %arg7[%get3A_1144, %get3A_1145] {strides = array<i32>} : memref<85x256xf32, #tpu.memory_space<vmem>>, vector<16xf32>,
        %get3A_1147 = arith.constant 40 : i32
        %get3A_1148 = arith.index_cast %get3A_1147 : i32 to index
        %get3A_1149 = arith.index_cast %mul3A_246 : i32 to index
        %get3A_1150 = tpu.vector_load %arg9[%get3A_1148, %get3A_1149] {strides = array<i32>} : memref<85x256xf32, #tpu.memory_space<vmem>>, vector<16xf32>,
        %sub3A_1151 = arith.subf %get3A_1146, %get3A_392 : vector<16xf32>
        %exp3A_1152 = math.exp %sub3A_1151 : vector<16xf32>
        %add3A_1153 = arith.addf %add3A_1069, %exp3A_1152 : vector<16xf32>
        %sub3A_1154 = arith.constant 1.000000e+00 : f32
        %sub3A_1155 = vector.broadcast %sub3A_1154 : f32 to vector<16xf32>
        %sub3A_1156 = arith.subf %sub3A_1155, %get3A_1150 : vector<16xf32>
        %mul3A_1157 = arith.constant 1.000000e+03 : f32
        %mul3A_1158 = vector.broadcast %mul3A_1157 : f32 to vector<16xf32>
        %mul3A_1159 = arith.mulf %sub3A_1156, %mul3A_1158 : vector<16xf32>
        %add3A_1160 = arith.constant 3.500000e+01 : f32
        %add3A_1161 = vector.broadcast %add3A_1160 : f32 to vector<16xf32>
        %add3A_1162 = arith.addf %mul3A_1159, %add3A_1161 : vector<16xf32>
        %min3A_1163 = arith.minimumf %min3A_1079, %add3A_1162 : vector<16xf32>
        %get3A_1164 = arith.constant 41 : i32
        %get3A_1165 = arith.index_cast %get3A_1164 : i32 to index
        %get3A_1166 = arith.index_cast %mul3A_246 : i32 to index
        %get3A_1167 = tpu.vector_load %arg7[%get3A_1165, %get3A_1166] {strides = array<i32>} : memref<85x256xf32, #tpu.memory_space<vmem>>, vector<16xf32>,
        %get3A_1168 = arith.constant 41 : i32
        %get3A_1169 = arith.index_cast %get3A_1168 : i32 to index
        %get3A_1170 = arith.index_cast %mul3A_246 : i32 to index
        %get3A_1171 = tpu.vector_load %arg9[%get3A_1169, %get3A_1170] {strides = array<i32>} : memref<85x256xf32, #tpu.memory_space<vmem>>, vector<16xf32>,
        %sub3A_1172 = arith.subf %get3A_1167, %get3A_392 : vector<16xf32>
        %exp3A_1173 = math.exp %sub3A_1172 : vector<16xf32>
        %add3A_1174 = arith.addf %add3A_1090, %exp3A_1173 : vector<16xf32>
        %sub3A_1175 = arith.constant 1.000000e+00 : f32
        %sub3A_1176 = vector.broadcast %sub3A_1175 : f32 to vector<16xf32>
        %sub3A_1177 = arith.subf %sub3A_1176, %get3A_1171 : vector<16xf32>
        %mul3A_1178 = arith.constant 1.000000e+03 : f32
        %mul3A_1179 = vector.broadcast %mul3A_1178 : f32 to vector<16xf32>
        %mul3A_1180 = arith.mulf %sub3A_1177, %mul3A_1179 : vector<16xf32>
        %add3A_1181 = arith.constant 3.600000e+01 : f32
        %add3A_1182 = vector.broadcast %add3A_1181 : f32 to vector<16xf32>
        %add3A_1183 = arith.addf %mul3A_1180, %add3A_1182 : vector<16xf32>
        %min3A_1184 = arith.minimumf %min3A_1100, %add3A_1183 : vector<16xf32>
        %get3A_1185 = arith.constant 42 : i32
        %get3A_1186 = arith.index_cast %get3A_1185 : i32 to index
        %get3A_1187 = arith.index_cast %mul3A_246 : i32 to index
        %get3A_1188 = tpu.vector_load %arg7[%get3A_1186, %get3A_1187] {strides = array<i32>} : memref<85x256xf32, #tpu.memory_space<vmem>>, vector<16xf32>,
        %get3A_1189 = arith.constant 42 : i32
        %get3A_1190 = arith.index_cast %get3A_1189 : i32 to index
        %get3A_1191 = arith.index_cast %mul3A_246 : i32 to index
        %get3A_1192 = tpu.vector_load %arg9[%get3A_1190, %get3A_1191] {strides = array<i32>} : memref<85x256xf32, #tpu.memory_space<vmem>>, vector<16xf32>,
        %sub3A_1193 = arith.subf %get3A_1188, %get3A_392 : vector<16xf32>
        %exp3A_1194 = math.exp %sub3A_1193 : vector<16xf32>
        %add3A_1195 = arith.addf %add3A_1111, %exp3A_1194 : vector<16xf32>
        %sub3A_1196 = arith.constant 1.000000e+00 : f32
        %sub3A_1197 = vector.broadcast %sub3A_1196 : f32 to vector<16xf32>
        %sub3A_1198 = arith.subf %sub3A_1197, %get3A_1192 : vector<16xf32>
        %mul3A_1199 = arith.constant 1.000000e+03 : f32
        %mul3A_1200 = vector.broadcast %mul3A_1199 : f32 to vector<16xf32>
        %mul3A_1201 = arith.mulf %sub3A_1198, %mul3A_1200 : vector<16xf32>
        %add3A_1202 = arith.constant 3.700000e+01 : f32
        %add3A_1203 = vector.broadcast %add3A_1202 : f32 to vector<16xf32>
        %add3A_1204 = arith.addf %mul3A_1201, %add3A_1203 : vector<16xf32>
        %min3A_1205 = arith.minimumf %min3A_1121, %add3A_1204 : vector<16xf32>
        %get3A_1206 = arith.constant 43 : i32
        %get3A_1207 = arith.index_cast %get3A_1206 : i32 to index
        %get3A_1208 = arith.index_cast %mul3A_246 : i32 to index
        %get3A_1209 = tpu.vector_load %arg7[%get3A_1207, %get3A_1208] {strides = array<i32>} : memref<85x256xf32, #tpu.memory_space<vmem>>, vector<16xf32>,
        %get3A_1210 = arith.constant 43 : i32
        %get3A_1211 = arith.index_cast %get3A_1210 : i32 to index
        %get3A_1212 = arith.index_cast %mul3A_246 : i32 to index
        %get3A_1213 = tpu.vector_load %arg9[%get3A_1211, %get3A_1212] {strides = array<i32>} : memref<85x256xf32, #tpu.memory_space<vmem>>, vector<16xf32>,
        %sub3A_1214 = arith.subf %get3A_1209, %get3A_392 : vector<16xf32>
        %exp3A_1215 = math.exp %sub3A_1214 : vector<16xf32>
        %add3A_1216 = arith.addf %add3A_1132, %exp3A_1215 : vector<16xf32>
        %sub3A_1217 = arith.constant 1.000000e+00 : f32
        %sub3A_1218 = vector.broadcast %sub3A_1217 : f32 to vector<16xf32>
        %sub3A_1219 = arith.subf %sub3A_1218, %get3A_1213 : vector<16xf32>
        %mul3A_1220 = arith.constant 1.000000e+03 : f32
        %mul3A_1221 = vector.broadcast %mul3A_1220 : f32 to vector<16xf32>
        %mul3A_1222 = arith.mulf %sub3A_1219, %mul3A_1221 : vector<16xf32>
        %add3A_1223 = arith.constant 3.800000e+01 : f32
        %add3A_1224 = vector.broadcast %add3A_1223 : f32 to vector<16xf32>
        %add3A_1225 = arith.addf %mul3A_1222, %add3A_1224 : vector<16xf32>
        %min3A_1226 = arith.minimumf %min3A_1142, %add3A_1225 : vector<16xf32>
        %get3A_1227 = arith.constant 44 : i32
        %get3A_1228 = arith.index_cast %get3A_1227 : i32 to index
        %get3A_1229 = arith.index_cast %mul3A_246 : i32 to index
        %get3A_1230 = tpu.vector_load %arg7[%get3A_1228, %get3A_1229] {strides = array<i32>} : memref<85x256xf32, #tpu.memory_space<vmem>>, vector<16xf32>,
        %get3A_1231 = arith.constant 44 : i32
        %get3A_1232 = arith.index_cast %get3A_1231 : i32 to index
        %get3A_1233 = arith.index_cast %mul3A_246 : i32 to index
        %get3A_1234 = tpu.vector_load %arg9[%get3A_1232, %get3A_1233] {strides = array<i32>} : memref<85x256xf32, #tpu.memory_space<vmem>>, vector<16xf32>,
        %sub3A_1235 = arith.subf %get3A_1230, %get3A_392 : vector<16xf32>
        %exp3A_1236 = math.exp %sub3A_1235 : vector<16xf32>
        %add3A_1237 = arith.addf %add3A_1153, %exp3A_1236 : vector<16xf32>
        %sub3A_1238 = arith.constant 1.000000e+00 : f32
        %sub3A_1239 = vector.broadcast %sub3A_1238 : f32 to vector<16xf32>
        %sub3A_1240 = arith.subf %sub3A_1239, %get3A_1234 : vector<16xf32>
        %mul3A_1241 = arith.constant 1.000000e+03 : f32
        %mul3A_1242 = vector.broadcast %mul3A_1241 : f32 to vector<16xf32>
        %mul3A_1243 = arith.mulf %sub3A_1240, %mul3A_1242 : vector<16xf32>
        %add3A_1244 = arith.constant 3.900000e+01 : f32
        %add3A_1245 = vector.broadcast %add3A_1244 : f32 to vector<16xf32>
        %add3A_1246 = arith.addf %mul3A_1243, %add3A_1245 : vector<16xf32>
        %min3A_1247 = arith.minimumf %min3A_1163, %add3A_1246 : vector<16xf32>
        %get3A_1248 = arith.constant 45 : i32
        %get3A_1249 = arith.index_cast %get3A_1248 : i32 to index
        %get3A_1250 = arith.index_cast %mul3A_246 : i32 to index
        %get3A_1251 = tpu.vector_load %arg7[%get3A_1249, %get3A_1250] {strides = array<i32>} : memref<85x256xf32, #tpu.memory_space<vmem>>, vector<16xf32>,
        %get3A_1252 = arith.constant 45 : i32
        %get3A_1253 = arith.index_cast %get3A_1252 : i32 to index
        %get3A_1254 = arith.index_cast %mul3A_246 : i32 to index
        %get3A_1255 = tpu.vector_load %arg9[%get3A_1253, %get3A_1254] {strides = array<i32>} : memref<85x256xf32, #tpu.memory_space<vmem>>, vector<16xf32>,
        %sub3A_1256 = arith.subf %get3A_1251, %get3A_392 : vector<16xf32>
        %exp3A_1257 = math.exp %sub3A_1256 : vector<16xf32>
        %add3A_1258 = arith.addf %add3A_1174, %exp3A_1257 : vector<16xf32>
        %sub3A_1259 = arith.constant 1.000000e+00 : f32
        %sub3A_1260 = vector.broadcast %sub3A_1259 : f32 to vector<16xf32>
        %sub3A_1261 = arith.subf %sub3A_1260, %get3A_1255 : vector<16xf32>
        %mul3A_1262 = arith.constant 1.000000e+03 : f32
        %mul3A_1263 = vector.broadcast %mul3A_1262 : f32 to vector<16xf32>
        %mul3A_1264 = arith.mulf %sub3A_1261, %mul3A_1263 : vector<16xf32>
        %add3A_1265 = arith.constant 4.000000e+01 : f32
        %add3A_1266 = vector.broadcast %add3A_1265 : f32 to vector<16xf32>
        %add3A_1267 = arith.addf %mul3A_1264, %add3A_1266 : vector<16xf32>
        %min3A_1268 = arith.minimumf %min3A_1184, %add3A_1267 : vector<16xf32>
        %get3A_1269 = arith.constant 46 : i32
        %get3A_1270 = arith.index_cast %get3A_1269 : i32 to index
        %get3A_1271 = arith.index_cast %mul3A_246 : i32 to index
        %get3A_1272 = tpu.vector_load %arg7[%get3A_1270, %get3A_1271] {strides = array<i32>} : memref<85x256xf32, #tpu.memory_space<vmem>>, vector<16xf32>,
        %get3A_1273 = arith.constant 46 : i32
        %get3A_1274 = arith.index_cast %get3A_1273 : i32 to index
        %get3A_1275 = arith.index_cast %mul3A_246 : i32 to index
        %get3A_1276 = tpu.vector_load %arg9[%get3A_1274, %get3A_1275] {strides = array<i32>} : memref<85x256xf32, #tpu.memory_space<vmem>>, vector<16xf32>,
        %sub3A_1277 = arith.subf %get3A_1272, %get3A_392 : vector<16xf32>
        %exp3A_1278 = math.exp %sub3A_1277 : vector<16xf32>
        %add3A_1279 = arith.addf %add3A_1195, %exp3A_1278 : vector<16xf32>
        %sub3A_1280 = arith.constant 1.000000e+00 : f32
        %sub3A_1281 = vector.broadcast %sub3A_1280 : f32 to vector<16xf32>
        %sub3A_1282 = arith.subf %sub3A_1281, %get3A_1276 : vector<16xf32>
        %mul3A_1283 = arith.constant 1.000000e+03 : f32
        %mul3A_1284 = vector.broadcast %mul3A_1283 : f32 to vector<16xf32>
        %mul3A_1285 = arith.mulf %sub3A_1282, %mul3A_1284 : vector<16xf32>
        %add3A_1286 = arith.constant 4.100000e+01 : f32
        %add3A_1287 = vector.broadcast %add3A_1286 : f32 to vector<16xf32>
        %add3A_1288 = arith.addf %mul3A_1285, %add3A_1287 : vector<16xf32>
        %min3A_1289 = arith.minimumf %min3A_1205, %add3A_1288 : vector<16xf32>
        %get3A_1290 = arith.constant 47 : i32
        %get3A_1291 = arith.index_cast %get3A_1290 : i32 to index
        %get3A_1292 = arith.index_cast %mul3A_246 : i32 to index
        %get3A_1293 = tpu.vector_load %arg7[%get3A_1291, %get3A_1292] {strides = array<i32>} : memref<85x256xf32, #tpu.memory_space<vmem>>, vector<16xf32>,
        %get3A_1294 = arith.constant 47 : i32
        %get3A_1295 = arith.index_cast %get3A_1294 : i32 to index
        %get3A_1296 = arith.index_cast %mul3A_246 : i32 to index
        %get3A_1297 = tpu.vector_load %arg9[%get3A_1295, %get3A_1296] {strides = array<i32>} : memref<85x256xf32, #tpu.memory_space<vmem>>, vector<16xf32>,
        %sub3A_1298 = arith.subf %get3A_1293, %get3A_392 : vector<16xf32>
        %exp3A_1299 = math.exp %sub3A_1298 : vector<16xf32>
        %add3A_1300 = arith.addf %add3A_1216, %exp3A_1299 : vector<16xf32>
        %sub3A_1301 = arith.constant 1.000000e+00 : f32
        %sub3A_1302 = vector.broadcast %sub3A_1301 : f32 to vector<16xf32>
        %sub3A_1303 = arith.subf %sub3A_1302, %get3A_1297 : vector<16xf32>
        %mul3A_1304 = arith.constant 1.000000e+03 : f32
        %mul3A_1305 = vector.broadcast %mul3A_1304 : f32 to vector<16xf32>
        %mul3A_1306 = arith.mulf %sub3A_1303, %mul3A_1305 : vector<16xf32>
        %add3A_1307 = arith.constant 4.200000e+01 : f32
        %add3A_1308 = vector.broadcast %add3A_1307 : f32 to vector<16xf32>
        %add3A_1309 = arith.addf %mul3A_1306, %add3A_1308 : vector<16xf32>
        %min3A_1310 = arith.minimumf %min3A_1226, %add3A_1309 : vector<16xf32>
        %get3A_1311 = arith.constant 48 : i32
        %get3A_1312 = arith.index_cast %get3A_1311 : i32 to index
        %get3A_1313 = arith.index_cast %mul3A_246 : i32 to index
        %get3A_1314 = tpu.vector_load %arg7[%get3A_1312, %get3A_1313] {strides = array<i32>} : memref<85x256xf32, #tpu.memory_space<vmem>>, vector<16xf32>,
        %get3A_1315 = arith.constant 48 : i32
        %get3A_1316 = arith.index_cast %get3A_1315 : i32 to index
        %get3A_1317 = arith.index_cast %mul3A_246 : i32 to index
        %get3A_1318 = tpu.vector_load %arg9[%get3A_1316, %get3A_1317] {strides = array<i32>} : memref<85x256xf32, #tpu.memory_space<vmem>>, vector<16xf32>,
        %sub3A_1319 = arith.subf %get3A_1314, %get3A_392 : vector<16xf32>
        %exp3A_1320 = math.exp %sub3A_1319 : vector<16xf32>
        %add3A_1321 = arith.addf %add3A_1237, %exp3A_1320 : vector<16xf32>
        %sub3A_1322 = arith.constant 1.000000e+00 : f32
        %sub3A_1323 = vector.broadcast %sub3A_1322 : f32 to vector<16xf32>
        %sub3A_1324 = arith.subf %sub3A_1323, %get3A_1318 : vector<16xf32>
        %mul3A_1325 = arith.constant 1.000000e+03 : f32
        %mul3A_1326 = vector.broadcast %mul3A_1325 : f32 to vector<16xf32>
        %mul3A_1327 = arith.mulf %sub3A_1324, %mul3A_1326 : vector<16xf32>
        %add3A_1328 = arith.constant 4.300000e+01 : f32
        %add3A_1329 = vector.broadcast %add3A_1328 : f32 to vector<16xf32>
        %add3A_1330 = arith.addf %mul3A_1327, %add3A_1329 : vector<16xf32>
        %min3A_1331 = arith.minimumf %min3A_1247, %add3A_1330 : vector<16xf32>
        %get3A_1332 = arith.constant 49 : i32
        %get3A_1333 = arith.index_cast %get3A_1332 : i32 to index
        %get3A_1334 = arith.index_cast %mul3A_246 : i32 to index
        %get3A_1335 = tpu.vector_load %arg7[%get3A_1333, %get3A_1334] {strides = array<i32>} : memref<85x256xf32, #tpu.memory_space<vmem>>, vector<16xf32>,
        %get3A_1336 = arith.constant 49 : i32
        %get3A_1337 = arith.index_cast %get3A_1336 : i32 to index
        %get3A_1338 = arith.index_cast %mul3A_246 : i32 to index
        %get3A_1339 = tpu.vector_load %arg9[%get3A_1337, %get3A_1338] {strides = array<i32>} : memref<85x256xf32, #tpu.memory_space<vmem>>, vector<16xf32>,
        %sub3A_1340 = arith.subf %get3A_1335, %get3A_392 : vector<16xf32>
        %exp3A_1341 = math.exp %sub3A_1340 : vector<16xf32>
        %add3A_1342 = arith.addf %add3A_1258, %exp3A_1341 : vector<16xf32>
        %sub3A_1343 = arith.constant 1.000000e+00 : f32
        %sub3A_1344 = vector.broadcast %sub3A_1343 : f32 to vector<16xf32>
        %sub3A_1345 = arith.subf %sub3A_1344, %get3A_1339 : vector<16xf32>
        %mul3A_1346 = arith.constant 1.000000e+03 : f32
        %mul3A_1347 = vector.broadcast %mul3A_1346 : f32 to vector<16xf32>
        %mul3A_1348 = arith.mulf %sub3A_1345, %mul3A_1347 : vector<16xf32>
        %add3A_1349 = arith.constant 4.400000e+01 : f32
        %add3A_1350 = vector.broadcast %add3A_1349 : f32 to vector<16xf32>
        %add3A_1351 = arith.addf %mul3A_1348, %add3A_1350 : vector<16xf32>
        %min3A_1352 = arith.minimumf %min3A_1268, %add3A_1351 : vector<16xf32>
        %get3A_1353 = arith.constant 50 : i32
        %get3A_1354 = arith.index_cast %get3A_1353 : i32 to index
        %get3A_1355 = arith.index_cast %mul3A_246 : i32 to index
        %get3A_1356 = tpu.vector_load %arg7[%get3A_1354, %get3A_1355] {strides = array<i32>} : memref<85x256xf32, #tpu.memory_space<vmem>>, vector<16xf32>,
        %get3A_1357 = arith.constant 50 : i32
        %get3A_1358 = arith.index_cast %get3A_1357 : i32 to index
        %get3A_1359 = arith.index_cast %mul3A_246 : i32 to index
        %get3A_1360 = tpu.vector_load %arg9[%get3A_1358, %get3A_1359] {strides = array<i32>} : memref<85x256xf32, #tpu.memory_space<vmem>>, vector<16xf32>,
        %sub3A_1361 = arith.subf %get3A_1356, %get3A_392 : vector<16xf32>
        %exp3A_1362 = math.exp %sub3A_1361 : vector<16xf32>
        %add3A_1363 = arith.addf %add3A_1279, %exp3A_1362 : vector<16xf32>
        %sub3A_1364 = arith.constant 1.000000e+00 : f32
        %sub3A_1365 = vector.broadcast %sub3A_1364 : f32 to vector<16xf32>
        %sub3A_1366 = arith.subf %sub3A_1365, %get3A_1360 : vector<16xf32>
        %mul3A_1367 = arith.constant 1.000000e+03 : f32
        %mul3A_1368 = vector.broadcast %mul3A_1367 : f32 to vector<16xf32>
        %mul3A_1369 = arith.mulf %sub3A_1366, %mul3A_1368 : vector<16xf32>
        %add3A_1370 = arith.constant 4.500000e+01 : f32
        %add3A_1371 = vector.broadcast %add3A_1370 : f32 to vector<16xf32>
        %add3A_1372 = arith.addf %mul3A_1369, %add3A_1371 : vector<16xf32>
        %min3A_1373 = arith.minimumf %min3A_1289, %add3A_1372 : vector<16xf32>
        %get3A_1374 = arith.constant 51 : i32
        %get3A_1375 = arith.index_cast %get3A_1374 : i32 to index
        %get3A_1376 = arith.index_cast %mul3A_246 : i32 to index
        %get3A_1377 = tpu.vector_load %arg7[%get3A_1375, %get3A_1376] {strides = array<i32>} : memref<85x256xf32, #tpu.memory_space<vmem>>, vector<16xf32>,
        %get3A_1378 = arith.constant 51 : i32
        %get3A_1379 = arith.index_cast %get3A_1378 : i32 to index
        %get3A_1380 = arith.index_cast %mul3A_246 : i32 to index
        %get3A_1381 = tpu.vector_load %arg9[%get3A_1379, %get3A_1380] {strides = array<i32>} : memref<85x256xf32, #tpu.memory_space<vmem>>, vector<16xf32>,
        %sub3A_1382 = arith.subf %get3A_1377, %get3A_392 : vector<16xf32>
        %exp3A_1383 = math.exp %sub3A_1382 : vector<16xf32>
        %add3A_1384 = arith.addf %add3A_1300, %exp3A_1383 : vector<16xf32>
        %sub3A_1385 = arith.constant 1.000000e+00 : f32
        %sub3A_1386 = vector.broadcast %sub3A_1385 : f32 to vector<16xf32>
        %sub3A_1387 = arith.subf %sub3A_1386, %get3A_1381 : vector<16xf32>
        %mul3A_1388 = arith.constant 1.000000e+03 : f32
        %mul3A_1389 = vector.broadcast %mul3A_1388 : f32 to vector<16xf32>
        %mul3A_1390 = arith.mulf %sub3A_1387, %mul3A_1389 : vector<16xf32>
        %add3A_1391 = arith.constant 4.600000e+01 : f32
        %add3A_1392 = vector.broadcast %add3A_1391 : f32 to vector<16xf32>
        %add3A_1393 = arith.addf %mul3A_1390, %add3A_1392 : vector<16xf32>
        %min3A_1394 = arith.minimumf %min3A_1310, %add3A_1393 : vector<16xf32>
        %get3A_1395 = arith.constant 52 : i32
        %get3A_1396 = arith.index_cast %get3A_1395 : i32 to index
        %get3A_1397 = arith.index_cast %mul3A_246 : i32 to index
        %get3A_1398 = tpu.vector_load %arg7[%get3A_1396, %get3A_1397] {strides = array<i32>} : memref<85x256xf32, #tpu.memory_space<vmem>>, vector<16xf32>,
        %get3A_1399 = arith.constant 52 : i32
        %get3A_1400 = arith.index_cast %get3A_1399 : i32 to index
        %get3A_1401 = arith.index_cast %mul3A_246 : i32 to index
        %get3A_1402 = tpu.vector_load %arg9[%get3A_1400, %get3A_1401] {strides = array<i32>} : memref<85x256xf32, #tpu.memory_space<vmem>>, vector<16xf32>,
        %sub3A_1403 = arith.subf %get3A_1398, %get3A_392 : vector<16xf32>
        %exp3A_1404 = math.exp %sub3A_1403 : vector<16xf32>
        %add3A_1405 = arith.addf %add3A_1321, %exp3A_1404 : vector<16xf32>
        %sub3A_1406 = arith.constant 1.000000e+00 : f32
        %sub3A_1407 = vector.broadcast %sub3A_1406 : f32 to vector<16xf32>
        %sub3A_1408 = arith.subf %sub3A_1407, %get3A_1402 : vector<16xf32>
        %mul3A_1409 = arith.constant 1.000000e+03 : f32
        %mul3A_1410 = vector.broadcast %mul3A_1409 : f32 to vector<16xf32>
        %mul3A_1411 = arith.mulf %sub3A_1408, %mul3A_1410 : vector<16xf32>
        %add3A_1412 = arith.constant 4.700000e+01 : f32
        %add3A_1413 = vector.broadcast %add3A_1412 : f32 to vector<16xf32>
        %add3A_1414 = arith.addf %mul3A_1411, %add3A_1413 : vector<16xf32>
        %min3A_1415 = arith.minimumf %min3A_1331, %add3A_1414 : vector<16xf32>
        %get3A_1416 = arith.constant 53 : i32
        %get3A_1417 = arith.index_cast %get3A_1416 : i32 to index
        %get3A_1418 = arith.index_cast %mul3A_246 : i32 to index
        %get3A_1419 = tpu.vector_load %arg7[%get3A_1417, %get3A_1418] {strides = array<i32>} : memref<85x256xf32, #tpu.memory_space<vmem>>, vector<16xf32>,
        %get3A_1420 = arith.constant 53 : i32
        %get3A_1421 = arith.index_cast %get3A_1420 : i32 to index
        %get3A_1422 = arith.index_cast %mul3A_246 : i32 to index
        %get3A_1423 = tpu.vector_load %arg9[%get3A_1421, %get3A_1422] {strides = array<i32>} : memref<85x256xf32, #tpu.memory_space<vmem>>, vector<16xf32>,
        %sub3A_1424 = arith.subf %get3A_1419, %get3A_392 : vector<16xf32>
        %exp3A_1425 = math.exp %sub3A_1424 : vector<16xf32>
        %add3A_1426 = arith.addf %add3A_1342, %exp3A_1425 : vector<16xf32>
        %sub3A_1427 = arith.constant 1.000000e+00 : f32
        %sub3A_1428 = vector.broadcast %sub3A_1427 : f32 to vector<16xf32>
        %sub3A_1429 = arith.subf %sub3A_1428, %get3A_1423 : vector<16xf32>
        %mul3A_1430 = arith.constant 1.000000e+03 : f32
        %mul3A_1431 = vector.broadcast %mul3A_1430 : f32 to vector<16xf32>
        %mul3A_1432 = arith.mulf %sub3A_1429, %mul3A_1431 : vector<16xf32>
        %add3A_1433 = arith.constant 4.800000e+01 : f32
        %add3A_1434 = vector.broadcast %add3A_1433 : f32 to vector<16xf32>
        %add3A_1435 = arith.addf %mul3A_1432, %add3A_1434 : vector<16xf32>
        %min3A_1436 = arith.minimumf %min3A_1352, %add3A_1435 : vector<16xf32>
        %get3A_1437 = arith.constant 54 : i32
        %get3A_1438 = arith.index_cast %get3A_1437 : i32 to index
        %get3A_1439 = arith.index_cast %mul3A_246 : i32 to index
        %get3A_1440 = tpu.vector_load %arg7[%get3A_1438, %get3A_1439] {strides = array<i32>} : memref<85x256xf32, #tpu.memory_space<vmem>>, vector<16xf32>,
        %get3A_1441 = arith.constant 54 : i32
        %get3A_1442 = arith.index_cast %get3A_1441 : i32 to index
        %get3A_1443 = arith.index_cast %mul3A_246 : i32 to index
        %get3A_1444 = tpu.vector_load %arg9[%get3A_1442, %get3A_1443] {strides = array<i32>} : memref<85x256xf32, #tpu.memory_space<vmem>>, vector<16xf32>,
        %sub3A_1445 = arith.subf %get3A_1440, %get3A_392 : vector<16xf32>
        %exp3A_1446 = math.exp %sub3A_1445 : vector<16xf32>
        %add3A_1447 = arith.addf %add3A_1363, %exp3A_1446 : vector<16xf32>
        %sub3A_1448 = arith.constant 1.000000e+00 : f32
        %sub3A_1449 = vector.broadcast %sub3A_1448 : f32 to vector<16xf32>
        %sub3A_1450 = arith.subf %sub3A_1449, %get3A_1444 : vector<16xf32>
        %mul3A_1451 = arith.constant 1.000000e+03 : f32
        %mul3A_1452 = vector.broadcast %mul3A_1451 : f32 to vector<16xf32>
        %mul3A_1453 = arith.mulf %sub3A_1450, %mul3A_1452 : vector<16xf32>
        %add3A_1454 = arith.constant 4.900000e+01 : f32
        %add3A_1455 = vector.broadcast %add3A_1454 : f32 to vector<16xf32>
        %add3A_1456 = arith.addf %mul3A_1453, %add3A_1455 : vector<16xf32>
        %min3A_1457 = arith.minimumf %min3A_1373, %add3A_1456 : vector<16xf32>
        %get3A_1458 = arith.constant 55 : i32
        %get3A_1459 = arith.index_cast %get3A_1458 : i32 to index
        %get3A_1460 = arith.index_cast %mul3A_246 : i32 to index
        %get3A_1461 = tpu.vector_load %arg7[%get3A_1459, %get3A_1460] {strides = array<i32>} : memref<85x256xf32, #tpu.memory_space<vmem>>, vector<16xf32>,
        %get3A_1462 = arith.constant 55 : i32
        %get3A_1463 = arith.index_cast %get3A_1462 : i32 to index
        %get3A_1464 = arith.index_cast %mul3A_246 : i32 to index
        %get3A_1465 = tpu.vector_load %arg9[%get3A_1463, %get3A_1464] {strides = array<i32>} : memref<85x256xf32, #tpu.memory_space<vmem>>, vector<16xf32>,
        %sub3A_1466 = arith.subf %get3A_1461, %get3A_392 : vector<16xf32>
        %exp3A_1467 = math.exp %sub3A_1466 : vector<16xf32>
        %add3A_1468 = arith.addf %add3A_1384, %exp3A_1467 : vector<16xf32>
        %sub3A_1469 = arith.constant 1.000000e+00 : f32
        %sub3A_1470 = vector.broadcast %sub3A_1469 : f32 to vector<16xf32>
        %sub3A_1471 = arith.subf %sub3A_1470, %get3A_1465 : vector<16xf32>
        %mul3A_1472 = arith.constant 1.000000e+03 : f32
        %mul3A_1473 = vector.broadcast %mul3A_1472 : f32 to vector<16xf32>
        %mul3A_1474 = arith.mulf %sub3A_1471, %mul3A_1473 : vector<16xf32>
        %add3A_1475 = arith.constant 5.000000e+01 : f32
        %add3A_1476 = vector.broadcast %add3A_1475 : f32 to vector<16xf32>
        %add3A_1477 = arith.addf %mul3A_1474, %add3A_1476 : vector<16xf32>
        %min3A_1478 = arith.minimumf %min3A_1394, %add3A_1477 : vector<16xf32>
        %get3A_1479 = arith.constant 56 : i32
        %get3A_1480 = arith.index_cast %get3A_1479 : i32 to index
        %get3A_1481 = arith.index_cast %mul3A_246 : i32 to index
        %get3A_1482 = tpu.vector_load %arg7[%get3A_1480, %get3A_1481] {strides = array<i32>} : memref<85x256xf32, #tpu.memory_space<vmem>>, vector<16xf32>,
        %get3A_1483 = arith.constant 56 : i32
        %get3A_1484 = arith.index_cast %get3A_1483 : i32 to index
        %get3A_1485 = arith.index_cast %mul3A_246 : i32 to index
        %get3A_1486 = tpu.vector_load %arg9[%get3A_1484, %get3A_1485] {strides = array<i32>} : memref<85x256xf32, #tpu.memory_space<vmem>>, vector<16xf32>,
        %sub3A_1487 = arith.subf %get3A_1482, %get3A_392 : vector<16xf32>
        %exp3A_1488 = math.exp %sub3A_1487 : vector<16xf32>
        %add3A_1489 = arith.addf %add3A_1405, %exp3A_1488 : vector<16xf32>
        %sub3A_1490 = arith.constant 1.000000e+00 : f32
        %sub3A_1491 = vector.broadcast %sub3A_1490 : f32 to vector<16xf32>
        %sub3A_1492 = arith.subf %sub3A_1491, %get3A_1486 : vector<16xf32>
        %mul3A_1493 = arith.constant 1.000000e+03 : f32
        %mul3A_1494 = vector.broadcast %mul3A_1493 : f32 to vector<16xf32>
        %mul3A_1495 = arith.mulf %sub3A_1492, %mul3A_1494 : vector<16xf32>
        %add3A_1496 = arith.constant 5.100000e+01 : f32
        %add3A_1497 = vector.broadcast %add3A_1496 : f32 to vector<16xf32>
        %add3A_1498 = arith.addf %mul3A_1495, %add3A_1497 : vector<16xf32>
        %min3A_1499 = arith.minimumf %min3A_1415, %add3A_1498 : vector<16xf32>
        %get3A_1500 = arith.constant 57 : i32
        %get3A_1501 = arith.index_cast %get3A_1500 : i32 to index
        %get3A_1502 = arith.index_cast %mul3A_246 : i32 to index
        %get3A_1503 = tpu.vector_load %arg7[%get3A_1501, %get3A_1502] {strides = array<i32>} : memref<85x256xf32, #tpu.memory_space<vmem>>, vector<16xf32>,
        %get3A_1504 = arith.constant 57 : i32
        %get3A_1505 = arith.index_cast %get3A_1504 : i32 to index
        %get3A_1506 = arith.index_cast %mul3A_246 : i32 to index
        %get3A_1507 = tpu.vector_load %arg9[%get3A_1505, %get3A_1506] {strides = array<i32>} : memref<85x256xf32, #tpu.memory_space<vmem>>, vector<16xf32>,
        %sub3A_1508 = arith.subf %get3A_1503, %get3A_392 : vector<16xf32>
        %exp3A_1509 = math.exp %sub3A_1508 : vector<16xf32>
        %add3A_1510 = arith.addf %add3A_1426, %exp3A_1509 : vector<16xf32>
        %sub3A_1511 = arith.constant 1.000000e+00 : f32
        %sub3A_1512 = vector.broadcast %sub3A_1511 : f32 to vector<16xf32>
        %sub3A_1513 = arith.subf %sub3A_1512, %get3A_1507 : vector<16xf32>
        %mul3A_1514 = arith.constant 1.000000e+03 : f32
        %mul3A_1515 = vector.broadcast %mul3A_1514 : f32 to vector<16xf32>
        %mul3A_1516 = arith.mulf %sub3A_1513, %mul3A_1515 : vector<16xf32>
        %add3A_1517 = arith.constant 5.200000e+01 : f32
        %add3A_1518 = vector.broadcast %add3A_1517 : f32 to vector<16xf32>
        %add3A_1519 = arith.addf %mul3A_1516, %add3A_1518 : vector<16xf32>
        %min3A_1520 = arith.minimumf %min3A_1436, %add3A_1519 : vector<16xf32>
        %get3A_1521 = arith.constant 58 : i32
        %get3A_1522 = arith.index_cast %get3A_1521 : i32 to index
        %get3A_1523 = arith.index_cast %mul3A_246 : i32 to index
        %get3A_1524 = tpu.vector_load %arg7[%get3A_1522, %get3A_1523] {strides = array<i32>} : memref<85x256xf32, #tpu.memory_space<vmem>>, vector<16xf32>,
        %get3A_1525 = arith.constant 58 : i32
        %get3A_1526 = arith.index_cast %get3A_1525 : i32 to index
        %get3A_1527 = arith.index_cast %mul3A_246 : i32 to index
        %get3A_1528 = tpu.vector_load %arg9[%get3A_1526, %get3A_1527] {strides = array<i32>} : memref<85x256xf32, #tpu.memory_space<vmem>>, vector<16xf32>,
        %sub3A_1529 = arith.subf %get3A_1524, %get3A_392 : vector<16xf32>
        %exp3A_1530 = math.exp %sub3A_1529 : vector<16xf32>
        %add3A_1531 = arith.addf %add3A_1447, %exp3A_1530 : vector<16xf32>
        %sub3A_1532 = arith.constant 1.000000e+00 : f32
        %sub3A_1533 = vector.broadcast %sub3A_1532 : f32 to vector<16xf32>
        %sub3A_1534 = arith.subf %sub3A_1533, %get3A_1528 : vector<16xf32>
        %mul3A_1535 = arith.constant 1.000000e+03 : f32
        %mul3A_1536 = vector.broadcast %mul3A_1535 : f32 to vector<16xf32>
        %mul3A_1537 = arith.mulf %sub3A_1534, %mul3A_1536 : vector<16xf32>
        %add3A_1538 = arith.constant 5.300000e+01 : f32
        %add3A_1539 = vector.broadcast %add3A_1538 : f32 to vector<16xf32>
        %add3A_1540 = arith.addf %mul3A_1537, %add3A_1539 : vector<16xf32>
        %min3A_1541 = arith.minimumf %min3A_1457, %add3A_1540 : vector<16xf32>
        %get3A_1542 = arith.constant 59 : i32
        %get3A_1543 = arith.index_cast %get3A_1542 : i32 to index
        %get3A_1544 = arith.index_cast %mul3A_246 : i32 to index
        %get3A_1545 = tpu.vector_load %arg7[%get3A_1543, %get3A_1544] {strides = array<i32>} : memref<85x256xf32, #tpu.memory_space<vmem>>, vector<16xf32>,
        %get3A_1546 = arith.constant 59 : i32
        %get3A_1547 = arith.index_cast %get3A_1546 : i32 to index
        %get3A_1548 = arith.index_cast %mul3A_246 : i32 to index
        %get3A_1549 = tpu.vector_load %arg9[%get3A_1547, %get3A_1548] {strides = array<i32>} : memref<85x256xf32, #tpu.memory_space<vmem>>, vector<16xf32>,
        %sub3A_1550 = arith.subf %get3A_1545, %get3A_392 : vector<16xf32>
        %exp3A_1551 = math.exp %sub3A_1550 : vector<16xf32>
        %add3A_1552 = arith.addf %add3A_1468, %exp3A_1551 : vector<16xf32>
        %sub3A_1553 = arith.constant 1.000000e+00 : f32
        %sub3A_1554 = vector.broadcast %sub3A_1553 : f32 to vector<16xf32>
        %sub3A_1555 = arith.subf %sub3A_1554, %get3A_1549 : vector<16xf32>
        %mul3A_1556 = arith.constant 1.000000e+03 : f32
        %mul3A_1557 = vector.broadcast %mul3A_1556 : f32 to vector<16xf32>
        %mul3A_1558 = arith.mulf %sub3A_1555, %mul3A_1557 : vector<16xf32>
        %add3A_1559 = arith.constant 5.400000e+01 : f32
        %add3A_1560 = vector.broadcast %add3A_1559 : f32 to vector<16xf32>
        %add3A_1561 = arith.addf %mul3A_1558, %add3A_1560 : vector<16xf32>
        %min3A_1562 = arith.minimumf %min3A_1478, %add3A_1561 : vector<16xf32>
        %get3A_1563 = arith.constant 60 : i32
        %get3A_1564 = arith.index_cast %get3A_1563 : i32 to index
        %get3A_1565 = arith.index_cast %mul3A_246 : i32 to index
        %get3A_1566 = tpu.vector_load %arg7[%get3A_1564, %get3A_1565] {strides = array<i32>} : memref<85x256xf32, #tpu.memory_space<vmem>>, vector<16xf32>,
        %get3A_1567 = arith.constant 60 : i32
        %get3A_1568 = arith.index_cast %get3A_1567 : i32 to index
        %get3A_1569 = arith.index_cast %mul3A_246 : i32 to index
        %get3A_1570 = tpu.vector_load %arg9[%get3A_1568, %get3A_1569] {strides = array<i32>} : memref<85x256xf32, #tpu.memory_space<vmem>>, vector<16xf32>,
        %sub3A_1571 = arith.subf %get3A_1566, %get3A_392 : vector<16xf32>
        %exp3A_1572 = math.exp %sub3A_1571 : vector<16xf32>
        %add3A_1573 = arith.addf %add3A_1489, %exp3A_1572 : vector<16xf32>
        %sub3A_1574 = arith.constant 1.000000e+00 : f32
        %sub3A_1575 = vector.broadcast %sub3A_1574 : f32 to vector<16xf32>
        %sub3A_1576 = arith.subf %sub3A_1575, %get3A_1570 : vector<16xf32>
        %mul3A_1577 = arith.constant 1.000000e+03 : f32
        %mul3A_1578 = vector.broadcast %mul3A_1577 : f32 to vector<16xf32>
        %mul3A_1579 = arith.mulf %sub3A_1576, %mul3A_1578 : vector<16xf32>
        %add3A_1580 = arith.constant 5.500000e+01 : f32
        %add3A_1581 = vector.broadcast %add3A_1580 : f32 to vector<16xf32>
        %add3A_1582 = arith.addf %mul3A_1579, %add3A_1581 : vector<16xf32>
        %min3A_1583 = arith.minimumf %min3A_1499, %add3A_1582 : vector<16xf32>
        %get3A_1584 = arith.constant 61 : i32
        %get3A_1585 = arith.index_cast %get3A_1584 : i32 to index
        %get3A_1586 = arith.index_cast %mul3A_246 : i32 to index
        %get3A_1587 = tpu.vector_load %arg7[%get3A_1585, %get3A_1586] {strides = array<i32>} : memref<85x256xf32, #tpu.memory_space<vmem>>, vector<16xf32>,
        %get3A_1588 = arith.constant 61 : i32
        %get3A_1589 = arith.index_cast %get3A_1588 : i32 to index
        %get3A_1590 = arith.index_cast %mul3A_246 : i32 to index
        %get3A_1591 = tpu.vector_load %arg9[%get3A_1589, %get3A_1590] {strides = array<i32>} : memref<85x256xf32, #tpu.memory_space<vmem>>, vector<16xf32>,
        %sub3A_1592 = arith.subf %get3A_1587, %get3A_392 : vector<16xf32>
        %exp3A_1593 = math.exp %sub3A_1592 : vector<16xf32>
        %add3A_1594 = arith.addf %add3A_1510, %exp3A_1593 : vector<16xf32>
        %sub3A_1595 = arith.constant 1.000000e+00 : f32
        %sub3A_1596 = vector.broadcast %sub3A_1595 : f32 to vector<16xf32>
        %sub3A_1597 = arith.subf %sub3A_1596, %get3A_1591 : vector<16xf32>
        %mul3A_1598 = arith.constant 1.000000e+03 : f32
        %mul3A_1599 = vector.broadcast %mul3A_1598 : f32 to vector<16xf32>
        %mul3A_1600 = arith.mulf %sub3A_1597, %mul3A_1599 : vector<16xf32>
        %add3A_1601 = arith.constant 5.600000e+01 : f32
        %add3A_1602 = vector.broadcast %add3A_1601 : f32 to vector<16xf32>
        %add3A_1603 = arith.addf %mul3A_1600, %add3A_1602 : vector<16xf32>
        %min3A_1604 = arith.minimumf %min3A_1520, %add3A_1603 : vector<16xf32>
        %get3A_1605 = arith.constant 62 : i32
        %get3A_1606 = arith.index_cast %get3A_1605 : i32 to index
        %get3A_1607 = arith.index_cast %mul3A_246 : i32 to index
        %get3A_1608 = tpu.vector_load %arg7[%get3A_1606, %get3A_1607] {strides = array<i32>} : memref<85x256xf32, #tpu.memory_space<vmem>>, vector<16xf32>,
        %get3A_1609 = arith.constant 62 : i32
        %get3A_1610 = arith.index_cast %get3A_1609 : i32 to index
        %get3A_1611 = arith.index_cast %mul3A_246 : i32 to index
        %get3A_1612 = tpu.vector_load %arg9[%get3A_1610, %get3A_1611] {strides = array<i32>} : memref<85x256xf32, #tpu.memory_space<vmem>>, vector<16xf32>,
        %sub3A_1613 = arith.subf %get3A_1608, %get3A_392 : vector<16xf32>
        %exp3A_1614 = math.exp %sub3A_1613 : vector<16xf32>
        %add3A_1615 = arith.addf %add3A_1531, %exp3A_1614 : vector<16xf32>
        %sub3A_1616 = arith.constant 1.000000e+00 : f32
        %sub3A_1617 = vector.broadcast %sub3A_1616 : f32 to vector<16xf32>
        %sub3A_1618 = arith.subf %sub3A_1617, %get3A_1612 : vector<16xf32>
        %mul3A_1619 = arith.constant 1.000000e+03 : f32
        %mul3A_1620 = vector.broadcast %mul3A_1619 : f32 to vector<16xf32>
        %mul3A_1621 = arith.mulf %sub3A_1618, %mul3A_1620 : vector<16xf32>
        %add3A_1622 = arith.constant 5.700000e+01 : f32
        %add3A_1623 = vector.broadcast %add3A_1622 : f32 to vector<16xf32>
        %add3A_1624 = arith.addf %mul3A_1621, %add3A_1623 : vector<16xf32>
        %min3A_1625 = arith.minimumf %min3A_1541, %add3A_1624 : vector<16xf32>
        %get3A_1626 = arith.constant 63 : i32
        %get3A_1627 = arith.index_cast %get3A_1626 : i32 to index
        %get3A_1628 = arith.index_cast %mul3A_246 : i32 to index
        %get3A_1629 = tpu.vector_load %arg7[%get3A_1627, %get3A_1628] {strides = array<i32>} : memref<85x256xf32, #tpu.memory_space<vmem>>, vector<16xf32>,
        %get3A_1630 = arith.constant 63 : i32
        %get3A_1631 = arith.index_cast %get3A_1630 : i32 to index
        %get3A_1632 = arith.index_cast %mul3A_246 : i32 to index
        %get3A_1633 = tpu.vector_load %arg9[%get3A_1631, %get3A_1632] {strides = array<i32>} : memref<85x256xf32, #tpu.memory_space<vmem>>, vector<16xf32>,
        %sub3A_1634 = arith.subf %get3A_1629, %get3A_392 : vector<16xf32>
        %exp3A_1635 = math.exp %sub3A_1634 : vector<16xf32>
        %add3A_1636 = arith.addf %add3A_1552, %exp3A_1635 : vector<16xf32>
        %sub3A_1637 = arith.constant 1.000000e+00 : f32
        %sub3A_1638 = vector.broadcast %sub3A_1637 : f32 to vector<16xf32>
        %sub3A_1639 = arith.subf %sub3A_1638, %get3A_1633 : vector<16xf32>
        %mul3A_1640 = arith.constant 1.000000e+03 : f32
        %mul3A_1641 = vector.broadcast %mul3A_1640 : f32 to vector<16xf32>
        %mul3A_1642 = arith.mulf %sub3A_1639, %mul3A_1641 : vector<16xf32>
        %add3A_1643 = arith.constant 5.800000e+01 : f32
        %add3A_1644 = vector.broadcast %add3A_1643 : f32 to vector<16xf32>
        %add3A_1645 = arith.addf %mul3A_1642, %add3A_1644 : vector<16xf32>
        %min3A_1646 = arith.minimumf %min3A_1562, %add3A_1645 : vector<16xf32>
        %get3A_1647 = arith.constant 64 : i32
        %get3A_1648 = arith.index_cast %get3A_1647 : i32 to index
        %get3A_1649 = arith.index_cast %mul3A_246 : i32 to index
        %get3A_1650 = tpu.vector_load %arg7[%get3A_1648, %get3A_1649] {strides = array<i32>} : memref<85x256xf32, #tpu.memory_space<vmem>>, vector<16xf32>,
        %get3A_1651 = arith.constant 64 : i32
        %get3A_1652 = arith.index_cast %get3A_1651 : i32 to index
        %get3A_1653 = arith.index_cast %mul3A_246 : i32 to index
        %get3A_1654 = tpu.vector_load %arg9[%get3A_1652, %get3A_1653] {strides = array<i32>} : memref<85x256xf32, #tpu.memory_space<vmem>>, vector<16xf32>,
        %sub3A_1655 = arith.subf %get3A_1650, %get3A_392 : vector<16xf32>
        %exp3A_1656 = math.exp %sub3A_1655 : vector<16xf32>
        %add3A_1657 = arith.addf %add3A_1573, %exp3A_1656 : vector<16xf32>
        %sub3A_1658 = arith.constant 1.000000e+00 : f32
        %sub3A_1659 = vector.broadcast %sub3A_1658 : f32 to vector<16xf32>
        %sub3A_1660 = arith.subf %sub3A_1659, %get3A_1654 : vector<16xf32>
        %mul3A_1661 = arith.constant 1.000000e+03 : f32
        %mul3A_1662 = vector.broadcast %mul3A_1661 : f32 to vector<16xf32>
        %mul3A_1663 = arith.mulf %sub3A_1660, %mul3A_1662 : vector<16xf32>
        %add3A_1664 = arith.constant 5.900000e+01 : f32
        %add3A_1665 = vector.broadcast %add3A_1664 : f32 to vector<16xf32>
        %add3A_1666 = arith.addf %mul3A_1663, %add3A_1665 : vector<16xf32>
        %min3A_1667 = arith.minimumf %min3A_1583, %add3A_1666 : vector<16xf32>
        %get3A_1668 = arith.constant 65 : i32
        %get3A_1669 = arith.index_cast %get3A_1668 : i32 to index
        %get3A_1670 = arith.index_cast %mul3A_246 : i32 to index
        %get3A_1671 = tpu.vector_load %arg7[%get3A_1669, %get3A_1670] {strides = array<i32>} : memref<85x256xf32, #tpu.memory_space<vmem>>, vector<16xf32>,
        %get3A_1672 = arith.constant 65 : i32
        %get3A_1673 = arith.index_cast %get3A_1672 : i32 to index
        %get3A_1674 = arith.index_cast %mul3A_246 : i32 to index
        %get3A_1675 = tpu.vector_load %arg9[%get3A_1673, %get3A_1674] {strides = array<i32>} : memref<85x256xf32, #tpu.memory_space<vmem>>, vector<16xf32>,
        %sub3A_1676 = arith.subf %get3A_1671, %get3A_392 : vector<16xf32>
        %exp3A_1677 = math.exp %sub3A_1676 : vector<16xf32>
        %add3A_1678 = arith.addf %add3A_1594, %exp3A_1677 : vector<16xf32>
        %sub3A_1679 = arith.constant 1.000000e+00 : f32
        %sub3A_1680 = vector.broadcast %sub3A_1679 : f32 to vector<16xf32>
        %sub3A_1681 = arith.subf %sub3A_1680, %get3A_1675 : vector<16xf32>
        %mul3A_1682 = arith.constant 1.000000e+03 : f32
        %mul3A_1683 = vector.broadcast %mul3A_1682 : f32 to vector<16xf32>
        %mul3A_1684 = arith.mulf %sub3A_1681, %mul3A_1683 : vector<16xf32>
        %add3A_1685 = arith.constant 6.000000e+01 : f32
        %add3A_1686 = vector.broadcast %add3A_1685 : f32 to vector<16xf32>
        %add3A_1687 = arith.addf %mul3A_1684, %add3A_1686 : vector<16xf32>
        %min3A_1688 = arith.minimumf %min3A_1604, %add3A_1687 : vector<16xf32>
        %get3A_1689 = arith.constant 66 : i32
        %get3A_1690 = arith.index_cast %get3A_1689 : i32 to index
        %get3A_1691 = arith.index_cast %mul3A_246 : i32 to index
        %get3A_1692 = tpu.vector_load %arg7[%get3A_1690, %get3A_1691] {strides = array<i32>} : memref<85x256xf32, #tpu.memory_space<vmem>>, vector<16xf32>,
        %get3A_1693 = arith.constant 66 : i32
        %get3A_1694 = arith.index_cast %get3A_1693 : i32 to index
        %get3A_1695 = arith.index_cast %mul3A_246 : i32 to index
        %get3A_1696 = tpu.vector_load %arg9[%get3A_1694, %get3A_1695] {strides = array<i32>} : memref<85x256xf32, #tpu.memory_space<vmem>>, vector<16xf32>,
        %sub3A_1697 = arith.subf %get3A_1692, %get3A_392 : vector<16xf32>
        %exp3A_1698 = math.exp %sub3A_1697 : vector<16xf32>
        %add3A_1699 = arith.addf %add3A_1615, %exp3A_1698 : vector<16xf32>
        %sub3A_1700 = arith.constant 1.000000e+00 : f32
        %sub3A_1701 = vector.broadcast %sub3A_1700 : f32 to vector<16xf32>
        %sub3A_1702 = arith.subf %sub3A_1701, %get3A_1696 : vector<16xf32>
        %mul3A_1703 = arith.constant 1.000000e+03 : f32
        %mul3A_1704 = vector.broadcast %mul3A_1703 : f32 to vector<16xf32>
        %mul3A_1705 = arith.mulf %sub3A_1702, %mul3A_1704 : vector<16xf32>
        %add3A_1706 = arith.constant 6.100000e+01 : f32
        %add3A_1707 = vector.broadcast %add3A_1706 : f32 to vector<16xf32>
        %add3A_1708 = arith.addf %mul3A_1705, %add3A_1707 : vector<16xf32>
        %min3A_1709 = arith.minimumf %min3A_1625, %add3A_1708 : vector<16xf32>
        %get3A_1710 = arith.constant 67 : i32
        %get3A_1711 = arith.index_cast %get3A_1710 : i32 to index
        %get3A_1712 = arith.index_cast %mul3A_246 : i32 to index
        %get3A_1713 = tpu.vector_load %arg7[%get3A_1711, %get3A_1712] {strides = array<i32>} : memref<85x256xf32, #tpu.memory_space<vmem>>, vector<16xf32>,
        %get3A_1714 = arith.constant 67 : i32
        %get3A_1715 = arith.index_cast %get3A_1714 : i32 to index
        %get3A_1716 = arith.index_cast %mul3A_246 : i32 to index
        %get3A_1717 = tpu.vector_load %arg9[%get3A_1715, %get3A_1716] {strides = array<i32>} : memref<85x256xf32, #tpu.memory_space<vmem>>, vector<16xf32>,
        %sub3A_1718 = arith.subf %get3A_1713, %get3A_392 : vector<16xf32>
        %exp3A_1719 = math.exp %sub3A_1718 : vector<16xf32>
        %add3A_1720 = arith.addf %add3A_1636, %exp3A_1719 : vector<16xf32>
        %sub3A_1721 = arith.constant 1.000000e+00 : f32
        %sub3A_1722 = vector.broadcast %sub3A_1721 : f32 to vector<16xf32>
        %sub3A_1723 = arith.subf %sub3A_1722, %get3A_1717 : vector<16xf32>
        %mul3A_1724 = arith.constant 1.000000e+03 : f32
        %mul3A_1725 = vector.broadcast %mul3A_1724 : f32 to vector<16xf32>
        %mul3A_1726 = arith.mulf %sub3A_1723, %mul3A_1725 : vector<16xf32>
        %add3A_1727 = arith.constant 6.200000e+01 : f32
        %add3A_1728 = vector.broadcast %add3A_1727 : f32 to vector<16xf32>
        %add3A_1729 = arith.addf %mul3A_1726, %add3A_1728 : vector<16xf32>
        %min3A_1730 = arith.minimumf %min3A_1646, %add3A_1729 : vector<16xf32>
        %get3A_1731 = arith.constant 68 : i32
        %get3A_1732 = arith.index_cast %get3A_1731 : i32 to index
        %get3A_1733 = arith.index_cast %mul3A_246 : i32 to index
        %get3A_1734 = tpu.vector_load %arg7[%get3A_1732, %get3A_1733] {strides = array<i32>} : memref<85x256xf32, #tpu.memory_space<vmem>>, vector<16xf32>,
        %get3A_1735 = arith.constant 68 : i32
        %get3A_1736 = arith.index_cast %get3A_1735 : i32 to index
        %get3A_1737 = arith.index_cast %mul3A_246 : i32 to index
        %get3A_1738 = tpu.vector_load %arg9[%get3A_1736, %get3A_1737] {strides = array<i32>} : memref<85x256xf32, #tpu.memory_space<vmem>>, vector<16xf32>,
        %sub3A_1739 = arith.subf %get3A_1734, %get3A_392 : vector<16xf32>
        %exp3A_1740 = math.exp %sub3A_1739 : vector<16xf32>
        %add3A_1741 = arith.addf %add3A_1657, %exp3A_1740 : vector<16xf32>
        %sub3A_1742 = arith.constant 1.000000e+00 : f32
        %sub3A_1743 = vector.broadcast %sub3A_1742 : f32 to vector<16xf32>
        %sub3A_1744 = arith.subf %sub3A_1743, %get3A_1738 : vector<16xf32>
        %mul3A_1745 = arith.constant 1.000000e+03 : f32
        %mul3A_1746 = vector.broadcast %mul3A_1745 : f32 to vector<16xf32>
        %mul3A_1747 = arith.mulf %sub3A_1744, %mul3A_1746 : vector<16xf32>
        %add3A_1748 = arith.constant 6.300000e+01 : f32
        %add3A_1749 = vector.broadcast %add3A_1748 : f32 to vector<16xf32>
        %add3A_1750 = arith.addf %mul3A_1747, %add3A_1749 : vector<16xf32>
        %min3A_1751 = arith.minimumf %min3A_1667, %add3A_1750 : vector<16xf32>
        %get3A_1752 = arith.constant 69 : i32
        %get3A_1753 = arith.index_cast %get3A_1752 : i32 to index
        %get3A_1754 = arith.index_cast %mul3A_246 : i32 to index
        %get3A_1755 = tpu.vector_load %arg7[%get3A_1753, %get3A_1754] {strides = array<i32>} : memref<85x256xf32, #tpu.memory_space<vmem>>, vector<16xf32>,
        %get3A_1756 = arith.constant 69 : i32
        %get3A_1757 = arith.index_cast %get3A_1756 : i32 to index
        %get3A_1758 = arith.index_cast %mul3A_246 : i32 to index
        %get3A_1759 = tpu.vector_load %arg9[%get3A_1757, %get3A_1758] {strides = array<i32>} : memref<85x256xf32, #tpu.memory_space<vmem>>, vector<16xf32>,
        %sub3A_1760 = arith.subf %get3A_1755, %get3A_392 : vector<16xf32>
        %exp3A_1761 = math.exp %sub3A_1760 : vector<16xf32>
        %add3A_1762 = arith.addf %add3A_1678, %exp3A_1761 : vector<16xf32>
        %sub3A_1763 = arith.constant 1.000000e+00 : f32
        %sub3A_1764 = vector.broadcast %sub3A_1763 : f32 to vector<16xf32>
        %sub3A_1765 = arith.subf %sub3A_1764, %get3A_1759 : vector<16xf32>
        %mul3A_1766 = arith.constant 1.000000e+03 : f32
        %mul3A_1767 = vector.broadcast %mul3A_1766 : f32 to vector<16xf32>
        %mul3A_1768 = arith.mulf %sub3A_1765, %mul3A_1767 : vector<16xf32>
        %add3A_1769 = arith.constant 6.400000e+01 : f32
        %add3A_1770 = vector.broadcast %add3A_1769 : f32 to vector<16xf32>
        %add3A_1771 = arith.addf %mul3A_1768, %add3A_1770 : vector<16xf32>
        %min3A_1772 = arith.minimumf %min3A_1688, %add3A_1771 : vector<16xf32>
        %get3A_1773 = arith.constant 70 : i32
        %get3A_1774 = arith.index_cast %get3A_1773 : i32 to index
        %get3A_1775 = arith.index_cast %mul3A_246 : i32 to index
        %get3A_1776 = tpu.vector_load %arg7[%get3A_1774, %get3A_1775] {strides = array<i32>} : memref<85x256xf32, #tpu.memory_space<vmem>>, vector<16xf32>,
        %get3A_1777 = arith.constant 70 : i32
        %get3A_1778 = arith.index_cast %get3A_1777 : i32 to index
        %get3A_1779 = arith.index_cast %mul3A_246 : i32 to index
        %get3A_1780 = tpu.vector_load %arg9[%get3A_1778, %get3A_1779] {strides = array<i32>} : memref<85x256xf32, #tpu.memory_space<vmem>>, vector<16xf32>,
        %sub3A_1781 = arith.subf %get3A_1776, %get3A_392 : vector<16xf32>
        %exp3A_1782 = math.exp %sub3A_1781 : vector<16xf32>
        %add3A_1783 = arith.addf %add3A_1699, %exp3A_1782 : vector<16xf32>
        %sub3A_1784 = arith.constant 1.000000e+00 : f32
        %sub3A_1785 = vector.broadcast %sub3A_1784 : f32 to vector<16xf32>
        %sub3A_1786 = arith.subf %sub3A_1785, %get3A_1780 : vector<16xf32>
        %mul3A_1787 = arith.constant 1.000000e+03 : f32
        %mul3A_1788 = vector.broadcast %mul3A_1787 : f32 to vector<16xf32>
        %mul3A_1789 = arith.mulf %sub3A_1786, %mul3A_1788 : vector<16xf32>
        %add3A_1790 = arith.constant 6.500000e+01 : f32
        %add3A_1791 = vector.broadcast %add3A_1790 : f32 to vector<16xf32>
        %add3A_1792 = arith.addf %mul3A_1789, %add3A_1791 : vector<16xf32>
        %min3A_1793 = arith.minimumf %min3A_1709, %add3A_1792 : vector<16xf32>
        %get3A_1794 = arith.constant 71 : i32
        %get3A_1795 = arith.index_cast %get3A_1794 : i32 to index
        %get3A_1796 = arith.index_cast %mul3A_246 : i32 to index
        %get3A_1797 = tpu.vector_load %arg7[%get3A_1795, %get3A_1796] {strides = array<i32>} : memref<85x256xf32, #tpu.memory_space<vmem>>, vector<16xf32>,
        %get3A_1798 = arith.constant 71 : i32
        %get3A_1799 = arith.index_cast %get3A_1798 : i32 to index
        %get3A_1800 = arith.index_cast %mul3A_246 : i32 to index
        %get3A_1801 = tpu.vector_load %arg9[%get3A_1799, %get3A_1800] {strides = array<i32>} : memref<85x256xf32, #tpu.memory_space<vmem>>, vector<16xf32>,
        %sub3A_1802 = arith.subf %get3A_1797, %get3A_392 : vector<16xf32>
        %exp3A_1803 = math.exp %sub3A_1802 : vector<16xf32>
        %add3A_1804 = arith.addf %add3A_1720, %exp3A_1803 : vector<16xf32>
        %sub3A_1805 = arith.constant 1.000000e+00 : f32
        %sub3A_1806 = vector.broadcast %sub3A_1805 : f32 to vector<16xf32>
        %sub3A_1807 = arith.subf %sub3A_1806, %get3A_1801 : vector<16xf32>
        %mul3A_1808 = arith.constant 1.000000e+03 : f32
        %mul3A_1809 = vector.broadcast %mul3A_1808 : f32 to vector<16xf32>
        %mul3A_1810 = arith.mulf %sub3A_1807, %mul3A_1809 : vector<16xf32>
        %add3A_1811 = arith.constant 6.600000e+01 : f32
        %add3A_1812 = vector.broadcast %add3A_1811 : f32 to vector<16xf32>
        %add3A_1813 = arith.addf %mul3A_1810, %add3A_1812 : vector<16xf32>
        %min3A_1814 = arith.minimumf %min3A_1730, %add3A_1813 : vector<16xf32>
        %get3A_1815 = arith.constant 72 : i32
        %get3A_1816 = arith.index_cast %get3A_1815 : i32 to index
        %get3A_1817 = arith.index_cast %mul3A_246 : i32 to index
        %get3A_1818 = tpu.vector_load %arg7[%get3A_1816, %get3A_1817] {strides = array<i32>} : memref<85x256xf32, #tpu.memory_space<vmem>>, vector<16xf32>,
        %get3A_1819 = arith.constant 72 : i32
        %get3A_1820 = arith.index_cast %get3A_1819 : i32 to index
        %get3A_1821 = arith.index_cast %mul3A_246 : i32 to index
        %get3A_1822 = tpu.vector_load %arg9[%get3A_1820, %get3A_1821] {strides = array<i32>} : memref<85x256xf32, #tpu.memory_space<vmem>>, vector<16xf32>,
        %sub3A_1823 = arith.subf %get3A_1818, %get3A_392 : vector<16xf32>
        %exp3A_1824 = math.exp %sub3A_1823 : vector<16xf32>
        %add3A_1825 = arith.addf %add3A_1741, %exp3A_1824 : vector<16xf32>
        %sub3A_1826 = arith.constant 1.000000e+00 : f32
        %sub3A_1827 = vector.broadcast %sub3A_1826 : f32 to vector<16xf32>
        %sub3A_1828 = arith.subf %sub3A_1827, %get3A_1822 : vector<16xf32>
        %mul3A_1829 = arith.constant 1.000000e+03 : f32
        %mul3A_1830 = vector.broadcast %mul3A_1829 : f32 to vector<16xf32>
        %mul3A_1831 = arith.mulf %sub3A_1828, %mul3A_1830 : vector<16xf32>
        %add3A_1832 = arith.constant 6.700000e+01 : f32
        %add3A_1833 = vector.broadcast %add3A_1832 : f32 to vector<16xf32>
        %add3A_1834 = arith.addf %mul3A_1831, %add3A_1833 : vector<16xf32>
        %min3A_1835 = arith.minimumf %min3A_1751, %add3A_1834 : vector<16xf32>
        %get3A_1836 = arith.constant 73 : i32
        %get3A_1837 = arith.index_cast %get3A_1836 : i32 to index
        %get3A_1838 = arith.index_cast %mul3A_246 : i32 to index
        %get3A_1839 = tpu.vector_load %arg7[%get3A_1837, %get3A_1838] {strides = array<i32>} : memref<85x256xf32, #tpu.memory_space<vmem>>, vector<16xf32>,
        %get3A_1840 = arith.constant 73 : i32
        %get3A_1841 = arith.index_cast %get3A_1840 : i32 to index
        %get3A_1842 = arith.index_cast %mul3A_246 : i32 to index
        %get3A_1843 = tpu.vector_load %arg9[%get3A_1841, %get3A_1842] {strides = array<i32>} : memref<85x256xf32, #tpu.memory_space<vmem>>, vector<16xf32>,
        %sub3A_1844 = arith.subf %get3A_1839, %get3A_392 : vector<16xf32>
        %exp3A_1845 = math.exp %sub3A_1844 : vector<16xf32>
        %add3A_1846 = arith.addf %add3A_1762, %exp3A_1845 : vector<16xf32>
        %sub3A_1847 = arith.constant 1.000000e+00 : f32
        %sub3A_1848 = vector.broadcast %sub3A_1847 : f32 to vector<16xf32>
        %sub3A_1849 = arith.subf %sub3A_1848, %get3A_1843 : vector<16xf32>
        %mul3A_1850 = arith.constant 1.000000e+03 : f32
        %mul3A_1851 = vector.broadcast %mul3A_1850 : f32 to vector<16xf32>
        %mul3A_1852 = arith.mulf %sub3A_1849, %mul3A_1851 : vector<16xf32>
        %add3A_1853 = arith.constant 6.800000e+01 : f32
        %add3A_1854 = vector.broadcast %add3A_1853 : f32 to vector<16xf32>
        %add3A_1855 = arith.addf %mul3A_1852, %add3A_1854 : vector<16xf32>
        %min3A_1856 = arith.minimumf %min3A_1772, %add3A_1855 : vector<16xf32>
        %get3A_1857 = arith.constant 74 : i32
        %get3A_1858 = arith.index_cast %get3A_1857 : i32 to index
        %get3A_1859 = arith.index_cast %mul3A_246 : i32 to index
        %get3A_1860 = tpu.vector_load %arg7[%get3A_1858, %get3A_1859] {strides = array<i32>} : memref<85x256xf32, #tpu.memory_space<vmem>>, vector<16xf32>,
        %get3A_1861 = arith.constant 74 : i32
        %get3A_1862 = arith.index_cast %get3A_1861 : i32 to index
        %get3A_1863 = arith.index_cast %mul3A_246 : i32 to index
        %get3A_1864 = tpu.vector_load %arg9[%get3A_1862, %get3A_1863] {strides = array<i32>} : memref<85x256xf32, #tpu.memory_space<vmem>>, vector<16xf32>,
        %sub3A_1865 = arith.subf %get3A_1860, %get3A_392 : vector<16xf32>
        %exp3A_1866 = math.exp %sub3A_1865 : vector<16xf32>
        %add3A_1867 = arith.addf %add3A_1783, %exp3A_1866 : vector<16xf32>
        %sub3A_1868 = arith.constant 1.000000e+00 : f32
        %sub3A_1869 = vector.broadcast %sub3A_1868 : f32 to vector<16xf32>
        %sub3A_1870 = arith.subf %sub3A_1869, %get3A_1864 : vector<16xf32>
        %mul3A_1871 = arith.constant 1.000000e+03 : f32
        %mul3A_1872 = vector.broadcast %mul3A_1871 : f32 to vector<16xf32>
        %mul3A_1873 = arith.mulf %sub3A_1870, %mul3A_1872 : vector<16xf32>
        %add3A_1874 = arith.constant 6.900000e+01 : f32
        %add3A_1875 = vector.broadcast %add3A_1874 : f32 to vector<16xf32>
        %add3A_1876 = arith.addf %mul3A_1873, %add3A_1875 : vector<16xf32>
        %min3A_1877 = arith.minimumf %min3A_1793, %add3A_1876 : vector<16xf32>
        %get3A_1878 = arith.constant 75 : i32
        %get3A_1879 = arith.index_cast %get3A_1878 : i32 to index
        %get3A_1880 = arith.index_cast %mul3A_246 : i32 to index
        %get3A_1881 = tpu.vector_load %arg7[%get3A_1879, %get3A_1880] {strides = array<i32>} : memref<85x256xf32, #tpu.memory_space<vmem>>, vector<16xf32>,
        %get3A_1882 = arith.constant 75 : i32
        %get3A_1883 = arith.index_cast %get3A_1882 : i32 to index
        %get3A_1884 = arith.index_cast %mul3A_246 : i32 to index
        %get3A_1885 = tpu.vector_load %arg9[%get3A_1883, %get3A_1884] {strides = array<i32>} : memref<85x256xf32, #tpu.memory_space<vmem>>, vector<16xf32>,
        %sub3A_1886 = arith.subf %get3A_1881, %get3A_392 : vector<16xf32>
        %exp3A_1887 = math.exp %sub3A_1886 : vector<16xf32>
        %add3A_1888 = arith.addf %add3A_1804, %exp3A_1887 : vector<16xf32>
        %sub3A_1889 = arith.constant 1.000000e+00 : f32
        %sub3A_1890 = vector.broadcast %sub3A_1889 : f32 to vector<16xf32>
        %sub3A_1891 = arith.subf %sub3A_1890, %get3A_1885 : vector<16xf32>
        %mul3A_1892 = arith.constant 1.000000e+03 : f32
        %mul3A_1893 = vector.broadcast %mul3A_1892 : f32 to vector<16xf32>
        %mul3A_1894 = arith.mulf %sub3A_1891, %mul3A_1893 : vector<16xf32>
        %add3A_1895 = arith.constant 7.000000e+01 : f32
        %add3A_1896 = vector.broadcast %add3A_1895 : f32 to vector<16xf32>
        %add3A_1897 = arith.addf %mul3A_1894, %add3A_1896 : vector<16xf32>
        %min3A_1898 = arith.minimumf %min3A_1814, %add3A_1897 : vector<16xf32>
        %get3A_1899 = arith.constant 76 : i32
        %get3A_1900 = arith.index_cast %get3A_1899 : i32 to index
        %get3A_1901 = arith.index_cast %mul3A_246 : i32 to index
        %get3A_1902 = tpu.vector_load %arg7[%get3A_1900, %get3A_1901] {strides = array<i32>} : memref<85x256xf32, #tpu.memory_space<vmem>>, vector<16xf32>,
        %get3A_1903 = arith.constant 76 : i32
        %get3A_1904 = arith.index_cast %get3A_1903 : i32 to index
        %get3A_1905 = arith.index_cast %mul3A_246 : i32 to index
        %get3A_1906 = tpu.vector_load %arg9[%get3A_1904, %get3A_1905] {strides = array<i32>} : memref<85x256xf32, #tpu.memory_space<vmem>>, vector<16xf32>,
        %sub3A_1907 = arith.subf %get3A_1902, %get3A_392 : vector<16xf32>
        %exp3A_1908 = math.exp %sub3A_1907 : vector<16xf32>
        %add3A_1909 = arith.addf %add3A_1825, %exp3A_1908 : vector<16xf32>
        %sub3A_1910 = arith.constant 1.000000e+00 : f32
        %sub3A_1911 = vector.broadcast %sub3A_1910 : f32 to vector<16xf32>
        %sub3A_1912 = arith.subf %sub3A_1911, %get3A_1906 : vector<16xf32>
        %mul3A_1913 = arith.constant 1.000000e+03 : f32
        %mul3A_1914 = vector.broadcast %mul3A_1913 : f32 to vector<16xf32>
        %mul3A_1915 = arith.mulf %sub3A_1912, %mul3A_1914 : vector<16xf32>
        %add3A_1916 = arith.constant 7.100000e+01 : f32
        %add3A_1917 = vector.broadcast %add3A_1916 : f32 to vector<16xf32>
        %add3A_1918 = arith.addf %mul3A_1915, %add3A_1917 : vector<16xf32>
        %min3A_1919 = arith.minimumf %min3A_1835, %add3A_1918 : vector<16xf32>
        %get3A_1920 = arith.constant 77 : i32
        %get3A_1921 = arith.index_cast %get3A_1920 : i32 to index
        %get3A_1922 = arith.index_cast %mul3A_246 : i32 to index
        %get3A_1923 = tpu.vector_load %arg7[%get3A_1921, %get3A_1922] {strides = array<i32>} : memref<85x256xf32, #tpu.memory_space<vmem>>, vector<16xf32>,
        %get3A_1924 = arith.constant 77 : i32
        %get3A_1925 = arith.index_cast %get3A_1924 : i32 to index
        %get3A_1926 = arith.index_cast %mul3A_246 : i32 to index
        %get3A_1927 = tpu.vector_load %arg9[%get3A_1925, %get3A_1926] {strides = array<i32>} : memref<85x256xf32, #tpu.memory_space<vmem>>, vector<16xf32>,
        %sub3A_1928 = arith.subf %get3A_1923, %get3A_392 : vector<16xf32>
        %exp3A_1929 = math.exp %sub3A_1928 : vector<16xf32>
        %add3A_1930 = arith.addf %add3A_1846, %exp3A_1929 : vector<16xf32>
        %sub3A_1931 = arith.constant 1.000000e+00 : f32
        %sub3A_1932 = vector.broadcast %sub3A_1931 : f32 to vector<16xf32>
        %sub3A_1933 = arith.subf %sub3A_1932, %get3A_1927 : vector<16xf32>
        %mul3A_1934 = arith.constant 1.000000e+03 : f32
        %mul3A_1935 = vector.broadcast %mul3A_1934 : f32 to vector<16xf32>
        %mul3A_1936 = arith.mulf %sub3A_1933, %mul3A_1935 : vector<16xf32>
        %add3A_1937 = arith.constant 7.200000e+01 : f32
        %add3A_1938 = vector.broadcast %add3A_1937 : f32 to vector<16xf32>
        %add3A_1939 = arith.addf %mul3A_1936, %add3A_1938 : vector<16xf32>
        %min3A_1940 = arith.minimumf %min3A_1856, %add3A_1939 : vector<16xf32>
        %get3A_1941 = arith.constant 78 : i32
        %get3A_1942 = arith.index_cast %get3A_1941 : i32 to index
        %get3A_1943 = arith.index_cast %mul3A_246 : i32 to index
        %get3A_1944 = tpu.vector_load %arg7[%get3A_1942, %get3A_1943] {strides = array<i32>} : memref<85x256xf32, #tpu.memory_space<vmem>>, vector<16xf32>,
        %get3A_1945 = arith.constant 78 : i32
        %get3A_1946 = arith.index_cast %get3A_1945 : i32 to index
        %get3A_1947 = arith.index_cast %mul3A_246 : i32 to index
        %get3A_1948 = tpu.vector_load %arg9[%get3A_1946, %get3A_1947] {strides = array<i32>} : memref<85x256xf32, #tpu.memory_space<vmem>>, vector<16xf32>,
        %sub3A_1949 = arith.subf %get3A_1944, %get3A_392 : vector<16xf32>
        %exp3A_1950 = math.exp %sub3A_1949 : vector<16xf32>
        %add3A_1951 = arith.addf %add3A_1867, %exp3A_1950 : vector<16xf32>
        %sub3A_1952 = arith.constant 1.000000e+00 : f32
        %sub3A_1953 = vector.broadcast %sub3A_1952 : f32 to vector<16xf32>
        %sub3A_1954 = arith.subf %sub3A_1953, %get3A_1948 : vector<16xf32>
        %mul3A_1955 = arith.constant 1.000000e+03 : f32
        %mul3A_1956 = vector.broadcast %mul3A_1955 : f32 to vector<16xf32>
        %mul3A_1957 = arith.mulf %sub3A_1954, %mul3A_1956 : vector<16xf32>
        %add3A_1958 = arith.constant 7.300000e+01 : f32
        %add3A_1959 = vector.broadcast %add3A_1958 : f32 to vector<16xf32>
        %add3A_1960 = arith.addf %mul3A_1957, %add3A_1959 : vector<16xf32>
        %min3A_1961 = arith.minimumf %min3A_1877, %add3A_1960 : vector<16xf32>
        %get3A_1962 = arith.constant 79 : i32
        %get3A_1963 = arith.index_cast %get3A_1962 : i32 to index
        %get3A_1964 = arith.index_cast %mul3A_246 : i32 to index
        %get3A_1965 = tpu.vector_load %arg7[%get3A_1963, %get3A_1964] {strides = array<i32>} : memref<85x256xf32, #tpu.memory_space<vmem>>, vector<16xf32>,
        %get3A_1966 = arith.constant 79 : i32
        %get3A_1967 = arith.index_cast %get3A_1966 : i32 to index
        %get3A_1968 = arith.index_cast %mul3A_246 : i32 to index
        %get3A_1969 = tpu.vector_load %arg9[%get3A_1967, %get3A_1968] {strides = array<i32>} : memref<85x256xf32, #tpu.memory_space<vmem>>, vector<16xf32>,
        %sub3A_1970 = arith.subf %get3A_1965, %get3A_392 : vector<16xf32>
        %exp3A_1971 = math.exp %sub3A_1970 : vector<16xf32>
        %add3A_1972 = arith.addf %add3A_1888, %exp3A_1971 : vector<16xf32>
        %sub3A_1973 = arith.constant 1.000000e+00 : f32
        %sub3A_1974 = vector.broadcast %sub3A_1973 : f32 to vector<16xf32>
        %sub3A_1975 = arith.subf %sub3A_1974, %get3A_1969 : vector<16xf32>
        %mul3A_1976 = arith.constant 1.000000e+03 : f32
        %mul3A_1977 = vector.broadcast %mul3A_1976 : f32 to vector<16xf32>
        %mul3A_1978 = arith.mulf %sub3A_1975, %mul3A_1977 : vector<16xf32>
        %add3A_1979 = arith.constant 7.400000e+01 : f32
        %add3A_1980 = vector.broadcast %add3A_1979 : f32 to vector<16xf32>
        %add3A_1981 = arith.addf %mul3A_1978, %add3A_1980 : vector<16xf32>
        %min3A_1982 = arith.minimumf %min3A_1898, %add3A_1981 : vector<16xf32>
        %get3A_1983 = arith.constant 80 : i32
        %get3A_1984 = arith.index_cast %get3A_1983 : i32 to index
        %get3A_1985 = arith.index_cast %mul3A_246 : i32 to index
        %get3A_1986 = tpu.vector_load %arg7[%get3A_1984, %get3A_1985] {strides = array<i32>} : memref<85x256xf32, #tpu.memory_space<vmem>>, vector<16xf32>,
        %get3A_1987 = arith.constant 80 : i32
        %get3A_1988 = arith.index_cast %get3A_1987 : i32 to index
        %get3A_1989 = arith.index_cast %mul3A_246 : i32 to index
        %get3A_1990 = tpu.vector_load %arg9[%get3A_1988, %get3A_1989] {strides = array<i32>} : memref<85x256xf32, #tpu.memory_space<vmem>>, vector<16xf32>,
        %sub3A_1991 = arith.subf %get3A_1986, %get3A_392 : vector<16xf32>
        %exp3A_1992 = math.exp %sub3A_1991 : vector<16xf32>
        %add3A_1993 = arith.addf %add3A_1909, %exp3A_1992 : vector<16xf32>
        %sub3A_1994 = arith.constant 1.000000e+00 : f32
        %sub3A_1995 = vector.broadcast %sub3A_1994 : f32 to vector<16xf32>
        %sub3A_1996 = arith.subf %sub3A_1995, %get3A_1990 : vector<16xf32>
        %mul3A_1997 = arith.constant 1.000000e+03 : f32
        %mul3A_1998 = vector.broadcast %mul3A_1997 : f32 to vector<16xf32>
        %mul3A_1999 = arith.mulf %sub3A_1996, %mul3A_1998 : vector<16xf32>
        %add3A_2000 = arith.constant 7.500000e+01 : f32
        %add3A_2001 = vector.broadcast %add3A_2000 : f32 to vector<16xf32>
        %add3A_2002 = arith.addf %mul3A_1999, %add3A_2001 : vector<16xf32>
        %min3A_2003 = arith.minimumf %min3A_1919, %add3A_2002 : vector<16xf32>
        %get3A_2004 = arith.constant 81 : i32
        %get3A_2005 = arith.index_cast %get3A_2004 : i32 to index
        %get3A_2006 = arith.index_cast %mul3A_246 : i32 to index
        %get3A_2007 = tpu.vector_load %arg7[%get3A_2005, %get3A_2006] {strides = array<i32>} : memref<85x256xf32, #tpu.memory_space<vmem>>, vector<16xf32>,
        %get3A_2008 = arith.constant 81 : i32
        %get3A_2009 = arith.index_cast %get3A_2008 : i32 to index
        %get3A_2010 = arith.index_cast %mul3A_246 : i32 to index
        %get3A_2011 = tpu.vector_load %arg9[%get3A_2009, %get3A_2010] {strides = array<i32>} : memref<85x256xf32, #tpu.memory_space<vmem>>, vector<16xf32>,
        %sub3A_2012 = arith.subf %get3A_2007, %get3A_392 : vector<16xf32>
        %exp3A_2013 = math.exp %sub3A_2012 : vector<16xf32>
        %add3A_2014 = arith.addf %add3A_1930, %exp3A_2013 : vector<16xf32>
        %sub3A_2015 = arith.constant 1.000000e+00 : f32
        %sub3A_2016 = vector.broadcast %sub3A_2015 : f32 to vector<16xf32>
        %sub3A_2017 = arith.subf %sub3A_2016, %get3A_2011 : vector<16xf32>
        %mul3A_2018 = arith.constant 1.000000e+03 : f32
        %mul3A_2019 = vector.broadcast %mul3A_2018 : f32 to vector<16xf32>
        %mul3A_2020 = arith.mulf %sub3A_2017, %mul3A_2019 : vector<16xf32>
        %add3A_2021 = arith.constant 7.600000e+01 : f32
        %add3A_2022 = vector.broadcast %add3A_2021 : f32 to vector<16xf32>
        %add3A_2023 = arith.addf %mul3A_2020, %add3A_2022 : vector<16xf32>
        %min3A_2024 = arith.minimumf %min3A_1940, %add3A_2023 : vector<16xf32>
        %get3A_2025 = arith.constant 82 : i32
        %get3A_2026 = arith.index_cast %get3A_2025 : i32 to index
        %get3A_2027 = arith.index_cast %mul3A_246 : i32 to index
        %get3A_2028 = tpu.vector_load %arg7[%get3A_2026, %get3A_2027] {strides = array<i32>} : memref<85x256xf32, #tpu.memory_space<vmem>>, vector<16xf32>,
        %get3A_2029 = arith.constant 82 : i32
        %get3A_2030 = arith.index_cast %get3A_2029 : i32 to index
        %get3A_2031 = arith.index_cast %mul3A_246 : i32 to index
        %get3A_2032 = tpu.vector_load %arg9[%get3A_2030, %get3A_2031] {strides = array<i32>} : memref<85x256xf32, #tpu.memory_space<vmem>>, vector<16xf32>,
        %sub3A_2033 = arith.subf %get3A_2028, %get3A_392 : vector<16xf32>
        %exp3A_2034 = math.exp %sub3A_2033 : vector<16xf32>
        %add3A_2035 = arith.addf %add3A_1951, %exp3A_2034 : vector<16xf32>
        %sub3A_2036 = arith.constant 1.000000e+00 : f32
        %sub3A_2037 = vector.broadcast %sub3A_2036 : f32 to vector<16xf32>
        %sub3A_2038 = arith.subf %sub3A_2037, %get3A_2032 : vector<16xf32>
        %mul3A_2039 = arith.constant 1.000000e+03 : f32
        %mul3A_2040 = vector.broadcast %mul3A_2039 : f32 to vector<16xf32>
        %mul3A_2041 = arith.mulf %sub3A_2038, %mul3A_2040 : vector<16xf32>
        %add3A_2042 = arith.constant 7.700000e+01 : f32
        %add3A_2043 = vector.broadcast %add3A_2042 : f32 to vector<16xf32>
        %add3A_2044 = arith.addf %mul3A_2041, %add3A_2043 : vector<16xf32>
        %min3A_2045 = arith.minimumf %min3A_1961, %add3A_2044 : vector<16xf32>
        %get3A_2046 = arith.constant 83 : i32
        %get3A_2047 = arith.index_cast %get3A_2046 : i32 to index
        %get3A_2048 = arith.index_cast %mul3A_246 : i32 to index
        %get3A_2049 = tpu.vector_load %arg7[%get3A_2047, %get3A_2048] {strides = array<i32>} : memref<85x256xf32, #tpu.memory_space<vmem>>, vector<16xf32>,
        %get3A_2050 = arith.constant 83 : i32
        %get3A_2051 = arith.index_cast %get3A_2050 : i32 to index
        %get3A_2052 = arith.index_cast %mul3A_246 : i32 to index
        %get3A_2053 = tpu.vector_load %arg9[%get3A_2051, %get3A_2052] {strides = array<i32>} : memref<85x256xf32, #tpu.memory_space<vmem>>, vector<16xf32>,
        %sub3A_2054 = arith.subf %get3A_2049, %get3A_392 : vector<16xf32>
        %exp3A_2055 = math.exp %sub3A_2054 : vector<16xf32>
        %add3A_2056 = arith.addf %add3A_1972, %exp3A_2055 : vector<16xf32>
        %sub3A_2057 = arith.constant 1.000000e+00 : f32
        %sub3A_2058 = vector.broadcast %sub3A_2057 : f32 to vector<16xf32>
        %sub3A_2059 = arith.subf %sub3A_2058, %get3A_2053 : vector<16xf32>
        %mul3A_2060 = arith.constant 1.000000e+03 : f32
        %mul3A_2061 = vector.broadcast %mul3A_2060 : f32 to vector<16xf32>
        %mul3A_2062 = arith.mulf %sub3A_2059, %mul3A_2061 : vector<16xf32>
        %add3A_2063 = arith.constant 7.800000e+01 : f32
        %add3A_2064 = vector.broadcast %add3A_2063 : f32 to vector<16xf32>
        %add3A_2065 = arith.addf %mul3A_2062, %add3A_2064 : vector<16xf32>
        %min3A_2066 = arith.minimumf %min3A_1982, %add3A_2065 : vector<16xf32>
        %get3A_2067 = arith.constant 84 : i32
        %get3A_2068 = arith.index_cast %get3A_2067 : i32 to index
        %get3A_2069 = arith.index_cast %mul3A_246 : i32 to index
        %get3A_2070 = tpu.vector_load %arg7[%get3A_2068, %get3A_2069] {strides = array<i32>} : memref<85x256xf32, #tpu.memory_space<vmem>>, vector<16xf32>,
        %get3A_2071 = arith.constant 84 : i32
        %get3A_2072 = arith.index_cast %get3A_2071 : i32 to index
        %get3A_2073 = arith.index_cast %mul3A_246 : i32 to index
        %get3A_2074 = tpu.vector_load %arg9[%get3A_2072, %get3A_2073] {strides = array<i32>} : memref<85x256xf32, #tpu.memory_space<vmem>>, vector<16xf32>,
        %sub3A_2075 = arith.subf %get3A_2070, %get3A_392 : vector<16xf32>
        %exp3A_2076 = math.exp %sub3A_2075 : vector<16xf32>
        %add3A_2077 = arith.addf %add3A_1993, %exp3A_2076 : vector<16xf32>
        %sub3A_2078 = arith.constant 1.000000e+00 : f32
        %sub3A_2079 = vector.broadcast %sub3A_2078 : f32 to vector<16xf32>
        %sub3A_2080 = arith.subf %sub3A_2079, %get3A_2074 : vector<16xf32>
        %mul3A_2081 = arith.constant 1.000000e+03 : f32
        %mul3A_2082 = vector.broadcast %mul3A_2081 : f32 to vector<16xf32>
        %mul3A_2083 = arith.mulf %sub3A_2080, %mul3A_2082 : vector<16xf32>
        %add3A_2084 = arith.constant 7.900000e+01 : f32
        %add3A_2085 = vector.broadcast %add3A_2084 : f32 to vector<16xf32>
        %add3A_2086 = arith.addf %mul3A_2083, %add3A_2085 : vector<16xf32>
        %min3A_2087 = arith.minimumf %min3A_2003, %add3A_2086 : vector<16xf32>
        %add3A_2088 = arith.addf %add3A_2014, %add3A_2035 : vector<16xf32>
        %add3A_2089 = arith.addf %add3A_2056, %add3A_2077 : vector<16xf32>
        %add3A_2090 = arith.addf %add3A_2088, %add3A_2089 : vector<16xf32>
        %min3A_2091 = arith.minimumf %min3A_2024, %min3A_2045 : vector<16xf32>
        %min3A_2092 = arith.minimumf %min3A_2066, %min3A_2087 : vector<16xf32>
        %min3A_2093 = arith.minimumf %min3A_2091, %min3A_2092 : vector<16xf32>
        %convert_element_type3A_2094 = arith.fptosi %min3A_2093 : vector<16xf32> to vector<16xi32>
        %gt3A_2095 = arith.constant 79 : i32
        %gt3A_2096 = vector.broadcast %gt3A_2095 : i32 to vector<16xi32>
        %gt3A_2097 = arith.cmpi sgt, %convert_element_type3A_2094, %gt3A_2096 : vector<16xi32>
        %jit3A_2098 = arith.constant 0 : i32
        %broadcast_in_dim3A_2099 = vector.broadcast %jit3A_2098 : i32 to vector<16xi32>
        %select_n3A_2100 = arith.select %gt3A_2097, %broadcast_in_dim3A_2099, %convert_element_type3A_2094 : vector<16xi1>, vector<16xi32>
        %add3A_2101 = arith.constant 5 : i32
        %add3A_2102 = vector.broadcast %add3A_2101 : i32 to vector<16xi32>
        %add3A_2103 = arith.addi %add3A_2102, %select_n3A_2100 : vector<16xi32>
        %gather3A = tpu.vector_load_idx %arg7[%add3A_2103, %add3A_248] : memref<85x256xf32, #tpu.memory_space<vmem>>[vector<16xi32>, vector<16xi32>], vector<16xf32>,
        %bitcast3A_2104 = vector.bitcast %add3A_2090 : vector<16xf32> to vector<16xi32>
        %shift_right_arithmetic3A_2105 = arith.constant 23 : i32
        %shift_right_arithmetic3A_2106 = vector.broadcast %shift_right_arithmetic3A_2105 : i32 to vector<16xi32>
        %shift_right_arithmetic3A_2107 = arith.shrsi %bitcast3A_2104, %shift_right_arithmetic3A_2106 : vector<16xi32>
        %sub3A_2108 = arith.constant 127 : i32
        %sub3A_2109 = vector.broadcast %sub3A_2108 : i32 to vector<16xi32>
        %sub3A_2110 = arith.subi %shift_right_arithmetic3A_2107, %sub3A_2109 : vector<16xi32>
        %and3A_2111 = arith.constant 8388607 : i32
        %and3A_2112 = vector.broadcast %and3A_2111 : i32 to vector<16xi32>
        %and3A_2113 = arith.andi %bitcast3A_2104, %and3A_2112 : vector<16xi32>
        %or3A_2114 = arith.constant 1065353216 : i32
        %or3A_2115 = vector.broadcast %or3A_2114 : i32 to vector<16xi32>
        %or3A_2116 = arith.ori %and3A_2113, %or3A_2115 : vector<16xi32>
        %bitcast3A_2117 = vector.bitcast %or3A_2116 : vector<16xi32> to vector<16xf32>
        %gt3A_2118 = arith.constant 1.41421354 : f32
        %gt3A_2119 = vector.broadcast %gt3A_2118 : f32 to vector<16xf32>
        %gt3A_2120 = arith.cmpf ogt, %bitcast3A_2117, %gt3A_2119 : vector<16xf32>
        %mul3A_2121 = arith.constant 5.000000e-01 : f32
        %mul3A_2122 = vector.broadcast %mul3A_2121 : f32 to vector<16xf32>
        %mul3A_2123 = arith.mulf %mul3A_2122, %bitcast3A_2117 : vector<16xf32>
        %select_n3A_2124 = arith.select %gt3A_2120, %mul3A_2123, %bitcast3A_2117 : vector<16xi1>, vector<16xf32>
        %convert_element_type3A_2125 = arith.extui %gt3A_2120 : vector<16xi1> to vector<16xi32>
        %add3A_2126 = arith.addi %sub3A_2110, %convert_element_type3A_2125 : vector<16xi32>
        %convert_element_type3A_2127 = arith.sitofp %add3A_2126 : vector<16xi32> to vector<16xf32>
        %sub3A_2128 = arith.constant 1.000000e+00 : f32
        %sub3A_2129 = vector.broadcast %sub3A_2128 : f32 to vector<16xf32>
        %sub3A_2130 = arith.subf %select_n3A_2124, %sub3A_2129 : vector<16xf32>
        %add3A_2131 = arith.constant 2.000000e+00 : f32
        %add3A_2132 = vector.broadcast %add3A_2131 : f32 to vector<16xf32>
        %add3A_2133 = arith.addf %sub3A_2130, %add3A_2132 : vector<16xf32>
        %div3A_2134 = arith.divf %sub3A_2130, %add3A_2133 : vector<16xf32>
        %mul3A_2135 = arith.mulf %div3A_2134, %div3A_2134 : vector<16xf32>
        %mul3A_2136 = arith.constant 0.142857149 : f32
        %mul3A_2137 = vector.broadcast %mul3A_2136 : f32 to vector<16xf32>
        %mul3A_2138 = arith.mulf %mul3A_2135, %mul3A_2137 : vector<16xf32>
        %add3A_2139 = arith.constant 2.000000e-01 : f32
        %add3A_2140 = vector.broadcast %add3A_2139 : f32 to vector<16xf32>
        %add3A_2141 = arith.addf %add3A_2140, %mul3A_2138 : vector<16xf32>
        %mul3A_2142 = arith.mulf %mul3A_2135, %add3A_2141 : vector<16xf32>
        %add3A_2143 = arith.constant 0.333333343 : f32
        %add3A_2144 = vector.broadcast %add3A_2143 : f32 to vector<16xf32>
        %add3A_2145 = arith.addf %add3A_2144, %mul3A_2142 : vector<16xf32>
        %mul3A_2146 = arith.mulf %mul3A_2135, %add3A_2145 : vector<16xf32>
        %add3A_2147 = arith.constant 1.000000e+00 : f32
        %add3A_2148 = vector.broadcast %add3A_2147 : f32 to vector<16xf32>
        %add3A_2149 = arith.addf %add3A_2148, %mul3A_2146 : vector<16xf32>
        %mul3A_2150 = arith.constant 0.693147182 : f32
        %mul3A_2151 = vector.broadcast %mul3A_2150 : f32 to vector<16xf32>
        %mul3A_2152 = arith.mulf %convert_element_type3A_2127, %mul3A_2151 : vector<16xf32>
        %mul3A_2153 = arith.constant 2.000000e+00 : f32
        %mul3A_2154 = vector.broadcast %mul3A_2153 : f32 to vector<16xf32>
        %mul3A_2155 = arith.mulf %mul3A_2154, %div3A_2134 : vector<16xf32>
        %mul3A_2156 = arith.mulf %mul3A_2155, %add3A_2149 : vector<16xf32>
        %add3A_2157 = arith.addf %mul3A_2152, %mul3A_2156 : vector<16xf32>
        %add3A_2158 = arith.addf %get3A_392, %add3A_2157 : vector<16xf32>
        %sub3A_2159 = arith.subf %add3A_2158, %gather3A : vector<16xf32>
        %mul3A_2160 = arith.mulf %get3A_287, %sub3A_2159 : vector<16xf32>
        %add3A_2161 = arith.addf %scan3A_244, %mul3A_2160 : vector<16xf32>
        scf.yield %add3A_318, %sub3A_390, %add3A_2161 : vector<16xf32>, vector<16xf32>, vector<16xf32>
      }
      %scan3A_240 = arith.constant 16 : i32
      scf.yield %scan3A_239#0, %scan3A_239#1, %scan3A_239#2 : vector<16xf32>, vector<16xf32>, vector<16xf32>
    }
    %scan3A_32 = arith.constant 24 : i32
    %mul3A_33 = arith.constant 5.000000e+00 : f32
    %mul3A_34 = vector.broadcast %mul3A_33 : f32 to vector<16xf32>
    %mul3A_35 = arith.mulf %mul3A_34, %scan3A_31#0 : vector<16xf32>
    %add3A_36 = arith.addf %mul3A_35, %scan3A_31#1 : vector<16xf32>
    %add3A_37 = arith.addf %add3A_36, %scan3A_31#2 : vector<16xf32>
    %swap3A = arith.constant 0 : index
    %swap3A_38 = tpu.vector_load %arg12[%swap3A] {strides = array<i32>} : memref<16xf32, #tpu.memory_space<vmem>>, vector<16xf32>,
    tpu.vector_store %arg12[%swap3A], %add3A_37 {strides = array<i32>} : memref<16xf32, #tpu.memory_space<vmem>>, vector<16xf32>,
    "tpu.region"() ({
      %run_scoped3A = tpu.sem_alloc : memref<!tpu.dma_semaphore, #tpu.memory_space<semaphore_mem>>
      %dma_start3A_39 = arith.constant 0 : i32
      %dma_start3A_40 = tpu.memref_slice %arg5[%add3A, %dma_start3A_39] : memref<32x16xf32, #tpu.memory_space<hbm>> -> memref<1x16xf32, #tpu.memory_space<hbm>>
      %dma_start3A_41 = tpu.memref_squeeze %dma_start3A_40 : memref<1x16xf32, #tpu.memory_space<hbm>> -> memref<16xf32, #tpu.memory_space<hbm>>
      %dma_start3A_42 = arith.constant 0 : i32
      %dma_start3A_43 = tpu.memref_slice %arg5[%add3A, %dma_start3A_42] : memref<32x16xf32, #tpu.memory_space<hbm>> -> memref<1x16xf32, #tpu.memory_space<hbm>>
      %dma_start3A_44 = tpu.memref_squeeze %dma_start3A_43 : memref<1x16xf32, #tpu.memory_space<hbm>> -> memref<16xf32, #tpu.memory_space<hbm>>
      tpu.enqueue_dma source(%arg12 : memref<16xf32, #tpu.memory_space<vmem>>) target(%dma_start3A_44 : memref<16xf32, #tpu.memory_space<hbm>>) target_semaphore(%run_scoped3A : memref<!tpu.dma_semaphore, #tpu.memory_space<semaphore_mem>>)
      %dma_wait3A = arith.constant 0 : i32
      %dma_wait3A_45 = tpu.memref_slice %arg5[%add3A, %dma_wait3A] : memref<32x16xf32, #tpu.memory_space<hbm>> -> memref<1x16xf32, #tpu.memory_space<hbm>>
      %dma_wait3A_46 = tpu.memref_squeeze %dma_wait3A_45 : memref<1x16xf32, #tpu.memory_space<hbm>> -> memref<16xf32, #tpu.memory_space<hbm>>
      %dma_wait3A_47 = arith.constant 0 : i32
      %dma_wait3A_48 = tpu.memref_slice %arg5[%add3A, %dma_wait3A_47] : memref<32x16xf32, #tpu.memory_space<hbm>> -> memref<1x16xf32, #tpu.memory_space<hbm>>
      %dma_wait3A_49 = tpu.memref_squeeze %dma_wait3A_48 : memref<1x16xf32, #tpu.memory_space<hbm>> -> memref<16xf32, #tpu.memory_space<hbm>>
      tpu.wait_dma2 semaphore(%run_scoped3A : memref<!tpu.dma_semaphore, #tpu.memory_space<semaphore_mem>>) src(%arg12 : memref<16xf32, #tpu.memory_space<vmem>>) dst(%dma_wait3A_49 : memref<16xf32, #tpu.memory_space<hbm>>)
      tpu.yield
    }) : () -> ()
    return
  }
}

module attributes {stable_mosaic.version = 14 : i64} {
  func.func @_prep_body(%arg0: i32, %arg1: memref<1x85x64x64xf32, #tpu.memory_space<vmem>>, %arg2: memref<1x85x4096xf32, #tpu.memory_space<vmem>>, %arg3: memref<1x1x4096xf32, #tpu.memory_space<vmem>>) attributes {dimension_semantics = [#tpu.dimension_semantics<arbitrary>], iteration_bounds = array<i64: 96>, scalar_prefetch = 0 : i64, scratch_operands = 0 : i64, tpu.core_type = #tpu.core_type<tc>, window_params = [{transform_indices = @transform_0, window_bounds = array<i64: 1, 85, 64, 64>}, {transform_indices = @transform_1, window_bounds = array<i64: 1, 85, 4096>}, {transform_indices = @transform_2, window_bounds = array<i64: 1, 1, 4096>}]} {
    %get3A = arith.constant 0 : index
    %get3A_0 = arith.constant 0 : index
    %get3A_1 = arith.constant 0 : index
    %get3A_2 = arith.constant 0 : index
    %get3A_3 = vector.load %arg1[%get3A, %get3A_0, %get3A_1, %get3A_2] : memref<1x85x64x64xf32, #tpu.memory_space<vmem>>, vector<1x85x64x64xf32>
    %get3A_4 = vector.shape_cast %get3A_3 : vector<1x85x64x64xf32> to vector<85x64x64xf32>
    %reshape3A = vector.shape_cast %get3A_4 : vector<85x64x64xf32> to vector<85x4096xf32>
    %swap3A = arith.constant 0 : index
    %swap3A_5 = arith.constant 0 : index
    %swap3A_6 = arith.constant 0 : index
    %swap3A_7 = vector.load %arg2[%swap3A, %swap3A_5, %swap3A_6] : memref<1x85x4096xf32, #tpu.memory_space<vmem>>, vector<1x85x4096xf32>
    %swap3A_8 = vector.shape_cast %swap3A_7 : vector<1x85x4096xf32> to vector<85x4096xf32>
    %swap3A_9 = vector.shape_cast %reshape3A : vector<85x4096xf32> to vector<1x85x4096xf32>
    tpu.vector_store %arg2[%swap3A, %swap3A_5, %swap3A_6], %swap3A_9 {strides = array<i32>} : memref<1x85x4096xf32, #tpu.memory_space<vmem>>, vector<1x85x4096xf32>,
    %slice3A = vector.extract_strided_slice %reshape3A {offsets = [5, 0], sizes = [80, 4096], strides = [1, 1]} : vector<85x4096xf32> to vector<80x4096xf32>
    %reduce_max3A = arith.constant dense<0xFF800000> : vector<4096xf32>
    %reduce_max3A_10 = vector.multi_reduction <maximumf>, %slice3A, %reduce_max3A [0] : vector<80x4096xf32> to vector<4096xf32>
    %swap3A_11 = arith.constant 0 : index
    %swap3A_12 = arith.constant 0 : index
    %swap3A_13 = arith.constant 0 : index
    %swap3A_14 = vector.load %arg3[%swap3A_11, %swap3A_12, %swap3A_13] : memref<1x1x4096xf32, #tpu.memory_space<vmem>>, vector<1x1x4096xf32>
    %swap3A_15 = vector.shape_cast %swap3A_14 : vector<1x1x4096xf32> to vector<4096xf32>
    %swap3A_16 = vector.shape_cast %reduce_max3A_10 : vector<4096xf32> to vector<1x1x4096xf32>
    tpu.vector_store %arg3[%swap3A_11, %swap3A_12, %swap3A_13], %swap3A_16 {strides = array<i32>} : memref<1x1x4096xf32, #tpu.memory_space<vmem>>, vector<1x1x4096xf32>,
    return
  }
  func.func @transform_0(%arg0: i32) -> (i32, i32, i32, i32) {
    %c0_i32 = arith.constant 0 : i32
    %c0_i32_0 = arith.constant 0 : i32
    %c0_i32_1 = arith.constant 0 : i32
    %c0_i32_2 = arith.constant 0 : i32
    return %arg0, %c0_i32, %c0_i32_0, %c0_i32_1 : i32, i32, i32, i32
  }
  func.func @transform_1(%arg0: i32) -> (i32, i32, i32) {
    %c0_i32 = arith.constant 0 : i32
    %c0_i32_0 = arith.constant 0 : i32
    %c0_i32_1 = arith.constant 0 : i32
    return %arg0, %c0_i32, %c0_i32_0 : i32, i32, i32
  }
  func.func @transform_2(%arg0: i32) -> (i32, i32, i32) {
    %c0_i32 = arith.constant 0 : i32
    %c0_i32_0 = arith.constant 0 : i32
    %c0_i32_1 = arith.constant 0 : i32
    return %arg0, %c0_i32, %c0_i32_0 : i32, i32, i32
  }
}

</mosaic_0001>

<sc_bundles>
// kernel: kernel.4.cloned.1.call-start
scs
__scs_entry_jumppad:
0x0: {  	(pc) =	sbr.rel $0x88, $3  }
0x1: {  	(tag) =	ssettag $0x0;
	lr =	simm.s32 $0x1  }
0x2: {  	[smem:$0x3F9F] =	sst lr;
	_ =	strace $0xD0000000  }
0x3: {  	_ = 	snop  }
0x4: {  	_ = 	snop  }
0x5: {  	_ = 	snop  }
0x6: {  	_ = 	snop  }
0x7: {  	_ = 	snop  }
__scs_overlays_trampoline_lowered:
0x8: {  	[smem:$0x3FAE] =	sst s0  }
0x9: {  	[smem:$0x3FAF] =	sst s1  }
0xa: {  	[smem:$0x3FB0] =	sst s2  }
0xb: {  	[smem:$0x3FB1] =	sst s3  }
0xc: {  	[smem:$0x3FB2] =	sst s4  }
0xd: {  	[smem:$0x3FB3] =	sst s5  }
0xe: {  	[smem:$0x3FB4] =	sst s6  }
0xf: {  	[smem:$0x3FB5] =	sst s7  }
0x10: {  	[smem:$0x3FB6] =	sst s8  }
0x11: {  	[smem:$0x3FB7] =	sst s9;
	s0 =	simm.s32 @!p0 $0x0  }
0x12: {  	s1 =	sld [smem:$0x3F9D];
	s0 =	simm.s32 @p0 $0x1  }
0x13: {  	[smem:$0x3FB8] =	sst s0;
	s0 =	simm.s32 @!p1 $0x0  }
0x14: {  	s2 =	sld [smem:$0x3F9C];
	s0 =	simm.s32 @p1 $0x1  }
0x15: {  	[smem:$0x3FB9] =	sst s0;
	s0 =	simm.s32 @!p2 $0x0  }
0x16: {  	s3 =	sld [smem:$0x3FDB];
	s0 =	simm.s32 @p2 $0x1  }
0x17: {  	s4 =	simm.s32 $0x1BF5;
	[smem:$0x3FBB] =	sst s0  }
0x18: {  	s0 =	sld [smem:$0x3F9E];
	_ =	swait.ge [sflag:s4], $0x0  }
0x19: {  	s7 =	sld [smem:$0x3F9F]  }
0x1a: {  	s8 =	sadd.s32 $0xFFFFE003, lr  }
0x1b: {  	s9 =	sadd.s32 $0xFFFFFEF7, lr;
	s5 =	simm.s32 $0xFFFFFFFF;
	p2 =	slt.u32 s8, $0xFFFFF086  }
0x1c: {  	p1 =	slt.u32 s9, $0xF7A;
	s5 =	simm.s32 @!p2 $0x0  }
0x1d: {  	s5 =	simm.s32 @p1 $0x1;
	p0 =	seq.s32 s7, s2  }
0x1e: {  	s7 =	smul.u32 @!p0 $0xF7A, s2;
	p2 =	seq.s32 @!p0 s5, $0x0  }
0x1f: {  	s9 =	smul.u32 $0xF7A, s1;
	s8 =	simm.s32 @!p0 $0x1BF5;
	p2 =	por !p2, p0  }
0x20: {  	[sflag:s8] =	ssyncset.s32 @!p0 $0xFFFFF086;
	s6 =	sadd.s32 @!p0 s3, s7;
	s7 =	simm.s32 @!p0 $0x108  }
0x21: {  	s3 =	sadd.s32 s3, s9;
	s6 =	sadd.s32 @!p0 $0x88, s6;
	s7 =	simm.s32 @p2 $0x1082  }
0x22: {  	[simem:s7], [sflag:s8] =	dma.local @!p0 [hbm:s6], $0xF7A  }
0x23: {  	s9 =	sor.u32 $0xD0000000, s2;
	s6 =	simm.s32 $0x108;
	_ =	swait.ge @!p0 [sflag:s8], $0x0  }
0x24: {  	s3 =	sadd.s32 $0x88, s3;
	s6 =	simm.s32 @!p1 $0x1082;
	[sflag:s4] =	ssyncset.s32 $0xFFFFF086  }
0x25: {  	[simem:s6], [sflag:s4] =	dma.local [hbm:s3], $0xF7A  }
0x26: {  	[smem:$0x3F9F] =	sst s1;
	(tag) =	ssettag s2;
	_ =	strace s9  }
0x27: {  	s1 =	sld [smem:$0x3FAF]  }
0x28: {  	s2 =	sld [smem:$0x3FB0]  }
0x29: {  	s4 =	sld [smem:$0x3FB2]  }
0x2a: {  	p0 =	seq.s32 s5, $0x0;
	s5 =	sld [smem:$0x3FB3]  }
0x2b: {  	s6 =	sld [smem:$0x3FB4]  }
0x2c: {  	s7 =	sld [smem:$0x3FB5]  }
0x2d: {  	s3 =	simm.s32 $0x108;
	s8 =	sld [smem:$0x3FB6]  }
0x2e: {  	s3 =	simm.s32 @!p0 $0x1082;
	s9 =	sld [smem:$0x3FB7]  }
0x2f: {  	lr =	sadd.s32 s0, s3;
	s0 =	sld [smem:$0x3FAE]  }
0x30: {  	s3 =	sld [smem:$0x3FB1]  }
0x31: {  	[smem:$0x3FBA] =	sst s10  }
0x32: {  	s10 =	sld [smem:$0x3FB8];
	_ =	sdelay $0x3  }
0x33: {  	p0 =	seq.s32 s10, $0x1;
	s10 =	sld [smem:$0x3FBA];
	_ =	sdelay $0x3  }
0x34: {  	[smem:$0x3FBA] =	sst s10  }
0x35: {  	s10 =	sld [smem:$0x3FB9];
	_ =	sdelay $0x3  }
0x36: {  	p1 =	seq.s32 s10, $0x1;
	s10 =	sld [smem:$0x3FBA];
	_ =	sdelay $0x3  }
0x37: {  	[smem:$0x3FBA] =	sst s10  }
0x38: {  	s10 =	sld [smem:$0x3FBB]  }
0x39: {  	_ = 	snop;
	(pc) =	sbr.ind lr, $3  }
0x3a: {  	_ = 	snop  }
0x3b: {  	_ = 	snop  }
0x3c: {  	p2 =	seq.s32 s10, $0x1;
	s10 =	sld [smem:$0x3FBA]  }
0x3d: {  	_ =	shalt  }
0x3e: {  	_ =	shalt  }
0x3f: {  	_ =	shalt  }
0x40: {  	_ =	shalt  }
0x41: {  	_ =	shalt  }
0x42: {  	_ =	shalt  }
0x43: {  	_ =	shalt  }
0x44: {  	_ =	shalt  }
0x45: {  	_ =	shalt  }
0x46: {  	_ =	shalt  }
0x47: {  	_ =	shalt  }
0x48: {  	_ =	shalt  }
0x49: {  	_ =	shalt  }
0x4a: {  	_ =	shalt  }
0x4b: {  	_ =	shalt  }
0x4c: {  	_ =	shalt  }
0x4d: {  	_ =	shalt  }
0x4e: {  	_ =	shalt  }
0x4f: {  	_ =	shalt  }
0x50: {  	_ =	shalt  }
0x51: {  	_ =	shalt  }
0x52: {  	_ =	shalt  }
0x53: {  	_ =	shalt  }
0x54: {  	_ =	shalt  }
0x55: {  	_ =	shalt  }
0x56: {  	_ =	shalt  }
0x57: {  	_ =	shalt  }
0x58: {  	_ =	shalt  }
0x59: {  	_ =	shalt  }
0x5a: {  	_ =	shalt  }
0x5b: {  	_ =	shalt  }
0x5c: {  	_ =	shalt  }
0x5d: {  	_ =	shalt  }
0x5e: {  	_ =	shalt  }
0x5f: {  	_ =	shalt  }
0x60: {  	_ =	shalt  }
0x61: {  	_ =	shalt  }
0x62: {  	_ =	shalt  }
0x63: {  	_ =	shalt  }
0x64: {  	_ =	shalt  }
0x65: {  	_ =	shalt  }
0x66: {  	_ =	shalt  }
0x67: {  	_ =	shalt  }
0x68: {  	_ =	shalt  }
0x69: {  	_ =	shalt  }
0x6a: {  	_ =	shalt  }
0x6b: {  	_ =	shalt  }
0x6c: {  	_ =	shalt  }
0x6d: {  	_ =	shalt  }
0x6e: {  	_ =	shalt  }
0x6f: {  	_ =	shalt  }
0x70: {  	_ =	shalt  }
0x71: {  	_ =	shalt  }
0x72: {  	_ =	shalt  }
0x73: {  	_ =	shalt  }
0x74: {  	_ =	shalt  }
0x75: {  	_ =	shalt  }
0x76: {  	_ =	shalt  }
0x77: {  	_ =	shalt  }
0x78: {  	_ =	shalt  }
0x79: {  	_ =	shalt  }
0x7a: {  	_ =	shalt  }
0x7b: {  	_ =	shalt  }
0x7c: {  	_ =	shalt  }
0x7d: {  	_ =	shalt  }
0x7e: {  	_ =	shalt  }
0x7f: {  	_ =	shalt  }
0x80: {  	_ =	shalt  }
0x81: {  	_ =	shalt  }
0x82: {  	_ =	shalt  }
0x83: {  	_ =	shalt  }
0x84: {  	_ =	shalt  }
0x85: {  	_ =	shalt  }
0x86: {  	_ =	shalt  }
0x87: {  	_ =	shalt  }
.Lfunc_end0:
.L_simem_size_0:
called_computation.1_lowered:
.L_overlay_start_0:
0x88: {  	s2 =	sld [smem:$0x3FD9]  }
0x89: {  	s3 =	sld [smem:$0x3FFE];
	_ =	sdelay $0x1  }
0x8a: {  	s1 =	srdreg.scid  }
0x8b: {  	s0 =	sand.u32 $0x1, s1  }
0x8c: {  	s16 =	sshll.u32 s0, $0xA;
	s2 =	sadd.s32 s3, s2  }
0x8d: {  	s2 =	sadd.s32 s2, s16  }
0x8e: {  	[smem:$0x3FC6] =	sst s2  }
0x8f: {  	_ = 	snop  }
0x90: {  	(tm) =	ssettm $0x1  }
0x91: {  	s17 =	sld [smem:$0x3FFB];
	_ =	sdelay $0x3  }
0x92: {  	_ =	strace s17  }
0x93: {  	s2 =	sld [smem:$0x3FFC];
	_ =	sdelay $0x3  }
0x94: {  	_ =	strace s2  }
0x95: {  	s2 =	sld [smem:$0x3FFD];
	_ =	sdelay $0x3  }
0x96: {  	_ =	strace s2  }
0x97: {  	_ =	strace $0x8FFFFFFF  }
0x98: {  	s18 =	sld [smem:$0x3FDB];
	_ =	sdelay $0x1  }
0x99: {  	s19 =	simm.s32 $_scs_section_size  }
0x9a: {  	s4 =	simm.s32 $_size__tile_overlayer_lowered;
	s5 =	simm.s32 $_tile_overlayer_lowered  }
0x9b: {  	s22 =	simm.s32 $0x1BFF;
	s21 =	sshll.u32 s5, $0x1;
	s2 =	sadd.s32 s19, s18  }
0x9c: {  	s6 =	simm.s32 $0x0;
	s20 =	sshll.u32 s4, $0x1;
	s4 =	sadd.s32 s21, s2  }
0x9d: {  	[timem:s6], [sflag:s22] =	dma.local [hbm:s4], s20  }
0x9e: {  	_ =	swait.ge [sflag:s22], s20  }
0x9f: {  	s3 =	ssub.s32 $0x0, s20;
	[sflag:s22] =	ssyncset.done $0x0  }
0xa0: {  	[sflag:s22] =	ssyncadd.s32 s3;
	_ =	sdelay $0x1  }
0xa1: {  	s23 =	simm.s32 $0x1B8B  }
0xa2: {  	_ =	swait.ge [sflag:s23], $0x1  }
0xa3: {  	[sflag:s23] =	ssyncset.done $0x0  }
0xa4: {  	s25 =	simm.s32 $0x1B8E;
	s24 =	sld [smem:$0x3FFE];
	[sflag:s23] =	ssyncadd.s32 $0xFFFFFFFF  }
0xa5: {  	s26 =	simm.s32 $execute0_lowered;
	[smem:$0x3FD2] =	sst s25  }
0xa6: {  	s4 =	sshll.u32 s26, $0x1;
	_ =	strace $0x80000049;
	[dreg:$0x1] =	wrdreg $0xFFFFFFFF  }
0xa7: {  	s28 =	simm.s32 $_size_execute0_lowered;
	s2 =	sadd.s32 s2, s4;
	[dreg:$0x0] =	wrdreg $0x0  }
0xa8: {  	s4 =	sshll.u32 s28, $0x1;
	[dreg:$0x2] =	wrdreg s2  }
0xa9: {  	[dreg:$0x3] =	wrdreg s4  }
0xaa: {  	[dreg:$0x4] =	wrdreg $0xC0  }
0xab: {  	_ =	task [dreg:s6], $0x5FFFF  }
0xac: {  	[dreg:$0x1] =	wrdreg $0xFFFFFFFF  }
0xad: {  	[dreg:$0x0] =	wrdreg $0x60  }
0xae: {  	[dreg:$0x2] =	wrdreg s24  }
0xaf: {  	[dreg:$0x3] =	wrdreg $0x9  }
0xb0: {  	_ =	task.clear_ibuf [dreg:s6], $0x4FFFF;
	_ =	strace $0x90000049  }
0xb1: {  	s29 =	simm.s32 $0x9;
	_ =	strace $0x8000004B  }
0xb2: {  	_ =	swait.ge [sflag:s29], $0x1  }
0xb3: {  	[sflag:s29] =	ssyncadd.s32 $0xFFFFFFFF  }
0xb4: {  	_ =	strace $0x9000004B  }
0xb5: {  	_ =	sfence  }
0xb6: {  	s30 =	sld [smem:$0x0];
	_ =	sdelay $0x2  }
0xb7: {  	s31 =	sshll.u32 s1, $0xD;
	s1 =	sshrl.u32 s1, $0x2  }
0xb8: {  	s3 =	sand.u32 $0x4000, s31;
	s1 =	sadd.s32 s1, s30  }
0xb9: {  	s0 =	sor.u32 s3, s0;
	s1 =	sshll.u32 s1, $0x11  }
0xba: {  	s0 =	sor.u32 s1, s0  }
0xbb: {  	s0 =	sadd.s32 $0x8F2B, s0  }
0xbc: {  	[sflag:s0] =	ssyncadd.remote.s32 $0x1  }
0xbd: {  	_ =	sfence.sel $0xFFFF  }
0xbe: {  	[dreg:$0x0] =	wrdreg $0xFFFFFFFF;
	(pc) =	sbr.abs _section_cstart, $3  }
0xbf: {  	[dreg:$0x1] =	wrdreg $0xFFFFFFFF  }
0xc0: {  	_ =	task.clear_ibuf [dreg:s6], $0x2FFFF;
	_ =	strace $0x9FFFFFFF  }
0xc1: {  	(tm) =	ssettm $0x7FFFFFFF  }
tec
execute0_lowered:
.L_overlay_start_1:
0x0: {  	(tag) =	ssettag $0x1  }
0x1: {  	s0 =	rddreg [dreg:$0x0];
	s2 =	simm.s32 $0x0;
	s1 =	srdreg.scid  }
0x2: {  	s3 =	stileid.u32;
	s12 =	simm.s32 $0x800;
	s13 =	simm.s32 $0x8000  }
0x3: {  	s16 =	simm.s32 $0x1;
	s17 =	simm.s32 $0x3;
	s18 =	simm.s32 $0x5  }
0x4: {  	s19 =	simm.s32 $0x5800;
	s20 =	simm.s32 $0x10800;
	s21 =	simm.s32 $0x16100  }
0x5: {  	s22 =	simm.s32 $0x2;
	s1 =	sand.u32 $0x1, s1;
	s5 =	sshll.u32 s3, $0x1  }
0x6: {  	s23 =	simm.s32 $0x4;
	[smem:$0x7FF] =	sst s2;
	s6 =	sor.u32 s1, s5  }
0x7: {  	s3 =	sadd.s32 $0xC18800, s0;
	s4 =	sadd.s32 $0x800, s0;
	s7 =	smul.u32 $0x21000, s6  }
0x8: {  	_ =	strace $0x8000004A;
	s5 =	sadd.s32 $0x420800, s0;
	s1 =	ssub.s32 $0x2, s1  }
0x9: {  	s8 =	sshll.u32 s6, $0x4;
	s10 =	smul.u32 $0x600, s6;
	s29 =	sadd.s32 s3, s7  }
0xa: {  	s9 =	sshrl.u32 s1, $0x1;
	s7 =	sadd.s32 s4, s7;
	[dreg:$0x2] =	wrdreg s29  }
0xb: {  	s0 =	sadd.s32 s8, s0;
	s30 =	sadd.s32 s5, s10;
	[dreg:$0x3] =	wrdreg s7  }
0xc: {  	s1 =	ssub.s32 s1, s9;
	s0 =	sadd.s32 $0x42C800, s0;
	[dreg:$0x4] =	wrdreg s30  }
0xd: {  	s24 =	simm.s32 $0x6;
	s31 =	smax.u32 s1, $0x1;
	[dreg:$0x5] =	wrdreg s0  }
0xe: {  	v0 =	vlaneseq.u32;
	v1 =	vimm.s32 $0x0;
	s6 =	smul.u32 $0x3, s6;
	[dreg:$0x6] =	wrdreg s31;
	s7 =	simm.s32 $0x0  }
.LBB2_1:
0xf: {  	[dreg:$0x7] =	wrdreg s7  }
0x10: {  	s0 =	rddreg [dreg:$0x2]  }
0x11: {  	[tilespmem:s2], [sflag:$0x1] =	stream.strided.gather [hbm4b:s0+s12], $0x5800, s13, s12, $0x38;
	[tilespmem:$0x16280] =	vst v63  }
0x12: {  	s28 =	rddreg [dreg:$0x3];
	s1 =	simm.s32 $0xB000  }
0x13: {  	[tilespmem:s1], [sflag:$0x3] =	stream.strided.gather [hbm4b:s28+s12], $0x5800, s13, s12, $0x38;
	[tilespmem:$0x16280] =	vst v63  }
0x14: {  	s30 =	rddreg [dreg:$0x4];
	s31 =	simm.s32 $0x16000;
	s29 =	simm.s32 $0x0  }
0x15: {  	v2 =	vimm.f32 $0.0e+00;
	v4 =	vimm.f32 $0.0e+00;
	v3 =	vimm.f32 $0.0e+00;
	[tilespmem:s31], [sflag:$0x5] =	stream.linear.gather [hbm4b:s30+s2], $0x100, $0x38;
	[tilespmem:$0x16280] =	vst v63  }
.LBB2_2:
0x16: {  	_ =	swait.ge [sflag:s16], $0x5800  }
0x17: {  	[sflag:s16] =	ssyncset.done $0x0  }
0x18: {  	s0 =	sshrl.u32 s29, $0x3;
	s1 =	sshll.u32 s29, $0x2;
	[sflag:s16] =	ssyncadd.s32 $0xFFFFA800  }
0x19: {  	s0 =	sadd.s32 s6, s0;
	s1 =	sand.u32 $0x1C, s1;
	_ =	swait.ge [sflag:s17], $0x5800  }
0x1a: {  	s1 =	sor.u32 $0x2, s1;
	s7 =	smul.u32 $0x58000, s0;
	[sflag:s17] =	ssyncset.done $0x0  }
0x1b: {  	s8 =	sshll.u32 s1, $0xA;
	[sflag:s17] =	ssyncadd.s32 $0xFFFFA800  }
0x1c: {  	s7 =	sor.u32 s7, s8;
	_ =	swait.ge [sflag:s18], $0x100  }
0x1d: {  	s7 =	sshrl.u32 s7, $0x3;
	[sflag:s18] =	ssyncset.done $0x0  }
0x1e: {  	s0 =	sshll.u32 s0, $0x9;
	s28 =	sadd.s32 s3, s7;
	[sflag:s18] =	ssyncadd.s32 $0xFFFFFF00  }
0x1f: {  	[tilespmem:s19], [sflag:$0x2] =	stream.strided.gather [hbm4b:s28+s12], $0x5800, s13, s12, $0x38;
	[tilespmem:$0x16280] =	vst v63  }
0x20: {  	s1 =	sshll.u32 s1, $0x4;
	s0 =	sadd.s32 s5, s0;
	s7 =	sadd.s32 s4, s7  }
0x21: {  	[tilespmem:s20], [sflag:$0x4] =	stream.strided.gather [hbm4b:s7+s12], $0x5800, s13, s12, $0x38;
	[tilespmem:$0x16280] =	vst v63  }
0x22: {  	s30 =	simm.s32 $0x0;
	s0 =	sadd.s32 s1, s0  }
0x23: {  	[tilespmem:s21], [sflag:$0x6] =	stream.linear.gather [hbm4b:s0+s30], $0x100, $0x38;
	[tilespmem:$0x16280] =	vst v63  }
0x24: {  	s31 =	simm.s32 $0x16000;
	s0 =	simm.s32 $0x0  }
.LBB2_3:
0x25: {  	s1 =	sand.u32 $0x70, s0;
	s7 =	sand.u32 $0x400, s30  }
0x26: {  	s1 =	sor.u32 s1, s7  }
0x27: {  	v5 =	vld [tilespmem:s1+$0x0];
	_ =	sdelay $0x4  }
0x28: {  	v5 =	vsub.f32 $0.0e+00, v5;
	_ =	sdelay $0x1  }
0x29: {  	v5 =	vmul.f32 $1.442695020e+00, v5;
	_ =	sdelay $0x1  }
0x2a: {  	(erf) = vpow2.f32 v5  }
0x2b: {  	s8 =	sand.u32 $0xFFFFFC00, s30  }
0x2c: {  	s15 =	sadd.s32 s8, s0  }
0x2d: {  	s14 =	sor.u32 $0x80, s15  }
0x2e: {  	v5 =	vld [tilespmem:s14+$0x0];
	_ =	sdelay $0x4  }
0x2f: {  	v5 =	vsub.f32 $0.0e+00, v5;
	v6 =	vpop (erf)  }
0x30: {  	v6 =	vadd.f32 $1.000000000e+00, v6  }
0x31: {  	v5 =	vmul.f32 $1.442695020e+00, v5  }
0x32: {  	(erf) = vrcp.f32 v6  }
0x33: {  	(erf) = vpow2.f32 v5;
	_ =	sdelay $0x2  }
0x34: {  	v5 =	vld [tilespmem:s1+$0x200];
	_ =	sdelay $0x4  }
0x35: {  	v7 =	vand.u32 $0x7FFFFFFF, v5;
	v9 =	vpop (erf)  }
0x36: {  	v8 =	vsub.f32 $0.0e+00, v7;
	v6 =	vpop (erf)  }
0x37: {  	v6 =	vadd.f32 $1.000000000e+00, v6  }
0x38: {  	v8 =	vmul.f32 $1.442695020e+00, v8  }
0x39: {  	(erf) = vrcp.f32 v6  }
0x3a: {  	s25 =	sor.u32 s0, s30;
	(erf) = vpow2.f32 v8  }
0x3b: {  	s8 =	sor.u32 $0x380, s25;
	v17 =	vld [tilespmem:s1+$0xB300]  }
0x3c: {  	v18 =	vld [tilespmem:s8+$0xB000]  }
0x3d: {  	v19 =	vld [tilespmem:s1+$0xB800];
	_ =	sdelay $0x1  }
0x3e: {  	v14 =	vld [tilespmem:s1+$0x300]  }
0x3f: {  	v43 =	vld [tilespmem:s1+$0xBB00]  }
0x40: {  	v16 =	vld [tilespmem:s1+$0x800];
	s11 =	sor.u32 $0xA80, s15;
	v17 =	vsub.f32 $1.000000000e+00, v17  }
0x41: {  	s7 =	sor.u32 $0x280, s15;
	v34 =	vld [tilespmem:s11+$0xB000];
	v18 =	vsub.f32 $1.000000000e+00, v18;
	v19 =	vsub.f32 $1.000000000e+00, v19;
	v10 =	vpop (erf)  }
0x42: {  	v12 =	vld [tilespmem:s7+$0x0];
	v17 =	vmul.f32 $1.000000000e+03, v17;
	v6 =	vpop (erf)  }
0x43: {  	v18 =	vmul.f32 $1.000000000e+03, v18;
	v19 =	vmul.f32 $1.000000000e+03, v19;
	v8 =	vadd.f32 $1.000000000e+00, v6;
	v6 =	vld [tilespmem:s31+$0x0]  }
0x44: {  	v26 =	vld [tilespmem:s1+$0x900];
	v53 =	vsub.f32 $1.000000000e+00, v43;
	v17 =	vadd.f32 $1.000000000e+00, v17  }
0x45: {  	v20 =	vld [tilespmem:s8+$0x0];
	v18 =	vadd.f32 $2.000000000e+00, v18;
	v19 =	vadd.f32 $3.000000000e+00, v19  }
0x46: {  	s9 =	sor.u32 $0x880, s15;
	v30 =	vld [tilespmem:s1+$0xA00];
	v42 =	vsub.f32 $1.000000000e+00, v34;
	v17 =	vmin.f32 v17, $1.000000000e+03;
	v11 =	vand.u32 $0x7FFFFF, v8  }
0x47: {  	s10 =	sor.u32 $0x980, s15;
	v23 =	vld [tilespmem:s9+$0x0];
	v18 =	vmin.f32 v18, $1.000000000e+03;
	v19 =	vmin.f32 v19, $1.000000000e+03;
	v11 =	vor.u32 $0x3F800000, v11  }
0x48: {  	v28 =	vld [tilespmem:s10+$0x0];
	v13 =	vmul.f32 $5.000000000e-01, v11;
	v12 =	vsub.f32 v12, v6;
	v14 =	vsub.f32 v14, v6  }
0x49: {  	v21 =	vld [tilespmem:s7+$0xB000];
	vm0 =	vgt.f32 v11, $1.414213540e+00;
	v25 =	vsub.f32 v16, v6;
	v16 =	vsub.f32 v26, v6  }
0x4a: {  	v11 =	vsel vm0, v13, v11;
	v13 =	vsub.f32 v20, v6;
	v20 =	vld [tilespmem:s9+$0xB000];
	s9 =	sor.u32 $0x1180, s15;
	v12 =	vmul.f32 $1.442695020e+00, v12  }
0x4b: {  	s26 =	sor.u32 $0xB80, s25;
	v11 =	vadd.f32 $-1.000000000e+00, v11;
	v22 =	vmul.f32 $1.442695020e+00, v14;
	v27 =	vmul.f32 $1.442695020e+00, v25;
	v44 =	vld [tilespmem:s9+$0x0]  }
0x4c: {  	v14 =	vsub.f32 v23, v6;
	v29 =	vmul.f32 $1.442695020e+00, v16;
	v16 =	vsub.f32 v30, v6;
	v30 =	vld [tilespmem:s26+$0xB000]  }
0x4d: {  	v26 =	vld [tilespmem:s10+$0xB000];
	v24 =	vmul.f32 $1.442695020e+00, v13;
	v13 =	vsub.f32 v28, v6;
	v15 =	vadd.f32 $2.000000000e+00, v11  }
0x4e: {  	v8 =	vshra.s32 v8, $0x17;
	v28 =	vld [tilespmem:s26+$0x0];
	v14 =	vmul.f32 $1.442695020e+00, v14;
	v16 =	vmul.f32 $1.442695020e+00, v16  }
0x4f: {  	v13 =	vmul.f32 $1.442695020e+00, v13;
	(erf) = vrcp.f32 v15;
	v15 =	vsub.f32 $1.000000000e+00, v21  }
0x50: {  	v31 =	vld [tilespmem:s11+$0x0];
	v20 =	vsub.f32 $1.000000000e+00, v20;
	(erf) = vpow2.f32 v12;
	v55 =	vsub.f32 v44, v6  }
0x51: {  	v57 =	vsub.f32 $1.000000000e+00, v30;
	(erf) = vpow2.f32 v22;
	v15 =	vmul.f32 $1.000000000e+03, v15;
	v22 =	vld [tilespmem:s1+$0xB900]  }
0x52: {  	v32 =	vld [tilespmem:s1+$0xB00];
	s11 =	sor.u32 $0x1380, s25;
	v37 =	vsub.f32 $1.000000000e+00, v26;
	v20 =	vmul.f32 $1.000000000e+03, v20;
	(erf) = vpow2.f32 v24  }
0x53: {  	v40 =	vsub.f32 v28, v6;
	v59 =	vmul.f32 $1.442695020e+00, v55;
	v61 =	vmul.f32 $1.000000000e+03, v57;
	v57 =	vld [tilespmem:s11+$0xB000]  }
0x54: {  	(erf) = vpow2.f32 v27;
	v15 =	vadd.f32 $0.0e+00, v15;
	v27 =	vld [tilespmem:s1+$0xBA00];
	v20 =	vadd.f32 $4.000000000e+00, v20  }
0x55: {  	(erf) = vpow2.f32 v14;
	v14 =	vsub.f32 v31, v6;
	v34 =	vadd.f32 $1.000000000e+01, v61  }
0x56: {  	v15 =	vmin.f32 v15, $1.000000000e+03;
	(erf) = vpow2.f32 v29;
	v22 =	vsub.f32 $1.000000000e+00, v22  }
0x57: {  	v33 =	vld [tilespmem:s1+$0x1000];
	(erf) = vpow2.f32 v13;
	v14 =	vmul.f32 $1.442695020e+00, v14;
	v13 =	vsub.f32 v32, v6  }
0x58: {  	s28 =	sor.u32 $0x1080, s15;
	v15 =	vmin.f32 v15, v20;
	v32 =	vsub.f32 $1.000000000e+00, v57;
	v12 =	vpop (erf);
	v22 =	vmul.f32 $1.000000000e+03, v22  }
0x59: {  	v36 =	vld [tilespmem:s28+$0x0];
	v13 =	vmul.f32 $1.442695020e+00, v13;
	v39 =	vsub.f32 $1.000000000e+00, v27;
	v27 =	vmul.f32 $1.000000000e+03, v42;
	v21 =	vpop (erf)  }
0x5a: {  	v50 =	vld [tilespmem:s28+$0xB000];
	s10 =	sor.u32 $0x1280, s15;
	v11 =	vmul.f32 v12, v11;
	v21 =	vadd.f32 $0.0e+00, v21;
	v22 =	vadd.f32 $5.000000000e+00, v22  }
0x5b: {  	s28 =	sor.u32 $0x1980, s15;
	v62 =	vld [tilespmem:s10+$0x0];
	v23 =	vpop (erf);
	v26 =	vmul.f32 $1.000000000e+03, v39;
	v52 =	vadd.f32 $8.000000000e+00, v27;
	v27 =	vmul.f32 $1.000000000e+03, v53  }
0x5c: {  	v55 =	vld [tilespmem:s28+$0x0];
	v23 =	vadd.f32 $0.0e+00, v23;
	v24 =	vpop (erf);
	(erf) = vpow2.f32 v16;
	v16 =	vsub.f32 v33, v6  }
0x5d: {  	v24 =	vadd.f32 $0.0e+00, v24;
	v25 =	vpop (erf);
	(erf) = vpow2.f32 v14;
	v17 =	vmin.f32 v17, v22  }
0x5e: {  	v41 =	vld [tilespmem:s1+$0x1100];
	v22 =	vmul.f32 $1.000000000e+03, v37;
	v14 =	vsub.f32 v36, v6;
	v26 =	vadd.f32 $7.000000000e+00, v26  }
0x5f: {  	v47 =	vld [tilespmem:s1+$0xC000];
	v15 =	vmin.f32 v15, v52;
	v60 =	vadd.f32 $9.000000000e+00, v27;
	v25 =	vadd.f32 $0.0e+00, v25  }
0x60: {  	v54 =	vld [tilespmem:s1+$0x1200];
	v29 =	vpop (erf);
	(erf) = vpow2.f32 v13;
	v13 =	vmul.f32 $1.442695020e+00, v40;
	v40 =	vsub.f32 v62, v6  }
0x61: {  	v58 =	vld [tilespmem:s1+$0xC100];
	v16 =	vmul.f32 $1.442695020e+00, v16;
	v62 =	vsub.f32 v55, v6;
	v21 =	vadd.f32 v29, v21  }
0x62: {  	v63 =	vld [tilespmem:s9+$0xB000];
	v35 =	vpop (erf);
	v22 =	vadd.f32 $6.000000000e+00, v22;
	v14 =	vmul.f32 $1.442695020e+00, v14;
	v49 =	vmin.f32 v19, v26  }
0x63: {  	v42 =	vld [tilespmem:s10+$0xB000];
	v19 =	vsub.f32 $1.000000000e+00, v50;
	v17 =	vmin.f32 v17, v60;
	v20 =	vadd.f32 v35, v23;
	v38 =	vpop (erf)  }
0x64: {  	v39 =	vld [tilespmem:s1+$0xC200];
	(erf) = vpow2.f32 v13;
	v23 =	vadd.f32 v38, v24;
	v45 =	vmin.f32 v18, v22  }
0x65: {  	v35 =	vld [tilespmem:s1+$0x1300];
	(erf) = vpow2.f32 v16;
	v24 =	vsub.f32 v41, v6;
	v22 =	vsub.f32 $1.000000000e+00, v47  }
0x66: {  	v37 =	vld [tilespmem:s11+$0x0];
	v19 =	vmul.f32 $1.000000000e+03, v19;
	(erf) = vpow2.f32 v14;
	v14 =	vsub.f32 v54, v6  }
0x67: {  	v53 =	vld [tilespmem:s1+$0xC300];
	v13 =	vmin.f32 v45, v34;
	v45 =	vsub.f32 $1.000000000e+00, v63;
	v22 =	vmul.f32 $1.000000000e+03, v22  }
0x68: {  	v41 =	vsub.f32 $1.000000000e+00, v58;
	v47 =	vld [tilespmem:s1+$0x1800];
	v24 =	vmul.f32 $1.442695020e+00, v24;
	v19 =	vadd.f32 $1.200000000e+01, v19  }
0x69: {  	v14 =	vmul.f32 $1.442695020e+00, v14;
	v27 =	vmul.f32 $1.000000000e+03, v45;
	v22 =	vadd.f32 $1.100000000e+01, v22  }
0x6a: {  	v46 =	vpop (erf);
	v15 =	vmin.f32 v15, v19;
	v43 =	vsub.f32 v35, v6;
	v19 =	vsub.f32 $1.000000000e+00, v42  }
0x6b: {  	v63 =	vld [tilespmem:s1+$0x1A00];
	(erf) = vpow2.f32 v24;
	v48 =	vadd.f32 v46, v25;
	v46 =	vsub.f32 v37, v6  }
0x6c: {  	v35 =	vmul.f32 $1.442695020e+00, v62;
	v25 =	vsub.f32 $1.000000000e+00, v39;
	v52 =	vadd.f32 $1.400000000e+01, v27  }
0x6d: {  	v51 =	vpop (erf);
	(erf) = vpow2.f32 v59;
	v54 =	vsub.f32 v47, v6;
	v59 =	vsub.f32 $1.000000000e+00, v53  }
0x6e: {  	v27 =	vmul.f32 $1.000000000e+03, v32;
	v21 =	vadd.f32 v51, v21;
	(erf) = vpow2.f32 v14  }
0x6f: {  	s26 =	sor.u32 $0x1880, s15;
	v56 =	vpop (erf);
	v18 =	vmin.f32 v49, v22;
	v14 =	vmul.f32 $1.442695020e+00, v40;
	v22 =	vmul.f32 $1.000000000e+03, v41  }
0x70: {  	v60 =	vld [tilespmem:s26+$0xB000];
	v19 =	vmul.f32 $1.000000000e+03, v19;
	v41 =	vsub.f32 v63, v6;
	v20 =	vadd.f32 v56, v20  }
0x71: {  	v49 =	vld [tilespmem:s26+$0x0];
	v28 =	vmul.f32 $1.442695020e+00, v46;
	v25 =	vmul.f32 $1.000000000e+03, v25;
	v13 =	vmin.f32 v13, v52  }
0x72: {  	v51 =	vld [tilespmem:s1+$0x1900];
	v26 =	vmul.f32 $1.000000000e+03, v59;
	v40 =	vadd.f32 $1.800000000e+01, v27;
	v33 =	vpop (erf);
	v22 =	vadd.f32 $1.300000000e+01, v22  }
0x73: {  	v58 =	vld [tilespmem:s1+$0xC800];
	(erf) = vpow2.f32 v14;
	v19 =	vadd.f32 $1.600000000e+01, v19;
	v23 =	vadd.f32 v33, v23  }
0x74: {  	s26 =	sor.u32 $0x2080, s15;
	v46 =	vld [tilespmem:s1+$0x1B00];
	v36 =	vpop (erf);
	v25 =	vadd.f32 $1.500000000e+01, v25;
	v37 =	vadd.f32 $1.700000000e+01, v26;
	v13 =	vmin.f32 v13, v40  }
0x75: {  	v59 =	vld [tilespmem:s26+$0x0];
	v16 =	vadd.f32 v36, v48;
	v38 =	vpop (erf);
	v48 =	vmul.f32 $1.442695020e+00, v43;
	v17 =	vmin.f32 v17, v22  }
0x76: {  	s10 =	sor.u32 $0x1A80, s15;
	v33 =	vld [tilespmem:s1+$0xC900];
	v22 =	vmul.f32 $1.442695020e+00, v54;
	v15 =	vmin.f32 v15, v19;
	v21 =	vadd.f32 v38, v21  }
0x77: {  	v36 =	vld [tilespmem:s10+$0x0];
	v24 =	vsub.f32 v49, v6;
	v18 =	vmin.f32 v18, v25;
	v14 =	vsub.f32 v51, v6  }
0x78: {  	v43 =	vld [tilespmem:s28+$0xB000];
	v25 =	vsub.f32 $1.000000000e+00, v58;
	v39 =	vmin.f32 v17, v37;
	(erf) = vpow2.f32 v48  }
0x79: {  	v54 =	vld [tilespmem:s1+$0x2000];
	v55 =	vsub.f32 v46, v6;
	(erf) = vpow2.f32 v28;
	v24 =	vmul.f32 $1.442695020e+00, v24  }
0x7a: {  	v44 =	vpop (erf);
	v14 =	vmul.f32 $1.442695020e+00, v14;
	v25 =	vmul.f32 $1.000000000e+03, v25;
	v28 =	vsub.f32 v59, v6  }
0x7b: {  	v52 =	vld [tilespmem:s10+$0xB000];
	v20 =	vadd.f32 v44, v20;
	v50 =	vpop (erf);
	(erf) = vpow2.f32 v22;
	v22 =	vsub.f32 $1.000000000e+00, v60  }
0x7c: {  	v48 =	vld [tilespmem:s1+$0xCA00];
	v42 =	vsub.f32 $1.000000000e+00, v33;
	v44 =	vmul.f32 $1.442695020e+00, v41;
	v23 =	vadd.f32 v50, v23  }
0x7d: {  	(erf) = vpow2.f32 v24;
	v45 =	vsub.f32 v36, v6;
	v25 =	vadd.f32 $1.900000000e+01, v25  }
0x7e: {  	v56 =	vpop (erf);
	v27 =	vsub.f32 $1.000000000e+00, v43;
	v17 =	vsub.f32 v54, v6;
	(erf) = vpow2.f32 v14  }
0x7f: {  	s11 =	sor.u32 $0x1B80, s25;
	v60 =	vld [tilespmem:s1+$0xCB00];
	v16 =	vadd.f32 v56, v16;
	v22 =	vmul.f32 $1.000000000e+03, v22;
	v26 =	vmul.f32 $1.000000000e+03, v42  }
0x80: {  	v62 =	vld [tilespmem:s11+$0xB000];
	s28 =	sor.u32 $0x2180, s15;
	(erf) = vpow2.f32 v35;
	v50 =	vmul.f32 $1.442695020e+00, v45;
	v18 =	vmin.f32 v18, v25  }
0x81: {  	v33 =	vld [tilespmem:s28+$0x0];
	v61 =	vpop (erf);
	v57 =	vmul.f32 $1.000000000e+03, v27;
	v58 =	vsub.f32 $1.000000000e+00, v48;
	v25 =	vsub.f32 $1.000000000e+00, v52  }
0x82: {  	v42 =	vld [tilespmem:s1+$0xD100];
	v17 =	vmul.f32 $1.442695020e+00, v17;
	v21 =	vadd.f32 v61, v21;
	(erf) = vpow2.f32 v44  }
0x83: {  	v51 =	vld [tilespmem:s11+$0x0];
	v22 =	vadd.f32 $2.000000000e+01, v22;
	v26 =	vadd.f32 $2.100000000e+01, v26;
	(erf) = vpow2.f32 v50  }
0x84: {  	s9 =	sor.u32 $0x2280, s15;
	v36 =	vld [tilespmem:s1+$0x2200];
	v27 =	vmul.f32 $1.000000000e+03, v58;
	v25 =	vmul.f32 $1.000000000e+03, v25;
	v24 =	vsub.f32 $1.000000000e+00, v60  }
0x85: {  	v45 =	vld [tilespmem:s9+$0x0];
	v15 =	vmin.f32 v15, v22;
	v14 =	vmin.f32 v39, v26;
	v26 =	vadd.f32 $2.200000000e+01, v57  }
0x86: {  	v61 =	vld [tilespmem:s1+$0x2100];
	v22 =	vmul.f32 $1.442695020e+00, v55;
	v63 =	vadd.f32 $2.300000000e+01, v27;
	v25 =	vadd.f32 $2.400000000e+01, v25  }
0x87: {  	v40 =	vld [tilespmem:s26+$0xB000];
	v34 =	vpop (erf);
	v27 =	vsub.f32 v33, v6;
	v24 =	vmul.f32 $1.000000000e+03, v24;
	v52 =	vsub.f32 $1.000000000e+00, v42  }
0x88: {  	v46 =	vld [tilespmem:s28+$0xB000];
	v19 =	vadd.f32 v34, v20;
	v20 =	vsub.f32 v51, v6;
	(erf) = vpow2.f32 v22  }
0x89: {  	v59 =	vld [tilespmem:s1+$0x2800];
	v38 =	vpop (erf);
	v13 =	vmin.f32 v13, v26;
	v22 =	vsub.f32 $1.000000000e+00, v62;
	v26 =	vsub.f32 v36, v6  }
0x8a: {  	v54 =	vsub.f32 v45, v6;
	v23 =	vadd.f32 v38, v23;
	v18 =	vmin.f32 v18, v63  }
0x8b: {  	v57 =	vld [tilespmem:s1+$0xD200];
	v38 =	vmul.f32 $1.442695020e+00, v28;
	v39 =	vsub.f32 v61, v6;
	v15 =	vmin.f32 v15, v25  }
0x8c: {  	v35 =	vld [tilespmem:s1+$0xD000];
	v47 =	vpop (erf);
	v43 =	vmul.f32 $1.442695020e+00, v27;
	v24 =	vadd.f32 $2.500000000e+01, v24;
	v25 =	vsub.f32 $1.000000000e+00, v40  }
0x8d: {  	v27 =	vsub.f32 $1.000000000e+00, v46;
	v16 =	vadd.f32 v47, v16;
	v20 =	vmul.f32 $1.442695020e+00, v20  }
0x8e: {  	v49 =	vpop (erf);
	v22 =	vmul.f32 $1.000000000e+03, v22;
	v47 =	vmul.f32 $1.442695020e+00, v26;
	v26 =	vsub.f32 v59, v6  }
0x8f: {  	v32 =	vld [tilespmem:s1+$0xD300];
	v21 =	vadd.f32 v49, v21;
	v41 =	vmul.f32 $1.442695020e+00, v39;
	v14 =	vmin.f32 v14, v24  }
0x90: {  	v53 =	vpop (erf);
	v24 =	vmul.f32 $1.000000000e+03, v52;
	v27 =	vmul.f32 $1.000000000e+03, v27;
	v33 =	vsub.f32 $1.000000000e+00, v57  }
0x91: {  	v61 =	vld [tilespmem:s9+$0xB000];
	v19 =	vadd.f32 v53, v19;
	v56 =	vpop (erf);
	(erf) = vpow2.f32 v20;
	v20 =	vsub.f32 $1.000000000e+00, v35  }
0x92: {  	s11 =	sor.u32 $0x2880, s15;
	v51 =	vmul.f32 $1.000000000e+03, v25;
	v22 =	vadd.f32 $2.600000000e+01, v22;
	v23 =	vadd.f32 v56, v23  }
0x93: {  	v63 =	vld [tilespmem:s11+$0x0];
	v34 =	vpop (erf);
	(erf) = vpow2.f32 v17;
	v24 =	vadd.f32 $2.900000000e+01, v24;
	v31 =	vadd.f32 $3.000000000e+01, v27  }
0x94: {  	s26 =	sor.u32 $0x2980, s15;
	v49 =	vld [tilespmem:s1+$0x2300];
	v27 =	vsub.f32 $1.000000000e+00, v32;
	v16 =	vadd.f32 v34, v16;
	(erf) = vpow2.f32 v38  }
0x95: {  	v39 =	vld [tilespmem:s26+$0x0];
	v37 =	vpop (erf);
	v20 =	vmul.f32 $1.000000000e+03, v20;
	v13 =	vmin.f32 v13, v22;
	v22 =	vadd.f32 $2.800000000e+01, v51  }
0x96: {  	v36 =	vsub.f32 $1.000000000e+00, v61;
	v38 =	vmul.f32 $1.442695020e+00, v26;
	v21 =	vadd.f32 v37, v21  }
0x97: {  	s10 =	sor.u32 $0x2380, s25;
	(erf) = vpow2.f32 v41;
	v14 =	vmin.f32 v14, v24;
	v13 =	vmin.f32 v13, v31  }
0x98: {  	v55 =	vld [tilespmem:s10+$0x0];
	v24 =	vmul.f32 $1.000000000e+03, v33;
	(erf) = vpow2.f32 v43;
	v20 =	vadd.f32 $2.700000000e+01, v20  }
0x99: {  	v58 =	vsub.f32 v49, v6;
	v15 =	vmin.f32 v15, v22;
	v22 =	vsub.f32 v63, v6  }
0x9a: {  	v37 =	vld [tilespmem:s10+$0xB000];
	v25 =	vmul.f32 $1.000000000e+03, v36;
	v43 =	vmul.f32 $1.000000000e+03, v27;
	v26 =	vsub.f32 v39, v6;
	v44 =	vpop (erf)  }
0x9b: {  	v41 =	vld [tilespmem:s1+$0x2A00];
	(erf) = vpow2.f32 v47;
	v24 =	vadd.f32 $3.100000000e+01, v24;
	v19 =	vadd.f32 v44, v19  }
0x9c: {  	v34 =	vld [tilespmem:s1+$0x2900];
	v53 =	vmin.f32 v18, v20;
	v18 =	vmul.f32 $1.442695020e+00, v54;
	v62 =	vmul.f32 $1.442695020e+00, v58  }
0x9d: {  	v47 =	vld [tilespmem:s11+$0xB000];
	v20 =	vsub.f32 v55, v6;
	v40 =	vmul.f32 $1.442695020e+00, v22;
	v42 =	vadd.f32 $3.200000000e+01, v25  }
0x9e: {  	s28 =	sor.u32 $0x2A80, s15;
	v44 =	vld [tilespmem:s1+$0xD800];
	v25 =	vadd.f32 $3.300000000e+01, v43;
	v26 =	vmul.f32 $1.442695020e+00, v26;
	v17 =	vmin.f32 v53, v24  }
0x9f: {  	v46 =	vld [tilespmem:s28+$0x0];
	v20 =	vmul.f32 $1.442695020e+00, v20;
	v28 =	vsub.f32 $1.000000000e+00, v37;
	v15 =	vmin.f32 v15, v42  }
0xa0: {  	v22 =	vsub.f32 v41, v6;
	v14 =	vmin.f32 v14, v25;
	v48 =	vpop (erf);
	(erf) = vpow2.f32 v18  }
0xa1: {  	v52 =	vld [tilespmem:s26+$0xB000];
	v18 =	vsub.f32 v34, v6;
	v23 =	vadd.f32 v48, v23;
	v50 =	vpop (erf);
	(erf) = vpow2.f32 v62  }
0xa2: {  	v63 =	vld [tilespmem:s1+$0xDB00];
	v28 =	vmul.f32 $1.000000000e+03, v28;
	v22 =	vmul.f32 $1.442695020e+00, v22;
	v24 =	vsub.f32 $1.000000000e+00, v47  }
0xa3: {  	s10 =	sor.u32 $0x3080, s15;
	v54 =	vld [tilespmem:s1+$0x2B00];
	v16 =	vadd.f32 v50, v16;
	v56 =	vpop (erf);
	(erf) = vpow2.f32 v20;
	v27 =	vsub.f32 $1.000000000e+00, v44  }
0xa4: {  	v34 =	vld [tilespmem:s10+$0x0];
	v18 =	vmul.f32 $1.442695020e+00, v18;
	v20 =	vsub.f32 v46, v6;
	v21 =	vadd.f32 v56, v21  }
0xa5: {  	s11 =	sor.u32 $0x3180, s15;
	v62 =	vld [tilespmem:s28+$0xB000];
	v60 =	vpop (erf);
	(erf) = vpow2.f32 v38;
	v51 =	vadd.f32 $3.400000000e+01, v28;
	v24 =	vmul.f32 $1.000000000e+03, v24  }
0xa6: {  	s8 =	sor.u32 $0x2B80, s25;
	v44 =	vld [tilespmem:s11+$0x0];
	v28 =	vsub.f32 $1.000000000e+00, v52;
	v19 =	vadd.f32 v60, v19;
	v30 =	vpop (erf);
	(erf) = vpow2.f32 v40  }
0xa7: {  	v56 =	vld [tilespmem:s8+$0x0];
	v27 =	vmul.f32 $1.000000000e+03, v27;
	v20 =	vmul.f32 $1.442695020e+00, v20;
	v23 =	vadd.f32 v30, v23  }
0xa8: {  	v38 =	vld [tilespmem:s8+$0xB000];
	v35 =	vpop (erf);
	(erf) = vpow2.f32 v18;
	v13 =	vmin.f32 v13, v51;
	v24 =	vadd.f32 $3.600000000e+01, v24  }
0xa9: {  	s26 =	sor.u32 $0x3280, s15;
	v60 =	vld [tilespmem:s1+$0xDA00];
	v28 =	vmul.f32 $1.000000000e+03, v28;
	v43 =	vsub.f32 v34, v6;
	v16 =	vadd.f32 v35, v16  }
0xaa: {  	v52 =	vld [tilespmem:s26+$0x0];
	(erf) = vpow2.f32 v26;
	v57 =	vadd.f32 $3.500000000e+01, v27;
	v26 =	vsub.f32 v54, v6  }
0xab: {  	v59 =	vld [tilespmem:s1+$0x3000];
	v41 =	vsub.f32 $1.000000000e+00, v62;
	v27 =	vsub.f32 $1.000000000e+00, v63;
	v15 =	vmin.f32 v15, v24  }
0xac: {  	v46 =	vld [tilespmem:s1+$0xE000];
	v33 =	vadd.f32 $3.800000000e+01, v28;
	v51 =	vsub.f32 v44, v6;
	v17 =	vmin.f32 v17, v57  }
0xad: {  	v34 =	vld [tilespmem:s1+$0x3800];
	v26 =	vmul.f32 $1.442695020e+00, v26;
	v24 =	vmul.f32 $1.000000000e+03, v41;
	v25 =	vsub.f32 $1.000000000e+00, v38  }
0xae: {  	v50 =	vld [tilespmem:s1+$0xD900];
	v45 =	vpop (erf);
	(erf) = vpow2.f32 v22;
	v22 =	vsub.f32 v56, v6;
	v37 =	vsub.f32 $1.000000000e+00, v60  }
0xaf: {  	v62 =	vld [tilespmem:s1+$0xE100];
	v13 =	vmin.f32 v13, v33;
	v56 =	vmul.f32 $1.442695020e+00, v51;
	v33 =	vsub.f32 v52, v6  }
0xb0: {  	v21 =	vadd.f32 v45, v21;
	v48 =	vpop (erf);
	(erf) = vpow2.f32 v20;
	v20 =	vsub.f32 v59, v6  }
0xb1: {  	v54 =	vld [tilespmem:s1+$0x3300];
	v45 =	vmul.f32 $1.000000000e+03, v27;
	v47 =	vadd.f32 $4.000000000e+01, v24;
	v27 =	vsub.f32 $1.000000000e+00, v46  }
0xb2: {  	v40 =	vld [tilespmem:s1+$0x3100];
	v25 =	vmul.f32 $1.000000000e+03, v25;
	v44 =	vsub.f32 v34, v6;
	v49 =	vadd.f32 v48, v19  }
0xb3: {  	v53 =	vpop (erf);
	v19 =	vsub.f32 $1.000000000e+00, v50;
	(erf) = vpow2.f32 v26;
	v22 =	vmul.f32 $1.442695020e+00, v22  }
0xb4: {  	v52 =	vld [tilespmem:s1+$0x3900];
	v41 =	vsub.f32 $1.000000000e+00, v62;
	v23 =	vadd.f32 v53, v23;
	v20 =	vmul.f32 $1.442695020e+00, v20  }
0xb5: {  	v55 =	vpop (erf);
	v26 =	vadd.f32 $4.100000000e+01, v45;
	v15 =	vmin.f32 v15, v47;
	v53 =	vadd.f32 $4.200000000e+01, v25  }
0xb6: {  	v60 =	vmul.f32 $1.000000000e+03, v27;
	v25 =	vsub.f32 v54, v6;
	v16 =	vadd.f32 v55, v16  }
0xb7: {  	v48 =	vld [tilespmem:s1+$0x3200];
	v58 =	vpop (erf);
	v19 =	vmul.f32 $1.000000000e+03, v19;
	(erf) = vpow2.f32 v22;
	v22 =	vsub.f32 v40, v6  }
0xb8: {  	s28 =	sor.u32 $0x3380, s25;
	v63 =	vld [tilespmem:s11+$0xB000];
	v21 =	vadd.f32 v58, v21;
	(erf) = vpow2.f32 v20;
	v20 =	vmul.f32 $1.442695020e+00, v43  }
0xb9: {  	v57 =	vld [tilespmem:s28+$0x0];
	v61 =	vpop (erf);
	v13 =	vmin.f32 v13, v53;
	v25 =	vmul.f32 $1.442695020e+00, v25;
	v32 =	vsub.f32 v52, v6  }
0xba: {  	v47 =	vld [tilespmem:s28+$0xB000];
	v18 =	vadd.f32 v61, v49;
	v19 =	vadd.f32 $3.700000000e+01, v19;
	v35 =	vpop (erf);
	v22 =	vmul.f32 $1.442695020e+00, v22  }
0xbb: {  	v43 =	vld [tilespmem:s1+$0xE300];
	v36 =	vadd.f32 v35, v23;
	v23 =	vmul.f32 $1.000000000e+03, v37;
	(erf) = vpow2.f32 v20  }
0xbc: {  	v49 =	vld [tilespmem:s10+$0xB000];
	v58 =	vsub.f32 v48, v6;
	v14 =	vmin.f32 v14, v19;
	(erf) = vpow2.f32 v22  }
0xbd: {  	v22 =	vsub.f32 $1.000000000e+00, v63;
	v23 =	vadd.f32 $3.900000000e+01, v23;
	v14 =	vmin.f32 v14, v26  }
0xbe: {  	s8 =	sor.u32 $0x3880, s15;
	v35 =	vld [tilespmem:s1+$0xE200];
	v39 =	vpop (erf);
	(erf) = vpow2.f32 v56;
	v20 =	vmul.f32 $1.442695020e+00, v58;
	v26 =	vadd.f32 $4.300000000e+01, v60  }
0xbf: {  	v63 =	vld [tilespmem:s8+$0xB000];
	v56 =	vsub.f32 $1.000000000e+00, v47;
	v16 =	vadd.f32 v39, v16;
	v42 =	vpop (erf);
	v22 =	vmul.f32 $1.000000000e+03, v22  }
0xc0: {  	v54 =	vld [tilespmem:s1+$0xE800];
	v51 =	vsub.f32 $1.000000000e+00, v43;
	v21 =	vadd.f32 v42, v21;
	v17 =	vmin.f32 v17, v23  }
0xc1: {  	v60 =	vld [tilespmem:s1+$0x3A00];
	v50 =	vpop (erf);
	v61 =	vsub.f32 $1.000000000e+00, v49;
	(erf) = vpow2.f32 v20;
	v23 =	vsub.f32 v57, v6  }
0xc2: {  	v39 =	vld [tilespmem:s26+$0xB000];
	v20 =	vmul.f32 $1.442695020e+00, v44;
	v18 =	vadd.f32 v50, v18;
	v17 =	vmin.f32 v17, v26  }
0xc3: {  	v45 =	vsub.f32 $1.000000000e+00, v35;
	v22 =	vadd.f32 $4.600000000e+01, v22;
	v27 =	vmul.f32 $1.000000000e+03, v61  }
0xc4: {  	v55 =	vpop (erf);
	v40 =	vmul.f32 $1.442695020e+00, v23;
	v23 =	vmul.f32 $1.000000000e+03, v41;
	v29 =	vsub.f32 $1.000000000e+00, v63  }
0xc5: {  	s10 =	sor.u32 $0x4080, s15;
	v48 =	vld [tilespmem:s8+$0x0];
	v19 =	vadd.f32 v55, v36;
	v59 =	vpop (erf);
	v13 =	vmin.f32 v13, v22;
	v22 =	vsub.f32 $1.000000000e+00, v54  }
0xc6: {  	s9 =	sor.u32 $0x3980, s15;
	v44 =	vld [tilespmem:s10+$0x0];
	v36 =	vmul.f32 $1.442695020e+00, v33;
	v26 =	vsub.f32 v60, v6;
	v16 =	vadd.f32 v59, v16  }
0xc7: {  	v57 =	vld [tilespmem:s9+$0x0];
	v24 =	vmul.f32 $1.000000000e+03, v45;
	v38 =	vadd.f32 $4.400000000e+01, v27;
	v27 =	vsub.f32 $1.000000000e+00, v39  }
0xc8: {  	v35 =	vld [tilespmem:s1+$0x3B00];
	v23 =	vadd.f32 $4.500000000e+01, v23;
	v47 =	vmul.f32 $1.000000000e+03, v29;
	(erf) = vpow2.f32 v36  }
0xc9: {  	v50 =	vadd.f32 $4.700000000e+01, v24;
	v24 =	vmul.f32 $1.000000000e+03, v51;
	v36 =	vmul.f32 $1.442695020e+00, v32  }
0xca: {  	v59 =	vsub.f32 v48, v6;
	v37 =	vpop (erf);
	v22 =	vmul.f32 $1.000000000e+03, v22;
	v26 =	vmul.f32 $1.442695020e+00, v26  }
0xcb: {  	s11 =	sor.u32 $0x3A80, s15;
	v52 =	vsub.f32 v44, v6;
	v21 =	vadd.f32 v37, v21;
	v15 =	vmin.f32 v15, v38  }
0xcc: {  	v33 =	vld [tilespmem:s11+$0x0];
	(erf) = vpow2.f32 v25;
	v27 =	vmul.f32 $1.000000000e+03, v27;
	v14 =	vmin.f32 v14, v23  }
0xcd: {  	v41 =	vld [tilespmem:s1+$0x4000];
	v42 =	vpop (erf);
	v23 =	vmul.f32 $1.442695020e+00, v59;
	v37 =	vsub.f32 v57, v6;
	v43 =	vsub.f32 v35, v6  }
0xce: {  	v48 =	vld [tilespmem:s1+$0xEA00];
	(erf) = vpow2.f32 v40;
	v18 =	vadd.f32 v42, v18;
	v17 =	vmin.f32 v17, v50  }
0xcf: {  	v46 =	vpop (erf);
	v61 =	vadd.f32 $4.900000000e+01, v24;
	v22 =	vadd.f32 $5.100000000e+01, v22;
	v57 =	vmul.f32 $1.442695020e+00, v52  }
0xd0: {  	s26 =	sor.u32 $0x3B80, s25;
	v19 =	vadd.f32 v46, v19;
	(erf) = vpow2.f32 v20;
	v53 =	vadd.f32 $4.800000000e+01, v27  }
0xd1: {  	v38 =	vld [tilespmem:s26+$0x0];
	v27 =	vmul.f32 $1.000000000e+03, v56;
	v40 =	vmul.f32 $1.442695020e+00, v37;
	v25 =	vsub.f32 v33, v6  }
0xd2: {  	v42 =	vld [tilespmem:s1+$0xE900];
	v14 =	vmin.f32 v14, v61;
	(erf) = vpow2.f32 v23;
	v23 =	vsub.f32 v41, v6  }
0xd3: {  	v50 =	vld [tilespmem:s11+$0xB000];
	v49 =	vpop (erf);
	v22 =	vmin.f32 v17, v22;
	v17 =	vadd.f32 $5.200000000e+01, v47;
	v59 =	vsub.f32 $1.000000000e+00, v48  }
0xd4: {  	v45 =	vld [tilespmem:s9+$0xB000];
	v16 =	vadd.f32 v49, v16;
	v34 =	vadd.f32 $5.000000000e+01, v27;
	(erf) = vpow2.f32 v36  }
0xd5: {  	v61 =	vld [tilespmem:s1+$0xF000];
	v15 =	vmin.f32 v15, v53;
	v25 =	vmul.f32 $1.442695020e+00, v25;
	(erf) = vpow2.f32 v40  }
0xd6: {  	s28 =	sor.u32 $0x4280, s15;
	v56 =	vld [tilespmem:s26+$0xB000];
	v46 =	vsub.f32 v38, v6;
	v23 =	vmul.f32 $1.442695020e+00, v23;
	v20 =	vmin.f32 v13, v34  }
0xd7: {  	v47 =	vld [tilespmem:s28+$0x0];
	(erf) = vpow2.f32 v26;
	v13 =	vmul.f32 $1.442695020e+00, v43;
	v24 =	vsub.f32 $1.000000000e+00, v42  }
0xd8: {  	v40 =	vld [tilespmem:s10+$0xB000];
	v26 =	vsub.f32 $1.000000000e+00, v50;
	v49 =	vmul.f32 $1.442695020e+00, v46;
	v55 =	vpop (erf);
	(erf) = vpow2.f32 v25  }
0xd9: {  	v53 =	vsub.f32 $1.000000000e+00, v45;
	s10 =	sor.u32 $0x4180, s15;
	v43 =	vld [tilespmem:s1+$0x4100];
	v24 =	vmul.f32 $1.000000000e+03, v24;
	v25 =	vmul.f32 $1.000000000e+03, v59  }
0xda: {  	s26 =	sor.u32 $0x4380, s25;
	v31 =	vld [tilespmem:s10+$0x0];
	v38 =	vmul.f32 $1.000000000e+03, v26;
	v28 =	vsub.f32 $1.000000000e+00, v61;
	v21 =	vadd.f32 v55, v21  }
0xdb: {  	v50 =	vld [tilespmem:s26+$0x0];
	v58 =	vpop (erf);
	(erf) = vpow2.f32 v13;
	v13 =	vmin.f32 v15, v17;
	v17 =	vsub.f32 $1.000000000e+00, v56  }
0xdc: {  	v54 =	vld [tilespmem:s1+$0xEB00];
	v18 =	vadd.f32 v58, v18;
	(erf) = vpow2.f32 v49;
	v24 =	vadd.f32 $5.300000000e+01, v24  }
0xdd: {  	v32 =	vld [tilespmem:s1+$0x4200];
	v62 =	vpop (erf);
	v58 =	vmul.f32 $1.000000000e+03, v53;
	v41 =	vadd.f32 $5.500000000e+01, v25;
	v15 =	vadd.f32 $5.600000000e+01, v38  }
0xde: {  	v33 =	vld [tilespmem:s1+$0x4300];
	v28 =	vmul.f32 $1.000000000e+03, v28;
	v26 =	vsub.f32 $1.000000000e+00, v40;
	v19 =	vadd.f32 v62, v19  }
0xdf: {  	(erf) = vpow2.f32 v23;
	v49 =	vsub.f32 v43, v6;
	v52 =	vsub.f32 v31, v6  }
0xe0: {  	v39 =	vpop (erf);
	v17 =	vmul.f32 $1.000000000e+03, v17;
	v23 =	vsub.f32 v47, v6;
	v27 =	vsub.f32 v50, v6  }
0xe1: {  	v34 =	vld [tilespmem:s1+$0x4900];
	v16 =	vadd.f32 v39, v16;
	(erf) = vpow2.f32 v57;
	v63 =	vadd.f32 $5.400000000e+01, v58  }
0xe2: {  	s25 =	sor.u32 $0x4B80, s25;
	v53 =	vld [tilespmem:s1+$0x4800];
	v39 =	vsub.f32 $1.000000000e+00, v54;
	v14 =	vmin.f32 v14, v24;
	v28 =	vadd.f32 $5.900000000e+01, v28  }
0xe3: {  	v40 =	vld [tilespmem:s25+$0x0];
	v51 =	vpop (erf);
	v26 =	vmul.f32 $1.000000000e+03, v26;
	v54 =	vsub.f32 v32, v6;
	v57 =	vsub.f32 v33, v6  }
0xe4: {  	v21 =	vadd.f32 v51, v21;
	v55 =	vpop (erf);
	v17 =	vadd.f32 $5.800000000e+01, v17;
	v24 =	vmul.f32 $1.442695020e+00, v49  }
0xe5: {  	v59 =	vld [tilespmem:s1+$0x4A00];
	v30 =	vmul.f32 $1.442695020e+00, v52;
	v23 =	vmul.f32 $1.442695020e+00, v23;
	v18 =	vadd.f32 v55, v18  }
0xe6: {  	v43 =	vld [tilespmem:s1+$0x5000];
	v60 =	vpop (erf);
	v45 =	vmul.f32 $1.000000000e+03, v39;
	v26 =	vadd.f32 $6.000000000e+01, v26;
	v56 =	vmul.f32 $1.442695020e+00, v54  }
0xe7: {  	s11 =	sor.u32 $0x4980, s15;
	v39 =	vsub.f32 v34, v6;
	v62 =	vadd.f32 v60, v19;
	(erf) = vpow2.f32 v24  }
0xe8: {  	s9 =	sor.u32 $0x4880, s15;
	v58 =	vld [tilespmem:s11+$0x0];
	v36 =	vpop (erf);
	v60 =	vmul.f32 $1.442695020e+00, v57;
	v61 =	vsub.f32 v53, v6;
	v54 =	vsub.f32 v40, v6  }
0xe9: {  	v55 =	vld [tilespmem:s9+$0x0];
	v37 =	vadd.f32 v36, v16;
	v16 =	vmin.f32 v20, v63;
	v19 =	vadd.f32 $5.700000000e+01, v45  }
0xea: {  	(erf) = vpow2.f32 v30;
	v63 =	vmul.f32 $1.442695020e+00, v27;
	v45 =	vsub.f32 v59, v6  }
0xeb: {  	v52 =	vld [tilespmem:s10+$0xB000];
	v42 =	vpop (erf);
	(erf) = vpow2.f32 v56;
	v38 =	vmul.f32 $1.442695020e+00, v61;
	v56 =	vsub.f32 v43, v6  }
0xec: {  	v35 =	vld [tilespmem:s1+$0xF100];
	v59 =	vmul.f32 $1.442695020e+00, v54;
	v21 =	vadd.f32 v42, v21;
	v44 =	vpop (erf);
	(erf) = vpow2.f32 v23  }
0xed: {  	s7 =	sor.u32 $0x4A80, s15;
	v40 =	vld [tilespmem:s1+$0xF200];
	v42 =	vsub.f32 v58, v6;
	v49 =	vmul.f32 $1.442695020e+00, v45;
	v25 =	vadd.f32 v44, v18;
	v46 =	vpop (erf)  }
0xee: {  	v18 =	vmin.f32 v22, v41;
	v36 =	vsub.f32 v55, v6;
	v20 =	vadd.f32 v46, v62;
	v48 =	vpop (erf);
	v62 =	vld [tilespmem:s7+$0x0]  }
0xef: {  	(erf) = vpow2.f32 v60;
	v44 =	vmul.f32 $1.442695020e+00, v39;
	v22 =	vadd.f32 v48, v37;
	v37 =	vld [tilespmem:s1+$0x4B00]  }
0xf0: {  	v61 =	vld [tilespmem:s1+$0x5200];
	v32 =	vsub.f32 $1.000000000e+00, v52;
	(erf) = vpow2.f32 v63;
	v47 =	vmul.f32 $1.442695020e+00, v42  }
0xf1: {  	s8 =	sor.u32 $0x5080, s15;
	v39 =	vsub.f32 $1.000000000e+00, v35;
	v63 =	vmul.f32 $1.442695020e+00, v56;
	v41 =	vmul.f32 $1.442695020e+00, v36  }
0xf2: {  	v46 =	vld [tilespmem:s8+$0x0];
	v32 =	vmul.f32 $1.000000000e+03, v32;
	v34 =	vsub.f32 $1.000000000e+00, v40;
	v51 =	vpop (erf);
	(erf) = vpow2.f32 v38  }
0xf3: {  	s10 =	sor.u32 $0x5180, s15;
	v21 =	vadd.f32 v51, v21;
	v51 =	vld [tilespmem:s1+$0x5100];
	(erf) = vpow2.f32 v41;
	v48 =	vsub.f32 v62, v6  }
0xf4: {  	v57 =	vld [tilespmem:s10+$0x0];
	v31 =	vmul.f32 $1.000000000e+03, v39;
	(erf) = vpow2.f32 v44;
	v50 =	vsub.f32 v37, v6  }
0xf5: {  	v30 =	vsub.f32 v61, v6;
	v58 =	vpop (erf);
	(erf) = vpow2.f32 v47;
	v53 =	vmul.f32 $1.442695020e+00, v48  }
0xf6: {  	v32 =	vadd.f32 $6.200000000e+01, v32;
	v62 =	vpop (erf);
	(erf) = vpow2.f32 v49;
	v55 =	vmul.f32 $1.442695020e+00, v50  }
0xf7: {  	v34 =	vmul.f32 $1.000000000e+03, v34;
	v60 =	vsub.f32 v46, v6;
	v36 =	vpop (erf);
	(erf) = vpow2.f32 v53  }
0xf8: {  	v30 =	vmul.f32 $1.442695020e+00, v30;
	v38 =	vsub.f32 v51, v6;
	v41 =	vpop (erf);
	(erf) = vpow2.f32 v55  }
0xf9: {  	v44 =	vsub.f32 v57, v6;
	v37 =	vmul.f32 $1.442695020e+00, v60;
	v42 =	vpop (erf);
	(erf) = vpow2.f32 v59  }
0xfa: {  	v39 =	vld [tilespmem:s11+$0xB000];
	v31 =	vadd.f32 $6.100000000e+01, v31;
	v43 =	vmul.f32 $1.442695020e+00, v38;
	v45 =	vpop (erf);
	(erf) = vpow2.f32 v63  }
0xfb: {  	v25 =	vadd.f32 v58, v25;
	v47 =	vmul.f32 $1.442695020e+00, v44;
	v50 =	vld [tilespmem:s28+$0xB000];
	v46 =	vpop (erf);
	(erf) = vpow2.f32 v37  }
0xfc: {  	v20 =	vadd.f32 v62, v20;
	v22 =	vadd.f32 v36, v22;
	v53 =	vld [tilespmem:s1+$0xF300];
	v48 =	vpop (erf);
	(erf) = vpow2.f32 v43  }
0xfd: {  	v57 =	vld [tilespmem:s26+$0xB000];
	v21 =	vadd.f32 v41, v21;
	v24 =	vadd.f32 v42, v25;
	v49 =	vpop (erf);
	(erf) = vpow2.f32 v47  }
0xfe: {  	v41 =	vld [tilespmem:s1+$0xF900];
	v20 =	vadd.f32 v45, v20;
	v22 =	vadd.f32 v46, v22;
	v51 =	vpop (erf);
	(erf) = vpow2.f32 v30  }
0xff: {  	v13 =	vmin.f32 v13, v15;
	v62 =	vld [tilespmem:s1+$0xF800];
	v59 =	vadd.f32 $6.300000000e+01, v34;
	v55 =	vadd.f32 v48, v21;
	v52 =	vpop (erf)  }
0x100: {  	v13 =	vmin.f32 v13, v26;
	v23 =	vsub.f32 $1.000000000e+00, v50;
	v48 =	vsub.f32 $1.000000000e+00, v39;
	v54 =	vpop (erf)  }
0x101: {  	v16 =	vmin.f32 v16, v17;
	v56 =	vadd.f32 v49, v24;
	v35 =	vsub.f32 $1.000000000e+00, v53;
	v58 =	vpop (erf)  }
0x102: {  	v24 =	vsub.f32 $1.000000000e+00, v57;
	v20 =	vadd.f32 v51, v20;
	v23 =	vmul.f32 $1.000000000e+03, v23;
	v60 =	vpop (erf)  }
0x103: {  	v14 =	vmin.f32 v14, v19;
	v47 =	vsub.f32 $1.000000000e+00, v41;
	v61 =	vadd.f32 v52, v22;
	v63 =	vpop (erf)  }
0x104: {  	v18 =	vmin.f32 v18, v28;
	v22 =	vsub.f32 $1.000000000e+00, v62;
	v23 =	vadd.f32 $6.400000000e+01, v23;
	v34 =	vpop (erf)  }
0x105: {  	v16 =	vmin.f32 v16, v32;
	v37 =	vld [tilespmem:s9+$0xB000];
	v15 =	vadd.f32 v54, v55;
	v21 =	vadd.f32 v58, v56;
	v36 =	vpop (erf)  }
0x106: {  	v50 =	vld [tilespmem:s1+$0xFB00];
	v26 =	vmul.f32 $1.000000000e+03, v35;
	v20 =	vadd.f32 v60, v20;
	v17 =	vadd.f32 v63, v61;
	v38 =	vpop (erf)  }
0x107: {  	v24 =	vmul.f32 $1.000000000e+03, v24;
	v15 =	vadd.f32 v34, v15;
	v21 =	vadd.f32 v36, v21;
	v40 =	vpop (erf)  }
0x108: {  	v14 =	vmin.f32 v14, v31;
	v53 =	vld [tilespmem:s8+$0xB000];
	v20 =	vadd.f32 v38, v20;
	v17 =	vadd.f32 v40, v17  }
0x109: {  	v18 =	vmin.f32 v18, v59;
	v26 =	vadd.f32 $6.500000000e+01, v26;
	v42 =	vadd.f32 $6.600000000e+01, v24  }
0x10a: {  	v19 =	vmul.f32 $1.000000000e+03, v47;
	v15 =	vadd.f32 v21, v15;
	v17 =	vadd.f32 v17, v20  }
0x10b: {  	v22 =	vmul.f32 $1.000000000e+03, v22;
	v45 =	vsub.f32 $1.000000000e+00, v37;
	v57 =	vsub.f32 $1.000000000e+00, v50  }
0x10c: {  	v13 =	vmin.f32 v13, v23;
	v23 =	vmul.f32 $1.000000000e+03, v48;
	v15 =	vadd.f32 v17, v15  }
0x10d: {  	v52 =	vld [tilespmem:s25+$0xB000];
	v19 =	vadd.f32 $6.900000000e+01, v19;
	v28 =	vsub.f32 $1.000000000e+00, v53;
	v48 =	vor.u32 s0, v0  }
0x10e: {  	v35 =	vld [tilespmem:s1+$0xB000];
	v43 =	vadd.f32 $6.700000000e+01, v22;
	v14 =	vmin.f32 v14, v26;
	v51 =	vand.u32 $0x7FFFFF, v15  }
0x10f: {  	v16 =	vmin.f32 v16, v42;
	v49 =	vmul.f32 $1.000000000e+03, v45;
	v24 =	vor.u32 $0x3F800000, v51  }
0x110: {  	v55 =	vld [tilespmem:s1+$0x10000];
	v42 =	vsel vm0, $0x1, v1;
	v45 =	vmov s0;
	v54 =	vmul.f32 $5.000000000e-01, v24  }
0x111: {  	v56 =	vld [tilespmem:s1+$0x10100];
	v23 =	vadd.f32 $7.000000000e+01, v23;
	v14 =	vmin.f32 v14, v19;
	vm1 =	vgt.f32 v24, $1.414213540e+00  }
0x112: {  	v58 =	vld [tilespmem:s10+$0xB000];
	v62 =	vsub.f32 $1.000000000e+00, v52;
	v25 =	vmul.f32 $1.000000000e+03, v28;
	v24 =	vsel vm1, v54, v24  }
0x113: {  	v44 =	vld [tilespmem:s1+$0xFA00];
	v9 =	vsub.f32 v9, v35;
	v8 =	vadd.s32 v42, v8;
	v24 =	vadd.f32 $-1.000000000e+00, v24  }
0x114: {  	v18 =	vmin.f32 v18, v43;
	v8 =	vadd.s32 $0xFFFFFF81, v8;
	v16 =	vmin.f32 v16, v23  }
0x115: {  	v19 =	vmul.f32 $1.000000000e+03, v62;
	v30 =	vadd.f32 $7.600000000e+01, v25;
	v61 =	vadd.f32 $2.000000000e+00, v24  }
0x116: {  	v46 =	vld [tilespmem:s7+$0xB000];
	v9 =	vmul.f32 v9, v9;
	v8 =	vcvt.s32.f32 v8;
	v63 =	vsub.f32 $1.000000000e+00, v55  }
0x117: {  	v60 =	vld [tilespmem:s1+$0x10200];
	v29 =	vsub.f32 $1.000000000e+00, v56;
	v22 =	vsub.f32 $1.000000000e+00, v58;
	(erf) = vrcp.f32 v61  }
0x118: {  	v19 =	vadd.f32 $7.400000000e+01, v19;
	v8 =	vmul.f32 $6.931471820e-01, v8;
	v21 =	vsub.f32 $1.000000000e+00, v44  }
0x119: {  	v23 =	vmul.f32 $1.000000000e+03, v63;
	v40 =	vmul.f32 v11, v11;
	v11 =	vadd.f32 v11, v11  }
0x11a: {  	v26 =	vmul.f32 $1.000000000e+03, v29;
	v20 =	vadd.f32 $6.800000000e+01, v49;
	v21 =	vmul.f32 $1.000000000e+03, v21  }
0x11b: {  	v22 =	vmul.f32 $1.000000000e+03, v22;
	v23 =	vadd.f32 $7.500000000e+01, v23;
	v17 =	vsub.f32 $1.000000000e+00, v46  }
0x11c: {  	v16 =	vmin.f32 v16, v19;
	v59 =	vadd.f32 $7.100000000e+01, v21;
	v21 =	vsub.f32 $1.000000000e+00, v60  }
0x11d: {  	v13 =	vmin.f32 v13, v20;
	v20 =	vmul.f32 $1.000000000e+03, v57;
	v17 =	vmul.f32 $1.000000000e+03, v17  }
0x11e: {  	v31 =	vadd.f32 $7.700000000e+01, v26;
	v32 =	vadd.f32 $7.800000000e+01, v22;
	v21 =	vmul.f32 $1.000000000e+03, v21  }
0x11f: {  	v18 =	vmin.f32 v18, v59;
	v20 =	vadd.f32 $7.300000000e+01, v20;
	v17 =	vadd.f32 $7.200000000e+01, v17  }
0x120: {  	v16 =	vmin.f32 v16, v32;
	v18 =	vmin.f32 v18, v23;
	v21 =	vadd.f32 $7.900000000e+01, v21;
	v44 =	vpop (erf)  }
0x121: {  	v14 =	vmin.f32 v14, v20;
	v13 =	vmin.f32 v13, v17;
	v23 =	vmul.f32 v44, v24  }
0x122: {  	v14 =	vmin.f32 v14, v31;
	v18 =	vmin.f32 v18, v21;
	v13 =	vmin.f32 v13, v30  }
0x123: {  	v37 =	vmin.f32 v16, v18;
	v36 =	vmin.f32 v13, v14;
	v47 =	vmul.f32 v23, v23  }
0x124: {  	v43 =	vmul.f32 $1.428571490e-01, v40;
	v49 =	vshll.u32 v45, $0x3;
	v12 =	vmin.f32 v36, v37  }
0x125: {  	v22 =	vand.u32 $0x7F, v48;
	v12 =	vtrunc.f32 v12;
	v50 =	vmul.f32 $1.428571490e-01, v47  }
0x126: {  	v46 =	vadd.f32 $2.000000030e-01, v43;
	v15 =	vshra.s32 v15, $0x17;
	v12 =	vcvt.f32.s32 v12  }
0x127: {  	v54 =	vsel vm1, $0x1, v1;
	v18 =	vand.u32 $0x400, v49;
	v19 =	vadd.f32 $2.000000030e-01, v50  }
0x128: {  	v33 =	vld [tilespmem:s1+$0x100];
	v14 =	vmul.f32 v46, v40;
	vm15 =	vgt.s32 v12, $0x4F;
	v12 =	vadd.s32 $0x5, v12  }
0x129: {  	v38 =	vld [tilespmem:s14+$0xB000];
	v15 =	vadd.s32 v54, v15;
	v12 =	vsel vm15, $0x5, v12;
	v19 =	vmul.f32 v19, v47  }
0x12a: {  	v55 =	vld [tilespmem:s1+$0xB200];
	v18 =	vor.u32 v18, v22;
	v14 =	vadd.f32 $3.333333430e-01, v14;
	v51 =	vshll.u32 v12, $0x8  }
0x12b: {  	s28 =	sor.u32 $0x180, s15;
	v39 =	vld [tilespmem:s1+$0xB100];
	v12 =	vshll.u32 v12, $0x7;
	v52 =	vand.u32 $0xFFFFF800, v51;
	v53 =	vadd.f32 $3.333333430e-01, v19  }
0x12c: {  	v41 =	vld [tilespmem:s28+$0xB000];
	v14 =	vmul.f32 v14, v40;
	v12 =	vand.u32 $0x380, v12;
	v18 =	vor.u32 v52, v18  }
0x12d: {  	v34 =	vld [tilespmem:s28+$0x0];
	v15 =	vadd.s32 $0xFFFFFF81, v15;
	v12 =	vor.u32 v12, v18;
	v16 =	vmul.f32 v53, v47  }
0x12e: {  	v10 =	vsub.f32 v10, v38;
	v15 =	vcvt.s32.f32 v15;
	v14 =	vadd.f32 $1.000000000e+00, v14  }
0x12f: {  	v60 =	vmul.f32 $5.000000000e-01, v55;
	v56 =	vadd.f32 v23, v23;
	v16 =	vadd.f32 $1.000000000e+00, v16  }
0x130: {  	v10 =	vmul.f32 v10, v10;
	v13 =	vsub.f32 v33, v39;
	v57 =	vmul.f32 $6.931471820e-01, v15  }
0x131: {  	v7 =	vadd.f32 v7, v5;
	v11 =	vmul.f32 v14, v11;
	v58 =	vmul.f32 v16, v56  }
0x132: {  	v9 =	vadd.f32 v10, v9;
	v17 =	vsub.f32 v34, v41;
	v13 =	vmul.f32 v13, v13;
	v59 =	vld.idx.msk [tilespmem:v12+s2+$0x0], $0xffff  }
0x133: {  	v7 =	vmul.f32 $5.000000000e-01, v7;
	v8 =	vadd.f32 v11, v8;
	v10 =	vadd.f32 v58, v57  }
0x134: {  	v62 =	vadd.f32 $5.000000000e-01, v60;
	v61 =	vmul.f32 v17, v17;
	v9 =	vadd.f32 v13, v9  }
0x135: {  	v7 =	vadd.f32 v8, v7;
	v6 =	vadd.f32 v10, v6  }
0x136: {  	p0 =	sne.s32 s0, $0xF0;
	v9 =	vadd.f32 v61, v9  }
.Ltmp0:
0x137: {  	v7 =	vmul.f32 v7, v62;
	v6 =	vsub.f32 v6, v59;
	(pc) =	sbr.rel @p0 .LBB2_3-.Ltmp0, $4  }
0x138: {  	v63 =	vmul.f32 v9, v55  }
0x139: {  	v5 =	vmul.f32 v55, v5;
	v4 =	vadd.f32 v7, v4;
	v6 =	vmul.f32 v6, v55  }
0x13a: {  	v3 =	vadd.f32 v63, v3  }
0x13b: {  	s30 =	sadd.s32 $0x80, s30;
	s31 =	sadd.s32 $0x10, s31;
	s0 =	sadd.s32 $0x10, s0;
	v4 =	vsub.f32 v4, v5;
	v2 =	vadd.f32 v6, v2  }
0x13c: {  	p0 =	seq.s32 s29, $0x17  }
0x13d: {  	_ =	swait.ge [sflag:s22], $0x5800;
	s0 =	sshll.u32 @!p0 s29, $0x1  }
0x13e: {  	[sflag:s22] =	ssyncset.done $0x0;
	s0 =	sadd.s32 @!p0 $0x2, s0  }
0x13f: {  	s9 =	simm.s32 @!p0 $0x800;
	[sflag:s22] =	ssyncadd.s32 $0xFFFFA800;
	s1 =	sshrl.u32 @!p0 s0, $0x4  }
0x140: {  	_ =	swait.ge [sflag:s23], $0x5800;
	s0 =	sshll.u32 @!p0 s0, $0x1;
	s1 =	sadd.s32 @!p0 s6, s1  }
0x141: {  	[sflag:s23] =	ssyncset.done $0x0;
	s0 =	sand.u32 @!p0 $0x1C, s0;
	s7 =	smul.u32 @!p0 $0x58000, s1  }
0x142: {  	s10 =	simm.s32 @!p0 $0x8000;
	[sflag:s23] =	ssyncadd.s32 $0xFFFFA800;
	s8 =	sshll.u32 @!p0 s0, $0xA  }
0x143: {  	s11 =	simm.s32 @!p0 $0x0;
	_ =	swait.ge [sflag:s24], $0x100;
	s7 =	sor.u32 @!p0 s8, s7  }
0x144: {  	s0 =	sshll.u32 @!p0 s0, $0x4;
	[sflag:s24] =	ssyncset.done $0x0;
	s7 =	sshrl.u32 @!p0 s7, $0x3  }
0x145: {  	s1 =	sshll.u32 @!p0 s1, $0x9;
	[sflag:s24] =	ssyncadd.s32 $0xFFFFFF00;
	s8 =	sadd.s32 @!p0 s3, s7  }
0x146: {  	[tilespmem:s11], [sflag:$0x1] =	stream.strided.gather @!p0 [hbm4b:s8+s9], $0x5800, s10, s9, $0x38;
	[tilespmem:$0x16280] =	vst v63  }
0x147: {  	s0 =	sadd.s32 @!p0 s5, s0;
	s7 =	sadd.s32 @!p0 s4, s7;
	s8 =	simm.s32 @!p0 $0xB000  }
0x148: {  	[tilespmem:s8], [sflag:$0x3] =	stream.strided.gather @!p0 [hbm4b:s7+s9], $0x5800, s10, s9, $0x38;
	[tilespmem:$0x16280] =	vst v63  }
0x149: {  	s0 =	sadd.s32 @!p0 s1, s0;
	s1 =	simm.s32 @!p0 $0x16000  }
0x14a: {  	[tilespmem:s1], [sflag:$0x5] =	stream.linear.gather @!p0 [hbm4b:s0+s11], $0x100, $0x38;
	[tilespmem:$0x16280] =	vst v63  }
0x14b: {  	s30 =	simm.s32 $0x0;
	s31 =	simm.s32 $0x16100;
	s0 =	simm.s32 $0x0  }
.LBB2_5:
0x14c: {  	s1 =	sand.u32 $0x70, s0;
	s7 =	sand.u32 $0x400, s30  }
0x14d: {  	s1 =	sor.u32 s1, s7  }
0x14e: {  	v5 =	vld [tilespmem:s1+$0x5800];
	_ =	sdelay $0x4  }
0x14f: {  	v5 =	vsub.f32 $0.0e+00, v5;
	_ =	sdelay $0x1  }
0x150: {  	v5 =	vmul.f32 $1.442695020e+00, v5;
	_ =	sdelay $0x1  }
0x151: {  	(erf) = vpow2.f32 v5  }
0x152: {  	s8 =	sand.u32 $0xFFFFFC00, s30  }
0x153: {  	s15 =	sadd.s32 s8, s0  }
0x154: {  	s14 =	sor.u32 $0x80, s15  }
0x155: {  	v5 =	vld [tilespmem:s14+$0x5800];
	_ =	sdelay $0x4  }
0x156: {  	v5 =	vsub.f32 $0.0e+00, v5;
	v6 =	vpop (erf)  }
0x157: {  	v6 =	vadd.f32 $1.000000000e+00, v6  }
0x158: {  	v5 =	vmul.f32 $1.442695020e+00, v5  }
0x159: {  	(erf) = vrcp.f32 v6  }
0x15a: {  	(erf) = vpow2.f32 v5;
	_ =	sdelay $0x2  }
0x15b: {  	v5 =	vld [tilespmem:s1+$0x5A00];
	_ =	sdelay $0x4  }
0x15c: {  	v7 =	vand.u32 $0x7FFFFFFF, v5;
	v9 =	vpop (erf)  }
0x15d: {  	v8 =	vsub.f32 $0.0e+00, v7;
	v6 =	vpop (erf)  }
0x15e: {  	v6 =	vadd.f32 $1.000000000e+00, v6  }
0x15f: {  	v8 =	vmul.f32 $1.442695020e+00, v8  }
0x160: {  	(erf) = vrcp.f32 v6  }
0x161: {  	s25 =	sor.u32 s0, s30;
	(erf) = vpow2.f32 v8  }
0x162: {  	s8 =	sor.u32 $0x380, s25;
	v17 =	vld [tilespmem:s1+$0x10B00]  }
0x163: {  	v18 =	vld [tilespmem:s8+$0x10800]  }
0x164: {  	v19 =	vld [tilespmem:s1+$0x11000];
	_ =	sdelay $0x1  }
0x165: {  	v14 =	vld [tilespmem:s1+$0x5B00]  }
0x166: {  	v43 =	vld [tilespmem:s1+$0x11300]  }
0x167: {  	v16 =	vld [tilespmem:s1+$0x6000];
	s11 =	sor.u32 $0xA80, s15;
	v17 =	vsub.f32 $1.000000000e+00, v17  }
0x168: {  	s7 =	sor.u32 $0x280, s15;
	v34 =	vld [tilespmem:s11+$0x10800];
	v18 =	vsub.f32 $1.000000000e+00, v18;
	v19 =	vsub.f32 $1.000000000e+00, v19;
	v10 =	vpop (erf)  }
0x169: {  	v12 =	vld [tilespmem:s7+$0x5800];
	v17 =	vmul.f32 $1.000000000e+03, v17;
	v6 =	vpop (erf)  }
0x16a: {  	v18 =	vmul.f32 $1.000000000e+03, v18;
	v19 =	vmul.f32 $1.000000000e+03, v19;
	v8 =	vadd.f32 $1.000000000e+00, v6;
	v6 =	vld [tilespmem:s31+$0x0]  }
0x16b: {  	v26 =	vld [tilespmem:s1+$0x6100];
	v53 =	vsub.f32 $1.000000000e+00, v43;
	v17 =	vadd.f32 $1.000000000e+00, v17  }
0x16c: {  	v20 =	vld [tilespmem:s8+$0x5800];
	v18 =	vadd.f32 $2.000000000e+00, v18;
	v19 =	vadd.f32 $3.000000000e+00, v19  }
0x16d: {  	s9 =	sor.u32 $0x880, s15;
	v30 =	vld [tilespmem:s1+$0x6200];
	v42 =	vsub.f32 $1.000000000e+00, v34;
	v17 =	vmin.f32 v17, $1.000000000e+03;
	v11 =	vand.u32 $0x7FFFFF, v8  }
0x16e: {  	s10 =	sor.u32 $0x980, s15;
	v23 =	vld [tilespmem:s9+$0x5800];
	v18 =	vmin.f32 v18, $1.000000000e+03;
	v19 =	vmin.f32 v19, $1.000000000e+03;
	v11 =	vor.u32 $0x3F800000, v11  }
0x16f: {  	v28 =	vld [tilespmem:s10+$0x5800];
	v13 =	vmul.f32 $5.000000000e-01, v11;
	v12 =	vsub.f32 v12, v6;
	v14 =	vsub.f32 v14, v6  }
0x170: {  	v21 =	vld [tilespmem:s7+$0x10800];
	vm0 =	vgt.f32 v11, $1.414213540e+00;
	v25 =	vsub.f32 v16, v6;
	v16 =	vsub.f32 v26, v6  }
0x171: {  	v11 =	vsel vm0, v13, v11;
	v13 =	vsub.f32 v20, v6;
	v20 =	vld [tilespmem:s9+$0x10800];
	s9 =	sor.u32 $0x1180, s15;
	v12 =	vmul.f32 $1.442695020e+00, v12  }
0x172: {  	s26 =	sor.u32 $0xB80, s25;
	v11 =	vadd.f32 $-1.000000000e+00, v11;
	v22 =	vmul.f32 $1.442695020e+00, v14;
	v27 =	vmul.f32 $1.442695020e+00, v25;
	v44 =	vld [tilespmem:s9+$0x5800]  }
0x173: {  	v14 =	vsub.f32 v23, v6;
	v29 =	vmul.f32 $1.442695020e+00, v16;
	v16 =	vsub.f32 v30, v6;
	v30 =	vld [tilespmem:s26+$0x10800]  }
0x174: {  	v26 =	vld [tilespmem:s10+$0x10800];
	v24 =	vmul.f32 $1.442695020e+00, v13;
	v13 =	vsub.f32 v28, v6;
	v15 =	vadd.f32 $2.000000000e+00, v11  }
0x175: {  	v8 =	vshra.s32 v8, $0x17;
	v28 =	vld [tilespmem:s26+$0x5800];
	v14 =	vmul.f32 $1.442695020e+00, v14;
	v16 =	vmul.f32 $1.442695020e+00, v16  }
0x176: {  	v13 =	vmul.f32 $1.442695020e+00, v13;
	(erf) = vrcp.f32 v15;
	v15 =	vsub.f32 $1.000000000e+00, v21  }
0x177: {  	v31 =	vld [tilespmem:s11+$0x5800];
	v20 =	vsub.f32 $1.000000000e+00, v20;
	(erf) = vpow2.f32 v12;
	v55 =	vsub.f32 v44, v6  }
0x178: {  	v57 =	vsub.f32 $1.000000000e+00, v30;
	(erf) = vpow2.f32 v22;
	v15 =	vmul.f32 $1.000000000e+03, v15;
	v22 =	vld [tilespmem:s1+$0x11100]  }
0x179: {  	v32 =	vld [tilespmem:s1+$0x6300];
	s11 =	sor.u32 $0x1380, s25;
	v37 =	vsub.f32 $1.000000000e+00, v26;
	v20 =	vmul.f32 $1.000000000e+03, v20;
	(erf) = vpow2.f32 v24  }
0x17a: {  	v40 =	vsub.f32 v28, v6;
	v59 =	vmul.f32 $1.442695020e+00, v55;
	v61 =	vmul.f32 $1.000000000e+03, v57;
	v57 =	vld [tilespmem:s11+$0x10800]  }
0x17b: {  	(erf) = vpow2.f32 v27;
	v15 =	vadd.f32 $0.0e+00, v15;
	v27 =	vld [tilespmem:s1+$0x11200];
	v20 =	vadd.f32 $4.000000000e+00, v20  }
0x17c: {  	(erf) = vpow2.f32 v14;
	v14 =	vsub.f32 v31, v6;
	v34 =	vadd.f32 $1.000000000e+01, v61  }
0x17d: {  	v15 =	vmin.f32 v15, $1.000000000e+03;
	(erf) = vpow2.f32 v29;
	v22 =	vsub.f32 $1.000000000e+00, v22  }
0x17e: {  	v33 =	vld [tilespmem:s1+$0x6800];
	(erf) = vpow2.f32 v13;
	v14 =	vmul.f32 $1.442695020e+00, v14;
	v13 =	vsub.f32 v32, v6  }
0x17f: {  	s28 =	sor.u32 $0x1080, s15;
	v15 =	vmin.f32 v15, v20;
	v32 =	vsub.f32 $1.000000000e+00, v57;
	v12 =	vpop (erf);
	v22 =	vmul.f32 $1.000000000e+03, v22  }
0x180: {  	v36 =	vld [tilespmem:s28+$0x5800];
	v13 =	vmul.f32 $1.442695020e+00, v13;
	v39 =	vsub.f32 $1.000000000e+00, v27;
	v27 =	vmul.f32 $1.000000000e+03, v42;
	v21 =	vpop (erf)  }
0x181: {  	v50 =	vld [tilespmem:s28+$0x10800];
	s10 =	sor.u32 $0x1280, s15;
	v11 =	vmul.f32 v12, v11;
	v21 =	vadd.f32 $0.0e+00, v21;
	v22 =	vadd.f32 $5.000000000e+00, v22  }
0x182: {  	s28 =	sor.u32 $0x1980, s15;
	v62 =	vld [tilespmem:s10+$0x5800];
	v23 =	vpop (erf);
	v26 =	vmul.f32 $1.000000000e+03, v39;
	v52 =	vadd.f32 $8.000000000e+00, v27;
	v27 =	vmul.f32 $1.000000000e+03, v53  }
0x183: {  	v55 =	vld [tilespmem:s28+$0x5800];
	v23 =	vadd.f32 $0.0e+00, v23;
	v24 =	vpop (erf);
	(erf) = vpow2.f32 v16;
	v16 =	vsub.f32 v33, v6  }
0x184: {  	v24 =	vadd.f32 $0.0e+00, v24;
	v25 =	vpop (erf);
	(erf) = vpow2.f32 v14;
	v17 =	vmin.f32 v17, v22  }
0x185: {  	v41 =	vld [tilespmem:s1+$0x6900];
	v22 =	vmul.f32 $1.000000000e+03, v37;
	v14 =	vsub.f32 v36, v6;
	v26 =	vadd.f32 $7.000000000e+00, v26  }
0x186: {  	v47 =	vld [tilespmem:s1+$0x11800];
	v15 =	vmin.f32 v15, v52;
	v60 =	vadd.f32 $9.000000000e+00, v27;
	v25 =	vadd.f32 $0.0e+00, v25  }
0x187: {  	v54 =	vld [tilespmem:s1+$0x6A00];
	v29 =	vpop (erf);
	(erf) = vpow2.f32 v13;
	v13 =	vmul.f32 $1.442695020e+00, v40;
	v40 =	vsub.f32 v62, v6  }
0x188: {  	v58 =	vld [tilespmem:s1+$0x11900];
	v16 =	vmul.f32 $1.442695020e+00, v16;
	v62 =	vsub.f32 v55, v6;
	v21 =	vadd.f32 v29, v21  }
0x189: {  	v63 =	vld [tilespmem:s9+$0x10800];
	v35 =	vpop (erf);
	v22 =	vadd.f32 $6.000000000e+00, v22;
	v14 =	vmul.f32 $1.442695020e+00, v14;
	v49 =	vmin.f32 v19, v26  }
0x18a: {  	v42 =	vld [tilespmem:s10+$0x10800];
	v19 =	vsub.f32 $1.000000000e+00, v50;
	v17 =	vmin.f32 v17, v60;
	v20 =	vadd.f32 v35, v23;
	v38 =	vpop (erf)  }
0x18b: {  	v39 =	vld [tilespmem:s1+$0x11A00];
	(erf) = vpow2.f32 v13;
	v23 =	vadd.f32 v38, v24;
	v45 =	vmin.f32 v18, v22  }
0x18c: {  	v35 =	vld [tilespmem:s1+$0x6B00];
	(erf) = vpow2.f32 v16;
	v24 =	vsub.f32 v41, v6;
	v22 =	vsub.f32 $1.000000000e+00, v47  }
0x18d: {  	v37 =	vld [tilespmem:s11+$0x5800];
	v19 =	vmul.f32 $1.000000000e+03, v19;
	(erf) = vpow2.f32 v14;
	v14 =	vsub.f32 v54, v6  }
0x18e: {  	v53 =	vld [tilespmem:s1+$0x11B00];
	v13 =	vmin.f32 v45, v34;
	v45 =	vsub.f32 $1.000000000e+00, v63;
	v22 =	vmul.f32 $1.000000000e+03, v22  }
0x18f: {  	v41 =	vsub.f32 $1.000000000e+00, v58;
	v47 =	vld [tilespmem:s1+$0x7000];
	v24 =	vmul.f32 $1.442695020e+00, v24;
	v19 =	vadd.f32 $1.200000000e+01, v19  }
0x190: {  	v14 =	vmul.f32 $1.442695020e+00, v14;
	v27 =	vmul.f32 $1.000000000e+03, v45;
	v22 =	vadd.f32 $1.100000000e+01, v22  }
0x191: {  	v46 =	vpop (erf);
	v15 =	vmin.f32 v15, v19;
	v43 =	vsub.f32 v35, v6;
	v19 =	vsub.f32 $1.000000000e+00, v42  }
0x192: {  	v63 =	vld [tilespmem:s1+$0x7200];
	(erf) = vpow2.f32 v24;
	v48 =	vadd.f32 v46, v25;
	v46 =	vsub.f32 v37, v6  }
0x193: {  	v35 =	vmul.f32 $1.442695020e+00, v62;
	v25 =	vsub.f32 $1.000000000e+00, v39;
	v52 =	vadd.f32 $1.400000000e+01, v27  }
0x194: {  	v51 =	vpop (erf);
	(erf) = vpow2.f32 v59;
	v54 =	vsub.f32 v47, v6;
	v59 =	vsub.f32 $1.000000000e+00, v53  }
0x195: {  	v27 =	vmul.f32 $1.000000000e+03, v32;
	v21 =	vadd.f32 v51, v21;
	(erf) = vpow2.f32 v14  }
0x196: {  	s26 =	sor.u32 $0x1880, s15;
	v56 =	vpop (erf);
	v18 =	vmin.f32 v49, v22;
	v14 =	vmul.f32 $1.442695020e+00, v40;
	v22 =	vmul.f32 $1.000000000e+03, v41  }
0x197: {  	v60 =	vld [tilespmem:s26+$0x10800];
	v19 =	vmul.f32 $1.000000000e+03, v19;
	v41 =	vsub.f32 v63, v6;
	v20 =	vadd.f32 v56, v20  }
0x198: {  	v49 =	vld [tilespmem:s26+$0x5800];
	v28 =	vmul.f32 $1.442695020e+00, v46;
	v25 =	vmul.f32 $1.000000000e+03, v25;
	v13 =	vmin.f32 v13, v52  }
0x199: {  	v51 =	vld [tilespmem:s1+$0x7100];
	v26 =	vmul.f32 $1.000000000e+03, v59;
	v40 =	vadd.f32 $1.800000000e+01, v27;
	v33 =	vpop (erf);
	v22 =	vadd.f32 $1.300000000e+01, v22  }
0x19a: {  	v58 =	vld [tilespmem:s1+$0x12000];
	(erf) = vpow2.f32 v14;
	v19 =	vadd.f32 $1.600000000e+01, v19;
	v23 =	vadd.f32 v33, v23  }
0x19b: {  	s26 =	sor.u32 $0x2080, s15;
	v46 =	vld [tilespmem:s1+$0x7300];
	v36 =	vpop (erf);
	v25 =	vadd.f32 $1.500000000e+01, v25;
	v37 =	vadd.f32 $1.700000000e+01, v26;
	v13 =	vmin.f32 v13, v40  }
0x19c: {  	v59 =	vld [tilespmem:s26+$0x5800];
	v16 =	vadd.f32 v36, v48;
	v38 =	vpop (erf);
	v48 =	vmul.f32 $1.442695020e+00, v43;
	v17 =	vmin.f32 v17, v22  }
0x19d: {  	s10 =	sor.u32 $0x1A80, s15;
	v33 =	vld [tilespmem:s1+$0x12100];
	v22 =	vmul.f32 $1.442695020e+00, v54;
	v15 =	vmin.f32 v15, v19;
	v21 =	vadd.f32 v38, v21  }
0x19e: {  	v36 =	vld [tilespmem:s10+$0x5800];
	v24 =	vsub.f32 v49, v6;
	v18 =	vmin.f32 v18, v25;
	v14 =	vsub.f32 v51, v6  }
0x19f: {  	v43 =	vld [tilespmem:s28+$0x10800];
	v25 =	vsub.f32 $1.000000000e+00, v58;
	v39 =	vmin.f32 v17, v37;
	(erf) = vpow2.f32 v48  }
0x1a0: {  	v54 =	vld [tilespmem:s1+$0x7800];
	v55 =	vsub.f32 v46, v6;
	(erf) = vpow2.f32 v28;
	v24 =	vmul.f32 $1.442695020e+00, v24  }
0x1a1: {  	v44 =	vpop (erf);
	v14 =	vmul.f32 $1.442695020e+00, v14;
	v25 =	vmul.f32 $1.000000000e+03, v25;
	v28 =	vsub.f32 v59, v6  }
0x1a2: {  	v52 =	vld [tilespmem:s10+$0x10800];
	v20 =	vadd.f32 v44, v20;
	v50 =	vpop (erf);
	(erf) = vpow2.f32 v22;
	v22 =	vsub.f32 $1.000000000e+00, v60  }
0x1a3: {  	v48 =	vld [tilespmem:s1+$0x12200];
	v42 =	vsub.f32 $1.000000000e+00, v33;
	v44 =	vmul.f32 $1.442695020e+00, v41;
	v23 =	vadd.f32 v50, v23  }
0x1a4: {  	(erf) = vpow2.f32 v24;
	v45 =	vsub.f32 v36, v6;
	v25 =	vadd.f32 $1.900000000e+01, v25  }
0x1a5: {  	v56 =	vpop (erf);
	v27 =	vsub.f32 $1.000000000e+00, v43;
	v17 =	vsub.f32 v54, v6;
	(erf) = vpow2.f32 v14  }
0x1a6: {  	s11 =	sor.u32 $0x1B80, s25;
	v60 =	vld [tilespmem:s1+$0x12300];
	v16 =	vadd.f32 v56, v16;
	v22 =	vmul.f32 $1.000000000e+03, v22;
	v26 =	vmul.f32 $1.000000000e+03, v42  }
0x1a7: {  	v62 =	vld [tilespmem:s11+$0x10800];
	s28 =	sor.u32 $0x2180, s15;
	(erf) = vpow2.f32 v35;
	v50 =	vmul.f32 $1.442695020e+00, v45;
	v18 =	vmin.f32 v18, v25  }
0x1a8: {  	v33 =	vld [tilespmem:s28+$0x5800];
	v61 =	vpop (erf);
	v57 =	vmul.f32 $1.000000000e+03, v27;
	v58 =	vsub.f32 $1.000000000e+00, v48;
	v25 =	vsub.f32 $1.000000000e+00, v52  }
0x1a9: {  	v42 =	vld [tilespmem:s1+$0x12900];
	v17 =	vmul.f32 $1.442695020e+00, v17;
	v21 =	vadd.f32 v61, v21;
	(erf) = vpow2.f32 v44  }
0x1aa: {  	v51 =	vld [tilespmem:s11+$0x5800];
	v22 =	vadd.f32 $2.000000000e+01, v22;
	v26 =	vadd.f32 $2.100000000e+01, v26;
	(erf) = vpow2.f32 v50  }
0x1ab: {  	s9 =	sor.u32 $0x2280, s15;
	v36 =	vld [tilespmem:s1+$0x7A00];
	v27 =	vmul.f32 $1.000000000e+03, v58;
	v25 =	vmul.f32 $1.000000000e+03, v25;
	v24 =	vsub.f32 $1.000000000e+00, v60  }
0x1ac: {  	v45 =	vld [tilespmem:s9+$0x5800];
	v15 =	vmin.f32 v15, v22;
	v14 =	vmin.f32 v39, v26;
	v26 =	vadd.f32 $2.200000000e+01, v57  }
0x1ad: {  	v61 =	vld [tilespmem:s1+$0x7900];
	v22 =	vmul.f32 $1.442695020e+00, v55;
	v63 =	vadd.f32 $2.300000000e+01, v27;
	v25 =	vadd.f32 $2.400000000e+01, v25  }
0x1ae: {  	v40 =	vld [tilespmem:s26+$0x10800];
	v34 =	vpop (erf);
	v27 =	vsub.f32 v33, v6;
	v24 =	vmul.f32 $1.000000000e+03, v24;
	v52 =	vsub.f32 $1.000000000e+00, v42  }
0x1af: {  	v46 =	vld [tilespmem:s28+$0x10800];
	v19 =	vadd.f32 v34, v20;
	v20 =	vsub.f32 v51, v6;
	(erf) = vpow2.f32 v22  }
0x1b0: {  	v59 =	vld [tilespmem:s1+$0x8000];
	v38 =	vpop (erf);
	v13 =	vmin.f32 v13, v26;
	v22 =	vsub.f32 $1.000000000e+00, v62;
	v26 =	vsub.f32 v36, v6  }
0x1b1: {  	v54 =	vsub.f32 v45, v6;
	v23 =	vadd.f32 v38, v23;
	v18 =	vmin.f32 v18, v63  }
0x1b2: {  	v57 =	vld [tilespmem:s1+$0x12A00];
	v38 =	vmul.f32 $1.442695020e+00, v28;
	v39 =	vsub.f32 v61, v6;
	v15 =	vmin.f32 v15, v25  }
0x1b3: {  	v35 =	vld [tilespmem:s1+$0x12800];
	v47 =	vpop (erf);
	v43 =	vmul.f32 $1.442695020e+00, v27;
	v24 =	vadd.f32 $2.500000000e+01, v24;
	v25 =	vsub.f32 $1.000000000e+00, v40  }
0x1b4: {  	v27 =	vsub.f32 $1.000000000e+00, v46;
	v16 =	vadd.f32 v47, v16;
	v20 =	vmul.f32 $1.442695020e+00, v20  }
0x1b5: {  	v49 =	vpop (erf);
	v22 =	vmul.f32 $1.000000000e+03, v22;
	v47 =	vmul.f32 $1.442695020e+00, v26;
	v26 =	vsub.f32 v59, v6  }
0x1b6: {  	v32 =	vld [tilespmem:s1+$0x12B00];
	v21 =	vadd.f32 v49, v21;
	v41 =	vmul.f32 $1.442695020e+00, v39;
	v14 =	vmin.f32 v14, v24  }
0x1b7: {  	v53 =	vpop (erf);
	v24 =	vmul.f32 $1.000000000e+03, v52;
	v27 =	vmul.f32 $1.000000000e+03, v27;
	v33 =	vsub.f32 $1.000000000e+00, v57  }
0x1b8: {  	v61 =	vld [tilespmem:s9+$0x10800];
	v19 =	vadd.f32 v53, v19;
	v56 =	vpop (erf);
	(erf) = vpow2.f32 v20;
	v20 =	vsub.f32 $1.000000000e+00, v35  }
0x1b9: {  	s11 =	sor.u32 $0x2880, s15;
	v51 =	vmul.f32 $1.000000000e+03, v25;
	v22 =	vadd.f32 $2.600000000e+01, v22;
	v23 =	vadd.f32 v56, v23  }
0x1ba: {  	v63 =	vld [tilespmem:s11+$0x5800];
	v34 =	vpop (erf);
	(erf) = vpow2.f32 v17;
	v24 =	vadd.f32 $2.900000000e+01, v24;
	v31 =	vadd.f32 $3.000000000e+01, v27  }
0x1bb: {  	s26 =	sor.u32 $0x2980, s15;
	v49 =	vld [tilespmem:s1+$0x7B00];
	v27 =	vsub.f32 $1.000000000e+00, v32;
	v16 =	vadd.f32 v34, v16;
	(erf) = vpow2.f32 v38  }
0x1bc: {  	v39 =	vld [tilespmem:s26+$0x5800];
	v37 =	vpop (erf);
	v20 =	vmul.f32 $1.000000000e+03, v20;
	v13 =	vmin.f32 v13, v22;
	v22 =	vadd.f32 $2.800000000e+01, v51  }
0x1bd: {  	v36 =	vsub.f32 $1.000000000e+00, v61;
	v38 =	vmul.f32 $1.442695020e+00, v26;
	v21 =	vadd.f32 v37, v21  }
0x1be: {  	s10 =	sor.u32 $0x2380, s25;
	(erf) = vpow2.f32 v41;
	v14 =	vmin.f32 v14, v24;
	v13 =	vmin.f32 v13, v31  }
0x1bf: {  	v55 =	vld [tilespmem:s10+$0x5800];
	v24 =	vmul.f32 $1.000000000e+03, v33;
	(erf) = vpow2.f32 v43;
	v20 =	vadd.f32 $2.700000000e+01, v20  }
0x1c0: {  	v58 =	vsub.f32 v49, v6;
	v15 =	vmin.f32 v15, v22;
	v22 =	vsub.f32 v63, v6  }
0x1c1: {  	v37 =	vld [tilespmem:s10+$0x10800];
	v25 =	vmul.f32 $1.000000000e+03, v36;
	v43 =	vmul.f32 $1.000000000e+03, v27;
	v26 =	vsub.f32 v39, v6;
	v44 =	vpop (erf)  }
0x1c2: {  	v41 =	vld [tilespmem:s1+$0x8200];
	(erf) = vpow2.f32 v47;
	v24 =	vadd.f32 $3.100000000e+01, v24;
	v19 =	vadd.f32 v44, v19  }
0x1c3: {  	v34 =	vld [tilespmem:s1+$0x8100];
	v53 =	vmin.f32 v18, v20;
	v18 =	vmul.f32 $1.442695020e+00, v54;
	v62 =	vmul.f32 $1.442695020e+00, v58  }
0x1c4: {  	v47 =	vld [tilespmem:s11+$0x10800];
	v20 =	vsub.f32 v55, v6;
	v40 =	vmul.f32 $1.442695020e+00, v22;
	v42 =	vadd.f32 $3.200000000e+01, v25  }
0x1c5: {  	s28 =	sor.u32 $0x2A80, s15;
	v44 =	vld [tilespmem:s1+$0x13000];
	v25 =	vadd.f32 $3.300000000e+01, v43;
	v26 =	vmul.f32 $1.442695020e+00, v26;
	v17 =	vmin.f32 v53, v24  }
0x1c6: {  	v46 =	vld [tilespmem:s28+$0x5800];
	v20 =	vmul.f32 $1.442695020e+00, v20;
	v28 =	vsub.f32 $1.000000000e+00, v37;
	v15 =	vmin.f32 v15, v42  }
0x1c7: {  	v22 =	vsub.f32 v41, v6;
	v14 =	vmin.f32 v14, v25;
	v48 =	vpop (erf);
	(erf) = vpow2.f32 v18  }
0x1c8: {  	v52 =	vld [tilespmem:s26+$0x10800];
	v18 =	vsub.f32 v34, v6;
	v23 =	vadd.f32 v48, v23;
	v50 =	vpop (erf);
	(erf) = vpow2.f32 v62  }
0x1c9: {  	v63 =	vld [tilespmem:s1+$0x13300];
	v28 =	vmul.f32 $1.000000000e+03, v28;
	v22 =	vmul.f32 $1.442695020e+00, v22;
	v24 =	vsub.f32 $1.000000000e+00, v47  }
0x1ca: {  	s10 =	sor.u32 $0x3080, s15;
	v54 =	vld [tilespmem:s1+$0x8300];
	v16 =	vadd.f32 v50, v16;
	v56 =	vpop (erf);
	(erf) = vpow2.f32 v20;
	v27 =	vsub.f32 $1.000000000e+00, v44  }
0x1cb: {  	v34 =	vld [tilespmem:s10+$0x5800];
	v18 =	vmul.f32 $1.442695020e+00, v18;
	v20 =	vsub.f32 v46, v6;
	v21 =	vadd.f32 v56, v21  }
0x1cc: {  	s11 =	sor.u32 $0x3180, s15;
	v62 =	vld [tilespmem:s28+$0x10800];
	v60 =	vpop (erf);
	(erf) = vpow2.f32 v38;
	v51 =	vadd.f32 $3.400000000e+01, v28;
	v24 =	vmul.f32 $1.000000000e+03, v24  }
0x1cd: {  	s8 =	sor.u32 $0x2B80, s25;
	v44 =	vld [tilespmem:s11+$0x5800];
	v28 =	vsub.f32 $1.000000000e+00, v52;
	v19 =	vadd.f32 v60, v19;
	v30 =	vpop (erf);
	(erf) = vpow2.f32 v40  }
0x1ce: {  	v56 =	vld [tilespmem:s8+$0x5800];
	v27 =	vmul.f32 $1.000000000e+03, v27;
	v20 =	vmul.f32 $1.442695020e+00, v20;
	v23 =	vadd.f32 v30, v23  }
0x1cf: {  	v38 =	vld [tilespmem:s8+$0x10800];
	v35 =	vpop (erf);
	(erf) = vpow2.f32 v18;
	v13 =	vmin.f32 v13, v51;
	v24 =	vadd.f32 $3.600000000e+01, v24  }
0x1d0: {  	s26 =	sor.u32 $0x3280, s15;
	v60 =	vld [tilespmem:s1+$0x13200];
	v28 =	vmul.f32 $1.000000000e+03, v28;
	v43 =	vsub.f32 v34, v6;
	v16 =	vadd.f32 v35, v16  }
0x1d1: {  	v52 =	vld [tilespmem:s26+$0x5800];
	(erf) = vpow2.f32 v26;
	v57 =	vadd.f32 $3.500000000e+01, v27;
	v26 =	vsub.f32 v54, v6  }
0x1d2: {  	v59 =	vld [tilespmem:s1+$0x8800];
	v41 =	vsub.f32 $1.000000000e+00, v62;
	v27 =	vsub.f32 $1.000000000e+00, v63;
	v15 =	vmin.f32 v15, v24  }
0x1d3: {  	v46 =	vld [tilespmem:s1+$0x13800];
	v33 =	vadd.f32 $3.800000000e+01, v28;
	v51 =	vsub.f32 v44, v6;
	v17 =	vmin.f32 v17, v57  }
0x1d4: {  	v34 =	vld [tilespmem:s1+$0x9000];
	v26 =	vmul.f32 $1.442695020e+00, v26;
	v24 =	vmul.f32 $1.000000000e+03, v41;
	v25 =	vsub.f32 $1.000000000e+00, v38  }
0x1d5: {  	v50 =	vld [tilespmem:s1+$0x13100];
	v45 =	vpop (erf);
	(erf) = vpow2.f32 v22;
	v22 =	vsub.f32 v56, v6;
	v37 =	vsub.f32 $1.000000000e+00, v60  }
0x1d6: {  	v62 =	vld [tilespmem:s1+$0x13900];
	v13 =	vmin.f32 v13, v33;
	v56 =	vmul.f32 $1.442695020e+00, v51;
	v33 =	vsub.f32 v52, v6  }
0x1d7: {  	v21 =	vadd.f32 v45, v21;
	v48 =	vpop (erf);
	(erf) = vpow2.f32 v20;
	v20 =	vsub.f32 v59, v6  }
0x1d8: {  	v54 =	vld [tilespmem:s1+$0x8B00];
	v45 =	vmul.f32 $1.000000000e+03, v27;
	v47 =	vadd.f32 $4.000000000e+01, v24;
	v27 =	vsub.f32 $1.000000000e+00, v46  }
0x1d9: {  	v40 =	vld [tilespmem:s1+$0x8900];
	v25 =	vmul.f32 $1.000000000e+03, v25;
	v44 =	vsub.f32 v34, v6;
	v49 =	vadd.f32 v48, v19  }
0x1da: {  	v53 =	vpop (erf);
	v19 =	vsub.f32 $1.000000000e+00, v50;
	(erf) = vpow2.f32 v26;
	v22 =	vmul.f32 $1.442695020e+00, v22  }
0x1db: {  	v52 =	vld [tilespmem:s1+$0x9100];
	v41 =	vsub.f32 $1.000000000e+00, v62;
	v23 =	vadd.f32 v53, v23;
	v20 =	vmul.f32 $1.442695020e+00, v20  }
0x1dc: {  	v55 =	vpop (erf);
	v26 =	vadd.f32 $4.100000000e+01, v45;
	v15 =	vmin.f32 v15, v47;
	v53 =	vadd.f32 $4.200000000e+01, v25  }
0x1dd: {  	v60 =	vmul.f32 $1.000000000e+03, v27;
	v25 =	vsub.f32 v54, v6;
	v16 =	vadd.f32 v55, v16  }
0x1de: {  	v48 =	vld [tilespmem:s1+$0x8A00];
	v58 =	vpop (erf);
	v19 =	vmul.f32 $1.000000000e+03, v19;
	(erf) = vpow2.f32 v22;
	v22 =	vsub.f32 v40, v6  }
0x1df: {  	s28 =	sor.u32 $0x3380, s25;
	v63 =	vld [tilespmem:s11+$0x10800];
	v21 =	vadd.f32 v58, v21;
	(erf) = vpow2.f32 v20;
	v20 =	vmul.f32 $1.442695020e+00, v43  }
0x1e0: {  	v57 =	vld [tilespmem:s28+$0x5800];
	v61 =	vpop (erf);
	v13 =	vmin.f32 v13, v53;
	v25 =	vmul.f32 $1.442695020e+00, v25;
	v32 =	vsub.f32 v52, v6  }
0x1e1: {  	v47 =	vld [tilespmem:s28+$0x10800];
	v18 =	vadd.f32 v61, v49;
	v19 =	vadd.f32 $3.700000000e+01, v19;
	v35 =	vpop (erf);
	v22 =	vmul.f32 $1.442695020e+00, v22  }
0x1e2: {  	v43 =	vld [tilespmem:s1+$0x13B00];
	v36 =	vadd.f32 v35, v23;
	v23 =	vmul.f32 $1.000000000e+03, v37;
	(erf) = vpow2.f32 v20  }
0x1e3: {  	v49 =	vld [tilespmem:s10+$0x10800];
	v58 =	vsub.f32 v48, v6;
	v14 =	vmin.f32 v14, v19;
	(erf) = vpow2.f32 v22  }
0x1e4: {  	v22 =	vsub.f32 $1.000000000e+00, v63;
	v23 =	vadd.f32 $3.900000000e+01, v23;
	v14 =	vmin.f32 v14, v26  }
0x1e5: {  	s8 =	sor.u32 $0x3880, s15;
	v35 =	vld [tilespmem:s1+$0x13A00];
	v39 =	vpop (erf);
	(erf) = vpow2.f32 v56;
	v20 =	vmul.f32 $1.442695020e+00, v58;
	v26 =	vadd.f32 $4.300000000e+01, v60  }
0x1e6: {  	v63 =	vld [tilespmem:s8+$0x10800];
	v56 =	vsub.f32 $1.000000000e+00, v47;
	v16 =	vadd.f32 v39, v16;
	v42 =	vpop (erf);
	v22 =	vmul.f32 $1.000000000e+03, v22  }
0x1e7: {  	v54 =	vld [tilespmem:s1+$0x14000];
	v51 =	vsub.f32 $1.000000000e+00, v43;
	v21 =	vadd.f32 v42, v21;
	v17 =	vmin.f32 v17, v23  }
0x1e8: {  	v60 =	vld [tilespmem:s1+$0x9200];
	v50 =	vpop (erf);
	v61 =	vsub.f32 $1.000000000e+00, v49;
	(erf) = vpow2.f32 v20;
	v23 =	vsub.f32 v57, v6  }
0x1e9: {  	v39 =	vld [tilespmem:s26+$0x10800];
	v20 =	vmul.f32 $1.442695020e+00, v44;
	v18 =	vadd.f32 v50, v18;
	v17 =	vmin.f32 v17, v26  }
0x1ea: {  	v45 =	vsub.f32 $1.000000000e+00, v35;
	v22 =	vadd.f32 $4.600000000e+01, v22;
	v27 =	vmul.f32 $1.000000000e+03, v61  }
0x1eb: {  	v55 =	vpop (erf);
	v40 =	vmul.f32 $1.442695020e+00, v23;
	v23 =	vmul.f32 $1.000000000e+03, v41;
	v29 =	vsub.f32 $1.000000000e+00, v63  }
0x1ec: {  	s10 =	sor.u32 $0x4080, s15;
	v48 =	vld [tilespmem:s8+$0x5800];
	v19 =	vadd.f32 v55, v36;
	v59 =	vpop (erf);
	v13 =	vmin.f32 v13, v22;
	v22 =	vsub.f32 $1.000000000e+00, v54  }
0x1ed: {  	s9 =	sor.u32 $0x3980, s15;
	v44 =	vld [tilespmem:s10+$0x5800];
	v36 =	vmul.f32 $1.442695020e+00, v33;
	v26 =	vsub.f32 v60, v6;
	v16 =	vadd.f32 v59, v16  }
0x1ee: {  	v57 =	vld [tilespmem:s9+$0x5800];
	v24 =	vmul.f32 $1.000000000e+03, v45;
	v38 =	vadd.f32 $4.400000000e+01, v27;
	v27 =	vsub.f32 $1.000000000e+00, v39  }
0x1ef: {  	v35 =	vld [tilespmem:s1+$0x9300];
	v23 =	vadd.f32 $4.500000000e+01, v23;
	v47 =	vmul.f32 $1.000000000e+03, v29;
	(erf) = vpow2.f32 v36  }
0x1f0: {  	v50 =	vadd.f32 $4.700000000e+01, v24;
	v24 =	vmul.f32 $1.000000000e+03, v51;
	v36 =	vmul.f32 $1.442695020e+00, v32  }
0x1f1: {  	v59 =	vsub.f32 v48, v6;
	v37 =	vpop (erf);
	v22 =	vmul.f32 $1.000000000e+03, v22;
	v26 =	vmul.f32 $1.442695020e+00, v26  }
0x1f2: {  	s11 =	sor.u32 $0x3A80, s15;
	v52 =	vsub.f32 v44, v6;
	v21 =	vadd.f32 v37, v21;
	v15 =	vmin.f32 v15, v38  }
0x1f3: {  	v33 =	vld [tilespmem:s11+$0x5800];
	(erf) = vpow2.f32 v25;
	v27 =	vmul.f32 $1.000000000e+03, v27;
	v14 =	vmin.f32 v14, v23  }
0x1f4: {  	v41 =	vld [tilespmem:s1+$0x9800];
	v42 =	vpop (erf);
	v23 =	vmul.f32 $1.442695020e+00, v59;
	v37 =	vsub.f32 v57, v6;
	v43 =	vsub.f32 v35, v6  }
0x1f5: {  	v48 =	vld [tilespmem:s1+$0x14200];
	(erf) = vpow2.f32 v40;
	v18 =	vadd.f32 v42, v18;
	v17 =	vmin.f32 v17, v50  }
0x1f6: {  	v46 =	vpop (erf);
	v61 =	vadd.f32 $4.900000000e+01, v24;
	v22 =	vadd.f32 $5.100000000e+01, v22;
	v57 =	vmul.f32 $1.442695020e+00, v52  }
0x1f7: {  	s26 =	sor.u32 $0x3B80, s25;
	v19 =	vadd.f32 v46, v19;
	(erf) = vpow2.f32 v20;
	v53 =	vadd.f32 $4.800000000e+01, v27  }
0x1f8: {  	v38 =	vld [tilespmem:s26+$0x5800];
	v27 =	vmul.f32 $1.000000000e+03, v56;
	v40 =	vmul.f32 $1.442695020e+00, v37;
	v25 =	vsub.f32 v33, v6  }
0x1f9: {  	v42 =	vld [tilespmem:s1+$0x14100];
	v14 =	vmin.f32 v14, v61;
	(erf) = vpow2.f32 v23;
	v23 =	vsub.f32 v41, v6  }
0x1fa: {  	v50 =	vld [tilespmem:s11+$0x10800];
	v49 =	vpop (erf);
	v22 =	vmin.f32 v17, v22;
	v17 =	vadd.f32 $5.200000000e+01, v47;
	v59 =	vsub.f32 $1.000000000e+00, v48  }
0x1fb: {  	v45 =	vld [tilespmem:s9+$0x10800];
	v16 =	vadd.f32 v49, v16;
	v34 =	vadd.f32 $5.000000000e+01, v27;
	(erf) = vpow2.f32 v36  }
0x1fc: {  	v61 =	vld [tilespmem:s1+$0x14800];
	v15 =	vmin.f32 v15, v53;
	v25 =	vmul.f32 $1.442695020e+00, v25;
	(erf) = vpow2.f32 v40  }
0x1fd: {  	s28 =	sor.u32 $0x4280, s15;
	v56 =	vld [tilespmem:s26+$0x10800];
	v46 =	vsub.f32 v38, v6;
	v23 =	vmul.f32 $1.442695020e+00, v23;
	v20 =	vmin.f32 v13, v34  }
0x1fe: {  	v47 =	vld [tilespmem:s28+$0x5800];
	(erf) = vpow2.f32 v26;
	v13 =	vmul.f32 $1.442695020e+00, v43;
	v24 =	vsub.f32 $1.000000000e+00, v42  }
0x1ff: {  	v40 =	vld [tilespmem:s10+$0x10800];
	v26 =	vsub.f32 $1.000000000e+00, v50;
	v49 =	vmul.f32 $1.442695020e+00, v46;
	v55 =	vpop (erf);
	(erf) = vpow2.f32 v25  }
0x200: {  	v53 =	vsub.f32 $1.000000000e+00, v45;
	s10 =	sor.u32 $0x4180, s15;
	v43 =	vld [tilespmem:s1+$0x9900];
	v24 =	vmul.f32 $1.000000000e+03, v24;
	v25 =	vmul.f32 $1.000000000e+03, v59  }
0x201: {  	s26 =	sor.u32 $0x4380, s25;
	v31 =	vld [tilespmem:s10+$0x5800];
	v38 =	vmul.f32 $1.000000000e+03, v26;
	v28 =	vsub.f32 $1.000000000e+00, v61;
	v21 =	vadd.f32 v55, v21  }
0x202: {  	v50 =	vld [tilespmem:s26+$0x5800];
	v58 =	vpop (erf);
	(erf) = vpow2.f32 v13;
	v13 =	vmin.f32 v15, v17;
	v17 =	vsub.f32 $1.000000000e+00, v56  }
0x203: {  	v54 =	vld [tilespmem:s1+$0x14300];
	v18 =	vadd.f32 v58, v18;
	(erf) = vpow2.f32 v49;
	v24 =	vadd.f32 $5.300000000e+01, v24  }
0x204: {  	v32 =	vld [tilespmem:s1+$0x9A00];
	v62 =	vpop (erf);
	v58 =	vmul.f32 $1.000000000e+03, v53;
	v41 =	vadd.f32 $5.500000000e+01, v25;
	v15 =	vadd.f32 $5.600000000e+01, v38  }
0x205: {  	v33 =	vld [tilespmem:s1+$0x9B00];
	v28 =	vmul.f32 $1.000000000e+03, v28;
	v26 =	vsub.f32 $1.000000000e+00, v40;
	v19 =	vadd.f32 v62, v19  }
0x206: {  	(erf) = vpow2.f32 v23;
	v49 =	vsub.f32 v43, v6;
	v52 =	vsub.f32 v31, v6  }
0x207: {  	v39 =	vpop (erf);
	v17 =	vmul.f32 $1.000000000e+03, v17;
	v23 =	vsub.f32 v47, v6;
	v27 =	vsub.f32 v50, v6  }
0x208: {  	v34 =	vld [tilespmem:s1+$0xA100];
	v16 =	vadd.f32 v39, v16;
	(erf) = vpow2.f32 v57;
	v63 =	vadd.f32 $5.400000000e+01, v58  }
0x209: {  	s25 =	sor.u32 $0x4B80, s25;
	v53 =	vld [tilespmem:s1+$0xA000];
	v39 =	vsub.f32 $1.000000000e+00, v54;
	v14 =	vmin.f32 v14, v24;
	v28 =	vadd.f32 $5.900000000e+01, v28  }
0x20a: {  	v40 =	vld [tilespmem:s25+$0x5800];
	v51 =	vpop (erf);
	v26 =	vmul.f32 $1.000000000e+03, v26;
	v54 =	vsub.f32 v32, v6;
	v57 =	vsub.f32 v33, v6  }
0x20b: {  	v21 =	vadd.f32 v51, v21;
	v55 =	vpop (erf);
	v17 =	vadd.f32 $5.800000000e+01, v17;
	v24 =	vmul.f32 $1.442695020e+00, v49  }
0x20c: {  	v59 =	vld [tilespmem:s1+$0xA200];
	v30 =	vmul.f32 $1.442695020e+00, v52;
	v23 =	vmul.f32 $1.442695020e+00, v23;
	v18 =	vadd.f32 v55, v18  }
0x20d: {  	v43 =	vld [tilespmem:s1+$0xA800];
	v60 =	vpop (erf);
	v45 =	vmul.f32 $1.000000000e+03, v39;
	v26 =	vadd.f32 $6.000000000e+01, v26;
	v56 =	vmul.f32 $1.442695020e+00, v54  }
0x20e: {  	s11 =	sor.u32 $0x4980, s15;
	v39 =	vsub.f32 v34, v6;
	v62 =	vadd.f32 v60, v19;
	(erf) = vpow2.f32 v24  }
0x20f: {  	s9 =	sor.u32 $0x4880, s15;
	v58 =	vld [tilespmem:s11+$0x5800];
	v36 =	vpop (erf);
	v60 =	vmul.f32 $1.442695020e+00, v57;
	v61 =	vsub.f32 v53, v6;
	v54 =	vsub.f32 v40, v6  }
0x210: {  	v55 =	vld [tilespmem:s9+$0x5800];
	v37 =	vadd.f32 v36, v16;
	v16 =	vmin.f32 v20, v63;
	v19 =	vadd.f32 $5.700000000e+01, v45  }
0x211: {  	(erf) = vpow2.f32 v30;
	v63 =	vmul.f32 $1.442695020e+00, v27;
	v45 =	vsub.f32 v59, v6  }
0x212: {  	v52 =	vld [tilespmem:s10+$0x10800];
	v42 =	vpop (erf);
	(erf) = vpow2.f32 v56;
	v38 =	vmul.f32 $1.442695020e+00, v61;
	v56 =	vsub.f32 v43, v6  }
0x213: {  	v35 =	vld [tilespmem:s1+$0x14900];
	v59 =	vmul.f32 $1.442695020e+00, v54;
	v21 =	vadd.f32 v42, v21;
	v44 =	vpop (erf);
	(erf) = vpow2.f32 v23  }
0x214: {  	s7 =	sor.u32 $0x4A80, s15;
	v40 =	vld [tilespmem:s1+$0x14A00];
	v42 =	vsub.f32 v58, v6;
	v49 =	vmul.f32 $1.442695020e+00, v45;
	v25 =	vadd.f32 v44, v18;
	v46 =	vpop (erf)  }
0x215: {  	v18 =	vmin.f32 v22, v41;
	v36 =	vsub.f32 v55, v6;
	v20 =	vadd.f32 v46, v62;
	v48 =	vpop (erf);
	v62 =	vld [tilespmem:s7+$0x5800]  }
0x216: {  	(erf) = vpow2.f32 v60;
	v44 =	vmul.f32 $1.442695020e+00, v39;
	v22 =	vadd.f32 v48, v37;
	v37 =	vld [tilespmem:s1+$0xA300]  }
0x217: {  	v61 =	vld [tilespmem:s1+$0xAA00];
	v32 =	vsub.f32 $1.000000000e+00, v52;
	(erf) = vpow2.f32 v63;
	v47 =	vmul.f32 $1.442695020e+00, v42  }
0x218: {  	s8 =	sor.u32 $0x5080, s15;
	v39 =	vsub.f32 $1.000000000e+00, v35;
	v63 =	vmul.f32 $1.442695020e+00, v56;
	v41 =	vmul.f32 $1.442695020e+00, v36  }
0x219: {  	v46 =	vld [tilespmem:s8+$0x5800];
	v32 =	vmul.f32 $1.000000000e+03, v32;
	v34 =	vsub.f32 $1.000000000e+00, v40;
	v51 =	vpop (erf);
	(erf) = vpow2.f32 v38  }
0x21a: {  	s10 =	sor.u32 $0x5180, s15;
	v21 =	vadd.f32 v51, v21;
	v51 =	vld [tilespmem:s1+$0xA900];
	(erf) = vpow2.f32 v41;
	v48 =	vsub.f32 v62, v6  }
0x21b: {  	v57 =	vld [tilespmem:s10+$0x5800];
	v31 =	vmul.f32 $1.000000000e+03, v39;
	(erf) = vpow2.f32 v44;
	v50 =	vsub.f32 v37, v6  }
0x21c: {  	v30 =	vsub.f32 v61, v6;
	v58 =	vpop (erf);
	(erf) = vpow2.f32 v47;
	v53 =	vmul.f32 $1.442695020e+00, v48  }
0x21d: {  	v32 =	vadd.f32 $6.200000000e+01, v32;
	v62 =	vpop (erf);
	(erf) = vpow2.f32 v49;
	v55 =	vmul.f32 $1.442695020e+00, v50  }
0x21e: {  	v34 =	vmul.f32 $1.000000000e+03, v34;
	v60 =	vsub.f32 v46, v6;
	v36 =	vpop (erf);
	(erf) = vpow2.f32 v53  }
0x21f: {  	v30 =	vmul.f32 $1.442695020e+00, v30;
	v38 =	vsub.f32 v51, v6;
	v41 =	vpop (erf);
	(erf) = vpow2.f32 v55  }
0x220: {  	v44 =	vsub.f32 v57, v6;
	v37 =	vmul.f32 $1.442695020e+00, v60;
	v42 =	vpop (erf);
	(erf) = vpow2.f32 v59  }
0x221: {  	v39 =	vld [tilespmem:s11+$0x10800];
	v31 =	vadd.f32 $6.100000000e+01, v31;
	v43 =	vmul.f32 $1.442695020e+00, v38;
	v45 =	vpop (erf);
	(erf) = vpow2.f32 v63  }
0x222: {  	v25 =	vadd.f32 v58, v25;
	v47 =	vmul.f32 $1.442695020e+00, v44;
	v50 =	vld [tilespmem:s28+$0x10800];
	v46 =	vpop (erf);
	(erf) = vpow2.f32 v37  }
0x223: {  	v20 =	vadd.f32 v62, v20;
	v22 =	vadd.f32 v36, v22;
	v53 =	vld [tilespmem:s1+$0x14B00];
	v48 =	vpop (erf);
	(erf) = vpow2.f32 v43  }
0x224: {  	v57 =	vld [tilespmem:s26+$0x10800];
	v21 =	vadd.f32 v41, v21;
	v24 =	vadd.f32 v42, v25;
	v49 =	vpop (erf);
	(erf) = vpow2.f32 v47  }
0x225: {  	v41 =	vld [tilespmem:s1+$0x15100];
	v20 =	vadd.f32 v45, v20;
	v22 =	vadd.f32 v46, v22;
	v51 =	vpop (erf);
	(erf) = vpow2.f32 v30  }
0x226: {  	v13 =	vmin.f32 v13, v15;
	v62 =	vld [tilespmem:s1+$0x15000];
	v59 =	vadd.f32 $6.300000000e+01, v34;
	v55 =	vadd.f32 v48, v21;
	v52 =	vpop (erf)  }
0x227: {  	v13 =	vmin.f32 v13, v26;
	v23 =	vsub.f32 $1.000000000e+00, v50;
	v48 =	vsub.f32 $1.000000000e+00, v39;
	v54 =	vpop (erf)  }
0x228: {  	v16 =	vmin.f32 v16, v17;
	v56 =	vadd.f32 v49, v24;
	v35 =	vsub.f32 $1.000000000e+00, v53;
	v58 =	vpop (erf)  }
0x229: {  	v24 =	vsub.f32 $1.000000000e+00, v57;
	v20 =	vadd.f32 v51, v20;
	v23 =	vmul.f32 $1.000000000e+03, v23;
	v60 =	vpop (erf)  }
0x22a: {  	v14 =	vmin.f32 v14, v19;
	v47 =	vsub.f32 $1.000000000e+00, v41;
	v61 =	vadd.f32 v52, v22;
	v63 =	vpop (erf)  }
0x22b: {  	v18 =	vmin.f32 v18, v28;
	v22 =	vsub.f32 $1.000000000e+00, v62;
	v23 =	vadd.f32 $6.400000000e+01, v23;
	v34 =	vpop (erf)  }
0x22c: {  	v16 =	vmin.f32 v16, v32;
	v37 =	vld [tilespmem:s9+$0x10800];
	v15 =	vadd.f32 v54, v55;
	v21 =	vadd.f32 v58, v56;
	v36 =	vpop (erf)  }
0x22d: {  	v50 =	vld [tilespmem:s1+$0x15300];
	v26 =	vmul.f32 $1.000000000e+03, v35;
	v20 =	vadd.f32 v60, v20;
	v17 =	vadd.f32 v63, v61;
	v38 =	vpop (erf)  }
0x22e: {  	v24 =	vmul.f32 $1.000000000e+03, v24;
	v15 =	vadd.f32 v34, v15;
	v21 =	vadd.f32 v36, v21;
	v40 =	vpop (erf)  }
0x22f: {  	v14 =	vmin.f32 v14, v31;
	v53 =	vld [tilespmem:s8+$0x10800];
	v20 =	vadd.f32 v38, v20;
	v17 =	vadd.f32 v40, v17  }
0x230: {  	v18 =	vmin.f32 v18, v59;
	v26 =	vadd.f32 $6.500000000e+01, v26;
	v42 =	vadd.f32 $6.600000000e+01, v24  }
0x231: {  	v19 =	vmul.f32 $1.000000000e+03, v47;
	v15 =	vadd.f32 v21, v15;
	v17 =	vadd.f32 v17, v20  }
0x232: {  	v22 =	vmul.f32 $1.000000000e+03, v22;
	v45 =	vsub.f32 $1.000000000e+00, v37;
	v57 =	vsub.f32 $1.000000000e+00, v50  }
0x233: {  	v13 =	vmin.f32 v13, v23;
	v23 =	vmul.f32 $1.000000000e+03, v48;
	v15 =	vadd.f32 v17, v15  }
0x234: {  	v52 =	vld [tilespmem:s25+$0x10800];
	v19 =	vadd.f32 $6.900000000e+01, v19;
	v28 =	vsub.f32 $1.000000000e+00, v53;
	v48 =	vor.u32 s0, v0  }
0x235: {  	v35 =	vld [tilespmem:s1+$0x10800];
	v43 =	vadd.f32 $6.700000000e+01, v22;
	v14 =	vmin.f32 v14, v26;
	v51 =	vand.u32 $0x7FFFFF, v15  }
0x236: {  	v16 =	vmin.f32 v16, v42;
	v49 =	vmul.f32 $1.000000000e+03, v45;
	v24 =	vor.u32 $0x3F800000, v51  }
0x237: {  	v55 =	vld [tilespmem:s1+$0x15800];
	v42 =	vsel vm0, $0x1, v1;
	v45 =	vmov s0;
	v54 =	vmul.f32 $5.000000000e-01, v24  }
0x238: {  	v56 =	vld [tilespmem:s1+$0x15900];
	v23 =	vadd.f32 $7.000000000e+01, v23;
	v14 =	vmin.f32 v14, v19;
	vm1 =	vgt.f32 v24, $1.414213540e+00  }
0x239: {  	v58 =	vld [tilespmem:s10+$0x10800];
	v62 =	vsub.f32 $1.000000000e+00, v52;
	v25 =	vmul.f32 $1.000000000e+03, v28;
	v24 =	vsel vm1, v54, v24  }
0x23a: {  	v44 =	vld [tilespmem:s1+$0x15200];
	v9 =	vsub.f32 v9, v35;
	v8 =	vadd.s32 v42, v8;
	v24 =	vadd.f32 $-1.000000000e+00, v24  }
0x23b: {  	v18 =	vmin.f32 v18, v43;
	v8 =	vadd.s32 $0xFFFFFF81, v8;
	v16 =	vmin.f32 v16, v23  }
0x23c: {  	v19 =	vmul.f32 $1.000000000e+03, v62;
	v30 =	vadd.f32 $7.600000000e+01, v25;
	v61 =	vadd.f32 $2.000000000e+00, v24  }
0x23d: {  	v46 =	vld [tilespmem:s7+$0x10800];
	v9 =	vmul.f32 v9, v9;
	v8 =	vcvt.s32.f32 v8;
	v63 =	vsub.f32 $1.000000000e+00, v55  }
0x23e: {  	v60 =	vld [tilespmem:s1+$0x15A00];
	v29 =	vsub.f32 $1.000000000e+00, v56;
	v22 =	vsub.f32 $1.000000000e+00, v58;
	(erf) = vrcp.f32 v61  }
0x23f: {  	v19 =	vadd.f32 $7.400000000e+01, v19;
	v8 =	vmul.f32 $6.931471820e-01, v8;
	v21 =	vsub.f32 $1.000000000e+00, v44  }
0x240: {  	v23 =	vmul.f32 $1.000000000e+03, v63;
	v40 =	vmul.f32 v11, v11;
	v11 =	vadd.f32 v11, v11  }
0x241: {  	v26 =	vmul.f32 $1.000000000e+03, v29;
	v20 =	vadd.f32 $6.800000000e+01, v49;
	v21 =	vmul.f32 $1.000000000e+03, v21  }
0x242: {  	v22 =	vmul.f32 $1.000000000e+03, v22;
	v23 =	vadd.f32 $7.500000000e+01, v23;
	v17 =	vsub.f32 $1.000000000e+00, v46  }
0x243: {  	v16 =	vmin.f32 v16, v19;
	v59 =	vadd.f32 $7.100000000e+01, v21;
	v21 =	vsub.f32 $1.000000000e+00, v60  }
0x244: {  	v13 =	vmin.f32 v13, v20;
	v20 =	vmul.f32 $1.000000000e+03, v57;
	v17 =	vmul.f32 $1.000000000e+03, v17  }
0x245: {  	v31 =	vadd.f32 $7.700000000e+01, v26;
	v32 =	vadd.f32 $7.800000000e+01, v22;
	v21 =	vmul.f32 $1.000000000e+03, v21  }
0x246: {  	v18 =	vmin.f32 v18, v59;
	v20 =	vadd.f32 $7.300000000e+01, v20;
	v17 =	vadd.f32 $7.200000000e+01, v17  }
0x247: {  	v16 =	vmin.f32 v16, v32;
	v18 =	vmin.f32 v18, v23;
	v21 =	vadd.f32 $7.900000000e+01, v21;
	v44 =	vpop (erf)  }
0x248: {  	v14 =	vmin.f32 v14, v20;
	v13 =	vmin.f32 v13, v17;
	v23 =	vmul.f32 v44, v24  }
0x249: {  	v14 =	vmin.f32 v14, v31;
	v18 =	vmin.f32 v18, v21;
	v13 =	vmin.f32 v13, v30  }
0x24a: {  	v37 =	vmin.f32 v16, v18;
	v36 =	vmin.f32 v13, v14;
	v47 =	vmul.f32 v23, v23  }
0x24b: {  	v43 =	vmul.f32 $1.428571490e-01, v40;
	v49 =	vshll.u32 v45, $0x3;
	v12 =	vmin.f32 v36, v37  }
0x24c: {  	v22 =	vand.u32 $0x7F, v48;
	v12 =	vtrunc.f32 v12;
	v50 =	vmul.f32 $1.428571490e-01, v47  }
0x24d: {  	v46 =	vadd.f32 $2.000000030e-01, v43;
	v15 =	vshra.s32 v15, $0x17;
	v12 =	vcvt.f32.s32 v12  }
0x24e: {  	v54 =	vsel vm1, $0x1, v1;
	v18 =	vand.u32 $0x400, v49;
	v19 =	vadd.f32 $2.000000030e-01, v50  }
0x24f: {  	v33 =	vld [tilespmem:s1+$0x5900];
	v14 =	vmul.f32 v46, v40;
	vm15 =	vgt.s32 v12, $0x4F;
	v12 =	vadd.s32 $0x5, v12  }
0x250: {  	v38 =	vld [tilespmem:s14+$0x10800];
	v15 =	vadd.s32 v54, v15;
	v12 =	vsel vm15, $0x5, v12;
	v19 =	vmul.f32 v19, v47  }
0x251: {  	v55 =	vld [tilespmem:s1+$0x10A00];
	v18 =	vor.u32 v18, v22;
	v14 =	vadd.f32 $3.333333430e-01, v14;
	v51 =	vshll.u32 v12, $0x8  }
0x252: {  	s28 =	sor.u32 $0x180, s15;
	v39 =	vld [tilespmem:s1+$0x10900];
	v12 =	vshll.u32 v12, $0x7;
	v52 =	vand.u32 $0xFFFFF800, v51;
	v53 =	vadd.f32 $3.333333430e-01, v19  }
0x253: {  	v41 =	vld [tilespmem:s28+$0x10800];
	v14 =	vmul.f32 v14, v40;
	v12 =	vand.u32 $0x380, v12;
	v18 =	vor.u32 v52, v18  }
0x254: {  	v34 =	vld [tilespmem:s28+$0x5800];
	v15 =	vadd.s32 $0xFFFFFF81, v15;
	v12 =	vor.u32 v12, v18;
	v16 =	vmul.f32 v53, v47  }
0x255: {  	v10 =	vsub.f32 v10, v38;
	v15 =	vcvt.s32.f32 v15;
	v14 =	vadd.f32 $1.000000000e+00, v14  }
0x256: {  	v60 =	vmul.f32 $5.000000000e-01, v55;
	v56 =	vadd.f32 v23, v23;
	v16 =	vadd.f32 $1.000000000e+00, v16  }
0x257: {  	v10 =	vmul.f32 v10, v10;
	v13 =	vsub.f32 v33, v39;
	v57 =	vmul.f32 $6.931471820e-01, v15  }
0x258: {  	v7 =	vadd.f32 v7, v5;
	v11 =	vmul.f32 v14, v11;
	v58 =	vmul.f32 v16, v56  }
0x259: {  	v9 =	vadd.f32 v10, v9;
	v17 =	vsub.f32 v34, v41;
	v13 =	vmul.f32 v13, v13;
	v59 =	vld.idx.msk [tilespmem:v12+s19+$0x0], $0xffff  }
0x25a: {  	v7 =	vmul.f32 $5.000000000e-01, v7;
	v8 =	vadd.f32 v11, v8;
	v10 =	vadd.f32 v58, v57  }
0x25b: {  	v62 =	vadd.f32 $5.000000000e-01, v60;
	v61 =	vmul.f32 v17, v17;
	v9 =	vadd.f32 v13, v9  }
0x25c: {  	v7 =	vadd.f32 v8, v7;
	v6 =	vadd.f32 v10, v6  }
0x25d: {  	p0 =	sne.s32 s0, $0xF0;
	v9 =	vadd.f32 v61, v9  }
.Ltmp1:
0x25e: {  	v7 =	vmul.f32 v7, v62;
	v6 =	vsub.f32 v6, v59;
	(pc) =	sbr.rel @p0 .LBB2_5-.Ltmp1, $4  }
0x25f: {  	v63 =	vmul.f32 v9, v55  }
0x260: {  	v5 =	vmul.f32 v55, v5;
	v4 =	vadd.f32 v7, v4;
	v6 =	vmul.f32 v6, v55  }
0x261: {  	v3 =	vadd.f32 v63, v3  }
0x262: {  	s30 =	sadd.s32 $0x80, s30;
	s31 =	sadd.s32 $0x10, s31;
	s0 =	sadd.s32 $0x10, s0;
	v4 =	vsub.f32 v4, v5;
	v2 =	vadd.f32 v6, v2  }
0x263: {  	s29 =	sadd.s32 $0x1, s29  }
0x264: {  	p0 =	sne.s32 s29, $0x18  }
.Ltmp2:
0x265: {  	_ = 	snop;
	(pc) =	sbr.rel @p0 .LBB2_2-.Ltmp2, $1  }
0x266: {  	_ =	sdelay $0x3  }
0x267: {  	v3 =	vmul.f32 $5.000000000e+00, v3;
	_ =	sdelay $0x1  }
0x268: {  	v3 =	vadd.f32 v4, v3;
	_ =	sdelay $0x1  }
0x269: {  	v2 =	vadd.f32 v2, v3;
	_ =	sdelay $0x1  }
0x26a: {  	s0 =	rddreg [dreg:$0x5];
	s1 =	simm.s32 $0x16200;
	s30 =	simm.s32 $0x7;
	[tilespmem:$0x16200] =	vst v2  }
0x26b: {  	[hbm4b:s0+s2] =	stream.linear.scatter [tilespmem:s1], [sflag:$0x7], $0x80, $0x38;
	[tilespmem:$0x16280] =	vst v63  }
0x26c: {  	_ =	swait.ge [sflag:s30], $0x80  }
0x26d: {  	s7 =	rddreg [dreg:$0x7]  }
0x26e: {  	s31 =	rddreg [dreg:$0x6];
	s7 =	sadd.s32 $0x1, s7  }
0x26f: {  	p0 =	sne.s32 s7, s31  }
.Ltmp3:
0x270: {  	_ = 	snop;
	(pc) =	sbr.rel @p0 .LBB2_1-.Ltmp3, $3  }
0x271: {  	_ =	sdelay $0x1  }
0x272: {  	[sflag:s30] =	ssyncset.done $0x0  }
0x273: {  	[sflag:s30] =	ssyncadd.s32 $0xFFFFFF80  }
0x274: {  	_ =	sfence.sel $0x180000  }
0x275: {  	[bflag:$0x0] =	sbarrier.arrive $0xFFFF  }
0x276: {  	_ =	strace $0x9000004A  }
0x277: {  	s0 =	stileid.u32;
	[bflag:$0x2] =	sbarrier.arrive $0xFFFF  }
0x278: {  	p0 =	sne.s32 s0, $0x0;
	s0 =	rddreg [dreg:$0x1]  }
0x279: {  	s0 =	sadd.s32 @!p0 $0x100000, s0  }
0x27a: {  	[sflag:s0] =	ssyncadd.tile.s32 @!p0 $0x1;
	_ =	shalt  }
.Lfunc_end2:
_tile_overlayer_lowered:
.L_overlay_start_2:
0x27b: {  	(tag) =	ssettag $0x2  }
0x27c: {  	s0 =	rddreg [dreg:$0x0];
	s2 =	stileid.u32  }
0x27d: {  	s1 =	rddreg [dreg:$0x1];
	p0 =	sne.s32 s2, $0x0  }
0x27e: {  	s3 =	rddreg [dreg:$0x2];
	[bflag:$0x3] =	sbarrier.arrive $0xFFFF;
	s2 =	simm.s32 @!p0 $0x1C07  }
0x27f: {  	[timem:s3], [sflag:s2] =	dma.local @!p0 [hbm:s0], s1  }
0x280: {  	s0 =	simm.s32 @!p0 $0x7  }
0x281: {  	_ =	swait.ge @!p0 [sflag:s0], s1  }
0x282: {  	s1 =	ssub.s32 @!p0 $0x0, s1;
	[sflag:s0] =	ssyncset.done @!p0 $0x0  }
0x283: {  	[sflag:s0] =	ssyncadd.s32 @!p0 s1  }
0x284: {  	[bflag:$0x3] =	sbarrier.arrive $0xFFFF  }
0x285: {  	_ =	shalt  }

// kernel: sparse-core-data-format-call.cloned.1.call-start
scs
called_computation_lowered:
.L_overlay_start_0:
0x0: {  	s2 =	sld [smem:$0x3FD9]  }
0x1: {  	s3 =	sld [smem:$0x3FFE];
	_ =	sdelay $0x1  }
0x2: {  	s1 =	srdreg.scid  }
0x3: {  	s0 =	sand.u32 $0x1, s1  }
0x4: {  	s18 =	sshll.u32 s0, $0xA;
	s2 =	sadd.s32 s3, s2  }
0x5: {  	s2 =	sadd.s32 s2, s18  }
0x6: {  	[smem:$0x3FC6] =	sst s2  }
0x7: {  	_ = 	snop  }
0x8: {  	s2 =	sld [smem:$0x3FC8];
	(tm) =	ssettm $0x1  }
0x9: {  	s19 =	sld [smem:$0x3FFB];
	_ =	sdelay $0x3  }
0xa: {  	_ =	strace s19  }
0xb: {  	s3 =	sld [smem:$0x3FFC];
	_ =	sdelay $0x3  }
0xc: {  	_ =	strace s3  }
0xd: {  	s3 =	sld [smem:$0x3FFD];
	_ =	sdelay $0x3  }
0xe: {  	_ =	strace s3  }
0xf: {  	_ =	strace $0x8FFFFFFF  }
0x10: {  	s20 =	sld [smem:$0x3FDB];
	_ =	sdelay $0x1  }
0x11: {  	s4 =	simm.s32 $_scs_section_size  }
0x12: {  	s5 =	simm.s32 $_size__tile_overlayer_lowered;
	s6 =	simm.s32 $_tile_overlayer_lowered  }
0x13: {  	s23 =	simm.s32 $0x1BFF;
	s22 =	sshll.u32 s6, $0x1;
	s3 =	sadd.s32 s4, s20  }
0x14: {  	s7 =	simm.s32 $0x0;
	s21 =	sshll.u32 s5, $0x1;
	s5 =	sadd.s32 s22, s3  }
0x15: {  	[timem:s7], [sflag:s23] =	dma.local [hbm:s5], s21  }
0x16: {  	_ =	swait.ge [sflag:s23], s21  }
0x17: {  	s4 =	ssub.s32 $0x0, s21;
	[sflag:s23] =	ssyncset.done $0x0  }
0x18: {  	[sflag:s23] =	ssyncadd.s32 s4;
	_ =	sdelay $0x1  }
0x19: {  	s24 =	simm.s32 $0x1B8B  }
0x1a: {  	_ =	swait.ge [sflag:s24], $0x1  }
0x1b: {  	[sflag:s24] =	ssyncset.done $0x0  }
0x1c: {  	s26 =	simm.s32 $0x1B8E;
	s25 =	sld [smem:$0x3FFE];
	[sflag:s24] =	ssyncadd.s32 $0xFFFFFFFF  }
0x1d: {  	s27 =	simm.s32 $execute0_lowered;
	[smem:$0x3FD2] =	sst s26  }
0x1e: {  	s5 =	sshll.u32 s27, $0x1;
	_ =	strace $0x80000046;
	[dreg:$0x1] =	wrdreg $0xFFFFFFFF  }
0x1f: {  	s28 =	simm.s32 $_size_execute0_lowered;
	s3 =	sadd.s32 s3, s5;
	[dreg:$0x0] =	wrdreg $0x0  }
0x20: {  	s5 =	sshll.u32 s28, $0x1;
	[dreg:$0x2] =	wrdreg s3  }
0x21: {  	[dreg:$0x3] =	wrdreg s5  }
0x22: {  	[dreg:$0x4] =	wrdreg $0xC0  }
0x23: {  	_ =	task [dreg:s7], $0x5FFFF  }
0x24: {  	[dreg:$0x1] =	wrdreg $0xFFFFFFFF  }
0x25: {  	[dreg:$0x0] =	wrdreg $0x60  }
0x26: {  	[dreg:$0x2] =	wrdreg s2  }
0x27: {  	[dreg:$0x3] =	wrdreg s25  }
0x28: {  	[dreg:$0x4] =	wrdreg $0x9  }
0x29: {  	_ =	task.clear_ibuf [dreg:s7], $0x5FFFF;
	_ =	strace $0x90000046  }
0x2a: {  	s29 =	simm.s32 $0x9;
	_ =	strace $0x80000048  }
0x2b: {  	_ =	swait.ge [sflag:s29], $0x1  }
0x2c: {  	[sflag:s29] =	ssyncadd.s32 $0xFFFFFFFF  }
0x2d: {  	_ =	strace $0x90000048  }
0x2e: {  	_ =	sfence  }
0x2f: {  	s30 =	sld [smem:$0x0];
	_ =	sdelay $0x2  }
0x30: {  	s31 =	sshll.u32 s1, $0xD;
	s1 =	sshrl.u32 s1, $0x2  }
0x31: {  	s3 =	sand.u32 $0x4000, s31;
	s1 =	sadd.s32 s1, s30  }
0x32: {  	s0 =	sor.u32 s3, s0;
	s1 =	sshll.u32 s1, $0x11  }
0x33: {  	s0 =	sor.u32 s1, s0  }
0x34: {  	s0 =	sadd.s32 $0x8F2B, s0  }
0x35: {  	[sflag:s0] =	ssyncadd.remote.s32 $0x1  }
0x36: {  	_ =	sfence.sel $0xFFFF  }
0x37: {  	[dreg:$0x0] =	wrdreg $0xFFFFFFFF;
	(pc) =	sbr.abs _section_cstart, $3  }
0x38: {  	[dreg:$0x1] =	wrdreg $0xFFFFFFFF  }
0x39: {  	_ =	task.clear_ibuf [dreg:s7], $0x2FFFF;
	_ =	strace $0x9FFFFFFF  }
0x3a: {  	(tm) =	ssettm $0x7FFFFFFF  }
0x3b: {  	_ =	shalt  }
tec
execute0_lowered:
.L_overlay_start_1:
0x0: {  	(tag) =	ssettag $0x1  }
0x1: {  	s2 =	rddreg [dreg:$0x0]  }
0x2: {  	s1 =	rddreg [dreg:$0x1]  }
0x3: {  	s0 =	rddreg [dreg:$0x2]  }
0x4: {  	s4 =	srdreg.scid;
	_ =	strace $0x80000047;
	s6 =	simm.s32 $0x2  }
0x5: {  	s12 =	simm.s32 $0x0;
	p0 =	por $0x0, $0x0;
	s13 =	simm.s32 $0x0  }
.Ltmp0:
0x6: {  	s8 =	simm.s32 $0x0;
	s9 =	simm.s32 $0x0;
	(pc) =	sbr.rel .LBB1_1-.Ltmp0, $4  }
0x7: {  	s10 =	simm.s32 $0x0;
	s3 =	sadd.s32 $0x800, s1;
	s4 =	sshll.u32 s4, $0x4  }
0x8: {  	s1 =	stileid.u32;
	s5 =	sand.u32 $0x10, s4;
	s4 =	simm.s32 $0x1  }
0x9: {  	s7 =	simm.s32 $0x0;
	s5 =	sor.u32 s1, s5;
	[sflag:s4] =	ssyncpa.u1 $0x0  }
0xa: {  	[sflag:s6] =	ssyncpa.u1 $0x0;
	s6 =	simm.s32 $0x8000;
	s11 =	smov.u32 s5  }
.LBB1_5:
0xb: {  	p1 =	slt.u32 s7, $0x2  }
0xc: {  	s15 =	smov.u32 s13;
	p2 =	sgt.s32 @!p1 s13, $0x5F;
	s14 =	sshra.s32 @!p1 s13, $0x1F  }
0xd: {  	p3 =	sgt.s32 @!p1 s12, $0xF80;
	s16 =	sshra.s32 @!p1 s12, $0x1F;
	p2 =	por !p2, p1  }
0xe: {  	s13 =	sand.u32 @!p1 s14, s13;
	p3 =	por !p3, p1;
	s14 =	smov.u32 s12  }
0xf: {  	s12 =	sand.u32 @!p1 s16, s12;
	s15 =	simm.s32 @p2 $0x5F;
	s14 =	simm.s32 @p3 $0xF80  }
0x10: {  	s16 =	smov.u32 s11;
	s13 =	ssub.s32 @!p1 s15, s13;
	s12 =	ssub.s32 @!p1 s14, s12  }
0x11: {  	s14 =	sadd.s32 @!p1 $0xFFFFFFA1, s13;
	s13 =	ssub.s32 @!p1 $0x60, s13;
	s15 =	sadd.s32 @!p1 $0xFFFFF080, s12  }
0x12: {  	p2 =	sgt.s32 @!p1 s14, $0x0;
	s13 =	smul.u32 @!p1 $0x58, s13;
	p3 =	sgt.s32 @!p1 s15, $0x7F  }
0x13: {  	s12 =	ssub.s32 @!p1 $0x1000, s12;
	p2 =	por !p2, p1;
	p3 =	por !p3, p1  }
0x14: {  	s14 =	sadd.s32 $0x80, s10;
	s13 =	simm.s32 @!p2 $0x0;
	s12 =	simm.s32 @!p3 $0x0  }
0x15: {  	p2 =	sgt.s32 s14, $0xFFF;
	s12 =	smul.u32 @!p1 s12, s13;
	s13 =	sadd.s32 $0x20, s11  }
0x16: {  	s16 =	smov.u32 @p2 s13  }
0x17: {  	s7 =	sadd.s32 $0x1, s7;
	s14 =	simm.s32 @p2 $0x0;
	p2 =	sgt.s32 s16, $0x5F  }
0x18: {  	s16 =	smov.u32 @p2 s5;
	p2 =	sne.s32 s7, $0x62  }
.Ltmp1:
0x19: {  	p0 =	por !p0, !p0;
	(pc) =	sbr.rel @!p2 .LBB1_6-.Ltmp1, $4  }
0x1a: {  	s15 =	simm.s32 @!p1 $0x2;
	s13 =	smov.u32 s9;
	s12 =	sand.u32 @!p1 $0x3FFFFFF8, s12  }
0x1b: {  	s9 =	smov.u32 s11;
	_ =	swait.ge @!p1 [sflag:s15], s12;
	s17 =	ssub.s32 @!p1 $0x0, s12  }
0x1c: {  	s12 =	smov.u32 s8;
	s8 =	smov.u32 s10;
	[sflag:s15] =	ssyncset.done @!p1 $0x0  }
0x1d: {  	s10 =	smov.u32 s14;
	s11 =	smov.u32 s16;
	[sflag:s15] =	ssyncadd.s32 @!p1 s17  }
.LBB1_1:
0x1e: {  	p1 =	sgt.u32 s7, $0x5F  }
0x1f: {  	s14 =	sxor.u32 @!p1 $0xFFFFFFFF, s7;
	s15 =	sshll.u32 @!p1 s11, $0x10;
	s16 =	sshll.u32 @!p1 s10, $0x4  }
0x20: {  	s14 =	sshll.u32 @!p1 s14, $0xE;
	s16 =	sand.u32 @!p1 $0xFFF0, s16;
	s15 =	sadd.s32 @!p1 s2, s15  }
0x21: {  	s14 =	sand.u32 @!p1 $0x4000, s14;
	s15 =	sadd.s32 @!p1 s16, s15;
	s16 =	simm.s32 @!p1 $0x0  }
0x22: {  	[tilespmem:s14], [sflag:$0x1] =	stream.linear.gather @!p1 [hbm4b:s15+s16], $0x4000, $0x38;
	[tilespmem:$0x10100] =	vst v63  }
0x23: {  	p1 =	seq.s32 s7, $0x0  }
0x24: {  	p2 =	seq.s32 @!p1 s7, $0x61  }
0x25: {  	p1 =	por p1, p2  }
.Ltmp2:
0x26: {  	_ = 	snop;
	(pc) =	sbr.rel @p1 .LBB1_5-.Ltmp2, $1  }
0x27: {  	_ =	sdelay $0x3  }
0x28: {  	s14 =	simm.s32 $0x1  }
0x29: {  	_ =	swait.ge [sflag:s4], $0x4000;
	s14 =	simm.s32 @!p0 $0x0  }
0x2a: {  	[sflag:s4] =	ssyncset.done $0x0;
	s15 =	sshll.u32 s14, $0xE  }
0x2b: {  	[sflag:s4] =	ssyncadd.s32 $0xFFFFC000;
	s15 =	sor.u32 $0x40, s15  }
0x2c: {  	s14 =	smul.u32 $0x10200, s14;
	v0 =	vld [tilespmem:s15+$0x30]  }
0x2d: {  	v1 =	vld [tilespmem:s15+$0xFFFFFFD0]  }
0x2e: {  	s14 =	sshrl.u32 s14, $0x2;
	v5 =	vld [tilespmem:s15+$0xFFFFFFE0]  }
0x2f: {  	v6 =	vld [tilespmem:s15+$0xFFFFFFF0];
	s17 =	sor.u32 $0x8000, s14  }
0x30: {  	s31 =	sand.u32 $0x1, s7;
	v4 =	vld [tilespmem:s15+$0x0];
	s16 =	sadd.s32 $0x0, s17  }
0x31: {  	v3 =	vld [tilespmem:s15+$0x10];
	s14 =	smul.u32 $0x10200, s31;
	[tilespmem:s16+$0x3870 ss:$0x81] =	vst.msk $0xffff, v0  }
0x32: {  	v2 =	vld [tilespmem:s15+$0x20];
	[tilespmem:s16+$0x810 ss:$0x81] =	vst.msk $0xffff, v1  }
0x33: {  	s14 =	sshrl.u32 s14, $0x2;
	v0 =	vld [tilespmem:s15+$0xFFFFFFC0];
	[tilespmem:s16+$0x1020 ss:$0x81] =	vst.msk $0xffff, v5;
	s15 =	sadd.s32 $0x80, s15  }
0x34: {  	s18 =	simm.s32 $0x4;
	s19 =	simm.s32 $0x8;
	s14 =	sor.u32 $0x8000, s14;
	[tilespmem:s16+$0x1830 ss:$0x81] =	vst.msk $0xffff, v6;
	v1 =	vld [tilespmem:s15+$0x30]  }
.LBB1_3:
0x35: {  	p1 =	sne.s32 s19, $0x1FC;
	v5 =	vld [tilespmem:s15+$0xFFFFFFD0];
	[tilespmem:s16+$0x2040 ss:$0x81] =	vst.msk $0xffff, v4  }
0x36: {  	v6 =	vld [tilespmem:s15+$0xFFFFFFE0];
	[tilespmem:s16+$0x2850 ss:$0x81] =	vst.msk $0xffff, v3  }
0x37: {  	s20 =	sshra.s32 s18, $0x2;
	s18 =	smov.u32 s19;
	v7 =	vld [tilespmem:s15+$0xFFFFFFF0];
	[tilespmem:s16+$0x3060 ss:$0x81] =	vst.msk $0xffff, v2  }
.Ltmp3:
0x38: {  	v4 =	vld [tilespmem:s15+$0x0];
	[tilespmem:s16+$0x0 ss:$0x81] =	vst.msk $0xffff, v0;
	s16 =	sadd.s32 s20, s17;
	(pc) =	sbr.rel @p1 .LBB1_3-.Ltmp3, $4  }
0x39: {  	v3 =	vld [tilespmem:s15+$0x10];
	[tilespmem:s16+$0x3870 ss:$0x81] =	vst.msk $0xffff, v1  }
0x3a: {  	[tilespmem:s16+$0x810 ss:$0x81] =	vst.msk $0xffff, v5;
	v2 =	vld [tilespmem:s15+$0x20]  }
0x3b: {  	v0 =	vld [tilespmem:s15+$0xFFFFFFC0];
	[tilespmem:s16+$0x1020 ss:$0x81] =	vst.msk $0xffff, v6;
	s15 =	sadd.s32 $0x80, s15  }
0x3c: {  	s19 =	sadd.s32 $0x4, s19;
	v1 =	vld [tilespmem:s15+$0x30];
	[tilespmem:s16+$0x1830 ss:$0x81] =	vst.msk $0xffff, v7  }
0x3d: {  	s18 =	sshra.s32 s18, $0x2  }
0x3e: {  	s31 =	sshll.u32 s8, $0x3;
	p1 =	sgt.s32 s9, $0x5F;
	s19 =	smov.u32 s9  }
0x3f: {  	s21 =	sshra.s32 s9, $0x1F;
	s22 =	smov.u32 s8;
	s23 =	sshra.s32 s8, $0x1F  }
0x40: {  	v5 =	vld [tilespmem:s15+$0xFFFFFFD0];
	[tilespmem:s16+$0x2040 ss:$0x81] =	vst.msk $0xffff, v4;
	s26 =	sand.u32 $0x78, s8;
	s28 =	smul.u32 $0xB000, s9;
	s29 =	sand.u32 $0x7, s8  }
0x41: {  	v58 =	vld [tilespmem:s15+$0xFFFFFFE0];
	s17 =	sadd.s32 s18, s17;
	s20 =	sshrl.u32 s31, $0xC;
	s19 =	simm.s32 @!p1 $0x5F;
	[tilespmem:s16+$0x2850 ss:$0x81] =	vst.msk $0xffff, v3  }
0x42: {  	v59 =	vld [tilespmem:s15+$0xFFFFFFF0];
	s21 =	sand.u32 s21, s9;
	p1 =	sgt.s32 s8, $0xF80;
	s23 =	sand.u32 s23, s8;
	[tilespmem:s16+$0x3060 ss:$0x81] =	vst.msk $0xffff, v2  }
0x43: {  	v60 =	vld [tilespmem:s15+$0x0];
	s18 =	sand.u32 $0xC00, s31;
	s19 =	ssub.s32 s19, s21;
	s22 =	simm.s32 @!p1 $0xF80;
	[tilespmem:s16+$0x0 ss:$0x81] =	vst.msk $0xffff, v0  }
0x44: {  	v61 =	vld [tilespmem:s15+$0x10];
	s24 =	smulhi.u32 $0x2E8BA2F, s20;
	s18 =	sor.u32 s26, s18;
	s25 =	ssub.s32 $0x60, s19;
	[tilespmem:s17+$0x3870 ss:$0x81] =	vst.msk $0xffff, v1  }
0x45: {  	v62 =	vld [tilespmem:s15+$0x20];
	s21 =	ssub.s32 s22, s23;
	s19 =	sadd.s32 $0xFFFFFFA1, s19;
	s23 =	smul.u32 $0x58, s25;
	[tilespmem:s17+$0x810 ss:$0x81] =	vst.msk $0xffff, v5  }
0x46: {  	v63 =	vld [tilespmem:s15+$0xFFFFFFC0];
	s16 =	smul.u32 $0x58, s24;
	p1 =	sgt.s32 s19, $0x0;
	s27 =	sadd.s32 $0xFFFFF080, s21;
	[tilespmem:s17+$0x1020 ss:$0x81] =	vst.msk $0xffff, v58  }
0x47: {  	s15 =	ssub.s32 $0x1000, s21;
	[tilespmem:s17+$0x1830 ss:$0x81] =	vst.msk $0xffff, v59;
	s23 =	simm.s32 @p1 $0x0;
	p1 =	sgt.s32 s27, $0x7F  }
.Ltmp4:
0x48: {  	[tilespmem:s17+$0x2040 ss:$0x81] =	vst.msk $0xffff, v60;
	s16 =	ssub.s32 s20, s16;
	s15 =	simm.s32 @p1 $0x0;
	(pc) =	sbr.rel .LBB1_5-.Ltmp4, $4  }
0x49: {  	s19 =	sadd.s32 s3, s28;
	[tilespmem:s17+$0x2850 ss:$0x81] =	vst.msk $0xffff, v61;
	s16 =	sshll.u32 s16, $0x9;
	s15 =	smul.u32 s15, s23  }
0x4a: {  	s30 =	sshll.u32 s29, $0x12;
	s18 =	sshrl.u32 s18, $0x3;
	[tilespmem:s17+$0x3060 ss:$0x81] =	vst.msk $0xffff, v62;
	s16 =	sadd.s32 s16, s19  }
0x4b: {  	s31 =	sor.u32 $0x400, s30;
	[tilespmem:s17+$0x0 ss:$0x81] =	vst.msk $0xffff, v63;
	s16 =	sadd.s32 s18, s16;
	s15 =	sand.u32 $0x3FFFFFF8, s15  }
0x4c: {  	[hbm4b:s16+s31] =	stream.strided.scatter [tilespmem:s14], [sflag:$0x2], s15, s6, s31, $0x20;
	[tilespmem:$0x10100] =	vst v63  }
.LBB1_6:
0x4d: {  	_ =	sfence.sel $0x180000  }
0x4e: {  	s2 =	simm.s32 $0x1;
	[bflag:$0x0] =	sbarrier.arrive $0xFFFF  }
0x4f: {  	s31 =	simm.s32 $0x2;
	[sflag:s2] =	ssyncpa.u1 $0x1  }
0x50: {  	[sflag:s31] =	ssyncpa.u1 $0x1  }
0x51: {  	p0 =	sne.s32 s1, $0x0;
	_ =	strace $0x90000047  }
0x52: {  	s0 =	sadd.s32 @!p0 $0x100000, s0;
	[bflag:$0x2] =	sbarrier.arrive $0xFFFF  }
0x53: {  	[sflag:s0] =	ssyncadd.tile.s32 @!p0 $0x1;
	_ =	shalt  }
.Lfunc_end1:
_tile_overlayer_lowered:
.L_overlay_start_2:
0x54: {  	(tag) =	ssettag $0x2  }
0x55: {  	s0 =	rddreg [dreg:$0x0];
	s2 =	stileid.u32  }
0x56: {  	s1 =	rddreg [dreg:$0x1];
	p0 =	sne.s32 s2, $0x0  }
0x57: {  	s3 =	rddreg [dreg:$0x2];
	[bflag:$0x3] =	sbarrier.arrive $0xFFFF;
	s2 =	simm.s32 @!p0 $0x1C01  }
0x58: {  	[timem:s3], [sflag:s2] =	dma.local @!p0 [hbm:s0], s1  }
0x59: {  	s0 =	simm.s32 @!p0 $0x1  }
0x5a: {  	_ =	swait.ge @!p0 [sflag:s0], s1  }
0x5b: {  	s1 =	ssub.s32 @!p0 $0x0, s1;
	[sflag:s0] =	ssyncset.done @!p0 $0x0  }
0x5c: {  	[sflag:s0] =	ssyncadd.s32 @!p0 s1  }
0x5d: {  	[bflag:$0x3] =	sbarrier.arrive $0xFFFF  }
0x5e: {  	_ =	shalt  }

</sc_bundles>
